<compile_context>
chip_gen: v7x
topology: tpu7x:2x2x1
jax: 0.10.2.dev20260603
libtpu: 0.0.44.dev20260713+nightly
codegen_flags: <defaults>
</compile_context>

<pallas_src>
import numpy as np
import jax
import jax.numpy as jnp
from jax import lax
from jax.experimental import pallas as pl
from jax.experimental.pallas import tpu as pltpu
from jax.experimental.pallas import tpu_sc as plsc

_N_LEVELS = 12
_NUMS = (2, 2, 3, 5, 7, 10, 13, 19, 26, 36, 50, 69)
_T = 524309
_PS = (1, 19349663, 51471207, 83492791)
_SH = 9
_LVL_OFF = (0, 16, 32, 113, 738, 3139, 13139, 41700, 172021)
_DENSE_ROWS = 628997
_TWO32F = 4294967296.0
_RCP_T = float(np.float32(1.0) / np.float32(_T))
_B32_TH = 52
_BOUNDS = np.array([[0.0, 0.0, 0.2, 0.05], [1.2, 1.7, 1.1, 2.0]], dtype=np.float32)
_E_SIZE = (1.0 / (np.array(_NUMS, dtype=np.int64) - 1)).astype(np.float32)

_NPTS = 32768
_NW = 32
_PPW = _NPTS // _NW
_C = 128
_NCHUNK = _PPW // _C
_NG = _C // 16
_NIDX = 16 * _C
_ROWS_PER_STREAM = 128
_NSTREAM = _NIDX // _ROWS_PER_STREAM
_ROW_PAD = 16
_RES_LV = 5
_RES_ROWS = 3139

_NCST = 6


def _make_consts():
    cst = np.zeros((_N_LEVELS, _NCST, 16), np.int32)
    for l in range(_N_LEVELS):
        n = _NUMS[l]
        base = _LVL_OFF[l] if l < _SH else _DENSE_ROWS + (l - _SH) * _T
        th = _B32_TH if (l >= _SH and n - 1 >= _B32_TH) else 127
        cst[l, 0, :] = n - 1
        cst[l, 1, :] = n ** 3
        cst[l, 2, :] = n * n
        cst[l, 3, :] = n
        cst[l, 4, :] = base
        cst[l, 5, :] = th
    return cst.reshape(-1)


_CST = _make_consts()


def _loop32(n, body):
    def _b(i, carry):
        body(i)
        return carry
    lax.fori_loop(0, n, _b, None)


def _sc_body(flt_ref, table_ref, res_ref, cst_ref, out_i_ref, out_s_ref,
             cstb, resb, fltab, off3b, trib, idxb, rowsb, ist, sst, sem):
    wid = lax.axis_index("s") * np.int32(2) + lax.axis_index("c")
    iota = lax.iota(jnp.int32, 16)
    zeros16 = jnp.zeros((16,), jnp.int32)
    ones16 = zeros16 + np.int32(1)

    pltpu.sync_copy(cst_ref, cstb)
    pltpu.sync_copy(res_ref, resb)

    def load_consts(l):
        cbase = l * np.int32(_NCST * 16)
        return [cstb[pl.ds(cbase + np.int32(j * 16), 16)] for j in range(_NCST)]

    def coords(l, gg, nm1):
        f = [fltab[l * np.int32(4) + np.int32(d), pl.ds(gg * np.int32(16), 16)]
             for d in range(4)]
        iA = [f[d].astype(jnp.int32) for d in range(4)]
        iB = [(f[d] + 1.0).astype(jnp.int32) for d in range(4)]
        cA = [jnp.minimum(jnp.maximum(iA[d], np.int32(0)), nm1) for d in range(4)]
        cB = [jnp.minimum(jnp.maximum(iB[d], np.int32(0)), nm1) for d in range(4)]
        off = [f[d] - cA[d].astype(jnp.float32) for d in range(4)]
        return cA, cB, off

    def tri_weights(off):
        wA = [1.0 - off[d] for d in range(3)]
        m01s = [wA[0] * wA[1], off[0] * wA[1], wA[0] * off[1], off[0] * off[1]]
        m2 = [wA[2], off[2]]
        return [m01s[k & 3] * m2[(k >> 2) & 1] for k in range(8)]

    def dense_idxs(cA, cB, s0, s1, s2, basev):
        c0 = [cA[0] * s0 + basev, cB[0] * s0 + basev]
        c1 = [cA[1] * s1, cB[1] * s1]
        c2 = [cA[2] * s2, cB[2] * s2]
        c3 = [cA[3], cB[3]]
        s01 = [c0[i & 1] + c1[(i >> 1) & 1] for i in range(4)]
        s012 = [s01[i & 3] + c2[(i >> 2) & 1] for i in range(8)]
        return [s012[k & 7] + c3[(k >> 3) & 1] for k in range(16)]

    def hash_idxs(cA, cB, basev, thv):
        p1 = [cA[1] * np.int32(_PS[1]), cB[1] * np.int32(_PS[1])]
        p2 = [cA[2] * np.int32(_PS[2]), cB[2] * np.int32(_PS[2])]
        p3 = [cA[3] * np.int32(_PS[3]), cB[3] * np.int32(_PS[3])]
        x01 = [(cA[0] if (i & 1) == 0 else cB[0]) ^ p1[(i >> 1) & 1]
               for i in range(4)]
        x012 = [x01[i & 3] ^ p2[(i >> 2) & 1] for i in range(8)]
        b3 = [cA[3] >= thv, cB[3] >= thv]
        tt = np.int32(_T)
        idxs = []
        for k in range(16):
            u = x012[k & 7] ^ p3[(k >> 3) & 1]
            uf = u.astype(jnp.float32)
            uf = uf + jnp.where(u < np.int32(0),
                                jnp.float32(_TWO32F), jnp.float32(0.0))
            uf = uf + jnp.where(b3[(k >> 3) & 1],
                                jnp.float32(_TWO32F), jnp.float32(0.0))
            q = (uf * jnp.float32(_RCP_T)).astype(jnp.int32)
            r = u - q * tt
            r = jnp.where(r < np.int32(0), r + tt, r)
            r = jnp.where(r < np.int32(0), r + tt, r)
            r = jnp.where(r >= tt, r - tt, r)
            r = jnp.where(r >= tt, r - tt, r)
            idxs.append(r + basev)
        return idxs

    def finish(l, gg, acc_a, acc_b, off3):
        interp = acc_a + off3 * (acc_b - acc_a)
        rids = gg * np.int32(16) + iota
        cl = zeros16 + l
        plsc.store_scatter(ist, [rids, cl], interp)
        plsc.store_scatter(sst, [rids, cl], acc_a)
        plsc.store_scatter(sst, [rids, cl + np.int32(12)], acc_b)

    def run_level_res(l):
        nm1, s0, s1, s2, basev, _thv = load_consts(l)

        def passr(gg):
            cA, cB, off = coords(l, gg, nm1)
            tri = tri_weights(off)
            idxs = dense_idxs(cA, cB, s0, s1, s2, basev)
            acc_a = jnp.zeros((16,), jnp.float32)
            acc_b = jnp.zeros((16,), jnp.float32)
            for k in range(8):
                va = plsc.load_gather(resb, [idxs[k], zeros16]) \
                    + plsc.load_gather(resb, [idxs[k], ones16])
                vb = plsc.load_gather(resb, [idxs[k + 8], zeros16]) \
                    + plsc.load_gather(resb, [idxs[k + 8], ones16])
                acc_a = acc_a + tri[k] * va
                acc_b = acc_b + tri[k] * vb
            finish(l, gg, acc_a, acc_b, off[3])

        _loop32(_NG, passr)

    def run_level_str(l, is_hash):
        nm1, s0, s1, s2, basev, thv = load_consts(l)

        def pass1(gg):
            cA, cB, off = coords(l, gg, nm1)
            tri = tri_weights(off)
            for k in range(8):
                trib[pl.ds((np.int32(k * _NG) + gg) * np.int32(16), 16)] = tri[k]
            off3b[pl.ds(gg * np.int32(16), 16)] = off[3]
            if not is_hash:
                idxs = dense_idxs(cA, cB, s0, s1, s2, basev)
            else:
                idxs = hash_idxs(cA, cB, basev, thv)
            col = gg * np.int32(16)
            for k in range(16):
                idxb[np.int32(k), pl.ds(col, 16)] = idxs[k]

        _loop32(_NG, pass1)

        cps = []
        for j in range(_NSTREAM):
            cps.append(pltpu.async_copy(
                table_ref.at[idxb.at[np.int32(j)]],
                rowsb.at[pl.ds(np.int32(j * _ROWS_PER_STREAM),
                               _ROWS_PER_STREAM)],
                sem))
        for cp in cps:
            cp.wait()

        def pass2(gg):
            acc_a = jnp.zeros((16,), jnp.float32)
            acc_b = jnp.zeros((16,), jnp.float32)
            rid0 = gg * np.int32(16) + iota
            for k in range(16):
                rid = rid0 + np.int32(k * _C)
                s = plsc.load_gather(rowsb, [rid, zeros16]) \
                    + plsc.load_gather(rowsb, [rid, ones16])
                w = trib[pl.ds((np.int32((k & 7) * _NG) + gg) * np.int32(16), 16)]
                if k < 8:
                    acc_a = acc_a + w * s
                else:
                    acc_b = acc_b + w * s
            off3 = off3b[pl.ds(gg * np.int32(16), 16)]
            finish(l, gg, acc_a, acc_b, off3)

        _loop32(_NG, pass2)

    def run_chunk(chunk):
        pbase = wid * np.int32(_PPW) + chunk * np.int32(_C)
        pltpu.sync_copy(flt_ref.at[:, pl.ds(pbase, _C)], fltab)
        _loop32(_RES_LV, run_level_res)
        _loop32(_SH - _RES_LV,
                lambda i: run_level_str(i + np.int32(_RES_LV), False))
        _loop32(_N_LEVELS - _SH,
                lambda i: run_level_str(i + np.int32(_SH), True))
        pltpu.sync_copy(ist, out_i_ref.at[pl.ds(pbase, _C), :])
        pltpu.sync_copy(sst, out_s_ref.at[pl.ds(pbase, _C), :])

    _loop32(_NCHUNK, run_chunk)


def kernel(xyz, dense, hash_tab, batch):
    with jax.enable_x64(False):
        return _kernel_x32(xyz, dense, hash_tab)


def _kernel_x32(xyz, dense, hash_tab):
    n_pts = xyz.shape[0]
    xyz = xyz.astype(jnp.float32)
    bounds = jnp.asarray(_BOUNDS)
    e_size = jnp.asarray(_E_SIZE)
    x = (xyz - bounds[0]) / (bounds[1] - bounds[0])
    flt = jnp.broadcast_to(x[None], (_N_LEVELS, n_pts, 4)) / e_size[:, None, None]
    flt_t = jnp.transpose(flt, (0, 2, 1)).reshape(_N_LEVELS * 4, n_pts)
    table = jnp.concatenate(
        [dense.astype(jnp.float32),
         hash_tab.astype(jnp.float32).reshape(-1, 2)], axis=0)
    table = jnp.pad(table, ((0, 0), (0, _ROW_PAD - 2)))
    res = dense.astype(jnp.float32)[:_RES_ROWS]
    cst = jnp.asarray(_CST)

    mesh = plsc.VectorSubcoreMesh(core_axis_name="c", subcore_axis_name="s")
    out_i, out_s = pl.kernel(
        _sc_body,
        compiler_params=pltpu.CompilerParams(needs_layout_passes=False,
                                             use_tc_tiling_on_sc=False),
        out_type=[jax.ShapeDtypeStruct((n_pts, 12), jnp.float32),
                  jax.ShapeDtypeStruct((n_pts, 24), jnp.float32)],
        mesh=mesh,
        scratch_types=[
            pltpu.VMEM((_N_LEVELS * _NCST * 16,), jnp.int32),
            pltpu.VMEM((_RES_ROWS, 2), jnp.float32),
            pltpu.VMEM((_N_LEVELS * 4, _C), jnp.float32),
            pltpu.VMEM((_C,), jnp.float32),
            pltpu.VMEM((8 * _C,), jnp.float32),
            pltpu.VMEM((_NSTREAM, _ROWS_PER_STREAM), jnp.int32),
            pltpu.VMEM((_NIDX, _ROW_PAD), jnp.float32),
            pltpu.VMEM((_C, 12), jnp.float32),
            pltpu.VMEM((_C, 24), jnp.float32),
            pltpu.SemaphoreType.DMA,
        ],
    )(flt_t, table, res, cst)
    return out_i, out_s

# --- scband reference (transcript-rebuilt; emitter-appended) ---
"""Pipeline reference for scband-embedder-46497315946942 (READ-ONLY COPY).

The authoritative reference and input builder live on the scoring server;
editing this copy changes nothing except your own understanding.
"""

import jax, jax.numpy as jnp
import numpy as np

jax.config.update("jax_enable_x64", True)


def _nextprime(n):
    def _is_prime(m):
        if m < 2:
            return False
        if m % 2 == 0:
            return m == 2
        d = 3
        while d * d <= m:
            if m % d == 0:
                return False
            d += 2
        return True
    m = n + 1
    while not _is_prime(m):
        m += 1
    return m


N_POINTS = 32768
N_LEVELS = 12
F_FEAT = 2
B_GROWTH = 1.38
BASE_RES = 2
LOG2_HM = 19
T_ENTRIES = _nextprime(2 ** LOG2_HM)
PS = [1, 19349663, 51471207, 83492791]
ENTRIES_NUM = np.array([int(BASE_RES * B_GROWTH ** i) for i in range(N_LEVELS)], dtype=np.int64)
ENTRIES_CNT = ENTRIES_NUM ** 4
ENTRIES_SIZE = (1.0 / (ENTRIES_NUM - 1)).astype(np.float32)
ENTRIES_SUM = np.cumsum(ENTRIES_CNT)
START_HASH = N_LEVELS
for _i in range(N_LEVELS):
    if ENTRIES_CNT[_i] > T_ENTRIES:
        START_HASH = _i
        break
H_LEVELS = N_LEVELS - START_HASH
DENSE_ROWS = int(ENTRIES_CNT[:START_HASH].sum())
BOUNDS = np.array([[0.0, 0.0, 0.2, 0.05], [1.2, 1.7, 1.1, 2.0]], dtype=np.float32)
OFFSETS = np.array([[(i >> 0) & 1, (i >> 1) & 1, (i >> 2) & 1, (i >> 3) & 1] for i in range(16)], dtype=np.float32)


def _forward(xyz, dense, hash_tab):
    bounds = jnp.asarray(BOUNDS)
    offsets = jnp.asarray(OFFSETS)
    e_size = jnp.asarray(ENTRIES_SIZE)
    e_num = jnp.asarray(ENTRIES_NUM)
    N = xyz.shape[0]
    x = (xyz - bounds[0]) / (bounds[1] - bounds[0])
    ind_xyz = jnp.broadcast_to(x[None], (N_LEVELS, N, 4))
    flt_xyz = ind_xyz / e_size[:, None, None]
    int_xyz = (flt_xyz[:, :, None, :] + offsets[None, None]).astype(jnp.int64)
    int_xyz = jnp.clip(int_xyz, 0, (e_num - 1)[:, None, None, None])
    off_xyz = flt_xyz - int_xyz[:, :, 0].astype(flt_xyz.dtype)
    sh = START_HASH
    num_sh = e_num[:sh]
    ind_dense = (int_xyz[:sh, ..., 0] * (num_sh ** 3)[:, None, None]
                 + int_xyz[:sh, ..., 1] * (num_sh ** 2)[:, None, None]
                 + int_xyz[:sh, ..., 2] * num_sh[:, None, None]
                 + int_xyz[:sh, ..., 3])
    level_off = jnp.concatenate([jnp.zeros((1,), jnp.int64), jnp.asarray(ENTRIES_SUM[:sh - 1], dtype=jnp.int64)])
    ind_dense = ind_dense + level_off[:, None, None]
    ih = int_xyz[sh:]
    ind_hash = ((ih[..., 0] * PS[0]) ^ (ih[..., 1] * PS[1]) ^ (ih[..., 2] * PS[2]) ^ (ih[..., 3] * PS[3])) % T_ENTRIES
    val_dense = jnp.take(dense, ind_dense.reshape(-1), axis=0).reshape(sh, N, 16, F_FEAT)
    val_hash = jax.vmap(lambda tab, idx: tab[idx])(hash_tab, ind_hash)
    val = jnp.concatenate([val_dense, val_hash], axis=0)
    mul_xyz = 1.0 - offsets[None, None] + (2.0 * offsets[None, None] - 1.0) * off_xyz[:, :, None]
    tri_xyz = mul_xyz[..., 0] * mul_xyz[..., 1] * mul_xyz[..., 2]
    four_xyz = tri_xyz * mul_xyz[..., 3]
    interpolated_val = (four_xyz[..., None] * val).sum(axis=-2)
    val_tatb = tri_xyz[..., None] * val
    val_ta = val_tatb[:, :, :8, :].sum(axis=-2)
    val_tb = val_tatb[:, :, 8:, :].sum(axis=-2)
    interpolated_val = jnp.transpose(interpolated_val, (1, 0, 2)).sum(axis=-1)
    val_ta = jnp.transpose(val_ta, (1, 0, 2)).sum(axis=-1)
    val_tb = jnp.transpose(val_tb, (1, 0, 2)).sum(axis=-1)
    smooth_t = jnp.concatenate([val_ta, val_tb], axis=-1)
    return interpolated_val, smooth_t


def setup_inputs(seed: int = 0):
    key = jax.random.key(seed)
    k1, k2, k3 = jax.random.split(key, 3)
    xyz = jax.random.uniform(k1, (N_POINTS, 4), dtype=jnp.float32)
    dense = jax.random.normal(k2, (DENSE_ROWS, F_FEAT), dtype=jnp.float32) * 0.1
    hash_tab = jax.random.normal(k3, (H_LEVELS, T_ENTRIES, F_FEAT), dtype=jnp.float32) * 0.1
    return {"xyz": xyz, "dense": dense, "hash_tab": hash_tab, "batch": 0}


def reference(xyz, dense, hash_tab, batch):
    return _forward(xyz, dense, hash_tab)

if __name__ == "__main__":
    import jax
    _d = setup_inputs()
    print(jax.jit(kernel)(*tuple(_d.values())))

</pallas_src>

<mosaic_0001>
#map = affine_map<(d0, d1) -> (0, 0)>
#map1 = affine_map<(d0, d1) -> (0)>
module attributes {stable_mosaic.version = 14 : i64} {
  func.func @_sc_body(%arg0: i32, %arg1: i32, %arg2: memref<48x32768xf32, #tpu.memory_space<hbm>>, %arg3: memref<2201924x16xf32, #tpu.memory_space<hbm>>, %arg4: memref<3139x2xf32, #tpu.memory_space<hbm>>, %arg5: memref<1152xi32, #tpu.memory_space<hbm>>, %arg6: memref<32768x12xf32, #tpu.memory_space<hbm>>, %arg7: memref<32768x24xf32, #tpu.memory_space<hbm>>, %arg8: memref<1152xi32, #tpu.memory_space<vmem>>, %arg9: memref<3139x2xf32, #tpu.memory_space<vmem>>, %arg10: memref<48x128xf32, #tpu.memory_space<vmem>>, %arg11: memref<128xf32, #tpu.memory_space<vmem>>, %arg12: memref<1024xf32, #tpu.memory_space<vmem>>, %arg13: memref<16x128xi32, #tpu.memory_space<vmem>>, %arg14: memref<2048x16xf32, #tpu.memory_space<vmem>>, %arg15: memref<128x12xf32, #tpu.memory_space<vmem>>, %arg16: memref<128x24xf32, #tpu.memory_space<vmem>>, %arg17: memref<!tpu.dma_semaphore, #tpu.memory_space<semaphore_mem>>) attributes {dimension_semantics = [#tpu.dimension_semantics<core_parallel>, #tpu.dimension_semantics<subcore_parallel>], iteration_bounds = array<i64: 2, 16>, scalar_prefetch = 0 : i64, scratch_operands = 10 : i64, tpu.core_type = #tpu.core_type<sc_vector_subcore>, window_params = [{transform_indices = #map}, {transform_indices = #map}, {transform_indices = #map}, {transform_indices = #map1}, {transform_indices = #map}, {transform_indices = #map}]} {
    %mul3A = arith.constant 2 : i32
    %mul3A_0 = arith.muli %arg1, %mul3A : i32
    %add3A = arith.addi %mul3A_0, %arg0 : i32
    %iota3A = tpu.iota {dimensions = array<i32: 0>} : vector<16xi32>
    %broadcast_in_dim3A = arith.constant 0 : i32
    %broadcast_in_dim3A_1 = vector.broadcast %broadcast_in_dim3A : i32 to vector<16xi32>
    %add3A_2 = arith.constant 1 : i32
    %add3A_3 = vector.broadcast %add3A_2 : i32 to vector<16xi32>
    %add3A_4 = arith.addi %broadcast_in_dim3A_1, %add3A_3 : vector<16xi32>
    "tpu.region"() ({
      %run_scoped3A = tpu.sem_alloc : memref<!tpu.dma_semaphore, #tpu.memory_space<semaphore_mem>>
      tpu.enqueue_dma source(%arg5 : memref<1152xi32, #tpu.memory_space<hbm>>) target(%arg8 : memref<1152xi32, #tpu.memory_space<vmem>>) target_semaphore(%run_scoped3A : memref<!tpu.dma_semaphore, #tpu.memory_space<semaphore_mem>>)
      tpu.wait_dma2 semaphore(%run_scoped3A : memref<!tpu.dma_semaphore, #tpu.memory_space<semaphore_mem>>) src(%arg5 : memref<1152xi32, #tpu.memory_space<hbm>>) dst(%arg8 : memref<1152xi32, #tpu.memory_space<vmem>>)
      tpu.yield
    }) : () -> ()
    "tpu.region"() ({
      %run_scoped3A = tpu.sem_alloc : memref<!tpu.dma_semaphore, #tpu.memory_space<semaphore_mem>>
      tpu.enqueue_dma source(%arg4 : memref<3139x2xf32, #tpu.memory_space<hbm>>) target(%arg9 : memref<3139x2xf32, #tpu.memory_space<vmem>>) target_semaphore(%run_scoped3A : memref<!tpu.dma_semaphore, #tpu.memory_space<semaphore_mem>>)
      tpu.wait_dma2 semaphore(%run_scoped3A : memref<!tpu.dma_semaphore, #tpu.memory_space<semaphore_mem>>) src(%arg4 : memref<3139x2xf32, #tpu.memory_space<hbm>>) dst(%arg9 : memref<3139x2xf32, #tpu.memory_space<vmem>>)
      tpu.yield
    }) : () -> ()
    %scan3A = arith.constant 0 : i32
    %scan3A_5 = arith.constant 8 : i32
    %scan3A_6 = arith.addi %scan3A, %scan3A_5 : i32
    %scan3A_7 = arith.constant 1 : i32
    scf.for %scan3A_9 = %scan3A to %scan3A_6 step %scan3A_7  : i32 {
      %mul3A_10 = arith.constant 1024 : i32
      %mul3A_11 = arith.muli %add3A, %mul3A_10 : i32
      %mul3A_12 = arith.constant 128 : i32
      %mul3A_13 = arith.muli %scan3A_9, %mul3A_12 : i32
      %add3A_14 = arith.addi %mul3A_11, %mul3A_13 : i32
      "tpu.region"() ({
        %run_scoped3A = tpu.sem_alloc : memref<!tpu.dma_semaphore, #tpu.memory_space<semaphore_mem>>
        %dma_start3A = arith.constant 0 : i32
        %dma_start3A_30 = tpu.memref_slice %arg2[%dma_start3A, %add3A_14] : memref<48x32768xf32, #tpu.memory_space<hbm>> -> memref<48x128xf32, #tpu.memory_space<hbm>>
        %dma_start3A_31 = arith.constant 0 : i32
        %dma_start3A_32 = tpu.memref_slice %arg2[%dma_start3A_31, %add3A_14] : memref<48x32768xf32, #tpu.memory_space<hbm>> -> memref<48x128xf32, #tpu.memory_space<hbm>>
        tpu.enqueue_dma source(%dma_start3A_32 : memref<48x128xf32, #tpu.memory_space<hbm>>) target(%arg10 : memref<48x128xf32, #tpu.memory_space<vmem>>) target_semaphore(%run_scoped3A : memref<!tpu.dma_semaphore, #tpu.memory_space<semaphore_mem>>)
        %dma_wait3A = arith.constant 0 : i32
        %dma_wait3A_33 = tpu.memref_slice %arg2[%dma_wait3A, %add3A_14] : memref<48x32768xf32, #tpu.memory_space<hbm>> -> memref<48x128xf32, #tpu.memory_space<hbm>>
        %dma_wait3A_34 = arith.constant 0 : i32
        %dma_wait3A_35 = tpu.memref_slice %arg2[%dma_wait3A_34, %add3A_14] : memref<48x32768xf32, #tpu.memory_space<hbm>> -> memref<48x128xf32, #tpu.memory_space<hbm>>
        tpu.wait_dma2 semaphore(%run_scoped3A : memref<!tpu.dma_semaphore, #tpu.memory_space<semaphore_mem>>) src(%dma_wait3A_35 : memref<48x128xf32, #tpu.memory_space<hbm>>) dst(%arg10 : memref<48x128xf32, #tpu.memory_space<vmem>>)
        tpu.yield
      }) : () -> ()
      %scan3A_15 = arith.constant 0 : i32
      %scan3A_16 = arith.constant 5 : i32
      %scan3A_17 = arith.addi %scan3A_15, %scan3A_16 : i32
      %scan3A_18 = arith.constant 1 : i32
      scf.for %scan3A_30 = %scan3A_15 to %scan3A_17 step %scan3A_18  : i32 {
        %mul3A_31 = arith.constant 96 : i32
        %mul3A_32 = arith.muli %scan3A_30, %mul3A_31 : i32
        %add3A_33 = arith.constant 0 : i32
        %add3A_34 = arith.addi %mul3A_32, %add3A_33 : i32
        %get3A = arith.index_cast %add3A_34 : i32 to index
        %get3A_35 = tpu.vector_load %arg8[%get3A] {strides = array<i32>} : memref<1152xi32, #tpu.memory_space<vmem>>, vector<16xi32>,
        %add3A_36 = arith.constant 16 : i32
        %add3A_37 = arith.addi %mul3A_32, %add3A_36 : i32
        %get3A_38 = arith.index_cast %add3A_37 : i32 to index
        %get3A_39 = tpu.vector_load %arg8[%get3A_38] {strides = array<i32>} : memref<1152xi32, #tpu.memory_space<vmem>>, vector<16xi32>,
        %add3A_40 = arith.constant 32 : i32
        %add3A_41 = arith.addi %mul3A_32, %add3A_40 : i32
        %get3A_42 = arith.index_cast %add3A_41 : i32 to index
        %get3A_43 = tpu.vector_load %arg8[%get3A_42] {strides = array<i32>} : memref<1152xi32, #tpu.memory_space<vmem>>, vector<16xi32>,
        %add3A_44 = arith.constant 48 : i32
        %add3A_45 = arith.addi %mul3A_32, %add3A_44 : i32
        %get3A_46 = arith.index_cast %add3A_45 : i32 to index
        %get3A_47 = tpu.vector_load %arg8[%get3A_46] {strides = array<i32>} : memref<1152xi32, #tpu.memory_space<vmem>>, vector<16xi32>,
        %add3A_48 = arith.constant 64 : i32
        %add3A_49 = arith.addi %mul3A_32, %add3A_48 : i32
        %get3A_50 = arith.index_cast %add3A_49 : i32 to index
        %get3A_51 = tpu.vector_load %arg8[%get3A_50] {strides = array<i32>} : memref<1152xi32, #tpu.memory_space<vmem>>, vector<16xi32>,
        %add3A_52 = arith.constant 80 : i32
        %add3A_53 = arith.addi %mul3A_32, %add3A_52 : i32
        %get3A_54 = arith.index_cast %add3A_53 : i32 to index
        %get3A_55 = tpu.vector_load %arg8[%get3A_54] {strides = array<i32>} : memref<1152xi32, #tpu.memory_space<vmem>>, vector<16xi32>,
        %scan3A_56 = arith.constant 0 : i32
        %scan3A_57 = arith.constant 8 : i32
        %scan3A_58 = arith.addi %scan3A_56, %scan3A_57 : i32
        %scan3A_59 = arith.constant 1 : i32
        scf.for %scan3A_61 = %scan3A_56 to %scan3A_58 step %scan3A_59  : i32 {
          %mul3A_62 = arith.constant 4 : i32
          %mul3A_63 = arith.muli %scan3A_30, %mul3A_62 : i32
          %add3A_64 = arith.constant 0 : i32
          %add3A_65 = arith.addi %mul3A_63, %add3A_64 : i32
          %mul3A_66 = arith.constant 16 : i32
          %mul3A_67 = arith.muli %scan3A_61, %mul3A_66 : i32
          %get3A_68 = arith.index_cast %add3A_65 : i32 to index
          %get3A_69 = arith.index_cast %mul3A_67 : i32 to index
          %get3A_70 = tpu.vector_load %arg10[%get3A_68, %get3A_69] {strides = array<i32>} : memref<48x128xf32, #tpu.memory_space<vmem>>, vector<16xf32>,
          %mul3A_71 = arith.constant 4 : i32
          %mul3A_72 = arith.muli %scan3A_30, %mul3A_71 : i32
          %add3A_73 = arith.constant 1 : i32
          %add3A_74 = arith.addi %mul3A_72, %add3A_73 : i32
          %mul3A_75 = arith.constant 16 : i32
          %mul3A_76 = arith.muli %scan3A_61, %mul3A_75 : i32
          %get3A_77 = arith.index_cast %add3A_74 : i32 to index
          %get3A_78 = arith.index_cast %mul3A_76 : i32 to index
          %get3A_79 = tpu.vector_load %arg10[%get3A_77, %get3A_78] {strides = array<i32>} : memref<48x128xf32, #tpu.memory_space<vmem>>, vector<16xf32>,
          %mul3A_80 = arith.constant 4 : i32
          %mul3A_81 = arith.muli %scan3A_30, %mul3A_80 : i32
          %add3A_82 = arith.constant 2 : i32
          %add3A_83 = arith.addi %mul3A_81, %add3A_82 : i32
          %mul3A_84 = arith.constant 16 : i32
          %mul3A_85 = arith.muli %scan3A_61, %mul3A_84 : i32
          %get3A_86 = arith.index_cast %add3A_83 : i32 to index
          %get3A_87 = arith.index_cast %mul3A_85 : i32 to index
          %get3A_88 = tpu.vector_load %arg10[%get3A_86, %get3A_87] {strides = array<i32>} : memref<48x128xf32, #tpu.memory_space<vmem>>, vector<16xf32>,
          %mul3A_89 = arith.constant 4 : i32
          %mul3A_90 = arith.muli %scan3A_30, %mul3A_89 : i32
          %add3A_91 = arith.constant 3 : i32
          %add3A_92 = arith.addi %mul3A_90, %add3A_91 : i32
          %mul3A_93 = arith.constant 16 : i32
          %mul3A_94 = arith.muli %scan3A_61, %mul3A_93 : i32
          %get3A_95 = arith.index_cast %add3A_92 : i32 to index
          %get3A_96 = arith.index_cast %mul3A_94 : i32 to index
          %get3A_97 = tpu.vector_load %arg10[%get3A_95, %get3A_96] {strides = array<i32>} : memref<48x128xf32, #tpu.memory_space<vmem>>, vector<16xf32>,
          %convert_element_type3A = arith.fptosi %get3A_70 : vector<16xf32> to vector<16xi32>
          %convert_element_type3A_98 = arith.fptosi %get3A_79 : vector<16xf32> to vector<16xi32>
          %convert_element_type3A_99 = arith.fptosi %get3A_88 : vector<16xf32> to vector<16xi32>
          %convert_element_type3A_100 = arith.fptosi %get3A_97 : vector<16xf32> to vector<16xi32>
          %add3A_101 = arith.constant 1.000000e+00 : f32
          %add3A_102 = vector.broadcast %add3A_101 : f32 to vector<16xf32>
          %add3A_103 = arith.addf %get3A_70, %add3A_102 : vector<16xf32>
          %convert_element_type3A_104 = arith.fptosi %add3A_103 : vector<16xf32> to vector<16xi32>
          %add3A_105 = arith.constant 1.000000e+00 : f32
          %add3A_106 = vector.broadcast %add3A_105 : f32 to vector<16xf32>
          %add3A_107 = arith.addf %get3A_79, %add3A_106 : vector<16xf32>
          %convert_element_type3A_108 = arith.fptosi %add3A_107 : vector<16xf32> to vector<16xi32>
          %add3A_109 = arith.constant 1.000000e+00 : f32
          %add3A_110 = vector.broadcast %add3A_109 : f32 to vector<16xf32>
          %add3A_111 = arith.addf %get3A_88, %add3A_110 : vector<16xf32>
          %convert_element_type3A_112 = arith.fptosi %add3A_111 : vector<16xf32> to vector<16xi32>
          %add3A_113 = arith.constant 1.000000e+00 : f32
          %add3A_114 = vector.broadcast %add3A_113 : f32 to vector<16xf32>
          %add3A_115 = arith.addf %get3A_97, %add3A_114 : vector<16xf32>
          %convert_element_type3A_116 = arith.fptosi %add3A_115 : vector<16xf32> to vector<16xi32>
          %max3A = arith.constant 0 : i32
          %max3A_117 = vector.broadcast %max3A : i32 to vector<16xi32>
          %max3A_118 = arith.maxsi %convert_element_type3A, %max3A_117 : vector<16xi32>
          %min3A = arith.minsi %max3A_118, %get3A_35 : vector<16xi32>
          %max3A_119 = arith.constant 0 : i32
          %max3A_120 = vector.broadcast %max3A_119 : i32 to vector<16xi32>
          %max3A_121 = arith.maxsi %convert_element_type3A_98, %max3A_120 : vector<16xi32>
          %min3A_122 = arith.minsi %max3A_121, %get3A_35 : vector<16xi32>
          %max3A_123 = arith.constant 0 : i32
          %max3A_124 = vector.broadcast %max3A_123 : i32 to vector<16xi32>
          %max3A_125 = arith.maxsi %convert_element_type3A_99, %max3A_124 : vector<16xi32>
          %min3A_126 = arith.minsi %max3A_125, %get3A_35 : vector<16xi32>
          %max3A_127 = arith.constant 0 : i32
          %max3A_128 = vector.broadcast %max3A_127 : i32 to vector<16xi32>
          %max3A_129 = arith.maxsi %convert_element_type3A_100, %max3A_128 : vector<16xi32>
          %min3A_130 = arith.minsi %max3A_129, %get3A_35 : vector<16xi32>
          %max3A_131 = arith.constant 0 : i32
          %max3A_132 = vector.broadcast %max3A_131 : i32 to vector<16xi32>
          %max3A_133 = arith.maxsi %convert_element_type3A_104, %max3A_132 : vector<16xi32>
          %min3A_134 = arith.minsi %max3A_133, %get3A_35 : vector<16xi32>
          %max3A_135 = arith.constant 0 : i32
          %max3A_136 = vector.broadcast %max3A_135 : i32 to vector<16xi32>
          %max3A_137 = arith.maxsi %convert_element_type3A_108, %max3A_136 : vector<16xi32>
          %min3A_138 = arith.minsi %max3A_137, %get3A_35 : vector<16xi32>
          %max3A_139 = arith.constant 0 : i32
          %max3A_140 = vector.broadcast %max3A_139 : i32 to vector<16xi32>
          %max3A_141 = arith.maxsi %convert_element_type3A_112, %max3A_140 : vector<16xi32>
          %min3A_142 = arith.minsi %max3A_141, %get3A_35 : vector<16xi32>
          %max3A_143 = arith.constant 0 : i32
          %max3A_144 = vector.broadcast %max3A_143 : i32 to vector<16xi32>
          %max3A_145 = arith.maxsi %convert_element_type3A_116, %max3A_144 : vector<16xi32>
          %min3A_146 = arith.minsi %max3A_145, %get3A_35 : vector<16xi32>
          %convert_element_type3A_147 = arith.sitofp %min3A : vector<16xi32> to vector<16xf32>
          %sub3A = arith.subf %get3A_70, %convert_element_type3A_147 : vector<16xf32>
          %convert_element_type3A_148 = arith.sitofp %min3A_122 : vector<16xi32> to vector<16xf32>
          %sub3A_149 = arith.subf %get3A_79, %convert_element_type3A_148 : vector<16xf32>
          %convert_element_type3A_150 = arith.sitofp %min3A_126 : vector<16xi32> to vector<16xf32>
          %sub3A_151 = arith.subf %get3A_88, %convert_element_type3A_150 : vector<16xf32>
          %convert_element_type3A_152 = arith.sitofp %min3A_130 : vector<16xi32> to vector<16xf32>
          %sub3A_153 = arith.subf %get3A_97, %convert_element_type3A_152 : vector<16xf32>
          %sub3A_154 = arith.constant 1.000000e+00 : f32
          %sub3A_155 = vector.broadcast %sub3A_154 : f32 to vector<16xf32>
          %sub3A_156 = arith.subf %sub3A_155, %sub3A : vector<16xf32>
          %sub3A_157 = arith.constant 1.000000e+00 : f32
          %sub3A_158 = vector.broadcast %sub3A_157 : f32 to vector<16xf32>
          %sub3A_159 = arith.subf %sub3A_158, %sub3A_149 : vector<16xf32>
          %sub3A_160 = arith.constant 1.000000e+00 : f32
          %sub3A_161 = vector.broadcast %sub3A_160 : f32 to vector<16xf32>
          %sub3A_162 = arith.subf %sub3A_161, %sub3A_151 : vector<16xf32>
          %mul3A_163 = arith.mulf %sub3A_156, %sub3A_159 : vector<16xf32>
          %mul3A_164 = arith.mulf %sub3A, %sub3A_159 : vector<16xf32>
          %mul3A_165 = arith.mulf %sub3A_156, %sub3A_149 : vector<16xf32>
          %mul3A_166 = arith.mulf %sub3A, %sub3A_149 : vector<16xf32>
          %mul3A_167 = arith.mulf %mul3A_163, %sub3A_162 : vector<16xf32>
          %mul3A_168 = arith.mulf %mul3A_164, %sub3A_162 : vector<16xf32>
          %mul3A_169 = arith.mulf %mul3A_165, %sub3A_162 : vector<16xf32>
          %mul3A_170 = arith.mulf %mul3A_166, %sub3A_162 : vector<16xf32>
          %mul3A_171 = arith.mulf %mul3A_163, %sub3A_151 : vector<16xf32>
          %mul3A_172 = arith.mulf %mul3A_164, %sub3A_151 : vector<16xf32>
          %mul3A_173 = arith.mulf %mul3A_165, %sub3A_151 : vector<16xf32>
          %mul3A_174 = arith.mulf %mul3A_166, %sub3A_151 : vector<16xf32>
          %mul3A_175 = arith.muli %min3A, %get3A_39 : vector<16xi32>
          %add3A_176 = arith.addi %mul3A_175, %get3A_51 : vector<16xi32>
          %mul3A_177 = arith.muli %min3A_134, %get3A_39 : vector<16xi32>
          %add3A_178 = arith.addi %mul3A_177, %get3A_51 : vector<16xi32>
          %mul3A_179 = arith.muli %min3A_122, %get3A_43 : vector<16xi32>
          %mul3A_180 = arith.muli %min3A_138, %get3A_43 : vector<16xi32>
          %mul3A_181 = arith.muli %min3A_126, %get3A_47 : vector<16xi32>
          %mul3A_182 = arith.muli %min3A_142, %get3A_47 : vector<16xi32>
          %add3A_183 = arith.addi %add3A_176, %mul3A_179 : vector<16xi32>
          %add3A_184 = arith.addi %add3A_178, %mul3A_179 : vector<16xi32>
          %add3A_185 = arith.addi %add3A_176, %mul3A_180 : vector<16xi32>
          %add3A_186 = arith.addi %add3A_178, %mul3A_180 : vector<16xi32>
          %add3A_187 = arith.addi %add3A_183, %mul3A_181 : vector<16xi32>
          %add3A_188 = arith.addi %add3A_184, %mul3A_181 : vector<16xi32>
          %add3A_189 = arith.addi %add3A_185, %mul3A_181 : vector<16xi32>
          %add3A_190 = arith.addi %add3A_186, %mul3A_181 : vector<16xi32>
          %add3A_191 = arith.addi %add3A_183, %mul3A_182 : vector<16xi32>
          %add3A_192 = arith.addi %add3A_184, %mul3A_182 : vector<16xi32>
          %add3A_193 = arith.addi %add3A_185, %mul3A_182 : vector<16xi32>
          %add3A_194 = arith.addi %add3A_186, %mul3A_182 : vector<16xi32>
          %add3A_195 = arith.addi %add3A_187, %min3A_130 : vector<16xi32>
          %add3A_196 = arith.addi %add3A_188, %min3A_130 : vector<16xi32>
          %add3A_197 = arith.addi %add3A_189, %min3A_130 : vector<16xi32>
          %add3A_198 = arith.addi %add3A_190, %min3A_130 : vector<16xi32>
          %add3A_199 = arith.addi %add3A_191, %min3A_130 : vector<16xi32>
          %add3A_200 = arith.addi %add3A_192, %min3A_130 : vector<16xi32>
          %add3A_201 = arith.addi %add3A_193, %min3A_130 : vector<16xi32>
          %add3A_202 = arith.addi %add3A_194, %min3A_130 : vector<16xi32>
          %add3A_203 = arith.addi %add3A_187, %min3A_146 : vector<16xi32>
          %add3A_204 = arith.addi %add3A_188, %min3A_146 : vector<16xi32>
          %add3A_205 = arith.addi %add3A_189, %min3A_146 : vector<16xi32>
          %add3A_206 = arith.addi %add3A_190, %min3A_146 : vector<16xi32>
          %add3A_207 = arith.addi %add3A_191, %min3A_146 : vector<16xi32>
          %add3A_208 = arith.addi %add3A_192, %min3A_146 : vector<16xi32>
          %add3A_209 = arith.addi %add3A_193, %min3A_146 : vector<16xi32>
          %add3A_210 = arith.addi %add3A_194, %min3A_146 : vector<16xi32>
          %broadcast_in_dim3A_211 = arith.constant 0.000000e+00 : f32
          %broadcast_in_dim3A_212 = vector.broadcast %broadcast_in_dim3A_211 : f32 to vector<16xf32>
          %broadcast_in_dim3A_213 = arith.constant 0.000000e+00 : f32
          %broadcast_in_dim3A_214 = vector.broadcast %broadcast_in_dim3A_213 : f32 to vector<16xf32>
          %gather3A = tpu.vector_load_idx %arg9[%add3A_195, %broadcast_in_dim3A_1] : memref<3139x2xf32, #tpu.memory_space<vmem>>[vector<16xi32>, vector<16xi32>], vector<16xf32>,
          %gather3A_215 = tpu.vector_load_idx %arg9[%add3A_195, %add3A_4] : memref<3139x2xf32, #tpu.memory_space<vmem>>[vector<16xi32>, vector<16xi32>], vector<16xf32>,
          %add3A_216 = arith.addf %gather3A, %gather3A_215 : vector<16xf32>
          %gather3A_217 = tpu.vector_load_idx %arg9[%add3A_203, %broadcast_in_dim3A_1] : memref<3139x2xf32, #tpu.memory_space<vmem>>[vector<16xi32>, vector<16xi32>], vector<16xf32>,
          %gather3A_218 = tpu.vector_load_idx %arg9[%add3A_203, %add3A_4] : memref<3139x2xf32, #tpu.memory_space<vmem>>[vector<16xi32>, vector<16xi32>], vector<16xf32>,
          %add3A_219 = arith.addf %gather3A_217, %gather3A_218 : vector<16xf32>
          %mul3A_220 = arith.mulf %mul3A_167, %add3A_216 : vector<16xf32>
          %add3A_221 = arith.addf %broadcast_in_dim3A_212, %mul3A_220 : vector<16xf32>
          %mul3A_222 = arith.mulf %mul3A_167, %add3A_219 : vector<16xf32>
          %add3A_223 = arith.addf %broadcast_in_dim3A_214, %mul3A_222 : vector<16xf32>
          %gather3A_224 = tpu.vector_load_idx %arg9[%add3A_196, %broadcast_in_dim3A_1] : memref<3139x2xf32, #tpu.memory_space<vmem>>[vector<16xi32>, vector<16xi32>], vector<16xf32>,
          %gather3A_225 = tpu.vector_load_idx %arg9[%add3A_196, %add3A_4] : memref<3139x2xf32, #tpu.memory_space<vmem>>[vector<16xi32>, vector<16xi32>], vector<16xf32>,
          %add3A_226 = arith.addf %gather3A_224, %gather3A_225 : vector<16xf32>
          %gather3A_227 = tpu.vector_load_idx %arg9[%add3A_204, %broadcast_in_dim3A_1] : memref<3139x2xf32, #tpu.memory_space<vmem>>[vector<16xi32>, vector<16xi32>], vector<16xf32>,
          %gather3A_228 = tpu.vector_load_idx %arg9[%add3A_204, %add3A_4] : memref<3139x2xf32, #tpu.memory_space<vmem>>[vector<16xi32>, vector<16xi32>], vector<16xf32>,
          %add3A_229 = arith.addf %gather3A_227, %gather3A_228 : vector<16xf32>
          %mul3A_230 = arith.mulf %mul3A_168, %add3A_226 : vector<16xf32>
          %add3A_231 = arith.addf %add3A_221, %mul3A_230 : vector<16xf32>
          %mul3A_232 = arith.mulf %mul3A_168, %add3A_229 : vector<16xf32>
          %add3A_233 = arith.addf %add3A_223, %mul3A_232 : vector<16xf32>
          %gather3A_234 = tpu.vector_load_idx %arg9[%add3A_197, %broadcast_in_dim3A_1] : memref<3139x2xf32, #tpu.memory_space<vmem>>[vector<16xi32>, vector<16xi32>], vector<16xf32>,
          %gather3A_235 = tpu.vector_load_idx %arg9[%add3A_197, %add3A_4] : memref<3139x2xf32, #tpu.memory_space<vmem>>[vector<16xi32>, vector<16xi32>], vector<16xf32>,
          %add3A_236 = arith.addf %gather3A_234, %gather3A_235 : vector<16xf32>
          %gather3A_237 = tpu.vector_load_idx %arg9[%add3A_205, %broadcast_in_dim3A_1] : memref<3139x2xf32, #tpu.memory_space<vmem>>[vector<16xi32>, vector<16xi32>], vector<16xf32>,
          %gather3A_238 = tpu.vector_load_idx %arg9[%add3A_205, %add3A_4] : memref<3139x2xf32, #tpu.memory_space<vmem>>[vector<16xi32>, vector<16xi32>], vector<16xf32>,
          %add3A_239 = arith.addf %gather3A_237, %gather3A_238 : vector<16xf32>
          %mul3A_240 = arith.mulf %mul3A_169, %add3A_236 : vector<16xf32>
          %add3A_241 = arith.addf %add3A_231, %mul3A_240 : vector<16xf32>
          %mul3A_242 = arith.mulf %mul3A_169, %add3A_239 : vector<16xf32>
          %add3A_243 = arith.addf %add3A_233, %mul3A_242 : vector<16xf32>
          %gather3A_244 = tpu.vector_load_idx %arg9[%add3A_198, %broadcast_in_dim3A_1] : memref<3139x2xf32, #tpu.memory_space<vmem>>[vector<16xi32>, vector<16xi32>], vector<16xf32>,
          %gather3A_245 = tpu.vector_load_idx %arg9[%add3A_198, %add3A_4] : memref<3139x2xf32, #tpu.memory_space<vmem>>[vector<16xi32>, vector<16xi32>], vector<16xf32>,
          %add3A_246 = arith.addf %gather3A_244, %gather3A_245 : vector<16xf32>
          %gather3A_247 = tpu.vector_load_idx %arg9[%add3A_206, %broadcast_in_dim3A_1] : memref<3139x2xf32, #tpu.memory_space<vmem>>[vector<16xi32>, vector<16xi32>], vector<16xf32>,
          %gather3A_248 = tpu.vector_load_idx %arg9[%add3A_206, %add3A_4] : memref<3139x2xf32, #tpu.memory_space<vmem>>[vector<16xi32>, vector<16xi32>], vector<16xf32>,
          %add3A_249 = arith.addf %gather3A_247, %gather3A_248 : vector<16xf32>
          %mul3A_250 = arith.mulf %mul3A_170, %add3A_246 : vector<16xf32>
          %add3A_251 = arith.addf %add3A_241, %mul3A_250 : vector<16xf32>
          %mul3A_252 = arith.mulf %mul3A_170, %add3A_249 : vector<16xf32>
          %add3A_253 = arith.addf %add3A_243, %mul3A_252 : vector<16xf32>
          %gather3A_254 = tpu.vector_load_idx %arg9[%add3A_199, %broadcast_in_dim3A_1] : memref<3139x2xf32, #tpu.memory_space<vmem>>[vector<16xi32>, vector<16xi32>], vector<16xf32>,
          %gather3A_255 = tpu.vector_load_idx %arg9[%add3A_199, %add3A_4] : memref<3139x2xf32, #tpu.memory_space<vmem>>[vector<16xi32>, vector<16xi32>], vector<16xf32>,
          %add3A_256 = arith.addf %gather3A_254, %gather3A_255 : vector<16xf32>
          %gather3A_257 = tpu.vector_load_idx %arg9[%add3A_207, %broadcast_in_dim3A_1] : memref<3139x2xf32, #tpu.memory_space<vmem>>[vector<16xi32>, vector<16xi32>], vector<16xf32>,
          %gather3A_258 = tpu.vector_load_idx %arg9[%add3A_207, %add3A_4] : memref<3139x2xf32, #tpu.memory_space<vmem>>[vector<16xi32>, vector<16xi32>], vector<16xf32>,
          %add3A_259 = arith.addf %gather3A_257, %gather3A_258 : vector<16xf32>
          %mul3A_260 = arith.mulf %mul3A_171, %add3A_256 : vector<16xf32>
          %add3A_261 = arith.addf %add3A_251, %mul3A_260 : vector<16xf32>
          %mul3A_262 = arith.mulf %mul3A_171, %add3A_259 : vector<16xf32>
          %add3A_263 = arith.addf %add3A_253, %mul3A_262 : vector<16xf32>
          %gather3A_264 = tpu.vector_load_idx %arg9[%add3A_200, %broadcast_in_dim3A_1] : memref<3139x2xf32, #tpu.memory_space<vmem>>[vector<16xi32>, vector<16xi32>], vector<16xf32>,
          %gather3A_265 = tpu.vector_load_idx %arg9[%add3A_200, %add3A_4] : memref<3139x2xf32, #tpu.memory_space<vmem>>[vector<16xi32>, vector<16xi32>], vector<16xf32>,
          %add3A_266 = arith.addf %gather3A_264, %gather3A_265 : vector<16xf32>
          %gather3A_267 = tpu.vector_load_idx %arg9[%add3A_208, %broadcast_in_dim3A_1] : memref<3139x2xf32, #tpu.memory_space<vmem>>[vector<16xi32>, vector<16xi32>], vector<16xf32>,
          %gather3A_268 = tpu.vector_load_idx %arg9[%add3A_208, %add3A_4] : memref<3139x2xf32, #tpu.memory_space<vmem>>[vector<16xi32>, vector<16xi32>], vector<16xf32>,
          %add3A_269 = arith.addf %gather3A_267, %gather3A_268 : vector<16xf32>
          %mul3A_270 = arith.mulf %mul3A_172, %add3A_266 : vector<16xf32>
          %add3A_271 = arith.addf %add3A_261, %mul3A_270 : vector<16xf32>
          %mul3A_272 = arith.mulf %mul3A_172, %add3A_269 : vector<16xf32>
          %add3A_273 = arith.addf %add3A_263, %mul3A_272 : vector<16xf32>
          %gather3A_274 = tpu.vector_load_idx %arg9[%add3A_201, %broadcast_in_dim3A_1] : memref<3139x2xf32, #tpu.memory_space<vmem>>[vector<16xi32>, vector<16xi32>], vector<16xf32>,
          %gather3A_275 = tpu.vector_load_idx %arg9[%add3A_201, %add3A_4] : memref<3139x2xf32, #tpu.memory_space<vmem>>[vector<16xi32>, vector<16xi32>], vector<16xf32>,
          %add3A_276 = arith.addf %gather3A_274, %gather3A_275 : vector<16xf32>
          %gather3A_277 = tpu.vector_load_idx %arg9[%add3A_209, %broadcast_in_dim3A_1] : memref<3139x2xf32, #tpu.memory_space<vmem>>[vector<16xi32>, vector<16xi32>], vector<16xf32>,
          %gather3A_278 = tpu.vector_load_idx %arg9[%add3A_209, %add3A_4] : memref<3139x2xf32, #tpu.memory_space<vmem>>[vector<16xi32>, vector<16xi32>], vector<16xf32>,
          %add3A_279 = arith.addf %gather3A_277, %gather3A_278 : vector<16xf32>
          %mul3A_280 = arith.mulf %mul3A_173, %add3A_276 : vector<16xf32>
          %add3A_281 = arith.addf %add3A_271, %mul3A_280 : vector<16xf32>
          %mul3A_282 = arith.mulf %mul3A_173, %add3A_279 : vector<16xf32>
          %add3A_283 = arith.addf %add3A_273, %mul3A_282 : vector<16xf32>
          %gather3A_284 = tpu.vector_load_idx %arg9[%add3A_202, %broadcast_in_dim3A_1] : memref<3139x2xf32, #tpu.memory_space<vmem>>[vector<16xi32>, vector<16xi32>], vector<16xf32>,
          %gather3A_285 = tpu.vector_load_idx %arg9[%add3A_202, %add3A_4] : memref<3139x2xf32, #tpu.memory_space<vmem>>[vector<16xi32>, vector<16xi32>], vector<16xf32>,
          %add3A_286 = arith.addf %gather3A_284, %gather3A_285 : vector<16xf32>
          %gather3A_287 = tpu.vector_load_idx %arg9[%add3A_210, %broadcast_in_dim3A_1] : memref<3139x2xf32, #tpu.memory_space<vmem>>[vector<16xi32>, vector<16xi32>], vector<16xf32>,
          %gather3A_288 = tpu.vector_load_idx %arg9[%add3A_210, %add3A_4] : memref<3139x2xf32, #tpu.memory_space<vmem>>[vector<16xi32>, vector<16xi32>], vector<16xf32>,
          %add3A_289 = arith.addf %gather3A_287, %gather3A_288 : vector<16xf32>
          %mul3A_290 = arith.mulf %mul3A_174, %add3A_286 : vector<16xf32>
          %add3A_291 = arith.addf %add3A_281, %mul3A_290 : vector<16xf32>
          %mul3A_292 = arith.mulf %mul3A_174, %add3A_289 : vector<16xf32>
          %add3A_293 = arith.addf %add3A_283, %mul3A_292 : vector<16xf32>
          %sub3A_294 = arith.subf %add3A_293, %add3A_291 : vector<16xf32>
          %mul3A_295 = arith.mulf %sub3A_153, %sub3A_294 : vector<16xf32>
          %add3A_296 = arith.addf %add3A_291, %mul3A_295 : vector<16xf32>
          %mul3A_297 = arith.constant 16 : i32
          %mul3A_298 = arith.muli %scan3A_61, %mul3A_297 : i32
          %add3A_299 = vector.broadcast %mul3A_298 : i32 to vector<16xi32>
          %add3A_300 = arith.addi %add3A_299, %iota3A : vector<16xi32>
          %add3A_301 = vector.broadcast %scan3A_30 : i32 to vector<16xi32>
          %add3A_302 = arith.addi %broadcast_in_dim3A_1, %add3A_301 : vector<16xi32>
          tpu.vector_store_idx %arg15[%add3A_300, %add3A_302], %add3A_296 : memref<128x12xf32, #tpu.memory_space<vmem>>[vector<16xi32>, vector<16xi32>], vector<16xf32>,
          tpu.vector_store_idx %arg16[%add3A_300, %add3A_302], %add3A_291 : memref<128x24xf32, #tpu.memory_space<vmem>>[vector<16xi32>, vector<16xi32>], vector<16xf32>,
          %add3A_303 = arith.constant 12 : i32
          %add3A_304 = vector.broadcast %add3A_303 : i32 to vector<16xi32>
          %add3A_305 = arith.addi %add3A_302, %add3A_304 : vector<16xi32>
          tpu.vector_store_idx %arg16[%add3A_300, %add3A_305], %add3A_293 : memref<128x24xf32, #tpu.memory_space<vmem>>[vector<16xi32>, vector<16xi32>], vector<16xf32>,
        }
        %scan3A_60 = arith.constant 8 : i32
      }
      %scan3A_19 = arith.constant 5 : i32
      %scan3A_20 = arith.constant 0 : i32
      %scan3A_21 = arith.constant 4 : i32
      %scan3A_22 = arith.addi %scan3A_20, %scan3A_21 : i32
      %scan3A_23 = arith.constant 1 : i32
      scf.for %scan3A_30 = %scan3A_20 to %scan3A_22 step %scan3A_23  : i32 {
        %add3A_31 = arith.constant 5 : i32
        %add3A_32 = arith.addi %scan3A_30, %add3A_31 : i32
        %mul3A_33 = arith.constant 96 : i32
        %mul3A_34 = arith.muli %add3A_32, %mul3A_33 : i32
        %add3A_35 = arith.constant 0 : i32
        %add3A_36 = arith.addi %mul3A_34, %add3A_35 : i32
        %get3A = arith.index_cast %add3A_36 : i32 to index
        %get3A_37 = tpu.vector_load %arg8[%get3A] {strides = array<i32>} : memref<1152xi32, #tpu.memory_space<vmem>>, vector<16xi32>,
        %add3A_38 = arith.constant 16 : i32
        %add3A_39 = arith.addi %mul3A_34, %add3A_38 : i32
        %get3A_40 = arith.index_cast %add3A_39 : i32 to index
        %get3A_41 = tpu.vector_load %arg8[%get3A_40] {strides = array<i32>} : memref<1152xi32, #tpu.memory_space<vmem>>, vector<16xi32>,
        %add3A_42 = arith.constant 32 : i32
        %add3A_43 = arith.addi %mul3A_34, %add3A_42 : i32
        %get3A_44 = arith.index_cast %add3A_43 : i32 to index
        %get3A_45 = tpu.vector_load %arg8[%get3A_44] {strides = array<i32>} : memref<1152xi32, #tpu.memory_space<vmem>>, vector<16xi32>,
        %add3A_46 = arith.constant 48 : i32
        %add3A_47 = arith.addi %mul3A_34, %add3A_46 : i32
        %get3A_48 = arith.index_cast %add3A_47 : i32 to index
        %get3A_49 = tpu.vector_load %arg8[%get3A_48] {strides = array<i32>} : memref<1152xi32, #tpu.memory_space<vmem>>, vector<16xi32>,
        %add3A_50 = arith.constant 64 : i32
        %add3A_51 = arith.addi %mul3A_34, %add3A_50 : i32
        %get3A_52 = arith.index_cast %add3A_51 : i32 to index
        %get3A_53 = tpu.vector_load %arg8[%get3A_52] {strides = array<i32>} : memref<1152xi32, #tpu.memory_space<vmem>>, vector<16xi32>,
        %add3A_54 = arith.constant 80 : i32
        %add3A_55 = arith.addi %mul3A_34, %add3A_54 : i32
        %get3A_56 = arith.index_cast %add3A_55 : i32 to index
        %get3A_57 = tpu.vector_load %arg8[%get3A_56] {strides = array<i32>} : memref<1152xi32, #tpu.memory_space<vmem>>, vector<16xi32>,
        %scan3A_58 = arith.constant 0 : i32
        %scan3A_59 = arith.constant 8 : i32
        %scan3A_60 = arith.addi %scan3A_58, %scan3A_59 : i32
        %scan3A_61 = arith.constant 1 : i32
        scf.for %scan3A_386 = %scan3A_58 to %scan3A_60 step %scan3A_61  : i32 {
          %mul3A_387 = arith.constant 4 : i32
          %mul3A_388 = arith.muli %add3A_32, %mul3A_387 : i32
          %add3A_389 = arith.constant 0 : i32
          %add3A_390 = arith.addi %mul3A_388, %add3A_389 : i32
          %mul3A_391 = arith.constant 16 : i32
          %mul3A_392 = arith.muli %scan3A_386, %mul3A_391 : i32
          %get3A_393 = arith.index_cast %add3A_390 : i32 to index
          %get3A_394 = arith.index_cast %mul3A_392 : i32 to index
          %get3A_395 = tpu.vector_load %arg10[%get3A_393, %get3A_394] {strides = array<i32>} : memref<48x128xf32, #tpu.memory_space<vmem>>, vector<16xf32>,
          %mul3A_396 = arith.constant 4 : i32
          %mul3A_397 = arith.muli %add3A_32, %mul3A_396 : i32
          %add3A_398 = arith.constant 1 : i32
          %add3A_399 = arith.addi %mul3A_397, %add3A_398 : i32
          %mul3A_400 = arith.constant 16 : i32
          %mul3A_401 = arith.muli %scan3A_386, %mul3A_400 : i32
          %get3A_402 = arith.index_cast %add3A_399 : i32 to index
          %get3A_403 = arith.index_cast %mul3A_401 : i32 to index
          %get3A_404 = tpu.vector_load %arg10[%get3A_402, %get3A_403] {strides = array<i32>} : memref<48x128xf32, #tpu.memory_space<vmem>>, vector<16xf32>,
          %mul3A_405 = arith.constant 4 : i32
          %mul3A_406 = arith.muli %add3A_32, %mul3A_405 : i32
          %add3A_407 = arith.constant 2 : i32
          %add3A_408 = arith.addi %mul3A_406, %add3A_407 : i32
          %mul3A_409 = arith.constant 16 : i32
          %mul3A_410 = arith.muli %scan3A_386, %mul3A_409 : i32
          %get3A_411 = arith.index_cast %add3A_408 : i32 to index
          %get3A_412 = arith.index_cast %mul3A_410 : i32 to index
          %get3A_413 = tpu.vector_load %arg10[%get3A_411, %get3A_412] {strides = array<i32>} : memref<48x128xf32, #tpu.memory_space<vmem>>, vector<16xf32>,
          %mul3A_414 = arith.constant 4 : i32
          %mul3A_415 = arith.muli %add3A_32, %mul3A_414 : i32
          %add3A_416 = arith.constant 3 : i32
          %add3A_417 = arith.addi %mul3A_415, %add3A_416 : i32
          %mul3A_418 = arith.constant 16 : i32
          %mul3A_419 = arith.muli %scan3A_386, %mul3A_418 : i32
          %get3A_420 = arith.index_cast %add3A_417 : i32 to index
          %get3A_421 = arith.index_cast %mul3A_419 : i32 to index
          %get3A_422 = tpu.vector_load %arg10[%get3A_420, %get3A_421] {strides = array<i32>} : memref<48x128xf32, #tpu.memory_space<vmem>>, vector<16xf32>,
          %convert_element_type3A = arith.fptosi %get3A_395 : vector<16xf32> to vector<16xi32>
          %convert_element_type3A_423 = arith.fptosi %get3A_404 : vector<16xf32> to vector<16xi32>
          %convert_element_type3A_424 = arith.fptosi %get3A_413 : vector<16xf32> to vector<16xi32>
          %convert_element_type3A_425 = arith.fptosi %get3A_422 : vector<16xf32> to vector<16xi32>
          %add3A_426 = arith.constant 1.000000e+00 : f32
          %add3A_427 = vector.broadcast %add3A_426 : f32 to vector<16xf32>
          %add3A_428 = arith.addf %get3A_395, %add3A_427 : vector<16xf32>
          %convert_element_type3A_429 = arith.fptosi %add3A_428 : vector<16xf32> to vector<16xi32>
          %add3A_430 = arith.constant 1.000000e+00 : f32
          %add3A_431 = vector.broadcast %add3A_430 : f32 to vector<16xf32>
          %add3A_432 = arith.addf %get3A_404, %add3A_431 : vector<16xf32>
          %convert_element_type3A_433 = arith.fptosi %add3A_432 : vector<16xf32> to vector<16xi32>
          %add3A_434 = arith.constant 1.000000e+00 : f32
          %add3A_435 = vector.broadcast %add3A_434 : f32 to vector<16xf32>
          %add3A_436 = arith.addf %get3A_413, %add3A_435 : vector<16xf32>
          %convert_element_type3A_437 = arith.fptosi %add3A_436 : vector<16xf32> to vector<16xi32>
          %add3A_438 = arith.constant 1.000000e+00 : f32
          %add3A_439 = vector.broadcast %add3A_438 : f32 to vector<16xf32>
          %add3A_440 = arith.addf %get3A_422, %add3A_439 : vector<16xf32>
          %convert_element_type3A_441 = arith.fptosi %add3A_440 : vector<16xf32> to vector<16xi32>
          %max3A = arith.constant 0 : i32
          %max3A_442 = vector.broadcast %max3A : i32 to vector<16xi32>
          %max3A_443 = arith.maxsi %convert_element_type3A, %max3A_442 : vector<16xi32>
          %min3A = arith.minsi %max3A_443, %get3A_37 : vector<16xi32>
          %max3A_444 = arith.constant 0 : i32
          %max3A_445 = vector.broadcast %max3A_444 : i32 to vector<16xi32>
          %max3A_446 = arith.maxsi %convert_element_type3A_423, %max3A_445 : vector<16xi32>
          %min3A_447 = arith.minsi %max3A_446, %get3A_37 : vector<16xi32>
          %max3A_448 = arith.constant 0 : i32
          %max3A_449 = vector.broadcast %max3A_448 : i32 to vector<16xi32>
          %max3A_450 = arith.maxsi %convert_element_type3A_424, %max3A_449 : vector<16xi32>
          %min3A_451 = arith.minsi %max3A_450, %get3A_37 : vector<16xi32>
          %max3A_452 = arith.constant 0 : i32
          %max3A_453 = vector.broadcast %max3A_452 : i32 to vector<16xi32>
          %max3A_454 = arith.maxsi %convert_element_type3A_425, %max3A_453 : vector<16xi32>
          %min3A_455 = arith.minsi %max3A_454, %get3A_37 : vector<16xi32>
          %max3A_456 = arith.constant 0 : i32
          %max3A_457 = vector.broadcast %max3A_456 : i32 to vector<16xi32>
          %max3A_458 = arith.maxsi %convert_element_type3A_429, %max3A_457 : vector<16xi32>
          %min3A_459 = arith.minsi %max3A_458, %get3A_37 : vector<16xi32>
          %max3A_460 = arith.constant 0 : i32
          %max3A_461 = vector.broadcast %max3A_460 : i32 to vector<16xi32>
          %max3A_462 = arith.maxsi %convert_element_type3A_433, %max3A_461 : vector<16xi32>
          %min3A_463 = arith.minsi %max3A_462, %get3A_37 : vector<16xi32>
          %max3A_464 = arith.constant 0 : i32
          %max3A_465 = vector.broadcast %max3A_464 : i32 to vector<16xi32>
          %max3A_466 = arith.maxsi %convert_element_type3A_437, %max3A_465 : vector<16xi32>
          %min3A_467 = arith.minsi %max3A_466, %get3A_37 : vector<16xi32>
          %max3A_468 = arith.constant 0 : i32
          %max3A_469 = vector.broadcast %max3A_468 : i32 to vector<16xi32>
          %max3A_470 = arith.maxsi %convert_element_type3A_441, %max3A_469 : vector<16xi32>
          %min3A_471 = arith.minsi %max3A_470, %get3A_37 : vector<16xi32>
          %convert_element_type3A_472 = arith.sitofp %min3A : vector<16xi32> to vector<16xf32>
          %sub3A = arith.subf %get3A_395, %convert_element_type3A_472 : vector<16xf32>
          %convert_element_type3A_473 = arith.sitofp %min3A_447 : vector<16xi32> to vector<16xf32>
          %sub3A_474 = arith.subf %get3A_404, %convert_element_type3A_473 : vector<16xf32>
          %convert_element_type3A_475 = arith.sitofp %min3A_451 : vector<16xi32> to vector<16xf32>
          %sub3A_476 = arith.subf %get3A_413, %convert_element_type3A_475 : vector<16xf32>
          %convert_element_type3A_477 = arith.sitofp %min3A_455 : vector<16xi32> to vector<16xf32>
          %sub3A_478 = arith.subf %get3A_422, %convert_element_type3A_477 : vector<16xf32>
          %sub3A_479 = arith.constant 1.000000e+00 : f32
          %sub3A_480 = vector.broadcast %sub3A_479 : f32 to vector<16xf32>
          %sub3A_481 = arith.subf %sub3A_480, %sub3A : vector<16xf32>
          %sub3A_482 = arith.constant 1.000000e+00 : f32
          %sub3A_483 = vector.broadcast %sub3A_482 : f32 to vector<16xf32>
          %sub3A_484 = arith.subf %sub3A_483, %sub3A_474 : vector<16xf32>
          %sub3A_485 = arith.constant 1.000000e+00 : f32
          %sub3A_486 = vector.broadcast %sub3A_485 : f32 to vector<16xf32>
          %sub3A_487 = arith.subf %sub3A_486, %sub3A_476 : vector<16xf32>
          %mul3A_488 = arith.mulf %sub3A_481, %sub3A_484 : vector<16xf32>
          %mul3A_489 = arith.mulf %sub3A, %sub3A_484 : vector<16xf32>
          %mul3A_490 = arith.mulf %sub3A_481, %sub3A_474 : vector<16xf32>
          %mul3A_491 = arith.mulf %sub3A, %sub3A_474 : vector<16xf32>
          %mul3A_492 = arith.mulf %mul3A_488, %sub3A_487 : vector<16xf32>
          %mul3A_493 = arith.mulf %mul3A_489, %sub3A_487 : vector<16xf32>
          %mul3A_494 = arith.mulf %mul3A_490, %sub3A_487 : vector<16xf32>
          %mul3A_495 = arith.mulf %mul3A_491, %sub3A_487 : vector<16xf32>
          %mul3A_496 = arith.mulf %mul3A_488, %sub3A_476 : vector<16xf32>
          %mul3A_497 = arith.mulf %mul3A_489, %sub3A_476 : vector<16xf32>
          %mul3A_498 = arith.mulf %mul3A_490, %sub3A_476 : vector<16xf32>
          %mul3A_499 = arith.mulf %mul3A_491, %sub3A_476 : vector<16xf32>
          %add3A_500 = arith.constant 0 : i32
          %add3A_501 = arith.addi %add3A_500, %scan3A_386 : i32
          %mul3A_502 = arith.constant 16 : i32
          %mul3A_503 = arith.muli %add3A_501, %mul3A_502 : i32
          %swap3A = arith.index_cast %mul3A_503 : i32 to index
          %swap3A_504 = tpu.vector_load %arg12[%swap3A] {strides = array<i32>} : memref<1024xf32, #tpu.memory_space<vmem>>, vector<16xf32>,
          tpu.vector_store %arg12[%swap3A], %mul3A_492 {strides = array<i32>} : memref<1024xf32, #tpu.memory_space<vmem>>, vector<16xf32>,
          %add3A_505 = arith.constant 8 : i32
          %add3A_506 = arith.addi %add3A_505, %scan3A_386 : i32
          %mul3A_507 = arith.constant 16 : i32
          %mul3A_508 = arith.muli %add3A_506, %mul3A_507 : i32
          %swap3A_509 = arith.index_cast %mul3A_508 : i32 to index
          %swap3A_510 = tpu.vector_load %arg12[%swap3A_509] {strides = array<i32>} : memref<1024xf32, #tpu.memory_space<vmem>>, vector<16xf32>,
          tpu.vector_store %arg12[%swap3A_509], %mul3A_493 {strides = array<i32>} : memref<1024xf32, #tpu.memory_space<vmem>>, vector<16xf32>,
          %add3A_511 = arith.constant 16 : i32
          %add3A_512 = arith.addi %add3A_511, %scan3A_386 : i32
          %mul3A_513 = arith.constant 16 : i32
          %mul3A_514 = arith.muli %add3A_512, %mul3A_513 : i32
          %swap3A_515 = arith.index_cast %mul3A_514 : i32 to index
          %swap3A_516 = tpu.vector_load %arg12[%swap3A_515] {strides = array<i32>} : memref<1024xf32, #tpu.memory_space<vmem>>, vector<16xf32>,
          tpu.vector_store %arg12[%swap3A_515], %mul3A_494 {strides = array<i32>} : memref<1024xf32, #tpu.memory_space<vmem>>, vector<16xf32>,
          %add3A_517 = arith.constant 24 : i32
          %add3A_518 = arith.addi %add3A_517, %scan3A_386 : i32
          %mul3A_519 = arith.constant 16 : i32
          %mul3A_520 = arith.muli %add3A_518, %mul3A_519 : i32
          %swap3A_521 = arith.index_cast %mul3A_520 : i32 to index
          %swap3A_522 = tpu.vector_load %arg12[%swap3A_521] {strides = array<i32>} : memref<1024xf32, #tpu.memory_space<vmem>>, vector<16xf32>,
          tpu.vector_store %arg12[%swap3A_521], %mul3A_495 {strides = array<i32>} : memref<1024xf32, #tpu.memory_space<vmem>>, vector<16xf32>,
          %add3A_523 = arith.constant 32 : i32
          %add3A_524 = arith.addi %add3A_523, %scan3A_386 : i32
          %mul3A_525 = arith.constant 16 : i32
          %mul3A_526 = arith.muli %add3A_524, %mul3A_525 : i32
          %swap3A_527 = arith.index_cast %mul3A_526 : i32 to index
          %swap3A_528 = tpu.vector_load %arg12[%swap3A_527] {strides = array<i32>} : memref<1024xf32, #tpu.memory_space<vmem>>, vector<16xf32>,
          tpu.vector_store %arg12[%swap3A_527], %mul3A_496 {strides = array<i32>} : memref<1024xf32, #tpu.memory_space<vmem>>, vector<16xf32>,
          %add3A_529 = arith.constant 40 : i32
          %add3A_530 = arith.addi %add3A_529, %scan3A_386 : i32
          %mul3A_531 = arith.constant 16 : i32
          %mul3A_532 = arith.muli %add3A_530, %mul3A_531 : i32
          %swap3A_533 = arith.index_cast %mul3A_532 : i32 to index
          %swap3A_534 = tpu.vector_load %arg12[%swap3A_533] {strides = array<i32>} : memref<1024xf32, #tpu.memory_space<vmem>>, vector<16xf32>,
          tpu.vector_store %arg12[%swap3A_533], %mul3A_497 {strides = array<i32>} : memref<1024xf32, #tpu.memory_space<vmem>>, vector<16xf32>,
          %add3A_535 = arith.constant 48 : i32
          %add3A_536 = arith.addi %add3A_535, %scan3A_386 : i32
          %mul3A_537 = arith.constant 16 : i32
          %mul3A_538 = arith.muli %add3A_536, %mul3A_537 : i32
          %swap3A_539 = arith.index_cast %mul3A_538 : i32 to index
          %swap3A_540 = tpu.vector_load %arg12[%swap3A_539] {strides = array<i32>} : memref<1024xf32, #tpu.memory_space<vmem>>, vector<16xf32>,
          tpu.vector_store %arg12[%swap3A_539], %mul3A_498 {strides = array<i32>} : memref<1024xf32, #tpu.memory_space<vmem>>, vector<16xf32>,
          %add3A_541 = arith.constant 56 : i32
          %add3A_542 = arith.addi %add3A_541, %scan3A_386 : i32
          %mul3A_543 = arith.constant 16 : i32
          %mul3A_544 = arith.muli %add3A_542, %mul3A_543 : i32
          %swap3A_545 = arith.index_cast %mul3A_544 : i32 to index
          %swap3A_546 = tpu.vector_load %arg12[%swap3A_545] {strides = array<i32>} : memref<1024xf32, #tpu.memory_space<vmem>>, vector<16xf32>,
          tpu.vector_store %arg12[%swap3A_545], %mul3A_499 {strides = array<i32>} : memref<1024xf32, #tpu.memory_space<vmem>>, vector<16xf32>,
          %mul3A_547 = arith.constant 16 : i32
          %mul3A_548 = arith.muli %scan3A_386, %mul3A_547 : i32
          %swap3A_549 = arith.index_cast %mul3A_548 : i32 to index
          %swap3A_550 = tpu.vector_load %arg11[%swap3A_549] {strides = array<i32>} : memref<128xf32, #tpu.memory_space<vmem>>, vector<16xf32>,
          tpu.vector_store %arg11[%swap3A_549], %sub3A_478 {strides = array<i32>} : memref<128xf32, #tpu.memory_space<vmem>>, vector<16xf32>,
          %mul3A_551 = arith.muli %min3A, %get3A_41 : vector<16xi32>
          %add3A_552 = arith.addi %mul3A_551, %get3A_53 : vector<16xi32>
          %mul3A_553 = arith.muli %min3A_459, %get3A_41 : vector<16xi32>
          %add3A_554 = arith.addi %mul3A_553, %get3A_53 : vector<16xi32>
          %mul3A_555 = arith.muli %min3A_447, %get3A_45 : vector<16xi32>
          %mul3A_556 = arith.muli %min3A_463, %get3A_45 : vector<16xi32>
          %mul3A_557 = arith.muli %min3A_451, %get3A_49 : vector<16xi32>
          %mul3A_558 = arith.muli %min3A_467, %get3A_49 : vector<16xi32>
          %add3A_559 = arith.addi %add3A_552, %mul3A_555 : vector<16xi32>
          %add3A_560 = arith.addi %add3A_554, %mul3A_555 : vector<16xi32>
          %add3A_561 = arith.addi %add3A_552, %mul3A_556 : vector<16xi32>
          %add3A_562 = arith.addi %add3A_554, %mul3A_556 : vector<16xi32>
          %add3A_563 = arith.addi %add3A_559, %mul3A_557 : vector<16xi32>
          %add3A_564 = arith.addi %add3A_560, %mul3A_557 : vector<16xi32>
          %add3A_565 = arith.addi %add3A_561, %mul3A_557 : vector<16xi32>
          %add3A_566 = arith.addi %add3A_562, %mul3A_557 : vector<16xi32>
          %add3A_567 = arith.addi %add3A_559, %mul3A_558 : vector<16xi32>
          %add3A_568 = arith.addi %add3A_560, %mul3A_558 : vector<16xi32>
          %add3A_569 = arith.addi %add3A_561, %mul3A_558 : vector<16xi32>
          %add3A_570 = arith.addi %add3A_562, %mul3A_558 : vector<16xi32>
          %add3A_571 = arith.addi %add3A_563, %min3A_455 : vector<16xi32>
          %add3A_572 = arith.addi %add3A_564, %min3A_455 : vector<16xi32>
          %add3A_573 = arith.addi %add3A_565, %min3A_455 : vector<16xi32>
          %add3A_574 = arith.addi %add3A_566, %min3A_455 : vector<16xi32>
          %add3A_575 = arith.addi %add3A_567, %min3A_455 : vector<16xi32>
          %add3A_576 = arith.addi %add3A_568, %min3A_455 : vector<16xi32>
          %add3A_577 = arith.addi %add3A_569, %min3A_455 : vector<16xi32>
          %add3A_578 = arith.addi %add3A_570, %min3A_455 : vector<16xi32>
          %add3A_579 = arith.addi %add3A_563, %min3A_471 : vector<16xi32>
          %add3A_580 = arith.addi %add3A_564, %min3A_471 : vector<16xi32>
          %add3A_581 = arith.addi %add3A_565, %min3A_471 : vector<16xi32>
          %add3A_582 = arith.addi %add3A_566, %min3A_471 : vector<16xi32>
          %add3A_583 = arith.addi %add3A_567, %min3A_471 : vector<16xi32>
          %add3A_584 = arith.addi %add3A_568, %min3A_471 : vector<16xi32>
          %add3A_585 = arith.addi %add3A_569, %min3A_471 : vector<16xi32>
          %add3A_586 = arith.addi %add3A_570, %min3A_471 : vector<16xi32>
          %mul3A_587 = arith.constant 16 : i32
          %mul3A_588 = arith.muli %scan3A_386, %mul3A_587 : i32
          %swap3A_589 = arith.constant 0 : i32
          %swap3A_590 = arith.index_cast %swap3A_589 : i32 to index
          %swap3A_591 = arith.index_cast %mul3A_588 : i32 to index
          %swap3A_592 = tpu.vector_load %arg13[%swap3A_590, %swap3A_591] {strides = array<i32>} : memref<16x128xi32, #tpu.memory_space<vmem>>, vector<16xi32>,
          tpu.vector_store %arg13[%swap3A_590, %swap3A_591], %add3A_571 {strides = array<i32>} : memref<16x128xi32, #tpu.memory_space<vmem>>, vector<16xi32>,
          %swap3A_593 = arith.constant 1 : i32
          %swap3A_594 = arith.index_cast %swap3A_593 : i32 to index
          %swap3A_595 = arith.index_cast %mul3A_588 : i32 to index
          %swap3A_596 = tpu.vector_load %arg13[%swap3A_594, %swap3A_595] {strides = array<i32>} : memref<16x128xi32, #tpu.memory_space<vmem>>, vector<16xi32>,
          tpu.vector_store %arg13[%swap3A_594, %swap3A_595], %add3A_572 {strides = array<i32>} : memref<16x128xi32, #tpu.memory_space<vmem>>, vector<16xi32>,
          %swap3A_597 = arith.constant 2 : i32
          %swap3A_598 = arith.index_cast %swap3A_597 : i32 to index
          %swap3A_599 = arith.index_cast %mul3A_588 : i32 to index
          %swap3A_600 = tpu.vector_load %arg13[%swap3A_598, %swap3A_599] {strides = array<i32>} : memref<16x128xi32, #tpu.memory_space<vmem>>, vector<16xi32>,
          tpu.vector_store %arg13[%swap3A_598, %swap3A_599], %add3A_573 {strides = array<i32>} : memref<16x128xi32, #tpu.memory_space<vmem>>, vector<16xi32>,
          %swap3A_601 = arith.constant 3 : i32
          %swap3A_602 = arith.index_cast %swap3A_601 : i32 to index
          %swap3A_603 = arith.index_cast %mul3A_588 : i32 to index
          %swap3A_604 = tpu.vector_load %arg13[%swap3A_602, %swap3A_603] {strides = array<i32>} : memref<16x128xi32, #tpu.memory_space<vmem>>, vector<16xi32>,
          tpu.vector_store %arg13[%swap3A_602, %swap3A_603], %add3A_574 {strides = array<i32>} : memref<16x128xi32, #tpu.memory_space<vmem>>, vector<16xi32>,
          %swap3A_605 = arith.constant 4 : i32
          %swap3A_606 = arith.index_cast %swap3A_605 : i32 to index
          %swap3A_607 = arith.index_cast %mul3A_588 : i32 to index
          %swap3A_608 = tpu.vector_load %arg13[%swap3A_606, %swap3A_607] {strides = array<i32>} : memref<16x128xi32, #tpu.memory_space<vmem>>, vector<16xi32>,
          tpu.vector_store %arg13[%swap3A_606, %swap3A_607], %add3A_575 {strides = array<i32>} : memref<16x128xi32, #tpu.memory_space<vmem>>, vector<16xi32>,
          %swap3A_609 = arith.constant 5 : i32
          %swap3A_610 = arith.index_cast %swap3A_609 : i32 to index
          %swap3A_611 = arith.index_cast %mul3A_588 : i32 to index
          %swap3A_612 = tpu.vector_load %arg13[%swap3A_610, %swap3A_611] {strides = array<i32>} : memref<16x128xi32, #tpu.memory_space<vmem>>, vector<16xi32>,
          tpu.vector_store %arg13[%swap3A_610, %swap3A_611], %add3A_576 {strides = array<i32>} : memref<16x128xi32, #tpu.memory_space<vmem>>, vector<16xi32>,
          %swap3A_613 = arith.constant 6 : i32
          %swap3A_614 = arith.index_cast %swap3A_613 : i32 to index
          %swap3A_615 = arith.index_cast %mul3A_588 : i32 to index
          %swap3A_616 = tpu.vector_load %arg13[%swap3A_614, %swap3A_615] {strides = array<i32>} : memref<16x128xi32, #tpu.memory_space<vmem>>, vector<16xi32>,
          tpu.vector_store %arg13[%swap3A_614, %swap3A_615], %add3A_577 {strides = array<i32>} : memref<16x128xi32, #tpu.memory_space<vmem>>, vector<16xi32>,
          %swap3A_617 = arith.constant 7 : i32
          %swap3A_618 = arith.index_cast %swap3A_617 : i32 to index
          %swap3A_619 = arith.index_cast %mul3A_588 : i32 to index
          %swap3A_620 = tpu.vector_load %arg13[%swap3A_618, %swap3A_619] {strides = array<i32>} : memref<16x128xi32, #tpu.memory_space<vmem>>, vector<16xi32>,
          tpu.vector_store %arg13[%swap3A_618, %swap3A_619], %add3A_578 {strides = array<i32>} : memref<16x128xi32, #tpu.memory_space<vmem>>, vector<16xi32>,
          %swap3A_621 = arith.constant 8 : i32
          %swap3A_622 = arith.index_cast %swap3A_621 : i32 to index
          %swap3A_623 = arith.index_cast %mul3A_588 : i32 to index
          %swap3A_624 = tpu.vector_load %arg13[%swap3A_622, %swap3A_623] {strides = array<i32>} : memref<16x128xi32, #tpu.memory_space<vmem>>, vector<16xi32>,
          tpu.vector_store %arg13[%swap3A_622, %swap3A_623], %add3A_579 {strides = array<i32>} : memref<16x128xi32, #tpu.memory_space<vmem>>, vector<16xi32>,
          %swap3A_625 = arith.constant 9 : i32
          %swap3A_626 = arith.index_cast %swap3A_625 : i32 to index
          %swap3A_627 = arith.index_cast %mul3A_588 : i32 to index
          %swap3A_628 = tpu.vector_load %arg13[%swap3A_626, %swap3A_627] {strides = array<i32>} : memref<16x128xi32, #tpu.memory_space<vmem>>, vector<16xi32>,
          tpu.vector_store %arg13[%swap3A_626, %swap3A_627], %add3A_580 {strides = array<i32>} : memref<16x128xi32, #tpu.memory_space<vmem>>, vector<16xi32>,
          %swap3A_629 = arith.constant 10 : i32
          %swap3A_630 = arith.index_cast %swap3A_629 : i32 to index
          %swap3A_631 = arith.index_cast %mul3A_588 : i32 to index
          %swap3A_632 = tpu.vector_load %arg13[%swap3A_630, %swap3A_631] {strides = array<i32>} : memref<16x128xi32, #tpu.memory_space<vmem>>, vector<16xi32>,
          tpu.vector_store %arg13[%swap3A_630, %swap3A_631], %add3A_581 {strides = array<i32>} : memref<16x128xi32, #tpu.memory_space<vmem>>, vector<16xi32>,
          %swap3A_633 = arith.constant 11 : i32
          %swap3A_634 = arith.index_cast %swap3A_633 : i32 to index
          %swap3A_635 = arith.index_cast %mul3A_588 : i32 to index
          %swap3A_636 = tpu.vector_load %arg13[%swap3A_634, %swap3A_635] {strides = array<i32>} : memref<16x128xi32, #tpu.memory_space<vmem>>, vector<16xi32>,
          tpu.vector_store %arg13[%swap3A_634, %swap3A_635], %add3A_582 {strides = array<i32>} : memref<16x128xi32, #tpu.memory_space<vmem>>, vector<16xi32>,
          %swap3A_637 = arith.constant 12 : i32
          %swap3A_638 = arith.index_cast %swap3A_637 : i32 to index
          %swap3A_639 = arith.index_cast %mul3A_588 : i32 to index
          %swap3A_640 = tpu.vector_load %arg13[%swap3A_638, %swap3A_639] {strides = array<i32>} : memref<16x128xi32, #tpu.memory_space<vmem>>, vector<16xi32>,
          tpu.vector_store %arg13[%swap3A_638, %swap3A_639], %add3A_583 {strides = array<i32>} : memref<16x128xi32, #tpu.memory_space<vmem>>, vector<16xi32>,
          %swap3A_641 = arith.constant 13 : i32
          %swap3A_642 = arith.index_cast %swap3A_641 : i32 to index
          %swap3A_643 = arith.index_cast %mul3A_588 : i32 to index
          %swap3A_644 = tpu.vector_load %arg13[%swap3A_642, %swap3A_643] {strides = array<i32>} : memref<16x128xi32, #tpu.memory_space<vmem>>, vector<16xi32>,
          tpu.vector_store %arg13[%swap3A_642, %swap3A_643], %add3A_584 {strides = array<i32>} : memref<16x128xi32, #tpu.memory_space<vmem>>, vector<16xi32>,
          %swap3A_645 = arith.constant 14 : i32
          %swap3A_646 = arith.index_cast %swap3A_645 : i32 to index
          %swap3A_647 = arith.index_cast %mul3A_588 : i32 to index
          %swap3A_648 = tpu.vector_load %arg13[%swap3A_646, %swap3A_647] {strides = array<i32>} : memref<16x128xi32, #tpu.memory_space<vmem>>, vector<16xi32>,
          tpu.vector_store %arg13[%swap3A_646, %swap3A_647], %add3A_585 {strides = array<i32>} : memref<16x128xi32, #tpu.memory_space<vmem>>, vector<16xi32>,
          %swap3A_649 = arith.constant 15 : i32
          %swap3A_650 = arith.index_cast %swap3A_649 : i32 to index
          %swap3A_651 = arith.index_cast %mul3A_588 : i32 to index
          %swap3A_652 = tpu.vector_load %arg13[%swap3A_650, %swap3A_651] {strides = array<i32>} : memref<16x128xi32, #tpu.memory_space<vmem>>, vector<16xi32>,
          tpu.vector_store %arg13[%swap3A_650, %swap3A_651], %add3A_586 {strides = array<i32>} : memref<16x128xi32, #tpu.memory_space<vmem>>, vector<16xi32>,
        }
        %scan3A_62 = arith.constant 8 : i32
        %dma_start3A = arith.constant 0 : i32
        %dma_start3A_63 = arith.constant 0 : i32
        %dma_start3A_64 = arith.constant 0 : i32
        %dma_start3A_65 = tpu.memref_slice %arg14[%dma_start3A_63, %dma_start3A_64] : memref<2048x16xf32, #tpu.memory_space<vmem>> -> memref<128x16xf32, #tpu.memory_space<vmem>>
        %dma_start3A_66 = arith.constant 0 : i32
        %dma_start3A_67 = tpu.memref_slice %arg13[%dma_start3A, %dma_start3A_66] : memref<16x128xi32, #tpu.memory_space<vmem>> -> memref<1x128xi32, #tpu.memory_space<vmem>>
        %dma_start3A_68 = tpu.memref_squeeze %dma_start3A_67 : memref<1x128xi32, #tpu.memory_space<vmem>> -> memref<128xi32, #tpu.memory_space<vmem>>
        %dma_start3A_69 = arith.constant 0 : i32
        %dma_start3A_70 = arith.constant 0 : i32
        %dma_start3A_71 = tpu.memref_slice %arg3[%dma_start3A_69, %dma_start3A_70] : memref<2201924x16xf32, #tpu.memory_space<hbm>> -> memref<2201924x16xf32, #tpu.memory_space<hbm>>
        tpu.enqueue_indirect_dma source(%dma_start3A_71 : memref<2201924x16xf32, #tpu.memory_space<hbm>>) target(%dma_start3A_65 : memref<128x16xf32, #tpu.memory_space<vmem>>) offsets(%dma_start3A_68 : memref<128xi32, #tpu.memory_space<vmem>>) semaphore(%arg17 : memref<!tpu.dma_semaphore, #tpu.memory_space<semaphore_mem>>)
        %dma_start3A_72 = arith.constant 1 : i32
        %dma_start3A_73 = arith.constant 128 : i32
        %dma_start3A_74 = arith.constant 0 : i32
        %dma_start3A_75 = tpu.memref_slice %arg14[%dma_start3A_73, %dma_start3A_74] : memref<2048x16xf32, #tpu.memory_space<vmem>> -> memref<128x16xf32, #tpu.memory_space<vmem>>
        %dma_start3A_76 = arith.constant 0 : i32
        %dma_start3A_77 = tpu.memref_slice %arg13[%dma_start3A_72, %dma_start3A_76] : memref<16x128xi32, #tpu.memory_space<vmem>> -> memref<1x128xi32, #tpu.memory_space<vmem>>
        %dma_start3A_78 = tpu.memref_squeeze %dma_start3A_77 : memref<1x128xi32, #tpu.memory_space<vmem>> -> memref<128xi32, #tpu.memory_space<vmem>>
        %dma_start3A_79 = arith.constant 0 : i32
        %dma_start3A_80 = arith.constant 0 : i32
        %dma_start3A_81 = tpu.memref_slice %arg3[%dma_start3A_79, %dma_start3A_80] : memref<2201924x16xf32, #tpu.memory_space<hbm>> -> memref<2201924x16xf32, #tpu.memory_space<hbm>>
        tpu.enqueue_indirect_dma source(%dma_start3A_81 : memref<2201924x16xf32, #tpu.memory_space<hbm>>) target(%dma_start3A_75 : memref<128x16xf32, #tpu.memory_space<vmem>>) offsets(%dma_start3A_78 : memref<128xi32, #tpu.memory_space<vmem>>) semaphore(%arg17 : memref<!tpu.dma_semaphore, #tpu.memory_space<semaphore_mem>>)
        %dma_start3A_82 = arith.constant 2 : i32
        %dma_start3A_83 = arith.constant 256 : i32
        %dma_start3A_84 = arith.constant 0 : i32
        %dma_start3A_85 = tpu.memref_slice %arg14[%dma_start3A_83, %dma_start3A_84] : memref<2048x16xf32, #tpu.memory_space<vmem>> -> memref<128x16xf32, #tpu.memory_space<vmem>>
        %dma_start3A_86 = arith.constant 0 : i32
        %dma_start3A_87 = tpu.memref_slice %arg13[%dma_start3A_82, %dma_start3A_86] : memref<16x128xi32, #tpu.memory_space<vmem>> -> memref<1x128xi32, #tpu.memory_space<vmem>>
        %dma_start3A_88 = tpu.memref_squeeze %dma_start3A_87 : memref<1x128xi32, #tpu.memory_space<vmem>> -> memref<128xi32, #tpu.memory_space<vmem>>
        %dma_start3A_89 = arith.constant 0 : i32
        %dma_start3A_90 = arith.constant 0 : i32
        %dma_start3A_91 = tpu.memref_slice %arg3[%dma_start3A_89, %dma_start3A_90] : memref<2201924x16xf32, #tpu.memory_space<hbm>> -> memref<2201924x16xf32, #tpu.memory_space<hbm>>
        tpu.enqueue_indirect_dma source(%dma_start3A_91 : memref<2201924x16xf32, #tpu.memory_space<hbm>>) target(%dma_start3A_85 : memref<128x16xf32, #tpu.memory_space<vmem>>) offsets(%dma_start3A_88 : memref<128xi32, #tpu.memory_space<vmem>>) semaphore(%arg17 : memref<!tpu.dma_semaphore, #tpu.memory_space<semaphore_mem>>)
        %dma_start3A_92 = arith.constant 3 : i32
        %dma_start3A_93 = arith.constant 384 : i32
        %dma_start3A_94 = arith.constant 0 : i32
        %dma_start3A_95 = tpu.memref_slice %arg14[%dma_start3A_93, %dma_start3A_94] : memref<2048x16xf32, #tpu.memory_space<vmem>> -> memref<128x16xf32, #tpu.memory_space<vmem>>
        %dma_start3A_96 = arith.constant 0 : i32
        %dma_start3A_97 = tpu.memref_slice %arg13[%dma_start3A_92, %dma_start3A_96] : memref<16x128xi32, #tpu.memory_space<vmem>> -> memref<1x128xi32, #tpu.memory_space<vmem>>
        %dma_start3A_98 = tpu.memref_squeeze %dma_start3A_97 : memref<1x128xi32, #tpu.memory_space<vmem>> -> memref<128xi32, #tpu.memory_space<vmem>>
        %dma_start3A_99 = arith.constant 0 : i32
        %dma_start3A_100 = arith.constant 0 : i32
        %dma_start3A_101 = tpu.memref_slice %arg3[%dma_start3A_99, %dma_start3A_100] : memref<2201924x16xf32, #tpu.memory_space<hbm>> -> memref<2201924x16xf32, #tpu.memory_space<hbm>>
        tpu.enqueue_indirect_dma source(%dma_start3A_101 : memref<2201924x16xf32, #tpu.memory_space<hbm>>) target(%dma_start3A_95 : memref<128x16xf32, #tpu.memory_space<vmem>>) offsets(%dma_start3A_98 : memref<128xi32, #tpu.memory_space<vmem>>) semaphore(%arg17 : memref<!tpu.dma_semaphore, #tpu.memory_space<semaphore_mem>>)
        %dma_start3A_102 = arith.constant 4 : i32
        %dma_start3A_103 = arith.constant 512 : i32
        %dma_start3A_104 = arith.constant 0 : i32
        %dma_start3A_105 = tpu.memref_slice %arg14[%dma_start3A_103, %dma_start3A_104] : memref<2048x16xf32, #tpu.memory_space<vmem>> -> memref<128x16xf32, #tpu.memory_space<vmem>>
        %dma_start3A_106 = arith.constant 0 : i32
        %dma_start3A_107 = tpu.memref_slice %arg13[%dma_start3A_102, %dma_start3A_106] : memref<16x128xi32, #tpu.memory_space<vmem>> -> memref<1x128xi32, #tpu.memory_space<vmem>>
        %dma_start3A_108 = tpu.memref_squeeze %dma_start3A_107 : memref<1x128xi32, #tpu.memory_space<vmem>> -> memref<128xi32, #tpu.memory_space<vmem>>
        %dma_start3A_109 = arith.constant 0 : i32
        %dma_start3A_110 = arith.constant 0 : i32
        %dma_start3A_111 = tpu.memref_slice %arg3[%dma_start3A_109, %dma_start3A_110] : memref<2201924x16xf32, #tpu.memory_space<hbm>> -> memref<2201924x16xf32, #tpu.memory_space<hbm>>
        tpu.enqueue_indirect_dma source(%dma_start3A_111 : memref<2201924x16xf32, #tpu.memory_space<hbm>>) target(%dma_start3A_105 : memref<128x16xf32, #tpu.memory_space<vmem>>) offsets(%dma_start3A_108 : memref<128xi32, #tpu.memory_space<vmem>>) semaphore(%arg17 : memref<!tpu.dma_semaphore, #tpu.memory_space<semaphore_mem>>)
        %dma_start3A_112 = arith.constant 5 : i32
        %dma_start3A_113 = arith.constant 640 : i32
        %dma_start3A_114 = arith.constant 0 : i32
        %dma_start3A_115 = tpu.memref_slice %arg14[%dma_start3A_113, %dma_start3A_114] : memref<2048x16xf32, #tpu.memory_space<vmem>> -> memref<128x16xf32, #tpu.memory_space<vmem>>
        %dma_start3A_116 = arith.constant 0 : i32
        %dma_start3A_117 = tpu.memref_slice %arg13[%dma_start3A_112, %dma_start3A_116] : memref<16x128xi32, #tpu.memory_space<vmem>> -> memref<1x128xi32, #tpu.memory_space<vmem>>
        %dma_start3A_118 = tpu.memref_squeeze %dma_start3A_117 : memref<1x128xi32, #tpu.memory_space<vmem>> -> memref<128xi32, #tpu.memory_space<vmem>>
        %dma_start3A_119 = arith.constant 0 : i32
        %dma_start3A_120 = arith.constant 0 : i32
        %dma_start3A_121 = tpu.memref_slice %arg3[%dma_start3A_119, %dma_start3A_120] : memref<2201924x16xf32, #tpu.memory_space<hbm>> -> memref<2201924x16xf32, #tpu.memory_space<hbm>>
        tpu.enqueue_indirect_dma source(%dma_start3A_121 : memref<2201924x16xf32, #tpu.memory_space<hbm>>) target(%dma_start3A_115 : memref<128x16xf32, #tpu.memory_space<vmem>>) offsets(%dma_start3A_118 : memref<128xi32, #tpu.memory_space<vmem>>) semaphore(%arg17 : memref<!tpu.dma_semaphore, #tpu.memory_space<semaphore_mem>>)
        %dma_start3A_122 = arith.constant 6 : i32
        %dma_start3A_123 = arith.constant 768 : i32
        %dma_start3A_124 = arith.constant 0 : i32
        %dma_start3A_125 = tpu.memref_slice %arg14[%dma_start3A_123, %dma_start3A_124] : memref<2048x16xf32, #tpu.memory_space<vmem>> -> memref<128x16xf32, #tpu.memory_space<vmem>>
        %dma_start3A_126 = arith.constant 0 : i32
        %dma_start3A_127 = tpu.memref_slice %arg13[%dma_start3A_122, %dma_start3A_126] : memref<16x128xi32, #tpu.memory_space<vmem>> -> memref<1x128xi32, #tpu.memory_space<vmem>>
        %dma_start3A_128 = tpu.memref_squeeze %dma_start3A_127 : memref<1x128xi32, #tpu.memory_space<vmem>> -> memref<128xi32, #tpu.memory_space<vmem>>
        %dma_start3A_129 = arith.constant 0 : i32
        %dma_start3A_130 = arith.constant 0 : i32
        %dma_start3A_131 = tpu.memref_slice %arg3[%dma_start3A_129, %dma_start3A_130] : memref<2201924x16xf32, #tpu.memory_space<hbm>> -> memref<2201924x16xf32, #tpu.memory_space<hbm>>
        tpu.enqueue_indirect_dma source(%dma_start3A_131 : memref<2201924x16xf32, #tpu.memory_space<hbm>>) target(%dma_start3A_125 : memref<128x16xf32, #tpu.memory_space<vmem>>) offsets(%dma_start3A_128 : memref<128xi32, #tpu.memory_space<vmem>>) semaphore(%arg17 : memref<!tpu.dma_semaphore, #tpu.memory_space<semaphore_mem>>)
        %dma_start3A_132 = arith.constant 7 : i32
        %dma_start3A_133 = arith.constant 896 : i32
        %dma_start3A_134 = arith.constant 0 : i32
        %dma_start3A_135 = tpu.memref_slice %arg14[%dma_start3A_133, %dma_start3A_134] : memref<2048x16xf32, #tpu.memory_space<vmem>> -> memref<128x16xf32, #tpu.memory_space<vmem>>
        %dma_start3A_136 = arith.constant 0 : i32
        %dma_start3A_137 = tpu.memref_slice %arg13[%dma_start3A_132, %dma_start3A_136] : memref<16x128xi32, #tpu.memory_space<vmem>> -> memref<1x128xi32, #tpu.memory_space<vmem>>
        %dma_start3A_138 = tpu.memref_squeeze %dma_start3A_137 : memref<1x128xi32, #tpu.memory_space<vmem>> -> memref<128xi32, #tpu.memory_space<vmem>>
        %dma_start3A_139 = arith.constant 0 : i32
        %dma_start3A_140 = arith.constant 0 : i32
        %dma_start3A_141 = tpu.memref_slice %arg3[%dma_start3A_139, %dma_start3A_140] : memref<2201924x16xf32, #tpu.memory_space<hbm>> -> memref<2201924x16xf32, #tpu.memory_space<hbm>>
        tpu.enqueue_indirect_dma source(%dma_start3A_141 : memref<2201924x16xf32, #tpu.memory_space<hbm>>) target(%dma_start3A_135 : memref<128x16xf32, #tpu.memory_space<vmem>>) offsets(%dma_start3A_138 : memref<128xi32, #tpu.memory_space<vmem>>) semaphore(%arg17 : memref<!tpu.dma_semaphore, #tpu.memory_space<semaphore_mem>>)
        %dma_start3A_142 = arith.constant 8 : i32
        %dma_start3A_143 = arith.constant 1024 : i32
        %dma_start3A_144 = arith.constant 0 : i32
        %dma_start3A_145 = tpu.memref_slice %arg14[%dma_start3A_143, %dma_start3A_144] : memref<2048x16xf32, #tpu.memory_space<vmem>> -> memref<128x16xf32, #tpu.memory_space<vmem>>
        %dma_start3A_146 = arith.constant 0 : i32
        %dma_start3A_147 = tpu.memref_slice %arg13[%dma_start3A_142, %dma_start3A_146] : memref<16x128xi32, #tpu.memory_space<vmem>> -> memref<1x128xi32, #tpu.memory_space<vmem>>
        %dma_start3A_148 = tpu.memref_squeeze %dma_start3A_147 : memref<1x128xi32, #tpu.memory_space<vmem>> -> memref<128xi32, #tpu.memory_space<vmem>>
        %dma_start3A_149 = arith.constant 0 : i32
        %dma_start3A_150 = arith.constant 0 : i32
        %dma_start3A_151 = tpu.memref_slice %arg3[%dma_start3A_149, %dma_start3A_150] : memref<2201924x16xf32, #tpu.memory_space<hbm>> -> memref<2201924x16xf32, #tpu.memory_space<hbm>>
        tpu.enqueue_indirect_dma source(%dma_start3A_151 : memref<2201924x16xf32, #tpu.memory_space<hbm>>) target(%dma_start3A_145 : memref<128x16xf32, #tpu.memory_space<vmem>>) offsets(%dma_start3A_148 : memref<128xi32, #tpu.memory_space<vmem>>) semaphore(%arg17 : memref<!tpu.dma_semaphore, #tpu.memory_space<semaphore_mem>>)
        %dma_start3A_152 = arith.constant 9 : i32
        %dma_start3A_153 = arith.constant 1152 : i32
        %dma_start3A_154 = arith.constant 0 : i32
        %dma_start3A_155 = tpu.memref_slice %arg14[%dma_start3A_153, %dma_start3A_154] : memref<2048x16xf32, #tpu.memory_space<vmem>> -> memref<128x16xf32, #tpu.memory_space<vmem>>
        %dma_start3A_156 = arith.constant 0 : i32
        %dma_start3A_157 = tpu.memref_slice %arg13[%dma_start3A_152, %dma_start3A_156] : memref<16x128xi32, #tpu.memory_space<vmem>> -> memref<1x128xi32, #tpu.memory_space<vmem>>
        %dma_start3A_158 = tpu.memref_squeeze %dma_start3A_157 : memref<1x128xi32, #tpu.memory_space<vmem>> -> memref<128xi32, #tpu.memory_space<vmem>>
        %dma_start3A_159 = arith.constant 0 : i32
        %dma_start3A_160 = arith.constant 0 : i32
        %dma_start3A_161 = tpu.memref_slice %arg3[%dma_start3A_159, %dma_start3A_160] : memref<2201924x16xf32, #tpu.memory_space<hbm>> -> memref<2201924x16xf32, #tpu.memory_space<hbm>>
        tpu.enqueue_indirect_dma source(%dma_start3A_161 : memref<2201924x16xf32, #tpu.memory_space<hbm>>) target(%dma_start3A_155 : memref<128x16xf32, #tpu.memory_space<vmem>>) offsets(%dma_start3A_158 : memref<128xi32, #tpu.memory_space<vmem>>) semaphore(%arg17 : memref<!tpu.dma_semaphore, #tpu.memory_space<semaphore_mem>>)
        %dma_start3A_162 = arith.constant 10 : i32
        %dma_start3A_163 = arith.constant 1280 : i32
        %dma_start3A_164 = arith.constant 0 : i32
        %dma_start3A_165 = tpu.memref_slice %arg14[%dma_start3A_163, %dma_start3A_164] : memref<2048x16xf32, #tpu.memory_space<vmem>> -> memref<128x16xf32, #tpu.memory_space<vmem>>
        %dma_start3A_166 = arith.constant 0 : i32
        %dma_start3A_167 = tpu.memref_slice %arg13[%dma_start3A_162, %dma_start3A_166] : memref<16x128xi32, #tpu.memory_space<vmem>> -> memref<1x128xi32, #tpu.memory_space<vmem>>
        %dma_start3A_168 = tpu.memref_squeeze %dma_start3A_167 : memref<1x128xi32, #tpu.memory_space<vmem>> -> memref<128xi32, #tpu.memory_space<vmem>>
        %dma_start3A_169 = arith.constant 0 : i32
        %dma_start3A_170 = arith.constant 0 : i32
        %dma_start3A_171 = tpu.memref_slice %arg3[%dma_start3A_169, %dma_start3A_170] : memref<2201924x16xf32, #tpu.memory_space<hbm>> -> memref<2201924x16xf32, #tpu.memory_space<hbm>>
        tpu.enqueue_indirect_dma source(%dma_start3A_171 : memref<2201924x16xf32, #tpu.memory_space<hbm>>) target(%dma_start3A_165 : memref<128x16xf32, #tpu.memory_space<vmem>>) offsets(%dma_start3A_168 : memref<128xi32, #tpu.memory_space<vmem>>) semaphore(%arg17 : memref<!tpu.dma_semaphore, #tpu.memory_space<semaphore_mem>>)
        %dma_start3A_172 = arith.constant 11 : i32
        %dma_start3A_173 = arith.constant 1408 : i32
        %dma_start3A_174 = arith.constant 0 : i32
        %dma_start3A_175 = tpu.memref_slice %arg14[%dma_start3A_173, %dma_start3A_174] : memref<2048x16xf32, #tpu.memory_space<vmem>> -> memref<128x16xf32, #tpu.memory_space<vmem>>
        %dma_start3A_176 = arith.constant 0 : i32
        %dma_start3A_177 = tpu.memref_slice %arg13[%dma_start3A_172, %dma_start3A_176] : memref<16x128xi32, #tpu.memory_space<vmem>> -> memref<1x128xi32, #tpu.memory_space<vmem>>
        %dma_start3A_178 = tpu.memref_squeeze %dma_start3A_177 : memref<1x128xi32, #tpu.memory_space<vmem>> -> memref<128xi32, #tpu.memory_space<vmem>>
        %dma_start3A_179 = arith.constant 0 : i32
        %dma_start3A_180 = arith.constant 0 : i32
        %dma_start3A_181 = tpu.memref_slice %arg3[%dma_start3A_179, %dma_start3A_180] : memref<2201924x16xf32, #tpu.memory_space<hbm>> -> memref<2201924x16xf32, #tpu.memory_space<hbm>>
        tpu.enqueue_indirect_dma source(%dma_start3A_181 : memref<2201924x16xf32, #tpu.memory_space<hbm>>) target(%dma_start3A_175 : memref<128x16xf32, #tpu.memory_space<vmem>>) offsets(%dma_start3A_178 : memref<128xi32, #tpu.memory_space<vmem>>) semaphore(%arg17 : memref<!tpu.dma_semaphore, #tpu.memory_space<semaphore_mem>>)
        %dma_start3A_182 = arith.constant 12 : i32
        %dma_start3A_183 = arith.constant 1536 : i32
        %dma_start3A_184 = arith.constant 0 : i32
        %dma_start3A_185 = tpu.memref_slice %arg14[%dma_start3A_183, %dma_start3A_184] : memref<2048x16xf32, #tpu.memory_space<vmem>> -> memref<128x16xf32, #tpu.memory_space<vmem>>
        %dma_start3A_186 = arith.constant 0 : i32
        %dma_start3A_187 = tpu.memref_slice %arg13[%dma_start3A_182, %dma_start3A_186] : memref<16x128xi32, #tpu.memory_space<vmem>> -> memref<1x128xi32, #tpu.memory_space<vmem>>
        %dma_start3A_188 = tpu.memref_squeeze %dma_start3A_187 : memref<1x128xi32, #tpu.memory_space<vmem>> -> memref<128xi32, #tpu.memory_space<vmem>>
        %dma_start3A_189 = arith.constant 0 : i32
        %dma_start3A_190 = arith.constant 0 : i32
        %dma_start3A_191 = tpu.memref_slice %arg3[%dma_start3A_189, %dma_start3A_190] : memref<2201924x16xf32, #tpu.memory_space<hbm>> -> memref<2201924x16xf32, #tpu.memory_space<hbm>>
        tpu.enqueue_indirect_dma source(%dma_start3A_191 : memref<2201924x16xf32, #tpu.memory_space<hbm>>) target(%dma_start3A_185 : memref<128x16xf32, #tpu.memory_space<vmem>>) offsets(%dma_start3A_188 : memref<128xi32, #tpu.memory_space<vmem>>) semaphore(%arg17 : memref<!tpu.dma_semaphore, #tpu.memory_space<semaphore_mem>>)
        %dma_start3A_192 = arith.constant 13 : i32
        %dma_start3A_193 = arith.constant 1664 : i32
        %dma_start3A_194 = arith.constant 0 : i32
        %dma_start3A_195 = tpu.memref_slice %arg14[%dma_start3A_193, %dma_start3A_194] : memref<2048x16xf32, #tpu.memory_space<vmem>> -> memref<128x16xf32, #tpu.memory_space<vmem>>
        %dma_start3A_196 = arith.constant 0 : i32
        %dma_start3A_197 = tpu.memref_slice %arg13[%dma_start3A_192, %dma_start3A_196] : memref<16x128xi32, #tpu.memory_space<vmem>> -> memref<1x128xi32, #tpu.memory_space<vmem>>
        %dma_start3A_198 = tpu.memref_squeeze %dma_start3A_197 : memref<1x128xi32, #tpu.memory_space<vmem>> -> memref<128xi32, #tpu.memory_space<vmem>>
        %dma_start3A_199 = arith.constant 0 : i32
        %dma_start3A_200 = arith.constant 0 : i32
        %dma_start3A_201 = tpu.memref_slice %arg3[%dma_start3A_199, %dma_start3A_200] : memref<2201924x16xf32, #tpu.memory_space<hbm>> -> memref<2201924x16xf32, #tpu.memory_space<hbm>>
        tpu.enqueue_indirect_dma source(%dma_start3A_201 : memref<2201924x16xf32, #tpu.memory_space<hbm>>) target(%dma_start3A_195 : memref<128x16xf32, #tpu.memory_space<vmem>>) offsets(%dma_start3A_198 : memref<128xi32, #tpu.memory_space<vmem>>) semaphore(%arg17 : memref<!tpu.dma_semaphore, #tpu.memory_space<semaphore_mem>>)
        %dma_start3A_202 = arith.constant 14 : i32
        %dma_start3A_203 = arith.constant 1792 : i32
        %dma_start3A_204 = arith.constant 0 : i32
        %dma_start3A_205 = tpu.memref_slice %arg14[%dma_start3A_203, %dma_start3A_204] : memref<2048x16xf32, #tpu.memory_space<vmem>> -> memref<128x16xf32, #tpu.memory_space<vmem>>
        %dma_start3A_206 = arith.constant 0 : i32
        %dma_start3A_207 = tpu.memref_slice %arg13[%dma_start3A_202, %dma_start3A_206] : memref<16x128xi32, #tpu.memory_space<vmem>> -> memref<1x128xi32, #tpu.memory_space<vmem>>
        %dma_start3A_208 = tpu.memref_squeeze %dma_start3A_207 : memref<1x128xi32, #tpu.memory_space<vmem>> -> memref<128xi32, #tpu.memory_space<vmem>>
        %dma_start3A_209 = arith.constant 0 : i32
        %dma_start3A_210 = arith.constant 0 : i32
        %dma_start3A_211 = tpu.memref_slice %arg3[%dma_start3A_209, %dma_start3A_210] : memref<2201924x16xf32, #tpu.memory_space<hbm>> -> memref<2201924x16xf32, #tpu.memory_space<hbm>>
        tpu.enqueue_indirect_dma source(%dma_start3A_211 : memref<2201924x16xf32, #tpu.memory_space<hbm>>) target(%dma_start3A_205 : memref<128x16xf32, #tpu.memory_space<vmem>>) offsets(%dma_start3A_208 : memref<128xi32, #tpu.memory_space<vmem>>) semaphore(%arg17 : memref<!tpu.dma_semaphore, #tpu.memory_space<semaphore_mem>>)
        %dma_start3A_212 = arith.constant 15 : i32
        %dma_start3A_213 = arith.constant 1920 : i32
        %dma_start3A_214 = arith.constant 0 : i32
        %dma_start3A_215 = tpu.memref_slice %arg14[%dma_start3A_213, %dma_start3A_214] : memref<2048x16xf32, #tpu.memory_space<vmem>> -> memref<128x16xf32, #tpu.memory_space<vmem>>
        %dma_start3A_216 = arith.constant 0 : i32
        %dma_start3A_217 = tpu.memref_slice %arg13[%dma_start3A_212, %dma_start3A_216] : memref<16x128xi32, #tpu.memory_space<vmem>> -> memref<1x128xi32, #tpu.memory_space<vmem>>
        %dma_start3A_218 = tpu.memref_squeeze %dma_start3A_217 : memref<1x128xi32, #tpu.memory_space<vmem>> -> memref<128xi32, #tpu.memory_space<vmem>>
        %dma_start3A_219 = arith.constant 0 : i32
        %dma_start3A_220 = arith.constant 0 : i32
        %dma_start3A_221 = tpu.memref_slice %arg3[%dma_start3A_219, %dma_start3A_220] : memref<2201924x16xf32, #tpu.memory_space<hbm>> -> memref<2201924x16xf32, #tpu.memory_space<hbm>>
        tpu.enqueue_indirect_dma source(%dma_start3A_221 : memref<2201924x16xf32, #tpu.memory_space<hbm>>) target(%dma_start3A_215 : memref<128x16xf32, #tpu.memory_space<vmem>>) offsets(%dma_start3A_218 : memref<128xi32, #tpu.memory_space<vmem>>) semaphore(%arg17 : memref<!tpu.dma_semaphore, #tpu.memory_space<semaphore_mem>>)
        %dma_wait3A = arith.constant 0 : i32
        %dma_wait3A_222 = arith.constant 0 : i32
        %dma_wait3A_223 = arith.constant 0 : i32
        %dma_wait3A_224 = tpu.memref_slice %arg14[%dma_wait3A_222, %dma_wait3A_223] : memref<2048x16xf32, #tpu.memory_space<vmem>> -> memref<128x16xf32, #tpu.memory_space<vmem>>
        %dma_wait3A_225 = arith.constant 0 : i32
        %dma_wait3A_226 = tpu.memref_slice %arg13[%dma_wait3A, %dma_wait3A_225] : memref<16x128xi32, #tpu.memory_space<vmem>> -> memref<1x128xi32, #tpu.memory_space<vmem>>
        %dma_wait3A_227 = tpu.memref_squeeze %dma_wait3A_226 : memref<1x128xi32, #tpu.memory_space<vmem>> -> memref<128xi32, #tpu.memory_space<vmem>>
        %dma_wait3A_228 = arith.constant 0 : i32
        %dma_wait3A_229 = arith.constant 0 : i32
        %dma_wait3A_230 = tpu.memref_slice %arg3[%dma_wait3A_228, %dma_wait3A_229] : memref<2201924x16xf32, #tpu.memory_space<hbm>> -> memref<2201924x16xf32, #tpu.memory_space<hbm>>
        tpu.wait_indirect_dma semaphore(%arg17 : memref<!tpu.dma_semaphore, #tpu.memory_space<semaphore_mem>>) src(%dma_wait3A_230 : memref<2201924x16xf32, #tpu.memory_space<hbm>>) dst(%dma_wait3A_224 : memref<128x16xf32, #tpu.memory_space<vmem>>)
        %dma_wait3A_231 = arith.constant 1 : i32
        %dma_wait3A_232 = arith.constant 128 : i32
        %dma_wait3A_233 = arith.constant 0 : i32
        %dma_wait3A_234 = tpu.memref_slice %arg14[%dma_wait3A_232, %dma_wait3A_233] : memref<2048x16xf32, #tpu.memory_space<vmem>> -> memref<128x16xf32, #tpu.memory_space<vmem>>
        %dma_wait3A_235 = arith.constant 0 : i32
        %dma_wait3A_236 = tpu.memref_slice %arg13[%dma_wait3A_231, %dma_wait3A_235] : memref<16x128xi32, #tpu.memory_space<vmem>> -> memref<1x128xi32, #tpu.memory_space<vmem>>
        %dma_wait3A_237 = tpu.memref_squeeze %dma_wait3A_236 : memref<1x128xi32, #tpu.memory_space<vmem>> -> memref<128xi32, #tpu.memory_space<vmem>>
        %dma_wait3A_238 = arith.constant 0 : i32
        %dma_wait3A_239 = arith.constant 0 : i32
        %dma_wait3A_240 = tpu.memref_slice %arg3[%dma_wait3A_238, %dma_wait3A_239] : memref<2201924x16xf32, #tpu.memory_space<hbm>> -> memref<2201924x16xf32, #tpu.memory_space<hbm>>
        tpu.wait_indirect_dma semaphore(%arg17 : memref<!tpu.dma_semaphore, #tpu.memory_space<semaphore_mem>>) src(%dma_wait3A_240 : memref<2201924x16xf32, #tpu.memory_space<hbm>>) dst(%dma_wait3A_234 : memref<128x16xf32, #tpu.memory_space<vmem>>)
        %dma_wait3A_241 = arith.constant 2 : i32
        %dma_wait3A_242 = arith.constant 256 : i32
        %dma_wait3A_243 = arith.constant 0 : i32
        %dma_wait3A_244 = tpu.memref_slice %arg14[%dma_wait3A_242, %dma_wait3A_243] : memref<2048x16xf32, #tpu.memory_space<vmem>> -> memref<128x16xf32, #tpu.memory_space<vmem>>
        %dma_wait3A_245 = arith.constant 0 : i32
        %dma_wait3A_246 = tpu.memref_slice %arg13[%dma_wait3A_241, %dma_wait3A_245] : memref<16x128xi32, #tpu.memory_space<vmem>> -> memref<1x128xi32, #tpu.memory_space<vmem>>
        %dma_wait3A_247 = tpu.memref_squeeze %dma_wait3A_246 : memref<1x128xi32, #tpu.memory_space<vmem>> -> memref<128xi32, #tpu.memory_space<vmem>>
        %dma_wait3A_248 = arith.constant 0 : i32
        %dma_wait3A_249 = arith.constant 0 : i32
        %dma_wait3A_250 = tpu.memref_slice %arg3[%dma_wait3A_248, %dma_wait3A_249] : memref<2201924x16xf32, #tpu.memory_space<hbm>> -> memref<2201924x16xf32, #tpu.memory_space<hbm>>
        tpu.wait_indirect_dma semaphore(%arg17 : memref<!tpu.dma_semaphore, #tpu.memory_space<semaphore_mem>>) src(%dma_wait3A_250 : memref<2201924x16xf32, #tpu.memory_space<hbm>>) dst(%dma_wait3A_244 : memref<128x16xf32, #tpu.memory_space<vmem>>)
        %dma_wait3A_251 = arith.constant 3 : i32
        %dma_wait3A_252 = arith.constant 384 : i32
        %dma_wait3A_253 = arith.constant 0 : i32
        %dma_wait3A_254 = tpu.memref_slice %arg14[%dma_wait3A_252, %dma_wait3A_253] : memref<2048x16xf32, #tpu.memory_space<vmem>> -> memref<128x16xf32, #tpu.memory_space<vmem>>
        %dma_wait3A_255 = arith.constant 0 : i32
        %dma_wait3A_256 = tpu.memref_slice %arg13[%dma_wait3A_251, %dma_wait3A_255] : memref<16x128xi32, #tpu.memory_space<vmem>> -> memref<1x128xi32, #tpu.memory_space<vmem>>
        %dma_wait3A_257 = tpu.memref_squeeze %dma_wait3A_256 : memref<1x128xi32, #tpu.memory_space<vmem>> -> memref<128xi32, #tpu.memory_space<vmem>>
        %dma_wait3A_258 = arith.constant 0 : i32
        %dma_wait3A_259 = arith.constant 0 : i32
        %dma_wait3A_260 = tpu.memref_slice %arg3[%dma_wait3A_258, %dma_wait3A_259] : memref<2201924x16xf32, #tpu.memory_space<hbm>> -> memref<2201924x16xf32, #tpu.memory_space<hbm>>
        tpu.wait_indirect_dma semaphore(%arg17 : memref<!tpu.dma_semaphore, #tpu.memory_space<semaphore_mem>>) src(%dma_wait3A_260 : memref<2201924x16xf32, #tpu.memory_space<hbm>>) dst(%dma_wait3A_254 : memref<128x16xf32, #tpu.memory_space<vmem>>)
        %dma_wait3A_261 = arith.constant 4 : i32
        %dma_wait3A_262 = arith.constant 512 : i32
        %dma_wait3A_263 = arith.constant 0 : i32
        %dma_wait3A_264 = tpu.memref_slice %arg14[%dma_wait3A_262, %dma_wait3A_263] : memref<2048x16xf32, #tpu.memory_space<vmem>> -> memref<128x16xf32, #tpu.memory_space<vmem>>
        %dma_wait3A_265 = arith.constant 0 : i32
        %dma_wait3A_266 = tpu.memref_slice %arg13[%dma_wait3A_261, %dma_wait3A_265] : memref<16x128xi32, #tpu.memory_space<vmem>> -> memref<1x128xi32, #tpu.memory_space<vmem>>
        %dma_wait3A_267 = tpu.memref_squeeze %dma_wait3A_266 : memref<1x128xi32, #tpu.memory_space<vmem>> -> memref<128xi32, #tpu.memory_space<vmem>>
        %dma_wait3A_268 = arith.constant 0 : i32
        %dma_wait3A_269 = arith.constant 0 : i32
        %dma_wait3A_270 = tpu.memref_slice %arg3[%dma_wait3A_268, %dma_wait3A_269] : memref<2201924x16xf32, #tpu.memory_space<hbm>> -> memref<2201924x16xf32, #tpu.memory_space<hbm>>
        tpu.wait_indirect_dma semaphore(%arg17 : memref<!tpu.dma_semaphore, #tpu.memory_space<semaphore_mem>>) src(%dma_wait3A_270 : memref<2201924x16xf32, #tpu.memory_space<hbm>>) dst(%dma_wait3A_264 : memref<128x16xf32, #tpu.memory_space<vmem>>)
        %dma_wait3A_271 = arith.constant 5 : i32
        %dma_wait3A_272 = arith.constant 640 : i32
        %dma_wait3A_273 = arith.constant 0 : i32
        %dma_wait3A_274 = tpu.memref_slice %arg14[%dma_wait3A_272, %dma_wait3A_273] : memref<2048x16xf32, #tpu.memory_space<vmem>> -> memref<128x16xf32, #tpu.memory_space<vmem>>
        %dma_wait3A_275 = arith.constant 0 : i32
        %dma_wait3A_276 = tpu.memref_slice %arg13[%dma_wait3A_271, %dma_wait3A_275] : memref<16x128xi32, #tpu.memory_space<vmem>> -> memref<1x128xi32, #tpu.memory_space<vmem>>
        %dma_wait3A_277 = tpu.memref_squeeze %dma_wait3A_276 : memref<1x128xi32, #tpu.memory_space<vmem>> -> memref<128xi32, #tpu.memory_space<vmem>>
        %dma_wait3A_278 = arith.constant 0 : i32
        %dma_wait3A_279 = arith.constant 0 : i32
        %dma_wait3A_280 = tpu.memref_slice %arg3[%dma_wait3A_278, %dma_wait3A_279] : memref<2201924x16xf32, #tpu.memory_space<hbm>> -> memref<2201924x16xf32, #tpu.memory_space<hbm>>
        tpu.wait_indirect_dma semaphore(%arg17 : memref<!tpu.dma_semaphore, #tpu.memory_space<semaphore_mem>>) src(%dma_wait3A_280 : memref<2201924x16xf32, #tpu.memory_space<hbm>>) dst(%dma_wait3A_274 : memref<128x16xf32, #tpu.memory_space<vmem>>)
        %dma_wait3A_281 = arith.constant 6 : i32
        %dma_wait3A_282 = arith.constant 768 : i32
        %dma_wait3A_283 = arith.constant 0 : i32
        %dma_wait3A_284 = tpu.memref_slice %arg14[%dma_wait3A_282, %dma_wait3A_283] : memref<2048x16xf32, #tpu.memory_space<vmem>> -> memref<128x16xf32, #tpu.memory_space<vmem>>
        %dma_wait3A_285 = arith.constant 0 : i32
        %dma_wait3A_286 = tpu.memref_slice %arg13[%dma_wait3A_281, %dma_wait3A_285] : memref<16x128xi32, #tpu.memory_space<vmem>> -> memref<1x128xi32, #tpu.memory_space<vmem>>
        %dma_wait3A_287 = tpu.memref_squeeze %dma_wait3A_286 : memref<1x128xi32, #tpu.memory_space<vmem>> -> memref<128xi32, #tpu.memory_space<vmem>>
        %dma_wait3A_288 = arith.constant 0 : i32
        %dma_wait3A_289 = arith.constant 0 : i32
        %dma_wait3A_290 = tpu.memref_slice %arg3[%dma_wait3A_288, %dma_wait3A_289] : memref<2201924x16xf32, #tpu.memory_space<hbm>> -> memref<2201924x16xf32, #tpu.memory_space<hbm>>
        tpu.wait_indirect_dma semaphore(%arg17 : memref<!tpu.dma_semaphore, #tpu.memory_space<semaphore_mem>>) src(%dma_wait3A_290 : memref<2201924x16xf32, #tpu.memory_space<hbm>>) dst(%dma_wait3A_284 : memref<128x16xf32, #tpu.memory_space<vmem>>)
        %dma_wait3A_291 = arith.constant 7 : i32
        %dma_wait3A_292 = arith.constant 896 : i32
        %dma_wait3A_293 = arith.constant 0 : i32
        %dma_wait3A_294 = tpu.memref_slice %arg14[%dma_wait3A_292, %dma_wait3A_293] : memref<2048x16xf32, #tpu.memory_space<vmem>> -> memref<128x16xf32, #tpu.memory_space<vmem>>
        %dma_wait3A_295 = arith.constant 0 : i32
        %dma_wait3A_296 = tpu.memref_slice %arg13[%dma_wait3A_291, %dma_wait3A_295] : memref<16x128xi32, #tpu.memory_space<vmem>> -> memref<1x128xi32, #tpu.memory_space<vmem>>
        %dma_wait3A_297 = tpu.memref_squeeze %dma_wait3A_296 : memref<1x128xi32, #tpu.memory_space<vmem>> -> memref<128xi32, #tpu.memory_space<vmem>>
        %dma_wait3A_298 = arith.constant 0 : i32
        %dma_wait3A_299 = arith.constant 0 : i32
        %dma_wait3A_300 = tpu.memref_slice %arg3[%dma_wait3A_298, %dma_wait3A_299] : memref<2201924x16xf32, #tpu.memory_space<hbm>> -> memref<2201924x16xf32, #tpu.memory_space<hbm>>
        tpu.wait_indirect_dma semaphore(%arg17 : memref<!tpu.dma_semaphore, #tpu.memory_space<semaphore_mem>>) src(%dma_wait3A_300 : memref<2201924x16xf32, #tpu.memory_space<hbm>>) dst(%dma_wait3A_294 : memref<128x16xf32, #tpu.memory_space<vmem>>)
        %dma_wait3A_301 = arith.constant 8 : i32
        %dma_wait3A_302 = arith.constant 1024 : i32
        %dma_wait3A_303 = arith.constant 0 : i32
        %dma_wait3A_304 = tpu.memref_slice %arg14[%dma_wait3A_302, %dma_wait3A_303] : memref<2048x16xf32, #tpu.memory_space<vmem>> -> memref<128x16xf32, #tpu.memory_space<vmem>>
        %dma_wait3A_305 = arith.constant 0 : i32
        %dma_wait3A_306 = tpu.memref_slice %arg13[%dma_wait3A_301, %dma_wait3A_305] : memref<16x128xi32, #tpu.memory_space<vmem>> -> memref<1x128xi32, #tpu.memory_space<vmem>>
        %dma_wait3A_307 = tpu.memref_squeeze %dma_wait3A_306 : memref<1x128xi32, #tpu.memory_space<vmem>> -> memref<128xi32, #tpu.memory_space<vmem>>
        %dma_wait3A_308 = arith.constant 0 : i32
        %dma_wait3A_309 = arith.constant 0 : i32
        %dma_wait3A_310 = tpu.memref_slice %arg3[%dma_wait3A_308, %dma_wait3A_309] : memref<2201924x16xf32, #tpu.memory_space<hbm>> -> memref<2201924x16xf32, #tpu.memory_space<hbm>>
        tpu.wait_indirect_dma semaphore(%arg17 : memref<!tpu.dma_semaphore, #tpu.memory_space<semaphore_mem>>) src(%dma_wait3A_310 : memref<2201924x16xf32, #tpu.memory_space<hbm>>) dst(%dma_wait3A_304 : memref<128x16xf32, #tpu.memory_space<vmem>>)
        %dma_wait3A_311 = arith.constant 9 : i32
        %dma_wait3A_312 = arith.constant 1152 : i32
        %dma_wait3A_313 = arith.constant 0 : i32
        %dma_wait3A_314 = tpu.memref_slice %arg14[%dma_wait3A_312, %dma_wait3A_313] : memref<2048x16xf32, #tpu.memory_space<vmem>> -> memref<128x16xf32, #tpu.memory_space<vmem>>
        %dma_wait3A_315 = arith.constant 0 : i32
        %dma_wait3A_316 = tpu.memref_slice %arg13[%dma_wait3A_311, %dma_wait3A_315] : memref<16x128xi32, #tpu.memory_space<vmem>> -> memref<1x128xi32, #tpu.memory_space<vmem>>
        %dma_wait3A_317 = tpu.memref_squeeze %dma_wait3A_316 : memref<1x128xi32, #tpu.memory_space<vmem>> -> memref<128xi32, #tpu.memory_space<vmem>>
        %dma_wait3A_318 = arith.constant 0 : i32
        %dma_wait3A_319 = arith.constant 0 : i32
        %dma_wait3A_320 = tpu.memref_slice %arg3[%dma_wait3A_318, %dma_wait3A_319] : memref<2201924x16xf32, #tpu.memory_space<hbm>> -> memref<2201924x16xf32, #tpu.memory_space<hbm>>
        tpu.wait_indirect_dma semaphore(%arg17 : memref<!tpu.dma_semaphore, #tpu.memory_space<semaphore_mem>>) src(%dma_wait3A_320 : memref<2201924x16xf32, #tpu.memory_space<hbm>>) dst(%dma_wait3A_314 : memref<128x16xf32, #tpu.memory_space<vmem>>)
        %dma_wait3A_321 = arith.constant 10 : i32
        %dma_wait3A_322 = arith.constant 1280 : i32
        %dma_wait3A_323 = arith.constant 0 : i32
        %dma_wait3A_324 = tpu.memref_slice %arg14[%dma_wait3A_322, %dma_wait3A_323] : memref<2048x16xf32, #tpu.memory_space<vmem>> -> memref<128x16xf32, #tpu.memory_space<vmem>>
        %dma_wait3A_325 = arith.constant 0 : i32
        %dma_wait3A_326 = tpu.memref_slice %arg13[%dma_wait3A_321, %dma_wait3A_325] : memref<16x128xi32, #tpu.memory_space<vmem>> -> memref<1x128xi32, #tpu.memory_space<vmem>>
        %dma_wait3A_327 = tpu.memref_squeeze %dma_wait3A_326 : memref<1x128xi32, #tpu.memory_space<vmem>> -> memref<128xi32, #tpu.memory_space<vmem>>
        %dma_wait3A_328 = arith.constant 0 : i32
        %dma_wait3A_329 = arith.constant 0 : i32
        %dma_wait3A_330 = tpu.memref_slice %arg3[%dma_wait3A_328, %dma_wait3A_329] : memref<2201924x16xf32, #tpu.memory_space<hbm>> -> memref<2201924x16xf32, #tpu.memory_space<hbm>>
        tpu.wait_indirect_dma semaphore(%arg17 : memref<!tpu.dma_semaphore, #tpu.memory_space<semaphore_mem>>) src(%dma_wait3A_330 : memref<2201924x16xf32, #tpu.memory_space<hbm>>) dst(%dma_wait3A_324 : memref<128x16xf32, #tpu.memory_space<vmem>>)
        %dma_wait3A_331 = arith.constant 11 : i32
        %dma_wait3A_332 = arith.constant 1408 : i32
        %dma_wait3A_333 = arith.constant 0 : i32
        %dma_wait3A_334 = tpu.memref_slice %arg14[%dma_wait3A_332, %dma_wait3A_333] : memref<2048x16xf32, #tpu.memory_space<vmem>> -> memref<128x16xf32, #tpu.memory_space<vmem>>
        %dma_wait3A_335 = arith.constant 0 : i32
        %dma_wait3A_336 = tpu.memref_slice %arg13[%dma_wait3A_331, %dma_wait3A_335] : memref<16x128xi32, #tpu.memory_space<vmem>> -> memref<1x128xi32, #tpu.memory_space<vmem>>
        %dma_wait3A_337 = tpu.memref_squeeze %dma_wait3A_336 : memref<1x128xi32, #tpu.memory_space<vmem>> -> memref<128xi32, #tpu.memory_space<vmem>>
        %dma_wait3A_338 = arith.constant 0 : i32
        %dma_wait3A_339 = arith.constant 0 : i32
        %dma_wait3A_340 = tpu.memref_slice %arg3[%dma_wait3A_338, %dma_wait3A_339] : memref<2201924x16xf32, #tpu.memory_space<hbm>> -> memref<2201924x16xf32, #tpu.memory_space<hbm>>
        tpu.wait_indirect_dma semaphore(%arg17 : memref<!tpu.dma_semaphore, #tpu.memory_space<semaphore_mem>>) src(%dma_wait3A_340 : memref<2201924x16xf32, #tpu.memory_space<hbm>>) dst(%dma_wait3A_334 : memref<128x16xf32, #tpu.memory_space<vmem>>)
        %dma_wait3A_341 = arith.constant 12 : i32
        %dma_wait3A_342 = arith.constant 1536 : i32
        %dma_wait3A_343 = arith.constant 0 : i32
        %dma_wait3A_344 = tpu.memref_slice %arg14[%dma_wait3A_342, %dma_wait3A_343] : memref<2048x16xf32, #tpu.memory_space<vmem>> -> memref<128x16xf32, #tpu.memory_space<vmem>>
        %dma_wait3A_345 = arith.constant 0 : i32
        %dma_wait3A_346 = tpu.memref_slice %arg13[%dma_wait3A_341, %dma_wait3A_345] : memref<16x128xi32, #tpu.memory_space<vmem>> -> memref<1x128xi32, #tpu.memory_space<vmem>>
        %dma_wait3A_347 = tpu.memref_squeeze %dma_wait3A_346 : memref<1x128xi32, #tpu.memory_space<vmem>> -> memref<128xi32, #tpu.memory_space<vmem>>
        %dma_wait3A_348 = arith.constant 0 : i32
        %dma_wait3A_349 = arith.constant 0 : i32
        %dma_wait3A_350 = tpu.memref_slice %arg3[%dma_wait3A_348, %dma_wait3A_349] : memref<2201924x16xf32, #tpu.memory_space<hbm>> -> memref<2201924x16xf32, #tpu.memory_space<hbm>>
        tpu.wait_indirect_dma semaphore(%arg17 : memref<!tpu.dma_semaphore, #tpu.memory_space<semaphore_mem>>) src(%dma_wait3A_350 : memref<2201924x16xf32, #tpu.memory_space<hbm>>) dst(%dma_wait3A_344 : memref<128x16xf32, #tpu.memory_space<vmem>>)
        %dma_wait3A_351 = arith.constant 13 : i32
        %dma_wait3A_352 = arith.constant 1664 : i32
        %dma_wait3A_353 = arith.constant 0 : i32
        %dma_wait3A_354 = tpu.memref_slice %arg14[%dma_wait3A_352, %dma_wait3A_353] : memref<2048x16xf32, #tpu.memory_space<vmem>> -> memref<128x16xf32, #tpu.memory_space<vmem>>
        %dma_wait3A_355 = arith.constant 0 : i32
        %dma_wait3A_356 = tpu.memref_slice %arg13[%dma_wait3A_351, %dma_wait3A_355] : memref<16x128xi32, #tpu.memory_space<vmem>> -> memref<1x128xi32, #tpu.memory_space<vmem>>
        %dma_wait3A_357 = tpu.memref_squeeze %dma_wait3A_356 : memref<1x128xi32, #tpu.memory_space<vmem>> -> memref<128xi32, #tpu.memory_space<vmem>>
        %dma_wait3A_358 = arith.constant 0 : i32
        %dma_wait3A_359 = arith.constant 0 : i32
        %dma_wait3A_360 = tpu.memref_slice %arg3[%dma_wait3A_358, %dma_wait3A_359] : memref<2201924x16xf32, #tpu.memory_space<hbm>> -> memref<2201924x16xf32, #tpu.memory_space<hbm>>
        tpu.wait_indirect_dma semaphore(%arg17 : memref<!tpu.dma_semaphore, #tpu.memory_space<semaphore_mem>>) src(%dma_wait3A_360 : memref<2201924x16xf32, #tpu.memory_space<hbm>>) dst(%dma_wait3A_354 : memref<128x16xf32, #tpu.memory_space<vmem>>)
        %dma_wait3A_361 = arith.constant 14 : i32
        %dma_wait3A_362 = arith.constant 1792 : i32
        %dma_wait3A_363 = arith.constant 0 : i32
        %dma_wait3A_364 = tpu.memref_slice %arg14[%dma_wait3A_362, %dma_wait3A_363] : memref<2048x16xf32, #tpu.memory_space<vmem>> -> memref<128x16xf32, #tpu.memory_space<vmem>>
        %dma_wait3A_365 = arith.constant 0 : i32
        %dma_wait3A_366 = tpu.memref_slice %arg13[%dma_wait3A_361, %dma_wait3A_365] : memref<16x128xi32, #tpu.memory_space<vmem>> -> memref<1x128xi32, #tpu.memory_space<vmem>>
        %dma_wait3A_367 = tpu.memref_squeeze %dma_wait3A_366 : memref<1x128xi32, #tpu.memory_space<vmem>> -> memref<128xi32, #tpu.memory_space<vmem>>
        %dma_wait3A_368 = arith.constant 0 : i32
        %dma_wait3A_369 = arith.constant 0 : i32
        %dma_wait3A_370 = tpu.memref_slice %arg3[%dma_wait3A_368, %dma_wait3A_369] : memref<2201924x16xf32, #tpu.memory_space<hbm>> -> memref<2201924x16xf32, #tpu.memory_space<hbm>>
        tpu.wait_indirect_dma semaphore(%arg17 : memref<!tpu.dma_semaphore, #tpu.memory_space<semaphore_mem>>) src(%dma_wait3A_370 : memref<2201924x16xf32, #tpu.memory_space<hbm>>) dst(%dma_wait3A_364 : memref<128x16xf32, #tpu.memory_space<vmem>>)
        %dma_wait3A_371 = arith.constant 15 : i32
        %dma_wait3A_372 = arith.constant 1920 : i32
        %dma_wait3A_373 = arith.constant 0 : i32
        %dma_wait3A_374 = tpu.memref_slice %arg14[%dma_wait3A_372, %dma_wait3A_373] : memref<2048x16xf32, #tpu.memory_space<vmem>> -> memref<128x16xf32, #tpu.memory_space<vmem>>
        %dma_wait3A_375 = arith.constant 0 : i32
        %dma_wait3A_376 = tpu.memref_slice %arg13[%dma_wait3A_371, %dma_wait3A_375] : memref<16x128xi32, #tpu.memory_space<vmem>> -> memref<1x128xi32, #tpu.memory_space<vmem>>
        %dma_wait3A_377 = tpu.memref_squeeze %dma_wait3A_376 : memref<1x128xi32, #tpu.memory_space<vmem>> -> memref<128xi32, #tpu.memory_space<vmem>>
        %dma_wait3A_378 = arith.constant 0 : i32
        %dma_wait3A_379 = arith.constant 0 : i32
        %dma_wait3A_380 = tpu.memref_slice %arg3[%dma_wait3A_378, %dma_wait3A_379] : memref<2201924x16xf32, #tpu.memory_space<hbm>> -> memref<2201924x16xf32, #tpu.memory_space<hbm>>
        tpu.wait_indirect_dma semaphore(%arg17 : memref<!tpu.dma_semaphore, #tpu.memory_space<semaphore_mem>>) src(%dma_wait3A_380 : memref<2201924x16xf32, #tpu.memory_space<hbm>>) dst(%dma_wait3A_374 : memref<128x16xf32, #tpu.memory_space<vmem>>)
        %scan3A_381 = arith.constant 0 : i32
        %scan3A_382 = arith.constant 8 : i32
        %scan3A_383 = arith.addi %scan3A_381, %scan3A_382 : i32
        %scan3A_384 = arith.constant 1 : i32
        scf.for %scan3A_386 = %scan3A_381 to %scan3A_383 step %scan3A_384  : i32 {
          %broadcast_in_dim3A_387 = arith.constant 0.000000e+00 : f32
          %broadcast_in_dim3A_388 = vector.broadcast %broadcast_in_dim3A_387 : f32 to vector<16xf32>
          %broadcast_in_dim3A_389 = arith.constant 0.000000e+00 : f32
          %broadcast_in_dim3A_390 = vector.broadcast %broadcast_in_dim3A_389 : f32 to vector<16xf32>
          %mul3A_391 = arith.constant 16 : i32
          %mul3A_392 = arith.muli %scan3A_386, %mul3A_391 : i32
          %add3A_393 = vector.broadcast %mul3A_392 : i32 to vector<16xi32>
          %add3A_394 = arith.addi %add3A_393, %iota3A : vector<16xi32>
          %add3A_395 = arith.constant 0 : i32
          %add3A_396 = vector.broadcast %add3A_395 : i32 to vector<16xi32>
          %add3A_397 = arith.addi %add3A_394, %add3A_396 : vector<16xi32>
          %gather3A = tpu.vector_load_idx %arg14[%add3A_397, %broadcast_in_dim3A_1] : memref<2048x16xf32, #tpu.memory_space<vmem>>[vector<16xi32>, vector<16xi32>], vector<16xf32>,
          %gather3A_398 = tpu.vector_load_idx %arg14[%add3A_397, %add3A_4] : memref<2048x16xf32, #tpu.memory_space<vmem>>[vector<16xi32>, vector<16xi32>], vector<16xf32>,
          %add3A_399 = arith.addf %gather3A, %gather3A_398 : vector<16xf32>
          %add3A_400 = arith.constant 0 : i32
          %add3A_401 = arith.addi %add3A_400, %scan3A_386 : i32
          %mul3A_402 = arith.constant 16 : i32
          %mul3A_403 = arith.muli %add3A_401, %mul3A_402 : i32
          %get3A_404 = arith.index_cast %mul3A_403 : i32 to index
          %get3A_405 = tpu.vector_load %arg12[%get3A_404] {strides = array<i32>} : memref<1024xf32, #tpu.memory_space<vmem>>, vector<16xf32>,
          %mul3A_406 = arith.mulf %get3A_405, %add3A_399 : vector<16xf32>
          %add3A_407 = arith.addf %broadcast_in_dim3A_388, %mul3A_406 : vector<16xf32>
          %add3A_408 = arith.constant 128 : i32
          %add3A_409 = vector.broadcast %add3A_408 : i32 to vector<16xi32>
          %add3A_410 = arith.addi %add3A_394, %add3A_409 : vector<16xi32>
          %gather3A_411 = tpu.vector_load_idx %arg14[%add3A_410, %broadcast_in_dim3A_1] : memref<2048x16xf32, #tpu.memory_space<vmem>>[vector<16xi32>, vector<16xi32>], vector<16xf32>,
          %gather3A_412 = tpu.vector_load_idx %arg14[%add3A_410, %add3A_4] : memref<2048x16xf32, #tpu.memory_space<vmem>>[vector<16xi32>, vector<16xi32>], vector<16xf32>,
          %add3A_413 = arith.addf %gather3A_411, %gather3A_412 : vector<16xf32>
          %add3A_414 = arith.constant 8 : i32
          %add3A_415 = arith.addi %add3A_414, %scan3A_386 : i32
          %mul3A_416 = arith.constant 16 : i32
          %mul3A_417 = arith.muli %add3A_415, %mul3A_416 : i32
          %get3A_418 = arith.index_cast %mul3A_417 : i32 to index
          %get3A_419 = tpu.vector_load %arg12[%get3A_418] {strides = array<i32>} : memref<1024xf32, #tpu.memory_space<vmem>>, vector<16xf32>,
          %mul3A_420 = arith.mulf %get3A_419, %add3A_413 : vector<16xf32>
          %add3A_421 = arith.addf %add3A_407, %mul3A_420 : vector<16xf32>
          %add3A_422 = arith.constant 256 : i32
          %add3A_423 = vector.broadcast %add3A_422 : i32 to vector<16xi32>
          %add3A_424 = arith.addi %add3A_394, %add3A_423 : vector<16xi32>
          %gather3A_425 = tpu.vector_load_idx %arg14[%add3A_424, %broadcast_in_dim3A_1] : memref<2048x16xf32, #tpu.memory_space<vmem>>[vector<16xi32>, vector<16xi32>], vector<16xf32>,
          %gather3A_426 = tpu.vector_load_idx %arg14[%add3A_424, %add3A_4] : memref<2048x16xf32, #tpu.memory_space<vmem>>[vector<16xi32>, vector<16xi32>], vector<16xf32>,
          %add3A_427 = arith.addf %gather3A_425, %gather3A_426 : vector<16xf32>
          %add3A_428 = arith.constant 16 : i32
          %add3A_429 = arith.addi %add3A_428, %scan3A_386 : i32
          %mul3A_430 = arith.constant 16 : i32
          %mul3A_431 = arith.muli %add3A_429, %mul3A_430 : i32
          %get3A_432 = arith.index_cast %mul3A_431 : i32 to index
          %get3A_433 = tpu.vector_load %arg12[%get3A_432] {strides = array<i32>} : memref<1024xf32, #tpu.memory_space<vmem>>, vector<16xf32>,
          %mul3A_434 = arith.mulf %get3A_433, %add3A_427 : vector<16xf32>
          %add3A_435 = arith.addf %add3A_421, %mul3A_434 : vector<16xf32>
          %add3A_436 = arith.constant 384 : i32
          %add3A_437 = vector.broadcast %add3A_436 : i32 to vector<16xi32>
          %add3A_438 = arith.addi %add3A_394, %add3A_437 : vector<16xi32>
          %gather3A_439 = tpu.vector_load_idx %arg14[%add3A_438, %broadcast_in_dim3A_1] : memref<2048x16xf32, #tpu.memory_space<vmem>>[vector<16xi32>, vector<16xi32>], vector<16xf32>,
          %gather3A_440 = tpu.vector_load_idx %arg14[%add3A_438, %add3A_4] : memref<2048x16xf32, #tpu.memory_space<vmem>>[vector<16xi32>, vector<16xi32>], vector<16xf32>,
          %add3A_441 = arith.addf %gather3A_439, %gather3A_440 : vector<16xf32>
          %add3A_442 = arith.constant 24 : i32
          %add3A_443 = arith.addi %add3A_442, %scan3A_386 : i32
          %mul3A_444 = arith.constant 16 : i32
          %mul3A_445 = arith.muli %add3A_443, %mul3A_444 : i32
          %get3A_446 = arith.index_cast %mul3A_445 : i32 to index
          %get3A_447 = tpu.vector_load %arg12[%get3A_446] {strides = array<i32>} : memref<1024xf32, #tpu.memory_space<vmem>>, vector<16xf32>,
          %mul3A_448 = arith.mulf %get3A_447, %add3A_441 : vector<16xf32>
          %add3A_449 = arith.addf %add3A_435, %mul3A_448 : vector<16xf32>
          %add3A_450 = arith.constant 512 : i32
          %add3A_451 = vector.broadcast %add3A_450 : i32 to vector<16xi32>
          %add3A_452 = arith.addi %add3A_394, %add3A_451 : vector<16xi32>
          %gather3A_453 = tpu.vector_load_idx %arg14[%add3A_452, %broadcast_in_dim3A_1] : memref<2048x16xf32, #tpu.memory_space<vmem>>[vector<16xi32>, vector<16xi32>], vector<16xf32>,
          %gather3A_454 = tpu.vector_load_idx %arg14[%add3A_452, %add3A_4] : memref<2048x16xf32, #tpu.memory_space<vmem>>[vector<16xi32>, vector<16xi32>], vector<16xf32>,
          %add3A_455 = arith.addf %gather3A_453, %gather3A_454 : vector<16xf32>
          %add3A_456 = arith.constant 32 : i32
          %add3A_457 = arith.addi %add3A_456, %scan3A_386 : i32
          %mul3A_458 = arith.constant 16 : i32
          %mul3A_459 = arith.muli %add3A_457, %mul3A_458 : i32
          %get3A_460 = arith.index_cast %mul3A_459 : i32 to index
          %get3A_461 = tpu.vector_load %arg12[%get3A_460] {strides = array<i32>} : memref<1024xf32, #tpu.memory_space<vmem>>, vector<16xf32>,
          %mul3A_462 = arith.mulf %get3A_461, %add3A_455 : vector<16xf32>
          %add3A_463 = arith.addf %add3A_449, %mul3A_462 : vector<16xf32>
          %add3A_464 = arith.constant 640 : i32
          %add3A_465 = vector.broadcast %add3A_464 : i32 to vector<16xi32>
          %add3A_466 = arith.addi %add3A_394, %add3A_465 : vector<16xi32>
          %gather3A_467 = tpu.vector_load_idx %arg14[%add3A_466, %broadcast_in_dim3A_1] : memref<2048x16xf32, #tpu.memory_space<vmem>>[vector<16xi32>, vector<16xi32>], vector<16xf32>,
          %gather3A_468 = tpu.vector_load_idx %arg14[%add3A_466, %add3A_4] : memref<2048x16xf32, #tpu.memory_space<vmem>>[vector<16xi32>, vector<16xi32>], vector<16xf32>,
          %add3A_469 = arith.addf %gather3A_467, %gather3A_468 : vector<16xf32>
          %add3A_470 = arith.constant 40 : i32
          %add3A_471 = arith.addi %add3A_470, %scan3A_386 : i32
          %mul3A_472 = arith.constant 16 : i32
          %mul3A_473 = arith.muli %add3A_471, %mul3A_472 : i32
          %get3A_474 = arith.index_cast %mul3A_473 : i32 to index
          %get3A_475 = tpu.vector_load %arg12[%get3A_474] {strides = array<i32>} : memref<1024xf32, #tpu.memory_space<vmem>>, vector<16xf32>,
          %mul3A_476 = arith.mulf %get3A_475, %add3A_469 : vector<16xf32>
          %add3A_477 = arith.addf %add3A_463, %mul3A_476 : vector<16xf32>
          %add3A_478 = arith.constant 768 : i32
          %add3A_479 = vector.broadcast %add3A_478 : i32 to vector<16xi32>
          %add3A_480 = arith.addi %add3A_394, %add3A_479 : vector<16xi32>
          %gather3A_481 = tpu.vector_load_idx %arg14[%add3A_480, %broadcast_in_dim3A_1] : memref<2048x16xf32, #tpu.memory_space<vmem>>[vector<16xi32>, vector<16xi32>], vector<16xf32>,
          %gather3A_482 = tpu.vector_load_idx %arg14[%add3A_480, %add3A_4] : memref<2048x16xf32, #tpu.memory_space<vmem>>[vector<16xi32>, vector<16xi32>], vector<16xf32>,
          %add3A_483 = arith.addf %gather3A_481, %gather3A_482 : vector<16xf32>
          %add3A_484 = arith.constant 48 : i32
          %add3A_485 = arith.addi %add3A_484, %scan3A_386 : i32
          %mul3A_486 = arith.constant 16 : i32
          %mul3A_487 = arith.muli %add3A_485, %mul3A_486 : i32
          %get3A_488 = arith.index_cast %mul3A_487 : i32 to index
          %get3A_489 = tpu.vector_load %arg12[%get3A_488] {strides = array<i32>} : memref<1024xf32, #tpu.memory_space<vmem>>, vector<16xf32>,
          %mul3A_490 = arith.mulf %get3A_489, %add3A_483 : vector<16xf32>
          %add3A_491 = arith.addf %add3A_477, %mul3A_490 : vector<16xf32>
          %add3A_492 = arith.constant 896 : i32
          %add3A_493 = vector.broadcast %add3A_492 : i32 to vector<16xi32>
          %add3A_494 = arith.addi %add3A_394, %add3A_493 : vector<16xi32>
          %gather3A_495 = tpu.vector_load_idx %arg14[%add3A_494, %broadcast_in_dim3A_1] : memref<2048x16xf32, #tpu.memory_space<vmem>>[vector<16xi32>, vector<16xi32>], vector<16xf32>,
          %gather3A_496 = tpu.vector_load_idx %arg14[%add3A_494, %add3A_4] : memref<2048x16xf32, #tpu.memory_space<vmem>>[vector<16xi32>, vector<16xi32>], vector<16xf32>,
          %add3A_497 = arith.addf %gather3A_495, %gather3A_496 : vector<16xf32>
          %add3A_498 = arith.constant 56 : i32
          %add3A_499 = arith.addi %add3A_498, %scan3A_386 : i32
          %mul3A_500 = arith.constant 16 : i32
          %mul3A_501 = arith.muli %add3A_499, %mul3A_500 : i32
          %get3A_502 = arith.index_cast %mul3A_501 : i32 to index
          %get3A_503 = tpu.vector_load %arg12[%get3A_502] {strides = array<i32>} : memref<1024xf32, #tpu.memory_space<vmem>>, vector<16xf32>,
          %mul3A_504 = arith.mulf %get3A_503, %add3A_497 : vector<16xf32>
          %add3A_505 = arith.addf %add3A_491, %mul3A_504 : vector<16xf32>
          %add3A_506 = arith.constant 1024 : i32
          %add3A_507 = vector.broadcast %add3A_506 : i32 to vector<16xi32>
          %add3A_508 = arith.addi %add3A_394, %add3A_507 : vector<16xi32>
          %gather3A_509 = tpu.vector_load_idx %arg14[%add3A_508, %broadcast_in_dim3A_1] : memref<2048x16xf32, #tpu.memory_space<vmem>>[vector<16xi32>, vector<16xi32>], vector<16xf32>,
          %gather3A_510 = tpu.vector_load_idx %arg14[%add3A_508, %add3A_4] : memref<2048x16xf32, #tpu.memory_space<vmem>>[vector<16xi32>, vector<16xi32>], vector<16xf32>,
          %add3A_511 = arith.addf %gather3A_509, %gather3A_510 : vector<16xf32>
          %add3A_512 = arith.constant 0 : i32
          %add3A_513 = arith.addi %add3A_512, %scan3A_386 : i32
          %mul3A_514 = arith.constant 16 : i32
          %mul3A_515 = arith.muli %add3A_513, %mul3A_514 : i32
          %get3A_516 = arith.index_cast %mul3A_515 : i32 to index
          %get3A_517 = tpu.vector_load %arg12[%get3A_516] {strides = array<i32>} : memref<1024xf32, #tpu.memory_space<vmem>>, vector<16xf32>,
          %mul3A_518 = arith.mulf %get3A_517, %add3A_511 : vector<16xf32>
          %add3A_519 = arith.addf %broadcast_in_dim3A_390, %mul3A_518 : vector<16xf32>
          %add3A_520 = arith.constant 1152 : i32
          %add3A_521 = vector.broadcast %add3A_520 : i32 to vector<16xi32>
          %add3A_522 = arith.addi %add3A_394, %add3A_521 : vector<16xi32>
          %gather3A_523 = tpu.vector_load_idx %arg14[%add3A_522, %broadcast_in_dim3A_1] : memref<2048x16xf32, #tpu.memory_space<vmem>>[vector<16xi32>, vector<16xi32>], vector<16xf32>,
          %gather3A_524 = tpu.vector_load_idx %arg14[%add3A_522, %add3A_4] : memref<2048x16xf32, #tpu.memory_space<vmem>>[vector<16xi32>, vector<16xi32>], vector<16xf32>,
          %add3A_525 = arith.addf %gather3A_523, %gather3A_524 : vector<16xf32>
          %add3A_526 = arith.constant 8 : i32
          %add3A_527 = arith.addi %add3A_526, %scan3A_386 : i32
          %mul3A_528 = arith.constant 16 : i32
          %mul3A_529 = arith.muli %add3A_527, %mul3A_528 : i32
          %get3A_530 = arith.index_cast %mul3A_529 : i32 to index
          %get3A_531 = tpu.vector_load %arg12[%get3A_530] {strides = array<i32>} : memref<1024xf32, #tpu.memory_space<vmem>>, vector<16xf32>,
          %mul3A_532 = arith.mulf %get3A_531, %add3A_525 : vector<16xf32>
          %add3A_533 = arith.addf %add3A_519, %mul3A_532 : vector<16xf32>
          %add3A_534 = arith.constant 1280 : i32
          %add3A_535 = vector.broadcast %add3A_534 : i32 to vector<16xi32>
          %add3A_536 = arith.addi %add3A_394, %add3A_535 : vector<16xi32>
          %gather3A_537 = tpu.vector_load_idx %arg14[%add3A_536, %broadcast_in_dim3A_1] : memref<2048x16xf32, #tpu.memory_space<vmem>>[vector<16xi32>, vector<16xi32>], vector<16xf32>,
          %gather3A_538 = tpu.vector_load_idx %arg14[%add3A_536, %add3A_4] : memref<2048x16xf32, #tpu.memory_space<vmem>>[vector<16xi32>, vector<16xi32>], vector<16xf32>,
          %add3A_539 = arith.addf %gather3A_537, %gather3A_538 : vector<16xf32>
          %add3A_540 = arith.constant 16 : i32
          %add3A_541 = arith.addi %add3A_540, %scan3A_386 : i32
          %mul3A_542 = arith.constant 16 : i32
          %mul3A_543 = arith.muli %add3A_541, %mul3A_542 : i32
          %get3A_544 = arith.index_cast %mul3A_543 : i32 to index
          %get3A_545 = tpu.vector_load %arg12[%get3A_544] {strides = array<i32>} : memref<1024xf32, #tpu.memory_space<vmem>>, vector<16xf32>,
          %mul3A_546 = arith.mulf %get3A_545, %add3A_539 : vector<16xf32>
          %add3A_547 = arith.addf %add3A_533, %mul3A_546 : vector<16xf32>
          %add3A_548 = arith.constant 1408 : i32
          %add3A_549 = vector.broadcast %add3A_548 : i32 to vector<16xi32>
          %add3A_550 = arith.addi %add3A_394, %add3A_549 : vector<16xi32>
          %gather3A_551 = tpu.vector_load_idx %arg14[%add3A_550, %broadcast_in_dim3A_1] : memref<2048x16xf32, #tpu.memory_space<vmem>>[vector<16xi32>, vector<16xi32>], vector<16xf32>,
          %gather3A_552 = tpu.vector_load_idx %arg14[%add3A_550, %add3A_4] : memref<2048x16xf32, #tpu.memory_space<vmem>>[vector<16xi32>, vector<16xi32>], vector<16xf32>,
          %add3A_553 = arith.addf %gather3A_551, %gather3A_552 : vector<16xf32>
          %add3A_554 = arith.constant 24 : i32
          %add3A_555 = arith.addi %add3A_554, %scan3A_386 : i32
          %mul3A_556 = arith.constant 16 : i32
          %mul3A_557 = arith.muli %add3A_555, %mul3A_556 : i32
          %get3A_558 = arith.index_cast %mul3A_557 : i32 to index
          %get3A_559 = tpu.vector_load %arg12[%get3A_558] {strides = array<i32>} : memref<1024xf32, #tpu.memory_space<vmem>>, vector<16xf32>,
          %mul3A_560 = arith.mulf %get3A_559, %add3A_553 : vector<16xf32>
          %add3A_561 = arith.addf %add3A_547, %mul3A_560 : vector<16xf32>
          %add3A_562 = arith.constant 1536 : i32
          %add3A_563 = vector.broadcast %add3A_562 : i32 to vector<16xi32>
          %add3A_564 = arith.addi %add3A_394, %add3A_563 : vector<16xi32>
          %gather3A_565 = tpu.vector_load_idx %arg14[%add3A_564, %broadcast_in_dim3A_1] : memref<2048x16xf32, #tpu.memory_space<vmem>>[vector<16xi32>, vector<16xi32>], vector<16xf32>,
          %gather3A_566 = tpu.vector_load_idx %arg14[%add3A_564, %add3A_4] : memref<2048x16xf32, #tpu.memory_space<vmem>>[vector<16xi32>, vector<16xi32>], vector<16xf32>,
          %add3A_567 = arith.addf %gather3A_565, %gather3A_566 : vector<16xf32>
          %add3A_568 = arith.constant 32 : i32
          %add3A_569 = arith.addi %add3A_568, %scan3A_386 : i32
          %mul3A_570 = arith.constant 16 : i32
          %mul3A_571 = arith.muli %add3A_569, %mul3A_570 : i32
          %get3A_572 = arith.index_cast %mul3A_571 : i32 to index
          %get3A_573 = tpu.vector_load %arg12[%get3A_572] {strides = array<i32>} : memref<1024xf32, #tpu.memory_space<vmem>>, vector<16xf32>,
          %mul3A_574 = arith.mulf %get3A_573, %add3A_567 : vector<16xf32>
          %add3A_575 = arith.addf %add3A_561, %mul3A_574 : vector<16xf32>
          %add3A_576 = arith.constant 1664 : i32
          %add3A_577 = vector.broadcast %add3A_576 : i32 to vector<16xi32>
          %add3A_578 = arith.addi %add3A_394, %add3A_577 : vector<16xi32>
          %gather3A_579 = tpu.vector_load_idx %arg14[%add3A_578, %broadcast_in_dim3A_1] : memref<2048x16xf32, #tpu.memory_space<vmem>>[vector<16xi32>, vector<16xi32>], vector<16xf32>,
          %gather3A_580 = tpu.vector_load_idx %arg14[%add3A_578, %add3A_4] : memref<2048x16xf32, #tpu.memory_space<vmem>>[vector<16xi32>, vector<16xi32>], vector<16xf32>,
          %add3A_581 = arith.addf %gather3A_579, %gather3A_580 : vector<16xf32>
          %add3A_582 = arith.constant 40 : i32
          %add3A_583 = arith.addi %add3A_582, %scan3A_386 : i32
          %mul3A_584 = arith.constant 16 : i32
          %mul3A_585 = arith.muli %add3A_583, %mul3A_584 : i32
          %get3A_586 = arith.index_cast %mul3A_585 : i32 to index
          %get3A_587 = tpu.vector_load %arg12[%get3A_586] {strides = array<i32>} : memref<1024xf32, #tpu.memory_space<vmem>>, vector<16xf32>,
          %mul3A_588 = arith.mulf %get3A_587, %add3A_581 : vector<16xf32>
          %add3A_589 = arith.addf %add3A_575, %mul3A_588 : vector<16xf32>
          %add3A_590 = arith.constant 1792 : i32
          %add3A_591 = vector.broadcast %add3A_590 : i32 to vector<16xi32>
          %add3A_592 = arith.addi %add3A_394, %add3A_591 : vector<16xi32>
          %gather3A_593 = tpu.vector_load_idx %arg14[%add3A_592, %broadcast_in_dim3A_1] : memref<2048x16xf32, #tpu.memory_space<vmem>>[vector<16xi32>, vector<16xi32>], vector<16xf32>,
          %gather3A_594 = tpu.vector_load_idx %arg14[%add3A_592, %add3A_4] : memref<2048x16xf32, #tpu.memory_space<vmem>>[vector<16xi32>, vector<16xi32>], vector<16xf32>,
          %add3A_595 = arith.addf %gather3A_593, %gather3A_594 : vector<16xf32>
          %add3A_596 = arith.constant 48 : i32
          %add3A_597 = arith.addi %add3A_596, %scan3A_386 : i32
          %mul3A_598 = arith.constant 16 : i32
          %mul3A_599 = arith.muli %add3A_597, %mul3A_598 : i32
          %get3A_600 = arith.index_cast %mul3A_599 : i32 to index
          %get3A_601 = tpu.vector_load %arg12[%get3A_600] {strides = array<i32>} : memref<1024xf32, #tpu.memory_space<vmem>>, vector<16xf32>,
          %mul3A_602 = arith.mulf %get3A_601, %add3A_595 : vector<16xf32>
          %add3A_603 = arith.addf %add3A_589, %mul3A_602 : vector<16xf32>
          %add3A_604 = arith.constant 1920 : i32
          %add3A_605 = vector.broadcast %add3A_604 : i32 to vector<16xi32>
          %add3A_606 = arith.addi %add3A_394, %add3A_605 : vector<16xi32>
          %gather3A_607 = tpu.vector_load_idx %arg14[%add3A_606, %broadcast_in_dim3A_1] : memref<2048x16xf32, #tpu.memory_space<vmem>>[vector<16xi32>, vector<16xi32>], vector<16xf32>,
          %gather3A_608 = tpu.vector_load_idx %arg14[%add3A_606, %add3A_4] : memref<2048x16xf32, #tpu.memory_space<vmem>>[vector<16xi32>, vector<16xi32>], vector<16xf32>,
          %add3A_609 = arith.addf %gather3A_607, %gather3A_608 : vector<16xf32>
          %add3A_610 = arith.constant 56 : i32
          %add3A_611 = arith.addi %add3A_610, %scan3A_386 : i32
          %mul3A_612 = arith.constant 16 : i32
          %mul3A_613 = arith.muli %add3A_611, %mul3A_612 : i32
          %get3A_614 = arith.index_cast %mul3A_613 : i32 to index
          %get3A_615 = tpu.vector_load %arg12[%get3A_614] {strides = array<i32>} : memref<1024xf32, #tpu.memory_space<vmem>>, vector<16xf32>,
          %mul3A_616 = arith.mulf %get3A_615, %add3A_609 : vector<16xf32>
          %add3A_617 = arith.addf %add3A_603, %mul3A_616 : vector<16xf32>
          %mul3A_618 = arith.constant 16 : i32
          %mul3A_619 = arith.muli %scan3A_386, %mul3A_618 : i32
          %get3A_620 = arith.index_cast %mul3A_619 : i32 to index
          %get3A_621 = tpu.vector_load %arg11[%get3A_620] {strides = array<i32>} : memref<128xf32, #tpu.memory_space<vmem>>, vector<16xf32>,
          %sub3A = arith.subf %add3A_617, %add3A_505 : vector<16xf32>
          %mul3A_622 = arith.mulf %get3A_621, %sub3A : vector<16xf32>
          %add3A_623 = arith.addf %add3A_505, %mul3A_622 : vector<16xf32>
          %mul3A_624 = arith.constant 16 : i32
          %mul3A_625 = arith.muli %scan3A_386, %mul3A_624 : i32
          %add3A_626 = vector.broadcast %mul3A_625 : i32 to vector<16xi32>
          %add3A_627 = arith.addi %add3A_626, %iota3A : vector<16xi32>
          %add3A_628 = vector.broadcast %add3A_32 : i32 to vector<16xi32>
          %add3A_629 = arith.addi %broadcast_in_dim3A_1, %add3A_628 : vector<16xi32>
          tpu.vector_store_idx %arg15[%add3A_627, %add3A_629], %add3A_623 : memref<128x12xf32, #tpu.memory_space<vmem>>[vector<16xi32>, vector<16xi32>], vector<16xf32>,
          tpu.vector_store_idx %arg16[%add3A_627, %add3A_629], %add3A_505 : memref<128x24xf32, #tpu.memory_space<vmem>>[vector<16xi32>, vector<16xi32>], vector<16xf32>,
          %add3A_630 = arith.constant 12 : i32
          %add3A_631 = vector.broadcast %add3A_630 : i32 to vector<16xi32>
          %add3A_632 = arith.addi %add3A_629, %add3A_631 : vector<16xi32>
          tpu.vector_store_idx %arg16[%add3A_627, %add3A_632], %add3A_617 : memref<128x24xf32, #tpu.memory_space<vmem>>[vector<16xi32>, vector<16xi32>], vector<16xf32>,
        }
        %scan3A_385 = arith.constant 8 : i32
      }
      %scan3A_24 = arith.constant 4 : i32
      %scan3A_25 = arith.constant 0 : i32
      %scan3A_26 = arith.constant 3 : i32
      %scan3A_27 = arith.addi %scan3A_25, %scan3A_26 : i32
      %scan3A_28 = arith.constant 1 : i32
      scf.for %scan3A_30 = %scan3A_25 to %scan3A_27 step %scan3A_28  : i32 {
        %add3A_31 = arith.constant 9 : i32
        %add3A_32 = arith.addi %scan3A_30, %add3A_31 : i32
        %mul3A_33 = arith.constant 96 : i32
        %mul3A_34 = arith.muli %add3A_32, %mul3A_33 : i32
        %add3A_35 = arith.constant 0 : i32
        %add3A_36 = arith.addi %mul3A_34, %add3A_35 : i32
        %get3A = arith.index_cast %add3A_36 : i32 to index
        %get3A_37 = tpu.vector_load %arg8[%get3A] {strides = array<i32>} : memref<1152xi32, #tpu.memory_space<vmem>>, vector<16xi32>,
        %add3A_38 = arith.constant 16 : i32
        %add3A_39 = arith.addi %mul3A_34, %add3A_38 : i32
        %get3A_40 = arith.index_cast %add3A_39 : i32 to index
        %get3A_41 = tpu.vector_load %arg8[%get3A_40] {strides = array<i32>} : memref<1152xi32, #tpu.memory_space<vmem>>, vector<16xi32>,
        %add3A_42 = arith.constant 32 : i32
        %add3A_43 = arith.addi %mul3A_34, %add3A_42 : i32
        %get3A_44 = arith.index_cast %add3A_43 : i32 to index
        %get3A_45 = tpu.vector_load %arg8[%get3A_44] {strides = array<i32>} : memref<1152xi32, #tpu.memory_space<vmem>>, vector<16xi32>,
        %add3A_46 = arith.constant 48 : i32
        %add3A_47 = arith.addi %mul3A_34, %add3A_46 : i32
        %get3A_48 = arith.index_cast %add3A_47 : i32 to index
        %get3A_49 = tpu.vector_load %arg8[%get3A_48] {strides = array<i32>} : memref<1152xi32, #tpu.memory_space<vmem>>, vector<16xi32>,
        %add3A_50 = arith.constant 64 : i32
        %add3A_51 = arith.addi %mul3A_34, %add3A_50 : i32
        %get3A_52 = arith.index_cast %add3A_51 : i32 to index
        %get3A_53 = tpu.vector_load %arg8[%get3A_52] {strides = array<i32>} : memref<1152xi32, #tpu.memory_space<vmem>>, vector<16xi32>,
        %add3A_54 = arith.constant 80 : i32
        %add3A_55 = arith.addi %mul3A_34, %add3A_54 : i32
        %get3A_56 = arith.index_cast %add3A_55 : i32 to index
        %get3A_57 = tpu.vector_load %arg8[%get3A_56] {strides = array<i32>} : memref<1152xi32, #tpu.memory_space<vmem>>, vector<16xi32>,
        %scan3A_58 = arith.constant 0 : i32
        %scan3A_59 = arith.constant 8 : i32
        %scan3A_60 = arith.addi %scan3A_58, %scan3A_59 : i32
        %scan3A_61 = arith.constant 1 : i32
        scf.for %scan3A_386 = %scan3A_58 to %scan3A_60 step %scan3A_61  : i32 {
          %mul3A_387 = arith.constant 4 : i32
          %mul3A_388 = arith.muli %add3A_32, %mul3A_387 : i32
          %add3A_389 = arith.constant 0 : i32
          %add3A_390 = arith.addi %mul3A_388, %add3A_389 : i32
          %mul3A_391 = arith.constant 16 : i32
          %mul3A_392 = arith.muli %scan3A_386, %mul3A_391 : i32
          %get3A_393 = arith.index_cast %add3A_390 : i32 to index
          %get3A_394 = arith.index_cast %mul3A_392 : i32 to index
          %get3A_395 = tpu.vector_load %arg10[%get3A_393, %get3A_394] {strides = array<i32>} : memref<48x128xf32, #tpu.memory_space<vmem>>, vector<16xf32>,
          %mul3A_396 = arith.constant 4 : i32
          %mul3A_397 = arith.muli %add3A_32, %mul3A_396 : i32
          %add3A_398 = arith.constant 1 : i32
          %add3A_399 = arith.addi %mul3A_397, %add3A_398 : i32
          %mul3A_400 = arith.constant 16 : i32
          %mul3A_401 = arith.muli %scan3A_386, %mul3A_400 : i32
          %get3A_402 = arith.index_cast %add3A_399 : i32 to index
          %get3A_403 = arith.index_cast %mul3A_401 : i32 to index
          %get3A_404 = tpu.vector_load %arg10[%get3A_402, %get3A_403] {strides = array<i32>} : memref<48x128xf32, #tpu.memory_space<vmem>>, vector<16xf32>,
          %mul3A_405 = arith.constant 4 : i32
          %mul3A_406 = arith.muli %add3A_32, %mul3A_405 : i32
          %add3A_407 = arith.constant 2 : i32
          %add3A_408 = arith.addi %mul3A_406, %add3A_407 : i32
          %mul3A_409 = arith.constant 16 : i32
          %mul3A_410 = arith.muli %scan3A_386, %mul3A_409 : i32
          %get3A_411 = arith.index_cast %add3A_408 : i32 to index
          %get3A_412 = arith.index_cast %mul3A_410 : i32 to index
          %get3A_413 = tpu.vector_load %arg10[%get3A_411, %get3A_412] {strides = array<i32>} : memref<48x128xf32, #tpu.memory_space<vmem>>, vector<16xf32>,
          %mul3A_414 = arith.constant 4 : i32
          %mul3A_415 = arith.muli %add3A_32, %mul3A_414 : i32
          %add3A_416 = arith.constant 3 : i32
          %add3A_417 = arith.addi %mul3A_415, %add3A_416 : i32
          %mul3A_418 = arith.constant 16 : i32
          %mul3A_419 = arith.muli %scan3A_386, %mul3A_418 : i32
          %get3A_420 = arith.index_cast %add3A_417 : i32 to index
          %get3A_421 = arith.index_cast %mul3A_419 : i32 to index
          %get3A_422 = tpu.vector_load %arg10[%get3A_420, %get3A_421] {strides = array<i32>} : memref<48x128xf32, #tpu.memory_space<vmem>>, vector<16xf32>,
          %convert_element_type3A = arith.fptosi %get3A_395 : vector<16xf32> to vector<16xi32>
          %convert_element_type3A_423 = arith.fptosi %get3A_404 : vector<16xf32> to vector<16xi32>
          %convert_element_type3A_424 = arith.fptosi %get3A_413 : vector<16xf32> to vector<16xi32>
          %convert_element_type3A_425 = arith.fptosi %get3A_422 : vector<16xf32> to vector<16xi32>
          %add3A_426 = arith.constant 1.000000e+00 : f32
          %add3A_427 = vector.broadcast %add3A_426 : f32 to vector<16xf32>
          %add3A_428 = arith.addf %get3A_395, %add3A_427 : vector<16xf32>
          %convert_element_type3A_429 = arith.fptosi %add3A_428 : vector<16xf32> to vector<16xi32>
          %add3A_430 = arith.constant 1.000000e+00 : f32
          %add3A_431 = vector.broadcast %add3A_430 : f32 to vector<16xf32>
          %add3A_432 = arith.addf %get3A_404, %add3A_431 : vector<16xf32>
          %convert_element_type3A_433 = arith.fptosi %add3A_432 : vector<16xf32> to vector<16xi32>
          %add3A_434 = arith.constant 1.000000e+00 : f32
          %add3A_435 = vector.broadcast %add3A_434 : f32 to vector<16xf32>
          %add3A_436 = arith.addf %get3A_413, %add3A_435 : vector<16xf32>
          %convert_element_type3A_437 = arith.fptosi %add3A_436 : vector<16xf32> to vector<16xi32>
          %add3A_438 = arith.constant 1.000000e+00 : f32
          %add3A_439 = vector.broadcast %add3A_438 : f32 to vector<16xf32>
          %add3A_440 = arith.addf %get3A_422, %add3A_439 : vector<16xf32>
          %convert_element_type3A_441 = arith.fptosi %add3A_440 : vector<16xf32> to vector<16xi32>
          %max3A = arith.constant 0 : i32
          %max3A_442 = vector.broadcast %max3A : i32 to vector<16xi32>
          %max3A_443 = arith.maxsi %convert_element_type3A, %max3A_442 : vector<16xi32>
          %min3A = arith.minsi %max3A_443, %get3A_37 : vector<16xi32>
          %max3A_444 = arith.constant 0 : i32
          %max3A_445 = vector.broadcast %max3A_444 : i32 to vector<16xi32>
          %max3A_446 = arith.maxsi %convert_element_type3A_423, %max3A_445 : vector<16xi32>
          %min3A_447 = arith.minsi %max3A_446, %get3A_37 : vector<16xi32>
          %max3A_448 = arith.constant 0 : i32
          %max3A_449 = vector.broadcast %max3A_448 : i32 to vector<16xi32>
          %max3A_450 = arith.maxsi %convert_element_type3A_424, %max3A_449 : vector<16xi32>
          %min3A_451 = arith.minsi %max3A_450, %get3A_37 : vector<16xi32>
          %max3A_452 = arith.constant 0 : i32
          %max3A_453 = vector.broadcast %max3A_452 : i32 to vector<16xi32>
          %max3A_454 = arith.maxsi %convert_element_type3A_425, %max3A_453 : vector<16xi32>
          %min3A_455 = arith.minsi %max3A_454, %get3A_37 : vector<16xi32>
          %max3A_456 = arith.constant 0 : i32
          %max3A_457 = vector.broadcast %max3A_456 : i32 to vector<16xi32>
          %max3A_458 = arith.maxsi %convert_element_type3A_429, %max3A_457 : vector<16xi32>
          %min3A_459 = arith.minsi %max3A_458, %get3A_37 : vector<16xi32>
          %max3A_460 = arith.constant 0 : i32
          %max3A_461 = vector.broadcast %max3A_460 : i32 to vector<16xi32>
          %max3A_462 = arith.maxsi %convert_element_type3A_433, %max3A_461 : vector<16xi32>
          %min3A_463 = arith.minsi %max3A_462, %get3A_37 : vector<16xi32>
          %max3A_464 = arith.constant 0 : i32
          %max3A_465 = vector.broadcast %max3A_464 : i32 to vector<16xi32>
          %max3A_466 = arith.maxsi %convert_element_type3A_437, %max3A_465 : vector<16xi32>
          %min3A_467 = arith.minsi %max3A_466, %get3A_37 : vector<16xi32>
          %max3A_468 = arith.constant 0 : i32
          %max3A_469 = vector.broadcast %max3A_468 : i32 to vector<16xi32>
          %max3A_470 = arith.maxsi %convert_element_type3A_441, %max3A_469 : vector<16xi32>
          %min3A_471 = arith.minsi %max3A_470, %get3A_37 : vector<16xi32>
          %convert_element_type3A_472 = arith.sitofp %min3A : vector<16xi32> to vector<16xf32>
          %sub3A = arith.subf %get3A_395, %convert_element_type3A_472 : vector<16xf32>
          %convert_element_type3A_473 = arith.sitofp %min3A_447 : vector<16xi32> to vector<16xf32>
          %sub3A_474 = arith.subf %get3A_404, %convert_element_type3A_473 : vector<16xf32>
          %convert_element_type3A_475 = arith.sitofp %min3A_451 : vector<16xi32> to vector<16xf32>
          %sub3A_476 = arith.subf %get3A_413, %convert_element_type3A_475 : vector<16xf32>
          %convert_element_type3A_477 = arith.sitofp %min3A_455 : vector<16xi32> to vector<16xf32>
          %sub3A_478 = arith.subf %get3A_422, %convert_element_type3A_477 : vector<16xf32>
          %sub3A_479 = arith.constant 1.000000e+00 : f32
          %sub3A_480 = vector.broadcast %sub3A_479 : f32 to vector<16xf32>
          %sub3A_481 = arith.subf %sub3A_480, %sub3A : vector<16xf32>
          %sub3A_482 = arith.constant 1.000000e+00 : f32
          %sub3A_483 = vector.broadcast %sub3A_482 : f32 to vector<16xf32>
          %sub3A_484 = arith.subf %sub3A_483, %sub3A_474 : vector<16xf32>
          %sub3A_485 = arith.constant 1.000000e+00 : f32
          %sub3A_486 = vector.broadcast %sub3A_485 : f32 to vector<16xf32>
          %sub3A_487 = arith.subf %sub3A_486, %sub3A_476 : vector<16xf32>
          %mul3A_488 = arith.mulf %sub3A_481, %sub3A_484 : vector<16xf32>
          %mul3A_489 = arith.mulf %sub3A, %sub3A_484 : vector<16xf32>
          %mul3A_490 = arith.mulf %sub3A_481, %sub3A_474 : vector<16xf32>
          %mul3A_491 = arith.mulf %sub3A, %sub3A_474 : vector<16xf32>
          %mul3A_492 = arith.mulf %mul3A_488, %sub3A_487 : vector<16xf32>
          %mul3A_493 = arith.mulf %mul3A_489, %sub3A_487 : vector<16xf32>
          %mul3A_494 = arith.mulf %mul3A_490, %sub3A_487 : vector<16xf32>
          %mul3A_495 = arith.mulf %mul3A_491, %sub3A_487 : vector<16xf32>
          %mul3A_496 = arith.mulf %mul3A_488, %sub3A_476 : vector<16xf32>
          %mul3A_497 = arith.mulf %mul3A_489, %sub3A_476 : vector<16xf32>
          %mul3A_498 = arith.mulf %mul3A_490, %sub3A_476 : vector<16xf32>
          %mul3A_499 = arith.mulf %mul3A_491, %sub3A_476 : vector<16xf32>
          %add3A_500 = arith.constant 0 : i32
          %add3A_501 = arith.addi %add3A_500, %scan3A_386 : i32
          %mul3A_502 = arith.constant 16 : i32
          %mul3A_503 = arith.muli %add3A_501, %mul3A_502 : i32
          %swap3A = arith.index_cast %mul3A_503 : i32 to index
          %swap3A_504 = tpu.vector_load %arg12[%swap3A] {strides = array<i32>} : memref<1024xf32, #tpu.memory_space<vmem>>, vector<16xf32>,
          tpu.vector_store %arg12[%swap3A], %mul3A_492 {strides = array<i32>} : memref<1024xf32, #tpu.memory_space<vmem>>, vector<16xf32>,
          %add3A_505 = arith.constant 8 : i32
          %add3A_506 = arith.addi %add3A_505, %scan3A_386 : i32
          %mul3A_507 = arith.constant 16 : i32
          %mul3A_508 = arith.muli %add3A_506, %mul3A_507 : i32
          %swap3A_509 = arith.index_cast %mul3A_508 : i32 to index
          %swap3A_510 = tpu.vector_load %arg12[%swap3A_509] {strides = array<i32>} : memref<1024xf32, #tpu.memory_space<vmem>>, vector<16xf32>,
          tpu.vector_store %arg12[%swap3A_509], %mul3A_493 {strides = array<i32>} : memref<1024xf32, #tpu.memory_space<vmem>>, vector<16xf32>,
          %add3A_511 = arith.constant 16 : i32
          %add3A_512 = arith.addi %add3A_511, %scan3A_386 : i32
          %mul3A_513 = arith.constant 16 : i32
          %mul3A_514 = arith.muli %add3A_512, %mul3A_513 : i32
          %swap3A_515 = arith.index_cast %mul3A_514 : i32 to index
          %swap3A_516 = tpu.vector_load %arg12[%swap3A_515] {strides = array<i32>} : memref<1024xf32, #tpu.memory_space<vmem>>, vector<16xf32>,
          tpu.vector_store %arg12[%swap3A_515], %mul3A_494 {strides = array<i32>} : memref<1024xf32, #tpu.memory_space<vmem>>, vector<16xf32>,
          %add3A_517 = arith.constant 24 : i32
          %add3A_518 = arith.addi %add3A_517, %scan3A_386 : i32
          %mul3A_519 = arith.constant 16 : i32
          %mul3A_520 = arith.muli %add3A_518, %mul3A_519 : i32
          %swap3A_521 = arith.index_cast %mul3A_520 : i32 to index
          %swap3A_522 = tpu.vector_load %arg12[%swap3A_521] {strides = array<i32>} : memref<1024xf32, #tpu.memory_space<vmem>>, vector<16xf32>,
          tpu.vector_store %arg12[%swap3A_521], %mul3A_495 {strides = array<i32>} : memref<1024xf32, #tpu.memory_space<vmem>>, vector<16xf32>,
          %add3A_523 = arith.constant 32 : i32
          %add3A_524 = arith.addi %add3A_523, %scan3A_386 : i32
          %mul3A_525 = arith.constant 16 : i32
          %mul3A_526 = arith.muli %add3A_524, %mul3A_525 : i32
          %swap3A_527 = arith.index_cast %mul3A_526 : i32 to index
          %swap3A_528 = tpu.vector_load %arg12[%swap3A_527] {strides = array<i32>} : memref<1024xf32, #tpu.memory_space<vmem>>, vector<16xf32>,
          tpu.vector_store %arg12[%swap3A_527], %mul3A_496 {strides = array<i32>} : memref<1024xf32, #tpu.memory_space<vmem>>, vector<16xf32>,
          %add3A_529 = arith.constant 40 : i32
          %add3A_530 = arith.addi %add3A_529, %scan3A_386 : i32
          %mul3A_531 = arith.constant 16 : i32
          %mul3A_532 = arith.muli %add3A_530, %mul3A_531 : i32
          %swap3A_533 = arith.index_cast %mul3A_532 : i32 to index
          %swap3A_534 = tpu.vector_load %arg12[%swap3A_533] {strides = array<i32>} : memref<1024xf32, #tpu.memory_space<vmem>>, vector<16xf32>,
          tpu.vector_store %arg12[%swap3A_533], %mul3A_497 {strides = array<i32>} : memref<1024xf32, #tpu.memory_space<vmem>>, vector<16xf32>,
          %add3A_535 = arith.constant 48 : i32
          %add3A_536 = arith.addi %add3A_535, %scan3A_386 : i32
          %mul3A_537 = arith.constant 16 : i32
          %mul3A_538 = arith.muli %add3A_536, %mul3A_537 : i32
          %swap3A_539 = arith.index_cast %mul3A_538 : i32 to index
          %swap3A_540 = tpu.vector_load %arg12[%swap3A_539] {strides = array<i32>} : memref<1024xf32, #tpu.memory_space<vmem>>, vector<16xf32>,
          tpu.vector_store %arg12[%swap3A_539], %mul3A_498 {strides = array<i32>} : memref<1024xf32, #tpu.memory_space<vmem>>, vector<16xf32>,
          %add3A_541 = arith.constant 56 : i32
          %add3A_542 = arith.addi %add3A_541, %scan3A_386 : i32
          %mul3A_543 = arith.constant 16 : i32
          %mul3A_544 = arith.muli %add3A_542, %mul3A_543 : i32
          %swap3A_545 = arith.index_cast %mul3A_544 : i32 to index
          %swap3A_546 = tpu.vector_load %arg12[%swap3A_545] {strides = array<i32>} : memref<1024xf32, #tpu.memory_space<vmem>>, vector<16xf32>,
          tpu.vector_store %arg12[%swap3A_545], %mul3A_499 {strides = array<i32>} : memref<1024xf32, #tpu.memory_space<vmem>>, vector<16xf32>,
          %mul3A_547 = arith.constant 16 : i32
          %mul3A_548 = arith.muli %scan3A_386, %mul3A_547 : i32
          %swap3A_549 = arith.index_cast %mul3A_548 : i32 to index
          %swap3A_550 = tpu.vector_load %arg11[%swap3A_549] {strides = array<i32>} : memref<128xf32, #tpu.memory_space<vmem>>, vector<16xf32>,
          tpu.vector_store %arg11[%swap3A_549], %sub3A_478 {strides = array<i32>} : memref<128xf32, #tpu.memory_space<vmem>>, vector<16xf32>,
          %mul3A_551 = arith.constant 19349663 : i32
          %mul3A_552 = vector.broadcast %mul3A_551 : i32 to vector<16xi32>
          %mul3A_553 = arith.muli %min3A_447, %mul3A_552 : vector<16xi32>
          %mul3A_554 = arith.constant 19349663 : i32
          %mul3A_555 = vector.broadcast %mul3A_554 : i32 to vector<16xi32>
          %mul3A_556 = arith.muli %min3A_463, %mul3A_555 : vector<16xi32>
          %mul3A_557 = arith.constant 51471207 : i32
          %mul3A_558 = vector.broadcast %mul3A_557 : i32 to vector<16xi32>
          %mul3A_559 = arith.muli %min3A_451, %mul3A_558 : vector<16xi32>
          %mul3A_560 = arith.constant 51471207 : i32
          %mul3A_561 = vector.broadcast %mul3A_560 : i32 to vector<16xi32>
          %mul3A_562 = arith.muli %min3A_467, %mul3A_561 : vector<16xi32>
          %mul3A_563 = arith.constant 83492791 : i32
          %mul3A_564 = vector.broadcast %mul3A_563 : i32 to vector<16xi32>
          %mul3A_565 = arith.muli %min3A_455, %mul3A_564 : vector<16xi32>
          %mul3A_566 = arith.constant 83492791 : i32
          %mul3A_567 = vector.broadcast %mul3A_566 : i32 to vector<16xi32>
          %mul3A_568 = arith.muli %min3A_471, %mul3A_567 : vector<16xi32>
          %xor3A = arith.xori %min3A, %mul3A_553 : vector<16xi32>
          %xor3A_569 = arith.xori %min3A_459, %mul3A_553 : vector<16xi32>
          %xor3A_570 = arith.xori %min3A, %mul3A_556 : vector<16xi32>
          %xor3A_571 = arith.xori %min3A_459, %mul3A_556 : vector<16xi32>
          %xor3A_572 = arith.xori %xor3A, %mul3A_559 : vector<16xi32>
          %xor3A_573 = arith.xori %xor3A_569, %mul3A_559 : vector<16xi32>
          %xor3A_574 = arith.xori %xor3A_570, %mul3A_559 : vector<16xi32>
          %xor3A_575 = arith.xori %xor3A_571, %mul3A_559 : vector<16xi32>
          %xor3A_576 = arith.xori %xor3A, %mul3A_562 : vector<16xi32>
          %xor3A_577 = arith.xori %xor3A_569, %mul3A_562 : vector<16xi32>
          %xor3A_578 = arith.xori %xor3A_570, %mul3A_562 : vector<16xi32>
          %xor3A_579 = arith.xori %xor3A_571, %mul3A_562 : vector<16xi32>
          %ge3A = arith.cmpi sge, %min3A_455, %get3A_57 : vector<16xi32>
          %ge3A_580 = arith.cmpi sge, %min3A_471, %get3A_57 : vector<16xi32>
          %xor3A_581 = arith.xori %xor3A_572, %mul3A_565 : vector<16xi32>
          %convert_element_type3A_582 = arith.sitofp %xor3A_581 : vector<16xi32> to vector<16xf32>
          %lt3A = arith.constant 0 : i32
          %lt3A_583 = vector.broadcast %lt3A : i32 to vector<16xi32>
          %lt3A_584 = arith.cmpi slt, %xor3A_581, %lt3A_583 : vector<16xi32>
          %jit3A = arith.constant 4.2949673E+9 : f32
          %jit3A_585 = arith.constant 0.000000e+00 : f32
          %broadcast_in_dim3A_586 = vector.broadcast %jit3A : f32 to vector<16xf32>
          %broadcast_in_dim3A_587 = vector.broadcast %jit3A_585 : f32 to vector<16xf32>
          %select_n3A = arith.select %lt3A_584, %broadcast_in_dim3A_586, %broadcast_in_dim3A_587 : vector<16xi1>, vector<16xf32>
          %add3A_588 = arith.addf %convert_element_type3A_582, %select_n3A : vector<16xf32>
          %jit3A_589 = arith.constant 4.2949673E+9 : f32
          %jit3A_590 = arith.constant 0.000000e+00 : f32
          %broadcast_in_dim3A_591 = vector.broadcast %jit3A_589 : f32 to vector<16xf32>
          %broadcast_in_dim3A_592 = vector.broadcast %jit3A_590 : f32 to vector<16xf32>
          %select_n3A_593 = arith.select %ge3A, %broadcast_in_dim3A_591, %broadcast_in_dim3A_592 : vector<16xi1>, vector<16xf32>
          %add3A_594 = arith.addf %add3A_588, %select_n3A_593 : vector<16xf32>
          %mul3A_595 = arith.constant 1.90727224E-6 : f32
          %mul3A_596 = vector.broadcast %mul3A_595 : f32 to vector<16xf32>
          %mul3A_597 = arith.mulf %add3A_594, %mul3A_596 : vector<16xf32>
          %convert_element_type3A_598 = arith.fptosi %mul3A_597 : vector<16xf32> to vector<16xi32>
          %mul3A_599 = arith.constant 524309 : i32
          %mul3A_600 = vector.broadcast %mul3A_599 : i32 to vector<16xi32>
          %mul3A_601 = arith.muli %convert_element_type3A_598, %mul3A_600 : vector<16xi32>
          %sub3A_602 = arith.subi %xor3A_581, %mul3A_601 : vector<16xi32>
          %lt3A_603 = arith.constant 0 : i32
          %lt3A_604 = vector.broadcast %lt3A_603 : i32 to vector<16xi32>
          %lt3A_605 = arith.cmpi slt, %sub3A_602, %lt3A_604 : vector<16xi32>
          %add3A_606 = arith.constant 524309 : i32
          %add3A_607 = vector.broadcast %add3A_606 : i32 to vector<16xi32>
          %add3A_608 = arith.addi %sub3A_602, %add3A_607 : vector<16xi32>
          %select_n3A_609 = arith.select %lt3A_605, %add3A_608, %sub3A_602 : vector<16xi1>, vector<16xi32>
          %lt3A_610 = arith.constant 0 : i32
          %lt3A_611 = vector.broadcast %lt3A_610 : i32 to vector<16xi32>
          %lt3A_612 = arith.cmpi slt, %select_n3A_609, %lt3A_611 : vector<16xi32>
          %add3A_613 = arith.constant 524309 : i32
          %add3A_614 = vector.broadcast %add3A_613 : i32 to vector<16xi32>
          %add3A_615 = arith.addi %select_n3A_609, %add3A_614 : vector<16xi32>
          %select_n3A_616 = arith.select %lt3A_612, %add3A_615, %select_n3A_609 : vector<16xi1>, vector<16xi32>
          %ge3A_617 = arith.constant 524309 : i32
          %ge3A_618 = vector.broadcast %ge3A_617 : i32 to vector<16xi32>
          %ge3A_619 = arith.cmpi sge, %select_n3A_616, %ge3A_618 : vector<16xi32>
          %sub3A_620 = arith.constant 524309 : i32
          %sub3A_621 = vector.broadcast %sub3A_620 : i32 to vector<16xi32>
          %sub3A_622 = arith.subi %select_n3A_616, %sub3A_621 : vector<16xi32>
          %select_n3A_623 = arith.select %ge3A_619, %sub3A_622, %select_n3A_616 : vector<16xi1>, vector<16xi32>
          %ge3A_624 = arith.constant 524309 : i32
          %ge3A_625 = vector.broadcast %ge3A_624 : i32 to vector<16xi32>
          %ge3A_626 = arith.cmpi sge, %select_n3A_623, %ge3A_625 : vector<16xi32>
          %sub3A_627 = arith.constant 524309 : i32
          %sub3A_628 = vector.broadcast %sub3A_627 : i32 to vector<16xi32>
          %sub3A_629 = arith.subi %select_n3A_623, %sub3A_628 : vector<16xi32>
          %select_n3A_630 = arith.select %ge3A_626, %sub3A_629, %select_n3A_623 : vector<16xi1>, vector<16xi32>
          %add3A_631 = arith.addi %select_n3A_630, %get3A_53 : vector<16xi32>
          %xor3A_632 = arith.xori %xor3A_573, %mul3A_565 : vector<16xi32>
          %convert_element_type3A_633 = arith.sitofp %xor3A_632 : vector<16xi32> to vector<16xf32>
          %lt3A_634 = arith.constant 0 : i32
          %lt3A_635 = vector.broadcast %lt3A_634 : i32 to vector<16xi32>
          %lt3A_636 = arith.cmpi slt, %xor3A_632, %lt3A_635 : vector<16xi32>
          %jit3A_637 = arith.constant 4.2949673E+9 : f32
          %jit3A_638 = arith.constant 0.000000e+00 : f32
          %broadcast_in_dim3A_639 = vector.broadcast %jit3A_637 : f32 to vector<16xf32>
          %broadcast_in_dim3A_640 = vector.broadcast %jit3A_638 : f32 to vector<16xf32>
          %select_n3A_641 = arith.select %lt3A_636, %broadcast_in_dim3A_639, %broadcast_in_dim3A_640 : vector<16xi1>, vector<16xf32>
          %add3A_642 = arith.addf %convert_element_type3A_633, %select_n3A_641 : vector<16xf32>
          %jit3A_643 = arith.constant 4.2949673E+9 : f32
          %jit3A_644 = arith.constant 0.000000e+00 : f32
          %broadcast_in_dim3A_645 = vector.broadcast %jit3A_643 : f32 to vector<16xf32>
          %broadcast_in_dim3A_646 = vector.broadcast %jit3A_644 : f32 to vector<16xf32>
          %select_n3A_647 = arith.select %ge3A, %broadcast_in_dim3A_645, %broadcast_in_dim3A_646 : vector<16xi1>, vector<16xf32>
          %add3A_648 = arith.addf %add3A_642, %select_n3A_647 : vector<16xf32>
          %mul3A_649 = arith.constant 1.90727224E-6 : f32
          %mul3A_650 = vector.broadcast %mul3A_649 : f32 to vector<16xf32>
          %mul3A_651 = arith.mulf %add3A_648, %mul3A_650 : vector<16xf32>
          %convert_element_type3A_652 = arith.fptosi %mul3A_651 : vector<16xf32> to vector<16xi32>
          %mul3A_653 = arith.constant 524309 : i32
          %mul3A_654 = vector.broadcast %mul3A_653 : i32 to vector<16xi32>
          %mul3A_655 = arith.muli %convert_element_type3A_652, %mul3A_654 : vector<16xi32>
          %sub3A_656 = arith.subi %xor3A_632, %mul3A_655 : vector<16xi32>
          %lt3A_657 = arith.constant 0 : i32
          %lt3A_658 = vector.broadcast %lt3A_657 : i32 to vector<16xi32>
          %lt3A_659 = arith.cmpi slt, %sub3A_656, %lt3A_658 : vector<16xi32>
          %add3A_660 = arith.constant 524309 : i32
          %add3A_661 = vector.broadcast %add3A_660 : i32 to vector<16xi32>
          %add3A_662 = arith.addi %sub3A_656, %add3A_661 : vector<16xi32>
          %select_n3A_663 = arith.select %lt3A_659, %add3A_662, %sub3A_656 : vector<16xi1>, vector<16xi32>
          %lt3A_664 = arith.constant 0 : i32
          %lt3A_665 = vector.broadcast %lt3A_664 : i32 to vector<16xi32>
          %lt3A_666 = arith.cmpi slt, %select_n3A_663, %lt3A_665 : vector<16xi32>
          %add3A_667 = arith.constant 524309 : i32
          %add3A_668 = vector.broadcast %add3A_667 : i32 to vector<16xi32>
          %add3A_669 = arith.addi %select_n3A_663, %add3A_668 : vector<16xi32>
          %select_n3A_670 = arith.select %lt3A_666, %add3A_669, %select_n3A_663 : vector<16xi1>, vector<16xi32>
          %ge3A_671 = arith.constant 524309 : i32
          %ge3A_672 = vector.broadcast %ge3A_671 : i32 to vector<16xi32>
          %ge3A_673 = arith.cmpi sge, %select_n3A_670, %ge3A_672 : vector<16xi32>
          %sub3A_674 = arith.constant 524309 : i32
          %sub3A_675 = vector.broadcast %sub3A_674 : i32 to vector<16xi32>
          %sub3A_676 = arith.subi %select_n3A_670, %sub3A_675 : vector<16xi32>
          %select_n3A_677 = arith.select %ge3A_673, %sub3A_676, %select_n3A_670 : vector<16xi1>, vector<16xi32>
          %ge3A_678 = arith.constant 524309 : i32
          %ge3A_679 = vector.broadcast %ge3A_678 : i32 to vector<16xi32>
          %ge3A_680 = arith.cmpi sge, %select_n3A_677, %ge3A_679 : vector<16xi32>
          %sub3A_681 = arith.constant 524309 : i32
          %sub3A_682 = vector.broadcast %sub3A_681 : i32 to vector<16xi32>
          %sub3A_683 = arith.subi %select_n3A_677, %sub3A_682 : vector<16xi32>
          %select_n3A_684 = arith.select %ge3A_680, %sub3A_683, %select_n3A_677 : vector<16xi1>, vector<16xi32>
          %add3A_685 = arith.addi %select_n3A_684, %get3A_53 : vector<16xi32>
          %xor3A_686 = arith.xori %xor3A_574, %mul3A_565 : vector<16xi32>
          %convert_element_type3A_687 = arith.sitofp %xor3A_686 : vector<16xi32> to vector<16xf32>
          %lt3A_688 = arith.constant 0 : i32
          %lt3A_689 = vector.broadcast %lt3A_688 : i32 to vector<16xi32>
          %lt3A_690 = arith.cmpi slt, %xor3A_686, %lt3A_689 : vector<16xi32>
          %jit3A_691 = arith.constant 4.2949673E+9 : f32
          %jit3A_692 = arith.constant 0.000000e+00 : f32
          %broadcast_in_dim3A_693 = vector.broadcast %jit3A_691 : f32 to vector<16xf32>
          %broadcast_in_dim3A_694 = vector.broadcast %jit3A_692 : f32 to vector<16xf32>
          %select_n3A_695 = arith.select %lt3A_690, %broadcast_in_dim3A_693, %broadcast_in_dim3A_694 : vector<16xi1>, vector<16xf32>
          %add3A_696 = arith.addf %convert_element_type3A_687, %select_n3A_695 : vector<16xf32>
          %jit3A_697 = arith.constant 4.2949673E+9 : f32
          %jit3A_698 = arith.constant 0.000000e+00 : f32
          %broadcast_in_dim3A_699 = vector.broadcast %jit3A_697 : f32 to vector<16xf32>
          %broadcast_in_dim3A_700 = vector.broadcast %jit3A_698 : f32 to vector<16xf32>
          %select_n3A_701 = arith.select %ge3A, %broadcast_in_dim3A_699, %broadcast_in_dim3A_700 : vector<16xi1>, vector<16xf32>
          %add3A_702 = arith.addf %add3A_696, %select_n3A_701 : vector<16xf32>
          %mul3A_703 = arith.constant 1.90727224E-6 : f32
          %mul3A_704 = vector.broadcast %mul3A_703 : f32 to vector<16xf32>
          %mul3A_705 = arith.mulf %add3A_702, %mul3A_704 : vector<16xf32>
          %convert_element_type3A_706 = arith.fptosi %mul3A_705 : vector<16xf32> to vector<16xi32>
          %mul3A_707 = arith.constant 524309 : i32
          %mul3A_708 = vector.broadcast %mul3A_707 : i32 to vector<16xi32>
          %mul3A_709 = arith.muli %convert_element_type3A_706, %mul3A_708 : vector<16xi32>
          %sub3A_710 = arith.subi %xor3A_686, %mul3A_709 : vector<16xi32>
          %lt3A_711 = arith.constant 0 : i32
          %lt3A_712 = vector.broadcast %lt3A_711 : i32 to vector<16xi32>
          %lt3A_713 = arith.cmpi slt, %sub3A_710, %lt3A_712 : vector<16xi32>
          %add3A_714 = arith.constant 524309 : i32
          %add3A_715 = vector.broadcast %add3A_714 : i32 to vector<16xi32>
          %add3A_716 = arith.addi %sub3A_710, %add3A_715 : vector<16xi32>
          %select_n3A_717 = arith.select %lt3A_713, %add3A_716, %sub3A_710 : vector<16xi1>, vector<16xi32>
          %lt3A_718 = arith.constant 0 : i32
          %lt3A_719 = vector.broadcast %lt3A_718 : i32 to vector<16xi32>
          %lt3A_720 = arith.cmpi slt, %select_n3A_717, %lt3A_719 : vector<16xi32>
          %add3A_721 = arith.constant 524309 : i32
          %add3A_722 = vector.broadcast %add3A_721 : i32 to vector<16xi32>
          %add3A_723 = arith.addi %select_n3A_717, %add3A_722 : vector<16xi32>
          %select_n3A_724 = arith.select %lt3A_720, %add3A_723, %select_n3A_717 : vector<16xi1>, vector<16xi32>
          %ge3A_725 = arith.constant 524309 : i32
          %ge3A_726 = vector.broadcast %ge3A_725 : i32 to vector<16xi32>
          %ge3A_727 = arith.cmpi sge, %select_n3A_724, %ge3A_726 : vector<16xi32>
          %sub3A_728 = arith.constant 524309 : i32
          %sub3A_729 = vector.broadcast %sub3A_728 : i32 to vector<16xi32>
          %sub3A_730 = arith.subi %select_n3A_724, %sub3A_729 : vector<16xi32>
          %select_n3A_731 = arith.select %ge3A_727, %sub3A_730, %select_n3A_724 : vector<16xi1>, vector<16xi32>
          %ge3A_732 = arith.constant 524309 : i32
          %ge3A_733 = vector.broadcast %ge3A_732 : i32 to vector<16xi32>
          %ge3A_734 = arith.cmpi sge, %select_n3A_731, %ge3A_733 : vector<16xi32>
          %sub3A_735 = arith.constant 524309 : i32
          %sub3A_736 = vector.broadcast %sub3A_735 : i32 to vector<16xi32>
          %sub3A_737 = arith.subi %select_n3A_731, %sub3A_736 : vector<16xi32>
          %select_n3A_738 = arith.select %ge3A_734, %sub3A_737, %select_n3A_731 : vector<16xi1>, vector<16xi32>
          %add3A_739 = arith.addi %select_n3A_738, %get3A_53 : vector<16xi32>
          %xor3A_740 = arith.xori %xor3A_575, %mul3A_565 : vector<16xi32>
          %convert_element_type3A_741 = arith.sitofp %xor3A_740 : vector<16xi32> to vector<16xf32>
          %lt3A_742 = arith.constant 0 : i32
          %lt3A_743 = vector.broadcast %lt3A_742 : i32 to vector<16xi32>
          %lt3A_744 = arith.cmpi slt, %xor3A_740, %lt3A_743 : vector<16xi32>
          %jit3A_745 = arith.constant 4.2949673E+9 : f32
          %jit3A_746 = arith.constant 0.000000e+00 : f32
          %broadcast_in_dim3A_747 = vector.broadcast %jit3A_745 : f32 to vector<16xf32>
          %broadcast_in_dim3A_748 = vector.broadcast %jit3A_746 : f32 to vector<16xf32>
          %select_n3A_749 = arith.select %lt3A_744, %broadcast_in_dim3A_747, %broadcast_in_dim3A_748 : vector<16xi1>, vector<16xf32>
          %add3A_750 = arith.addf %convert_element_type3A_741, %select_n3A_749 : vector<16xf32>
          %jit3A_751 = arith.constant 4.2949673E+9 : f32
          %jit3A_752 = arith.constant 0.000000e+00 : f32
          %broadcast_in_dim3A_753 = vector.broadcast %jit3A_751 : f32 to vector<16xf32>
          %broadcast_in_dim3A_754 = vector.broadcast %jit3A_752 : f32 to vector<16xf32>
          %select_n3A_755 = arith.select %ge3A, %broadcast_in_dim3A_753, %broadcast_in_dim3A_754 : vector<16xi1>, vector<16xf32>
          %add3A_756 = arith.addf %add3A_750, %select_n3A_755 : vector<16xf32>
          %mul3A_757 = arith.constant 1.90727224E-6 : f32
          %mul3A_758 = vector.broadcast %mul3A_757 : f32 to vector<16xf32>
          %mul3A_759 = arith.mulf %add3A_756, %mul3A_758 : vector<16xf32>
          %convert_element_type3A_760 = arith.fptosi %mul3A_759 : vector<16xf32> to vector<16xi32>
          %mul3A_761 = arith.constant 524309 : i32
          %mul3A_762 = vector.broadcast %mul3A_761 : i32 to vector<16xi32>
          %mul3A_763 = arith.muli %convert_element_type3A_760, %mul3A_762 : vector<16xi32>
          %sub3A_764 = arith.subi %xor3A_740, %mul3A_763 : vector<16xi32>
          %lt3A_765 = arith.constant 0 : i32
          %lt3A_766 = vector.broadcast %lt3A_765 : i32 to vector<16xi32>
          %lt3A_767 = arith.cmpi slt, %sub3A_764, %lt3A_766 : vector<16xi32>
          %add3A_768 = arith.constant 524309 : i32
          %add3A_769 = vector.broadcast %add3A_768 : i32 to vector<16xi32>
          %add3A_770 = arith.addi %sub3A_764, %add3A_769 : vector<16xi32>
          %select_n3A_771 = arith.select %lt3A_767, %add3A_770, %sub3A_764 : vector<16xi1>, vector<16xi32>
          %lt3A_772 = arith.constant 0 : i32
          %lt3A_773 = vector.broadcast %lt3A_772 : i32 to vector<16xi32>
          %lt3A_774 = arith.cmpi slt, %select_n3A_771, %lt3A_773 : vector<16xi32>
          %add3A_775 = arith.constant 524309 : i32
          %add3A_776 = vector.broadcast %add3A_775 : i32 to vector<16xi32>
          %add3A_777 = arith.addi %select_n3A_771, %add3A_776 : vector<16xi32>
          %select_n3A_778 = arith.select %lt3A_774, %add3A_777, %select_n3A_771 : vector<16xi1>, vector<16xi32>
          %ge3A_779 = arith.constant 524309 : i32
          %ge3A_780 = vector.broadcast %ge3A_779 : i32 to vector<16xi32>
          %ge3A_781 = arith.cmpi sge, %select_n3A_778, %ge3A_780 : vector<16xi32>
          %sub3A_782 = arith.constant 524309 : i32
          %sub3A_783 = vector.broadcast %sub3A_782 : i32 to vector<16xi32>
          %sub3A_784 = arith.subi %select_n3A_778, %sub3A_783 : vector<16xi32>
          %select_n3A_785 = arith.select %ge3A_781, %sub3A_784, %select_n3A_778 : vector<16xi1>, vector<16xi32>
          %ge3A_786 = arith.constant 524309 : i32
          %ge3A_787 = vector.broadcast %ge3A_786 : i32 to vector<16xi32>
          %ge3A_788 = arith.cmpi sge, %select_n3A_785, %ge3A_787 : vector<16xi32>
          %sub3A_789 = arith.constant 524309 : i32
          %sub3A_790 = vector.broadcast %sub3A_789 : i32 to vector<16xi32>
          %sub3A_791 = arith.subi %select_n3A_785, %sub3A_790 : vector<16xi32>
          %select_n3A_792 = arith.select %ge3A_788, %sub3A_791, %select_n3A_785 : vector<16xi1>, vector<16xi32>
          %add3A_793 = arith.addi %select_n3A_792, %get3A_53 : vector<16xi32>
          %xor3A_794 = arith.xori %xor3A_576, %mul3A_565 : vector<16xi32>
          %convert_element_type3A_795 = arith.sitofp %xor3A_794 : vector<16xi32> to vector<16xf32>
          %lt3A_796 = arith.constant 0 : i32
          %lt3A_797 = vector.broadcast %lt3A_796 : i32 to vector<16xi32>
          %lt3A_798 = arith.cmpi slt, %xor3A_794, %lt3A_797 : vector<16xi32>
          %jit3A_799 = arith.constant 4.2949673E+9 : f32
          %jit3A_800 = arith.constant 0.000000e+00 : f32
          %broadcast_in_dim3A_801 = vector.broadcast %jit3A_799 : f32 to vector<16xf32>
          %broadcast_in_dim3A_802 = vector.broadcast %jit3A_800 : f32 to vector<16xf32>
          %select_n3A_803 = arith.select %lt3A_798, %broadcast_in_dim3A_801, %broadcast_in_dim3A_802 : vector<16xi1>, vector<16xf32>
          %add3A_804 = arith.addf %convert_element_type3A_795, %select_n3A_803 : vector<16xf32>
          %jit3A_805 = arith.constant 4.2949673E+9 : f32
          %jit3A_806 = arith.constant 0.000000e+00 : f32
          %broadcast_in_dim3A_807 = vector.broadcast %jit3A_805 : f32 to vector<16xf32>
          %broadcast_in_dim3A_808 = vector.broadcast %jit3A_806 : f32 to vector<16xf32>
          %select_n3A_809 = arith.select %ge3A, %broadcast_in_dim3A_807, %broadcast_in_dim3A_808 : vector<16xi1>, vector<16xf32>
          %add3A_810 = arith.addf %add3A_804, %select_n3A_809 : vector<16xf32>
          %mul3A_811 = arith.constant 1.90727224E-6 : f32
          %mul3A_812 = vector.broadcast %mul3A_811 : f32 to vector<16xf32>
          %mul3A_813 = arith.mulf %add3A_810, %mul3A_812 : vector<16xf32>
          %convert_element_type3A_814 = arith.fptosi %mul3A_813 : vector<16xf32> to vector<16xi32>
          %mul3A_815 = arith.constant 524309 : i32
          %mul3A_816 = vector.broadcast %mul3A_815 : i32 to vector<16xi32>
          %mul3A_817 = arith.muli %convert_element_type3A_814, %mul3A_816 : vector<16xi32>
          %sub3A_818 = arith.subi %xor3A_794, %mul3A_817 : vector<16xi32>
          %lt3A_819 = arith.constant 0 : i32
          %lt3A_820 = vector.broadcast %lt3A_819 : i32 to vector<16xi32>
          %lt3A_821 = arith.cmpi slt, %sub3A_818, %lt3A_820 : vector<16xi32>
          %add3A_822 = arith.constant 524309 : i32
          %add3A_823 = vector.broadcast %add3A_822 : i32 to vector<16xi32>
          %add3A_824 = arith.addi %sub3A_818, %add3A_823 : vector<16xi32>
          %select_n3A_825 = arith.select %lt3A_821, %add3A_824, %sub3A_818 : vector<16xi1>, vector<16xi32>
          %lt3A_826 = arith.constant 0 : i32
          %lt3A_827 = vector.broadcast %lt3A_826 : i32 to vector<16xi32>
          %lt3A_828 = arith.cmpi slt, %select_n3A_825, %lt3A_827 : vector<16xi32>
          %add3A_829 = arith.constant 524309 : i32
          %add3A_830 = vector.broadcast %add3A_829 : i32 to vector<16xi32>
          %add3A_831 = arith.addi %select_n3A_825, %add3A_830 : vector<16xi32>
          %select_n3A_832 = arith.select %lt3A_828, %add3A_831, %select_n3A_825 : vector<16xi1>, vector<16xi32>
          %ge3A_833 = arith.constant 524309 : i32
          %ge3A_834 = vector.broadcast %ge3A_833 : i32 to vector<16xi32>
          %ge3A_835 = arith.cmpi sge, %select_n3A_832, %ge3A_834 : vector<16xi32>
          %sub3A_836 = arith.constant 524309 : i32
          %sub3A_837 = vector.broadcast %sub3A_836 : i32 to vector<16xi32>
          %sub3A_838 = arith.subi %select_n3A_832, %sub3A_837 : vector<16xi32>
          %select_n3A_839 = arith.select %ge3A_835, %sub3A_838, %select_n3A_832 : vector<16xi1>, vector<16xi32>
          %ge3A_840 = arith.constant 524309 : i32
          %ge3A_841 = vector.broadcast %ge3A_840 : i32 to vector<16xi32>
          %ge3A_842 = arith.cmpi sge, %select_n3A_839, %ge3A_841 : vector<16xi32>
          %sub3A_843 = arith.constant 524309 : i32
          %sub3A_844 = vector.broadcast %sub3A_843 : i32 to vector<16xi32>
          %sub3A_845 = arith.subi %select_n3A_839, %sub3A_844 : vector<16xi32>
          %select_n3A_846 = arith.select %ge3A_842, %sub3A_845, %select_n3A_839 : vector<16xi1>, vector<16xi32>
          %add3A_847 = arith.addi %select_n3A_846, %get3A_53 : vector<16xi32>
          %xor3A_848 = arith.xori %xor3A_577, %mul3A_565 : vector<16xi32>
          %convert_element_type3A_849 = arith.sitofp %xor3A_848 : vector<16xi32> to vector<16xf32>
          %lt3A_850 = arith.constant 0 : i32
          %lt3A_851 = vector.broadcast %lt3A_850 : i32 to vector<16xi32>
          %lt3A_852 = arith.cmpi slt, %xor3A_848, %lt3A_851 : vector<16xi32>
          %jit3A_853 = arith.constant 4.2949673E+9 : f32
          %jit3A_854 = arith.constant 0.000000e+00 : f32
          %broadcast_in_dim3A_855 = vector.broadcast %jit3A_853 : f32 to vector<16xf32>
          %broadcast_in_dim3A_856 = vector.broadcast %jit3A_854 : f32 to vector<16xf32>
          %select_n3A_857 = arith.select %lt3A_852, %broadcast_in_dim3A_855, %broadcast_in_dim3A_856 : vector<16xi1>, vector<16xf32>
          %add3A_858 = arith.addf %convert_element_type3A_849, %select_n3A_857 : vector<16xf32>
          %jit3A_859 = arith.constant 4.2949673E+9 : f32
          %jit3A_860 = arith.constant 0.000000e+00 : f32
          %broadcast_in_dim3A_861 = vector.broadcast %jit3A_859 : f32 to vector<16xf32>
          %broadcast_in_dim3A_862 = vector.broadcast %jit3A_860 : f32 to vector<16xf32>
          %select_n3A_863 = arith.select %ge3A, %broadcast_in_dim3A_861, %broadcast_in_dim3A_862 : vector<16xi1>, vector<16xf32>
          %add3A_864 = arith.addf %add3A_858, %select_n3A_863 : vector<16xf32>
          %mul3A_865 = arith.constant 1.90727224E-6 : f32
          %mul3A_866 = vector.broadcast %mul3A_865 : f32 to vector<16xf32>
          %mul3A_867 = arith.mulf %add3A_864, %mul3A_866 : vector<16xf32>
          %convert_element_type3A_868 = arith.fptosi %mul3A_867 : vector<16xf32> to vector<16xi32>
          %mul3A_869 = arith.constant 524309 : i32
          %mul3A_870 = vector.broadcast %mul3A_869 : i32 to vector<16xi32>
          %mul3A_871 = arith.muli %convert_element_type3A_868, %mul3A_870 : vector<16xi32>
          %sub3A_872 = arith.subi %xor3A_848, %mul3A_871 : vector<16xi32>
          %lt3A_873 = arith.constant 0 : i32
          %lt3A_874 = vector.broadcast %lt3A_873 : i32 to vector<16xi32>
          %lt3A_875 = arith.cmpi slt, %sub3A_872, %lt3A_874 : vector<16xi32>
          %add3A_876 = arith.constant 524309 : i32
          %add3A_877 = vector.broadcast %add3A_876 : i32 to vector<16xi32>
          %add3A_878 = arith.addi %sub3A_872, %add3A_877 : vector<16xi32>
          %select_n3A_879 = arith.select %lt3A_875, %add3A_878, %sub3A_872 : vector<16xi1>, vector<16xi32>
          %lt3A_880 = arith.constant 0 : i32
          %lt3A_881 = vector.broadcast %lt3A_880 : i32 to vector<16xi32>
          %lt3A_882 = arith.cmpi slt, %select_n3A_879, %lt3A_881 : vector<16xi32>
          %add3A_883 = arith.constant 524309 : i32
          %add3A_884 = vector.broadcast %add3A_883 : i32 to vector<16xi32>
          %add3A_885 = arith.addi %select_n3A_879, %add3A_884 : vector<16xi32>
          %select_n3A_886 = arith.select %lt3A_882, %add3A_885, %select_n3A_879 : vector<16xi1>, vector<16xi32>
          %ge3A_887 = arith.constant 524309 : i32
          %ge3A_888 = vector.broadcast %ge3A_887 : i32 to vector<16xi32>
          %ge3A_889 = arith.cmpi sge, %select_n3A_886, %ge3A_888 : vector<16xi32>
          %sub3A_890 = arith.constant 524309 : i32
          %sub3A_891 = vector.broadcast %sub3A_890 : i32 to vector<16xi32>
          %sub3A_892 = arith.subi %select_n3A_886, %sub3A_891 : vector<16xi32>
          %select_n3A_893 = arith.select %ge3A_889, %sub3A_892, %select_n3A_886 : vector<16xi1>, vector<16xi32>
          %ge3A_894 = arith.constant 524309 : i32
          %ge3A_895 = vector.broadcast %ge3A_894 : i32 to vector<16xi32>
          %ge3A_896 = arith.cmpi sge, %select_n3A_893, %ge3A_895 : vector<16xi32>
          %sub3A_897 = arith.constant 524309 : i32
          %sub3A_898 = vector.broadcast %sub3A_897 : i32 to vector<16xi32>
          %sub3A_899 = arith.subi %select_n3A_893, %sub3A_898 : vector<16xi32>
          %select_n3A_900 = arith.select %ge3A_896, %sub3A_899, %select_n3A_893 : vector<16xi1>, vector<16xi32>
          %add3A_901 = arith.addi %select_n3A_900, %get3A_53 : vector<16xi32>
          %xor3A_902 = arith.xori %xor3A_578, %mul3A_565 : vector<16xi32>
          %convert_element_type3A_903 = arith.sitofp %xor3A_902 : vector<16xi32> to vector<16xf32>
          %lt3A_904 = arith.constant 0 : i32
          %lt3A_905 = vector.broadcast %lt3A_904 : i32 to vector<16xi32>
          %lt3A_906 = arith.cmpi slt, %xor3A_902, %lt3A_905 : vector<16xi32>
          %jit3A_907 = arith.constant 4.2949673E+9 : f32
          %jit3A_908 = arith.constant 0.000000e+00 : f32
          %broadcast_in_dim3A_909 = vector.broadcast %jit3A_907 : f32 to vector<16xf32>
          %broadcast_in_dim3A_910 = vector.broadcast %jit3A_908 : f32 to vector<16xf32>
          %select_n3A_911 = arith.select %lt3A_906, %broadcast_in_dim3A_909, %broadcast_in_dim3A_910 : vector<16xi1>, vector<16xf32>
          %add3A_912 = arith.addf %convert_element_type3A_903, %select_n3A_911 : vector<16xf32>
          %jit3A_913 = arith.constant 4.2949673E+9 : f32
          %jit3A_914 = arith.constant 0.000000e+00 : f32
          %broadcast_in_dim3A_915 = vector.broadcast %jit3A_913 : f32 to vector<16xf32>
          %broadcast_in_dim3A_916 = vector.broadcast %jit3A_914 : f32 to vector<16xf32>
          %select_n3A_917 = arith.select %ge3A, %broadcast_in_dim3A_915, %broadcast_in_dim3A_916 : vector<16xi1>, vector<16xf32>
          %add3A_918 = arith.addf %add3A_912, %select_n3A_917 : vector<16xf32>
          %mul3A_919 = arith.constant 1.90727224E-6 : f32
          %mul3A_920 = vector.broadcast %mul3A_919 : f32 to vector<16xf32>
          %mul3A_921 = arith.mulf %add3A_918, %mul3A_920 : vector<16xf32>
          %convert_element_type3A_922 = arith.fptosi %mul3A_921 : vector<16xf32> to vector<16xi32>
          %mul3A_923 = arith.constant 524309 : i32
          %mul3A_924 = vector.broadcast %mul3A_923 : i32 to vector<16xi32>
          %mul3A_925 = arith.muli %convert_element_type3A_922, %mul3A_924 : vector<16xi32>
          %sub3A_926 = arith.subi %xor3A_902, %mul3A_925 : vector<16xi32>
          %lt3A_927 = arith.constant 0 : i32
          %lt3A_928 = vector.broadcast %lt3A_927 : i32 to vector<16xi32>
          %lt3A_929 = arith.cmpi slt, %sub3A_926, %lt3A_928 : vector<16xi32>
          %add3A_930 = arith.constant 524309 : i32
          %add3A_931 = vector.broadcast %add3A_930 : i32 to vector<16xi32>
          %add3A_932 = arith.addi %sub3A_926, %add3A_931 : vector<16xi32>
          %select_n3A_933 = arith.select %lt3A_929, %add3A_932, %sub3A_926 : vector<16xi1>, vector<16xi32>
          %lt3A_934 = arith.constant 0 : i32
          %lt3A_935 = vector.broadcast %lt3A_934 : i32 to vector<16xi32>
          %lt3A_936 = arith.cmpi slt, %select_n3A_933, %lt3A_935 : vector<16xi32>
          %add3A_937 = arith.constant 524309 : i32
          %add3A_938 = vector.broadcast %add3A_937 : i32 to vector<16xi32>
          %add3A_939 = arith.addi %select_n3A_933, %add3A_938 : vector<16xi32>
          %select_n3A_940 = arith.select %lt3A_936, %add3A_939, %select_n3A_933 : vector<16xi1>, vector<16xi32>
          %ge3A_941 = arith.constant 524309 : i32
          %ge3A_942 = vector.broadcast %ge3A_941 : i32 to vector<16xi32>
          %ge3A_943 = arith.cmpi sge, %select_n3A_940, %ge3A_942 : vector<16xi32>
          %sub3A_944 = arith.constant 524309 : i32
          %sub3A_945 = vector.broadcast %sub3A_944 : i32 to vector<16xi32>
          %sub3A_946 = arith.subi %select_n3A_940, %sub3A_945 : vector<16xi32>
          %select_n3A_947 = arith.select %ge3A_943, %sub3A_946, %select_n3A_940 : vector<16xi1>, vector<16xi32>
          %ge3A_948 = arith.constant 524309 : i32
          %ge3A_949 = vector.broadcast %ge3A_948 : i32 to vector<16xi32>
          %ge3A_950 = arith.cmpi sge, %select_n3A_947, %ge3A_949 : vector<16xi32>
          %sub3A_951 = arith.constant 524309 : i32
          %sub3A_952 = vector.broadcast %sub3A_951 : i32 to vector<16xi32>
          %sub3A_953 = arith.subi %select_n3A_947, %sub3A_952 : vector<16xi32>
          %select_n3A_954 = arith.select %ge3A_950, %sub3A_953, %select_n3A_947 : vector<16xi1>, vector<16xi32>
          %add3A_955 = arith.addi %select_n3A_954, %get3A_53 : vector<16xi32>
          %xor3A_956 = arith.xori %xor3A_579, %mul3A_565 : vector<16xi32>
          %convert_element_type3A_957 = arith.sitofp %xor3A_956 : vector<16xi32> to vector<16xf32>
          %lt3A_958 = arith.constant 0 : i32
          %lt3A_959 = vector.broadcast %lt3A_958 : i32 to vector<16xi32>
          %lt3A_960 = arith.cmpi slt, %xor3A_956, %lt3A_959 : vector<16xi32>
          %jit3A_961 = arith.constant 4.2949673E+9 : f32
          %jit3A_962 = arith.constant 0.000000e+00 : f32
          %broadcast_in_dim3A_963 = vector.broadcast %jit3A_961 : f32 to vector<16xf32>
          %broadcast_in_dim3A_964 = vector.broadcast %jit3A_962 : f32 to vector<16xf32>
          %select_n3A_965 = arith.select %lt3A_960, %broadcast_in_dim3A_963, %broadcast_in_dim3A_964 : vector<16xi1>, vector<16xf32>
          %add3A_966 = arith.addf %convert_element_type3A_957, %select_n3A_965 : vector<16xf32>
          %jit3A_967 = arith.constant 4.2949673E+9 : f32
          %jit3A_968 = arith.constant 0.000000e+00 : f32
          %broadcast_in_dim3A_969 = vector.broadcast %jit3A_967 : f32 to vector<16xf32>
          %broadcast_in_dim3A_970 = vector.broadcast %jit3A_968 : f32 to vector<16xf32>
          %select_n3A_971 = arith.select %ge3A, %broadcast_in_dim3A_969, %broadcast_in_dim3A_970 : vector<16xi1>, vector<16xf32>
          %add3A_972 = arith.addf %add3A_966, %select_n3A_971 : vector<16xf32>
          %mul3A_973 = arith.constant 1.90727224E-6 : f32
          %mul3A_974 = vector.broadcast %mul3A_973 : f32 to vector<16xf32>
          %mul3A_975 = arith.mulf %add3A_972, %mul3A_974 : vector<16xf32>
          %convert_element_type3A_976 = arith.fptosi %mul3A_975 : vector<16xf32> to vector<16xi32>
          %mul3A_977 = arith.constant 524309 : i32
          %mul3A_978 = vector.broadcast %mul3A_977 : i32 to vector<16xi32>
          %mul3A_979 = arith.muli %convert_element_type3A_976, %mul3A_978 : vector<16xi32>
          %sub3A_980 = arith.subi %xor3A_956, %mul3A_979 : vector<16xi32>
          %lt3A_981 = arith.constant 0 : i32
          %lt3A_982 = vector.broadcast %lt3A_981 : i32 to vector<16xi32>
          %lt3A_983 = arith.cmpi slt, %sub3A_980, %lt3A_982 : vector<16xi32>
          %add3A_984 = arith.constant 524309 : i32
          %add3A_985 = vector.broadcast %add3A_984 : i32 to vector<16xi32>
          %add3A_986 = arith.addi %sub3A_980, %add3A_985 : vector<16xi32>
          %select_n3A_987 = arith.select %lt3A_983, %add3A_986, %sub3A_980 : vector<16xi1>, vector<16xi32>
          %lt3A_988 = arith.constant 0 : i32
          %lt3A_989 = vector.broadcast %lt3A_988 : i32 to vector<16xi32>
          %lt3A_990 = arith.cmpi slt, %select_n3A_987, %lt3A_989 : vector<16xi32>
          %add3A_991 = arith.constant 524309 : i32
          %add3A_992 = vector.broadcast %add3A_991 : i32 to vector<16xi32>
          %add3A_993 = arith.addi %select_n3A_987, %add3A_992 : vector<16xi32>
          %select_n3A_994 = arith.select %lt3A_990, %add3A_993, %select_n3A_987 : vector<16xi1>, vector<16xi32>
          %ge3A_995 = arith.constant 524309 : i32
          %ge3A_996 = vector.broadcast %ge3A_995 : i32 to vector<16xi32>
          %ge3A_997 = arith.cmpi sge, %select_n3A_994, %ge3A_996 : vector<16xi32>
          %sub3A_998 = arith.constant 524309 : i32
          %sub3A_999 = vector.broadcast %sub3A_998 : i32 to vector<16xi32>
          %sub3A_1000 = arith.subi %select_n3A_994, %sub3A_999 : vector<16xi32>
          %select_n3A_1001 = arith.select %ge3A_997, %sub3A_1000, %select_n3A_994 : vector<16xi1>, vector<16xi32>
          %ge3A_1002 = arith.constant 524309 : i32
          %ge3A_1003 = vector.broadcast %ge3A_1002 : i32 to vector<16xi32>
          %ge3A_1004 = arith.cmpi sge, %select_n3A_1001, %ge3A_1003 : vector<16xi32>
          %sub3A_1005 = arith.constant 524309 : i32
          %sub3A_1006 = vector.broadcast %sub3A_1005 : i32 to vector<16xi32>
          %sub3A_1007 = arith.subi %select_n3A_1001, %sub3A_1006 : vector<16xi32>
          %select_n3A_1008 = arith.select %ge3A_1004, %sub3A_1007, %select_n3A_1001 : vector<16xi1>, vector<16xi32>
          %add3A_1009 = arith.addi %select_n3A_1008, %get3A_53 : vector<16xi32>
          %xor3A_1010 = arith.xori %xor3A_572, %mul3A_568 : vector<16xi32>
          %convert_element_type3A_1011 = arith.sitofp %xor3A_1010 : vector<16xi32> to vector<16xf32>
          %lt3A_1012 = arith.constant 0 : i32
          %lt3A_1013 = vector.broadcast %lt3A_1012 : i32 to vector<16xi32>
          %lt3A_1014 = arith.cmpi slt, %xor3A_1010, %lt3A_1013 : vector<16xi32>
          %jit3A_1015 = arith.constant 4.2949673E+9 : f32
          %jit3A_1016 = arith.constant 0.000000e+00 : f32
          %broadcast_in_dim3A_1017 = vector.broadcast %jit3A_1015 : f32 to vector<16xf32>
          %broadcast_in_dim3A_1018 = vector.broadcast %jit3A_1016 : f32 to vector<16xf32>
          %select_n3A_1019 = arith.select %lt3A_1014, %broadcast_in_dim3A_1017, %broadcast_in_dim3A_1018 : vector<16xi1>, vector<16xf32>
          %add3A_1020 = arith.addf %convert_element_type3A_1011, %select_n3A_1019 : vector<16xf32>
          %jit3A_1021 = arith.constant 4.2949673E+9 : f32
          %jit3A_1022 = arith.constant 0.000000e+00 : f32
          %broadcast_in_dim3A_1023 = vector.broadcast %jit3A_1021 : f32 to vector<16xf32>
          %broadcast_in_dim3A_1024 = vector.broadcast %jit3A_1022 : f32 to vector<16xf32>
          %select_n3A_1025 = arith.select %ge3A_580, %broadcast_in_dim3A_1023, %broadcast_in_dim3A_1024 : vector<16xi1>, vector<16xf32>
          %add3A_1026 = arith.addf %add3A_1020, %select_n3A_1025 : vector<16xf32>
          %mul3A_1027 = arith.constant 1.90727224E-6 : f32
          %mul3A_1028 = vector.broadcast %mul3A_1027 : f32 to vector<16xf32>
          %mul3A_1029 = arith.mulf %add3A_1026, %mul3A_1028 : vector<16xf32>
          %convert_element_type3A_1030 = arith.fptosi %mul3A_1029 : vector<16xf32> to vector<16xi32>
          %mul3A_1031 = arith.constant 524309 : i32
          %mul3A_1032 = vector.broadcast %mul3A_1031 : i32 to vector<16xi32>
          %mul3A_1033 = arith.muli %convert_element_type3A_1030, %mul3A_1032 : vector<16xi32>
          %sub3A_1034 = arith.subi %xor3A_1010, %mul3A_1033 : vector<16xi32>
          %lt3A_1035 = arith.constant 0 : i32
          %lt3A_1036 = vector.broadcast %lt3A_1035 : i32 to vector<16xi32>
          %lt3A_1037 = arith.cmpi slt, %sub3A_1034, %lt3A_1036 : vector<16xi32>
          %add3A_1038 = arith.constant 524309 : i32
          %add3A_1039 = vector.broadcast %add3A_1038 : i32 to vector<16xi32>
          %add3A_1040 = arith.addi %sub3A_1034, %add3A_1039 : vector<16xi32>
          %select_n3A_1041 = arith.select %lt3A_1037, %add3A_1040, %sub3A_1034 : vector<16xi1>, vector<16xi32>
          %lt3A_1042 = arith.constant 0 : i32
          %lt3A_1043 = vector.broadcast %lt3A_1042 : i32 to vector<16xi32>
          %lt3A_1044 = arith.cmpi slt, %select_n3A_1041, %lt3A_1043 : vector<16xi32>
          %add3A_1045 = arith.constant 524309 : i32
          %add3A_1046 = vector.broadcast %add3A_1045 : i32 to vector<16xi32>
          %add3A_1047 = arith.addi %select_n3A_1041, %add3A_1046 : vector<16xi32>
          %select_n3A_1048 = arith.select %lt3A_1044, %add3A_1047, %select_n3A_1041 : vector<16xi1>, vector<16xi32>
          %ge3A_1049 = arith.constant 524309 : i32
          %ge3A_1050 = vector.broadcast %ge3A_1049 : i32 to vector<16xi32>
          %ge3A_1051 = arith.cmpi sge, %select_n3A_1048, %ge3A_1050 : vector<16xi32>
          %sub3A_1052 = arith.constant 524309 : i32
          %sub3A_1053 = vector.broadcast %sub3A_1052 : i32 to vector<16xi32>
          %sub3A_1054 = arith.subi %select_n3A_1048, %sub3A_1053 : vector<16xi32>
          %select_n3A_1055 = arith.select %ge3A_1051, %sub3A_1054, %select_n3A_1048 : vector<16xi1>, vector<16xi32>
          %ge3A_1056 = arith.constant 524309 : i32
          %ge3A_1057 = vector.broadcast %ge3A_1056 : i32 to vector<16xi32>
          %ge3A_1058 = arith.cmpi sge, %select_n3A_1055, %ge3A_1057 : vector<16xi32>
          %sub3A_1059 = arith.constant 524309 : i32
          %sub3A_1060 = vector.broadcast %sub3A_1059 : i32 to vector<16xi32>
          %sub3A_1061 = arith.subi %select_n3A_1055, %sub3A_1060 : vector<16xi32>
          %select_n3A_1062 = arith.select %ge3A_1058, %sub3A_1061, %select_n3A_1055 : vector<16xi1>, vector<16xi32>
          %add3A_1063 = arith.addi %select_n3A_1062, %get3A_53 : vector<16xi32>
          %xor3A_1064 = arith.xori %xor3A_573, %mul3A_568 : vector<16xi32>
          %convert_element_type3A_1065 = arith.sitofp %xor3A_1064 : vector<16xi32> to vector<16xf32>
          %lt3A_1066 = arith.constant 0 : i32
          %lt3A_1067 = vector.broadcast %lt3A_1066 : i32 to vector<16xi32>
          %lt3A_1068 = arith.cmpi slt, %xor3A_1064, %lt3A_1067 : vector<16xi32>
          %jit3A_1069 = arith.constant 4.2949673E+9 : f32
          %jit3A_1070 = arith.constant 0.000000e+00 : f32
          %broadcast_in_dim3A_1071 = vector.broadcast %jit3A_1069 : f32 to vector<16xf32>
          %broadcast_in_dim3A_1072 = vector.broadcast %jit3A_1070 : f32 to vector<16xf32>
          %select_n3A_1073 = arith.select %lt3A_1068, %broadcast_in_dim3A_1071, %broadcast_in_dim3A_1072 : vector<16xi1>, vector<16xf32>
          %add3A_1074 = arith.addf %convert_element_type3A_1065, %select_n3A_1073 : vector<16xf32>
          %jit3A_1075 = arith.constant 4.2949673E+9 : f32
          %jit3A_1076 = arith.constant 0.000000e+00 : f32
          %broadcast_in_dim3A_1077 = vector.broadcast %jit3A_1075 : f32 to vector<16xf32>
          %broadcast_in_dim3A_1078 = vector.broadcast %jit3A_1076 : f32 to vector<16xf32>
          %select_n3A_1079 = arith.select %ge3A_580, %broadcast_in_dim3A_1077, %broadcast_in_dim3A_1078 : vector<16xi1>, vector<16xf32>
          %add3A_1080 = arith.addf %add3A_1074, %select_n3A_1079 : vector<16xf32>
          %mul3A_1081 = arith.constant 1.90727224E-6 : f32
          %mul3A_1082 = vector.broadcast %mul3A_1081 : f32 to vector<16xf32>
          %mul3A_1083 = arith.mulf %add3A_1080, %mul3A_1082 : vector<16xf32>
          %convert_element_type3A_1084 = arith.fptosi %mul3A_1083 : vector<16xf32> to vector<16xi32>
          %mul3A_1085 = arith.constant 524309 : i32
          %mul3A_1086 = vector.broadcast %mul3A_1085 : i32 to vector<16xi32>
          %mul3A_1087 = arith.muli %convert_element_type3A_1084, %mul3A_1086 : vector<16xi32>
          %sub3A_1088 = arith.subi %xor3A_1064, %mul3A_1087 : vector<16xi32>
          %lt3A_1089 = arith.constant 0 : i32
          %lt3A_1090 = vector.broadcast %lt3A_1089 : i32 to vector<16xi32>
          %lt3A_1091 = arith.cmpi slt, %sub3A_1088, %lt3A_1090 : vector<16xi32>
          %add3A_1092 = arith.constant 524309 : i32
          %add3A_1093 = vector.broadcast %add3A_1092 : i32 to vector<16xi32>
          %add3A_1094 = arith.addi %sub3A_1088, %add3A_1093 : vector<16xi32>
          %select_n3A_1095 = arith.select %lt3A_1091, %add3A_1094, %sub3A_1088 : vector<16xi1>, vector<16xi32>
          %lt3A_1096 = arith.constant 0 : i32
          %lt3A_1097 = vector.broadcast %lt3A_1096 : i32 to vector<16xi32>
          %lt3A_1098 = arith.cmpi slt, %select_n3A_1095, %lt3A_1097 : vector<16xi32>
          %add3A_1099 = arith.constant 524309 : i32
          %add3A_1100 = vector.broadcast %add3A_1099 : i32 to vector<16xi32>
          %add3A_1101 = arith.addi %select_n3A_1095, %add3A_1100 : vector<16xi32>
          %select_n3A_1102 = arith.select %lt3A_1098, %add3A_1101, %select_n3A_1095 : vector<16xi1>, vector<16xi32>
          %ge3A_1103 = arith.constant 524309 : i32
          %ge3A_1104 = vector.broadcast %ge3A_1103 : i32 to vector<16xi32>
          %ge3A_1105 = arith.cmpi sge, %select_n3A_1102, %ge3A_1104 : vector<16xi32>
          %sub3A_1106 = arith.constant 524309 : i32
          %sub3A_1107 = vector.broadcast %sub3A_1106 : i32 to vector<16xi32>
          %sub3A_1108 = arith.subi %select_n3A_1102, %sub3A_1107 : vector<16xi32>
          %select_n3A_1109 = arith.select %ge3A_1105, %sub3A_1108, %select_n3A_1102 : vector<16xi1>, vector<16xi32>
          %ge3A_1110 = arith.constant 524309 : i32
          %ge3A_1111 = vector.broadcast %ge3A_1110 : i32 to vector<16xi32>
          %ge3A_1112 = arith.cmpi sge, %select_n3A_1109, %ge3A_1111 : vector<16xi32>
          %sub3A_1113 = arith.constant 524309 : i32
          %sub3A_1114 = vector.broadcast %sub3A_1113 : i32 to vector<16xi32>
          %sub3A_1115 = arith.subi %select_n3A_1109, %sub3A_1114 : vector<16xi32>
          %select_n3A_1116 = arith.select %ge3A_1112, %sub3A_1115, %select_n3A_1109 : vector<16xi1>, vector<16xi32>
          %add3A_1117 = arith.addi %select_n3A_1116, %get3A_53 : vector<16xi32>
          %xor3A_1118 = arith.xori %xor3A_574, %mul3A_568 : vector<16xi32>
          %convert_element_type3A_1119 = arith.sitofp %xor3A_1118 : vector<16xi32> to vector<16xf32>
          %lt3A_1120 = arith.constant 0 : i32
          %lt3A_1121 = vector.broadcast %lt3A_1120 : i32 to vector<16xi32>
          %lt3A_1122 = arith.cmpi slt, %xor3A_1118, %lt3A_1121 : vector<16xi32>
          %jit3A_1123 = arith.constant 4.2949673E+9 : f32
          %jit3A_1124 = arith.constant 0.000000e+00 : f32
          %broadcast_in_dim3A_1125 = vector.broadcast %jit3A_1123 : f32 to vector<16xf32>
          %broadcast_in_dim3A_1126 = vector.broadcast %jit3A_1124 : f32 to vector<16xf32>
          %select_n3A_1127 = arith.select %lt3A_1122, %broadcast_in_dim3A_1125, %broadcast_in_dim3A_1126 : vector<16xi1>, vector<16xf32>
          %add3A_1128 = arith.addf %convert_element_type3A_1119, %select_n3A_1127 : vector<16xf32>
          %jit3A_1129 = arith.constant 4.2949673E+9 : f32
          %jit3A_1130 = arith.constant 0.000000e+00 : f32
          %broadcast_in_dim3A_1131 = vector.broadcast %jit3A_1129 : f32 to vector<16xf32>
          %broadcast_in_dim3A_1132 = vector.broadcast %jit3A_1130 : f32 to vector<16xf32>
          %select_n3A_1133 = arith.select %ge3A_580, %broadcast_in_dim3A_1131, %broadcast_in_dim3A_1132 : vector<16xi1>, vector<16xf32>
          %add3A_1134 = arith.addf %add3A_1128, %select_n3A_1133 : vector<16xf32>
          %mul3A_1135 = arith.constant 1.90727224E-6 : f32
          %mul3A_1136 = vector.broadcast %mul3A_1135 : f32 to vector<16xf32>
          %mul3A_1137 = arith.mulf %add3A_1134, %mul3A_1136 : vector<16xf32>
          %convert_element_type3A_1138 = arith.fptosi %mul3A_1137 : vector<16xf32> to vector<16xi32>
          %mul3A_1139 = arith.constant 524309 : i32
          %mul3A_1140 = vector.broadcast %mul3A_1139 : i32 to vector<16xi32>
          %mul3A_1141 = arith.muli %convert_element_type3A_1138, %mul3A_1140 : vector<16xi32>
          %sub3A_1142 = arith.subi %xor3A_1118, %mul3A_1141 : vector<16xi32>
          %lt3A_1143 = arith.constant 0 : i32
          %lt3A_1144 = vector.broadcast %lt3A_1143 : i32 to vector<16xi32>
          %lt3A_1145 = arith.cmpi slt, %sub3A_1142, %lt3A_1144 : vector<16xi32>
          %add3A_1146 = arith.constant 524309 : i32
          %add3A_1147 = vector.broadcast %add3A_1146 : i32 to vector<16xi32>
          %add3A_1148 = arith.addi %sub3A_1142, %add3A_1147 : vector<16xi32>
          %select_n3A_1149 = arith.select %lt3A_1145, %add3A_1148, %sub3A_1142 : vector<16xi1>, vector<16xi32>
          %lt3A_1150 = arith.constant 0 : i32
          %lt3A_1151 = vector.broadcast %lt3A_1150 : i32 to vector<16xi32>
          %lt3A_1152 = arith.cmpi slt, %select_n3A_1149, %lt3A_1151 : vector<16xi32>
          %add3A_1153 = arith.constant 524309 : i32
          %add3A_1154 = vector.broadcast %add3A_1153 : i32 to vector<16xi32>
          %add3A_1155 = arith.addi %select_n3A_1149, %add3A_1154 : vector<16xi32>
          %select_n3A_1156 = arith.select %lt3A_1152, %add3A_1155, %select_n3A_1149 : vector<16xi1>, vector<16xi32>
          %ge3A_1157 = arith.constant 524309 : i32
          %ge3A_1158 = vector.broadcast %ge3A_1157 : i32 to vector<16xi32>
          %ge3A_1159 = arith.cmpi sge, %select_n3A_1156, %ge3A_1158 : vector<16xi32>
          %sub3A_1160 = arith.constant 524309 : i32
          %sub3A_1161 = vector.broadcast %sub3A_1160 : i32 to vector<16xi32>
          %sub3A_1162 = arith.subi %select_n3A_1156, %sub3A_1161 : vector<16xi32>
          %select_n3A_1163 = arith.select %ge3A_1159, %sub3A_1162, %select_n3A_1156 : vector<16xi1>, vector<16xi32>
          %ge3A_1164 = arith.constant 524309 : i32
          %ge3A_1165 = vector.broadcast %ge3A_1164 : i32 to vector<16xi32>
          %ge3A_1166 = arith.cmpi sge, %select_n3A_1163, %ge3A_1165 : vector<16xi32>
          %sub3A_1167 = arith.constant 524309 : i32
          %sub3A_1168 = vector.broadcast %sub3A_1167 : i32 to vector<16xi32>
          %sub3A_1169 = arith.subi %select_n3A_1163, %sub3A_1168 : vector<16xi32>
          %select_n3A_1170 = arith.select %ge3A_1166, %sub3A_1169, %select_n3A_1163 : vector<16xi1>, vector<16xi32>
          %add3A_1171 = arith.addi %select_n3A_1170, %get3A_53 : vector<16xi32>
          %xor3A_1172 = arith.xori %xor3A_575, %mul3A_568 : vector<16xi32>
          %convert_element_type3A_1173 = arith.sitofp %xor3A_1172 : vector<16xi32> to vector<16xf32>
          %lt3A_1174 = arith.constant 0 : i32
          %lt3A_1175 = vector.broadcast %lt3A_1174 : i32 to vector<16xi32>
          %lt3A_1176 = arith.cmpi slt, %xor3A_1172, %lt3A_1175 : vector<16xi32>
          %jit3A_1177 = arith.constant 4.2949673E+9 : f32
          %jit3A_1178 = arith.constant 0.000000e+00 : f32
          %broadcast_in_dim3A_1179 = vector.broadcast %jit3A_1177 : f32 to vector<16xf32>
          %broadcast_in_dim3A_1180 = vector.broadcast %jit3A_1178 : f32 to vector<16xf32>
          %select_n3A_1181 = arith.select %lt3A_1176, %broadcast_in_dim3A_1179, %broadcast_in_dim3A_1180 : vector<16xi1>, vector<16xf32>
          %add3A_1182 = arith.addf %convert_element_type3A_1173, %select_n3A_1181 : vector<16xf32>
          %jit3A_1183 = arith.constant 4.2949673E+9 : f32
          %jit3A_1184 = arith.constant 0.000000e+00 : f32
          %broadcast_in_dim3A_1185 = vector.broadcast %jit3A_1183 : f32 to vector<16xf32>
          %broadcast_in_dim3A_1186 = vector.broadcast %jit3A_1184 : f32 to vector<16xf32>
          %select_n3A_1187 = arith.select %ge3A_580, %broadcast_in_dim3A_1185, %broadcast_in_dim3A_1186 : vector<16xi1>, vector<16xf32>
          %add3A_1188 = arith.addf %add3A_1182, %select_n3A_1187 : vector<16xf32>
          %mul3A_1189 = arith.constant 1.90727224E-6 : f32
          %mul3A_1190 = vector.broadcast %mul3A_1189 : f32 to vector<16xf32>
          %mul3A_1191 = arith.mulf %add3A_1188, %mul3A_1190 : vector<16xf32>
          %convert_element_type3A_1192 = arith.fptosi %mul3A_1191 : vector<16xf32> to vector<16xi32>
          %mul3A_1193 = arith.constant 524309 : i32
          %mul3A_1194 = vector.broadcast %mul3A_1193 : i32 to vector<16xi32>
          %mul3A_1195 = arith.muli %convert_element_type3A_1192, %mul3A_1194 : vector<16xi32>
          %sub3A_1196 = arith.subi %xor3A_1172, %mul3A_1195 : vector<16xi32>
          %lt3A_1197 = arith.constant 0 : i32
          %lt3A_1198 = vector.broadcast %lt3A_1197 : i32 to vector<16xi32>
          %lt3A_1199 = arith.cmpi slt, %sub3A_1196, %lt3A_1198 : vector<16xi32>
          %add3A_1200 = arith.constant 524309 : i32
          %add3A_1201 = vector.broadcast %add3A_1200 : i32 to vector<16xi32>
          %add3A_1202 = arith.addi %sub3A_1196, %add3A_1201 : vector<16xi32>
          %select_n3A_1203 = arith.select %lt3A_1199, %add3A_1202, %sub3A_1196 : vector<16xi1>, vector<16xi32>
          %lt3A_1204 = arith.constant 0 : i32
          %lt3A_1205 = vector.broadcast %lt3A_1204 : i32 to vector<16xi32>
          %lt3A_1206 = arith.cmpi slt, %select_n3A_1203, %lt3A_1205 : vector<16xi32>
          %add3A_1207 = arith.constant 524309 : i32
          %add3A_1208 = vector.broadcast %add3A_1207 : i32 to vector<16xi32>
          %add3A_1209 = arith.addi %select_n3A_1203, %add3A_1208 : vector<16xi32>
          %select_n3A_1210 = arith.select %lt3A_1206, %add3A_1209, %select_n3A_1203 : vector<16xi1>, vector<16xi32>
          %ge3A_1211 = arith.constant 524309 : i32
          %ge3A_1212 = vector.broadcast %ge3A_1211 : i32 to vector<16xi32>
          %ge3A_1213 = arith.cmpi sge, %select_n3A_1210, %ge3A_1212 : vector<16xi32>
          %sub3A_1214 = arith.constant 524309 : i32
          %sub3A_1215 = vector.broadcast %sub3A_1214 : i32 to vector<16xi32>
          %sub3A_1216 = arith.subi %select_n3A_1210, %sub3A_1215 : vector<16xi32>
          %select_n3A_1217 = arith.select %ge3A_1213, %sub3A_1216, %select_n3A_1210 : vector<16xi1>, vector<16xi32>
          %ge3A_1218 = arith.constant 524309 : i32
          %ge3A_1219 = vector.broadcast %ge3A_1218 : i32 to vector<16xi32>
          %ge3A_1220 = arith.cmpi sge, %select_n3A_1217, %ge3A_1219 : vector<16xi32>
          %sub3A_1221 = arith.constant 524309 : i32
          %sub3A_1222 = vector.broadcast %sub3A_1221 : i32 to vector<16xi32>
          %sub3A_1223 = arith.subi %select_n3A_1217, %sub3A_1222 : vector<16xi32>
          %select_n3A_1224 = arith.select %ge3A_1220, %sub3A_1223, %select_n3A_1217 : vector<16xi1>, vector<16xi32>
          %add3A_1225 = arith.addi %select_n3A_1224, %get3A_53 : vector<16xi32>
          %xor3A_1226 = arith.xori %xor3A_576, %mul3A_568 : vector<16xi32>
          %convert_element_type3A_1227 = arith.sitofp %xor3A_1226 : vector<16xi32> to vector<16xf32>
          %lt3A_1228 = arith.constant 0 : i32
          %lt3A_1229 = vector.broadcast %lt3A_1228 : i32 to vector<16xi32>
          %lt3A_1230 = arith.cmpi slt, %xor3A_1226, %lt3A_1229 : vector<16xi32>
          %jit3A_1231 = arith.constant 4.2949673E+9 : f32
          %jit3A_1232 = arith.constant 0.000000e+00 : f32
          %broadcast_in_dim3A_1233 = vector.broadcast %jit3A_1231 : f32 to vector<16xf32>
          %broadcast_in_dim3A_1234 = vector.broadcast %jit3A_1232 : f32 to vector<16xf32>
          %select_n3A_1235 = arith.select %lt3A_1230, %broadcast_in_dim3A_1233, %broadcast_in_dim3A_1234 : vector<16xi1>, vector<16xf32>
          %add3A_1236 = arith.addf %convert_element_type3A_1227, %select_n3A_1235 : vector<16xf32>
          %jit3A_1237 = arith.constant 4.2949673E+9 : f32
          %jit3A_1238 = arith.constant 0.000000e+00 : f32
          %broadcast_in_dim3A_1239 = vector.broadcast %jit3A_1237 : f32 to vector<16xf32>
          %broadcast_in_dim3A_1240 = vector.broadcast %jit3A_1238 : f32 to vector<16xf32>
          %select_n3A_1241 = arith.select %ge3A_580, %broadcast_in_dim3A_1239, %broadcast_in_dim3A_1240 : vector<16xi1>, vector<16xf32>
          %add3A_1242 = arith.addf %add3A_1236, %select_n3A_1241 : vector<16xf32>
          %mul3A_1243 = arith.constant 1.90727224E-6 : f32
          %mul3A_1244 = vector.broadcast %mul3A_1243 : f32 to vector<16xf32>
          %mul3A_1245 = arith.mulf %add3A_1242, %mul3A_1244 : vector<16xf32>
          %convert_element_type3A_1246 = arith.fptosi %mul3A_1245 : vector<16xf32> to vector<16xi32>
          %mul3A_1247 = arith.constant 524309 : i32
          %mul3A_1248 = vector.broadcast %mul3A_1247 : i32 to vector<16xi32>
          %mul3A_1249 = arith.muli %convert_element_type3A_1246, %mul3A_1248 : vector<16xi32>
          %sub3A_1250 = arith.subi %xor3A_1226, %mul3A_1249 : vector<16xi32>
          %lt3A_1251 = arith.constant 0 : i32
          %lt3A_1252 = vector.broadcast %lt3A_1251 : i32 to vector<16xi32>
          %lt3A_1253 = arith.cmpi slt, %sub3A_1250, %lt3A_1252 : vector<16xi32>
          %add3A_1254 = arith.constant 524309 : i32
          %add3A_1255 = vector.broadcast %add3A_1254 : i32 to vector<16xi32>
          %add3A_1256 = arith.addi %sub3A_1250, %add3A_1255 : vector<16xi32>
          %select_n3A_1257 = arith.select %lt3A_1253, %add3A_1256, %sub3A_1250 : vector<16xi1>, vector<16xi32>
          %lt3A_1258 = arith.constant 0 : i32
          %lt3A_1259 = vector.broadcast %lt3A_1258 : i32 to vector<16xi32>
          %lt3A_1260 = arith.cmpi slt, %select_n3A_1257, %lt3A_1259 : vector<16xi32>
          %add3A_1261 = arith.constant 524309 : i32
          %add3A_1262 = vector.broadcast %add3A_1261 : i32 to vector<16xi32>
          %add3A_1263 = arith.addi %select_n3A_1257, %add3A_1262 : vector<16xi32>
          %select_n3A_1264 = arith.select %lt3A_1260, %add3A_1263, %select_n3A_1257 : vector<16xi1>, vector<16xi32>
          %ge3A_1265 = arith.constant 524309 : i32
          %ge3A_1266 = vector.broadcast %ge3A_1265 : i32 to vector<16xi32>
          %ge3A_1267 = arith.cmpi sge, %select_n3A_1264, %ge3A_1266 : vector<16xi32>
          %sub3A_1268 = arith.constant 524309 : i32
          %sub3A_1269 = vector.broadcast %sub3A_1268 : i32 to vector<16xi32>
          %sub3A_1270 = arith.subi %select_n3A_1264, %sub3A_1269 : vector<16xi32>
          %select_n3A_1271 = arith.select %ge3A_1267, %sub3A_1270, %select_n3A_1264 : vector<16xi1>, vector<16xi32>
          %ge3A_1272 = arith.constant 524309 : i32
          %ge3A_1273 = vector.broadcast %ge3A_1272 : i32 to vector<16xi32>
          %ge3A_1274 = arith.cmpi sge, %select_n3A_1271, %ge3A_1273 : vector<16xi32>
          %sub3A_1275 = arith.constant 524309 : i32
          %sub3A_1276 = vector.broadcast %sub3A_1275 : i32 to vector<16xi32>
          %sub3A_1277 = arith.subi %select_n3A_1271, %sub3A_1276 : vector<16xi32>
          %select_n3A_1278 = arith.select %ge3A_1274, %sub3A_1277, %select_n3A_1271 : vector<16xi1>, vector<16xi32>
          %add3A_1279 = arith.addi %select_n3A_1278, %get3A_53 : vector<16xi32>
          %xor3A_1280 = arith.xori %xor3A_577, %mul3A_568 : vector<16xi32>
          %convert_element_type3A_1281 = arith.sitofp %xor3A_1280 : vector<16xi32> to vector<16xf32>
          %lt3A_1282 = arith.constant 0 : i32
          %lt3A_1283 = vector.broadcast %lt3A_1282 : i32 to vector<16xi32>
          %lt3A_1284 = arith.cmpi slt, %xor3A_1280, %lt3A_1283 : vector<16xi32>
          %jit3A_1285 = arith.constant 4.2949673E+9 : f32
          %jit3A_1286 = arith.constant 0.000000e+00 : f32
          %broadcast_in_dim3A_1287 = vector.broadcast %jit3A_1285 : f32 to vector<16xf32>
          %broadcast_in_dim3A_1288 = vector.broadcast %jit3A_1286 : f32 to vector<16xf32>
          %select_n3A_1289 = arith.select %lt3A_1284, %broadcast_in_dim3A_1287, %broadcast_in_dim3A_1288 : vector<16xi1>, vector<16xf32>
          %add3A_1290 = arith.addf %convert_element_type3A_1281, %select_n3A_1289 : vector<16xf32>
          %jit3A_1291 = arith.constant 4.2949673E+9 : f32
          %jit3A_1292 = arith.constant 0.000000e+00 : f32
          %broadcast_in_dim3A_1293 = vector.broadcast %jit3A_1291 : f32 to vector<16xf32>
          %broadcast_in_dim3A_1294 = vector.broadcast %jit3A_1292 : f32 to vector<16xf32>
          %select_n3A_1295 = arith.select %ge3A_580, %broadcast_in_dim3A_1293, %broadcast_in_dim3A_1294 : vector<16xi1>, vector<16xf32>
          %add3A_1296 = arith.addf %add3A_1290, %select_n3A_1295 : vector<16xf32>
          %mul3A_1297 = arith.constant 1.90727224E-6 : f32
          %mul3A_1298 = vector.broadcast %mul3A_1297 : f32 to vector<16xf32>
          %mul3A_1299 = arith.mulf %add3A_1296, %mul3A_1298 : vector<16xf32>
          %convert_element_type3A_1300 = arith.fptosi %mul3A_1299 : vector<16xf32> to vector<16xi32>
          %mul3A_1301 = arith.constant 524309 : i32
          %mul3A_1302 = vector.broadcast %mul3A_1301 : i32 to vector<16xi32>
          %mul3A_1303 = arith.muli %convert_element_type3A_1300, %mul3A_1302 : vector<16xi32>
          %sub3A_1304 = arith.subi %xor3A_1280, %mul3A_1303 : vector<16xi32>
          %lt3A_1305 = arith.constant 0 : i32
          %lt3A_1306 = vector.broadcast %lt3A_1305 : i32 to vector<16xi32>
          %lt3A_1307 = arith.cmpi slt, %sub3A_1304, %lt3A_1306 : vector<16xi32>
          %add3A_1308 = arith.constant 524309 : i32
          %add3A_1309 = vector.broadcast %add3A_1308 : i32 to vector<16xi32>
          %add3A_1310 = arith.addi %sub3A_1304, %add3A_1309 : vector<16xi32>
          %select_n3A_1311 = arith.select %lt3A_1307, %add3A_1310, %sub3A_1304 : vector<16xi1>, vector<16xi32>
          %lt3A_1312 = arith.constant 0 : i32
          %lt3A_1313 = vector.broadcast %lt3A_1312 : i32 to vector<16xi32>
          %lt3A_1314 = arith.cmpi slt, %select_n3A_1311, %lt3A_1313 : vector<16xi32>
          %add3A_1315 = arith.constant 524309 : i32
          %add3A_1316 = vector.broadcast %add3A_1315 : i32 to vector<16xi32>
          %add3A_1317 = arith.addi %select_n3A_1311, %add3A_1316 : vector<16xi32>
          %select_n3A_1318 = arith.select %lt3A_1314, %add3A_1317, %select_n3A_1311 : vector<16xi1>, vector<16xi32>
          %ge3A_1319 = arith.constant 524309 : i32
          %ge3A_1320 = vector.broadcast %ge3A_1319 : i32 to vector<16xi32>
          %ge3A_1321 = arith.cmpi sge, %select_n3A_1318, %ge3A_1320 : vector<16xi32>
          %sub3A_1322 = arith.constant 524309 : i32
          %sub3A_1323 = vector.broadcast %sub3A_1322 : i32 to vector<16xi32>
          %sub3A_1324 = arith.subi %select_n3A_1318, %sub3A_1323 : vector<16xi32>
          %select_n3A_1325 = arith.select %ge3A_1321, %sub3A_1324, %select_n3A_1318 : vector<16xi1>, vector<16xi32>
          %ge3A_1326 = arith.constant 524309 : i32
          %ge3A_1327 = vector.broadcast %ge3A_1326 : i32 to vector<16xi32>
          %ge3A_1328 = arith.cmpi sge, %select_n3A_1325, %ge3A_1327 : vector<16xi32>
          %sub3A_1329 = arith.constant 524309 : i32
          %sub3A_1330 = vector.broadcast %sub3A_1329 : i32 to vector<16xi32>
          %sub3A_1331 = arith.subi %select_n3A_1325, %sub3A_1330 : vector<16xi32>
          %select_n3A_1332 = arith.select %ge3A_1328, %sub3A_1331, %select_n3A_1325 : vector<16xi1>, vector<16xi32>
          %add3A_1333 = arith.addi %select_n3A_1332, %get3A_53 : vector<16xi32>
          %xor3A_1334 = arith.xori %xor3A_578, %mul3A_568 : vector<16xi32>
          %convert_element_type3A_1335 = arith.sitofp %xor3A_1334 : vector<16xi32> to vector<16xf32>
          %lt3A_1336 = arith.constant 0 : i32
          %lt3A_1337 = vector.broadcast %lt3A_1336 : i32 to vector<16xi32>
          %lt3A_1338 = arith.cmpi slt, %xor3A_1334, %lt3A_1337 : vector<16xi32>
          %jit3A_1339 = arith.constant 4.2949673E+9 : f32
          %jit3A_1340 = arith.constant 0.000000e+00 : f32
          %broadcast_in_dim3A_1341 = vector.broadcast %jit3A_1339 : f32 to vector<16xf32>
          %broadcast_in_dim3A_1342 = vector.broadcast %jit3A_1340 : f32 to vector<16xf32>
          %select_n3A_1343 = arith.select %lt3A_1338, %broadcast_in_dim3A_1341, %broadcast_in_dim3A_1342 : vector<16xi1>, vector<16xf32>
          %add3A_1344 = arith.addf %convert_element_type3A_1335, %select_n3A_1343 : vector<16xf32>
          %jit3A_1345 = arith.constant 4.2949673E+9 : f32
          %jit3A_1346 = arith.constant 0.000000e+00 : f32
          %broadcast_in_dim3A_1347 = vector.broadcast %jit3A_1345 : f32 to vector<16xf32>
          %broadcast_in_dim3A_1348 = vector.broadcast %jit3A_1346 : f32 to vector<16xf32>
          %select_n3A_1349 = arith.select %ge3A_580, %broadcast_in_dim3A_1347, %broadcast_in_dim3A_1348 : vector<16xi1>, vector<16xf32>
          %add3A_1350 = arith.addf %add3A_1344, %select_n3A_1349 : vector<16xf32>
          %mul3A_1351 = arith.constant 1.90727224E-6 : f32
          %mul3A_1352 = vector.broadcast %mul3A_1351 : f32 to vector<16xf32>
          %mul3A_1353 = arith.mulf %add3A_1350, %mul3A_1352 : vector<16xf32>
          %convert_element_type3A_1354 = arith.fptosi %mul3A_1353 : vector<16xf32> to vector<16xi32>
          %mul3A_1355 = arith.constant 524309 : i32
          %mul3A_1356 = vector.broadcast %mul3A_1355 : i32 to vector<16xi32>
          %mul3A_1357 = arith.muli %convert_element_type3A_1354, %mul3A_1356 : vector<16xi32>
          %sub3A_1358 = arith.subi %xor3A_1334, %mul3A_1357 : vector<16xi32>
          %lt3A_1359 = arith.constant 0 : i32
          %lt3A_1360 = vector.broadcast %lt3A_1359 : i32 to vector<16xi32>
          %lt3A_1361 = arith.cmpi slt, %sub3A_1358, %lt3A_1360 : vector<16xi32>
          %add3A_1362 = arith.constant 524309 : i32
          %add3A_1363 = vector.broadcast %add3A_1362 : i32 to vector<16xi32>
          %add3A_1364 = arith.addi %sub3A_1358, %add3A_1363 : vector<16xi32>
          %select_n3A_1365 = arith.select %lt3A_1361, %add3A_1364, %sub3A_1358 : vector<16xi1>, vector<16xi32>
          %lt3A_1366 = arith.constant 0 : i32
          %lt3A_1367 = vector.broadcast %lt3A_1366 : i32 to vector<16xi32>
          %lt3A_1368 = arith.cmpi slt, %select_n3A_1365, %lt3A_1367 : vector<16xi32>
          %add3A_1369 = arith.constant 524309 : i32
          %add3A_1370 = vector.broadcast %add3A_1369 : i32 to vector<16xi32>
          %add3A_1371 = arith.addi %select_n3A_1365, %add3A_1370 : vector<16xi32>
          %select_n3A_1372 = arith.select %lt3A_1368, %add3A_1371, %select_n3A_1365 : vector<16xi1>, vector<16xi32>
          %ge3A_1373 = arith.constant 524309 : i32
          %ge3A_1374 = vector.broadcast %ge3A_1373 : i32 to vector<16xi32>
          %ge3A_1375 = arith.cmpi sge, %select_n3A_1372, %ge3A_1374 : vector<16xi32>
          %sub3A_1376 = arith.constant 524309 : i32
          %sub3A_1377 = vector.broadcast %sub3A_1376 : i32 to vector<16xi32>
          %sub3A_1378 = arith.subi %select_n3A_1372, %sub3A_1377 : vector<16xi32>
          %select_n3A_1379 = arith.select %ge3A_1375, %sub3A_1378, %select_n3A_1372 : vector<16xi1>, vector<16xi32>
          %ge3A_1380 = arith.constant 524309 : i32
          %ge3A_1381 = vector.broadcast %ge3A_1380 : i32 to vector<16xi32>
          %ge3A_1382 = arith.cmpi sge, %select_n3A_1379, %ge3A_1381 : vector<16xi32>
          %sub3A_1383 = arith.constant 524309 : i32
          %sub3A_1384 = vector.broadcast %sub3A_1383 : i32 to vector<16xi32>
          %sub3A_1385 = arith.subi %select_n3A_1379, %sub3A_1384 : vector<16xi32>
          %select_n3A_1386 = arith.select %ge3A_1382, %sub3A_1385, %select_n3A_1379 : vector<16xi1>, vector<16xi32>
          %add3A_1387 = arith.addi %select_n3A_1386, %get3A_53 : vector<16xi32>
          %xor3A_1388 = arith.xori %xor3A_579, %mul3A_568 : vector<16xi32>
          %convert_element_type3A_1389 = arith.sitofp %xor3A_1388 : vector<16xi32> to vector<16xf32>
          %lt3A_1390 = arith.constant 0 : i32
          %lt3A_1391 = vector.broadcast %lt3A_1390 : i32 to vector<16xi32>
          %lt3A_1392 = arith.cmpi slt, %xor3A_1388, %lt3A_1391 : vector<16xi32>
          %jit3A_1393 = arith.constant 4.2949673E+9 : f32
          %jit3A_1394 = arith.constant 0.000000e+00 : f32
          %broadcast_in_dim3A_1395 = vector.broadcast %jit3A_1393 : f32 to vector<16xf32>
          %broadcast_in_dim3A_1396 = vector.broadcast %jit3A_1394 : f32 to vector<16xf32>
          %select_n3A_1397 = arith.select %lt3A_1392, %broadcast_in_dim3A_1395, %broadcast_in_dim3A_1396 : vector<16xi1>, vector<16xf32>
          %add3A_1398 = arith.addf %convert_element_type3A_1389, %select_n3A_1397 : vector<16xf32>
          %jit3A_1399 = arith.constant 4.2949673E+9 : f32
          %jit3A_1400 = arith.constant 0.000000e+00 : f32
          %broadcast_in_dim3A_1401 = vector.broadcast %jit3A_1399 : f32 to vector<16xf32>
          %broadcast_in_dim3A_1402 = vector.broadcast %jit3A_1400 : f32 to vector<16xf32>
          %select_n3A_1403 = arith.select %ge3A_580, %broadcast_in_dim3A_1401, %broadcast_in_dim3A_1402 : vector<16xi1>, vector<16xf32>
          %add3A_1404 = arith.addf %add3A_1398, %select_n3A_1403 : vector<16xf32>
          %mul3A_1405 = arith.constant 1.90727224E-6 : f32
          %mul3A_1406 = vector.broadcast %mul3A_1405 : f32 to vector<16xf32>
          %mul3A_1407 = arith.mulf %add3A_1404, %mul3A_1406 : vector<16xf32>
          %convert_element_type3A_1408 = arith.fptosi %mul3A_1407 : vector<16xf32> to vector<16xi32>
          %mul3A_1409 = arith.constant 524309 : i32
          %mul3A_1410 = vector.broadcast %mul3A_1409 : i32 to vector<16xi32>
          %mul3A_1411 = arith.muli %convert_element_type3A_1408, %mul3A_1410 : vector<16xi32>
          %sub3A_1412 = arith.subi %xor3A_1388, %mul3A_1411 : vector<16xi32>
          %lt3A_1413 = arith.constant 0 : i32
          %lt3A_1414 = vector.broadcast %lt3A_1413 : i32 to vector<16xi32>
          %lt3A_1415 = arith.cmpi slt, %sub3A_1412, %lt3A_1414 : vector<16xi32>
          %add3A_1416 = arith.constant 524309 : i32
          %add3A_1417 = vector.broadcast %add3A_1416 : i32 to vector<16xi32>
          %add3A_1418 = arith.addi %sub3A_1412, %add3A_1417 : vector<16xi32>
          %select_n3A_1419 = arith.select %lt3A_1415, %add3A_1418, %sub3A_1412 : vector<16xi1>, vector<16xi32>
          %lt3A_1420 = arith.constant 0 : i32
          %lt3A_1421 = vector.broadcast %lt3A_1420 : i32 to vector<16xi32>
          %lt3A_1422 = arith.cmpi slt, %select_n3A_1419, %lt3A_1421 : vector<16xi32>
          %add3A_1423 = arith.constant 524309 : i32
          %add3A_1424 = vector.broadcast %add3A_1423 : i32 to vector<16xi32>
          %add3A_1425 = arith.addi %select_n3A_1419, %add3A_1424 : vector<16xi32>
          %select_n3A_1426 = arith.select %lt3A_1422, %add3A_1425, %select_n3A_1419 : vector<16xi1>, vector<16xi32>
          %ge3A_1427 = arith.constant 524309 : i32
          %ge3A_1428 = vector.broadcast %ge3A_1427 : i32 to vector<16xi32>
          %ge3A_1429 = arith.cmpi sge, %select_n3A_1426, %ge3A_1428 : vector<16xi32>
          %sub3A_1430 = arith.constant 524309 : i32
          %sub3A_1431 = vector.broadcast %sub3A_1430 : i32 to vector<16xi32>
          %sub3A_1432 = arith.subi %select_n3A_1426, %sub3A_1431 : vector<16xi32>
          %select_n3A_1433 = arith.select %ge3A_1429, %sub3A_1432, %select_n3A_1426 : vector<16xi1>, vector<16xi32>
          %ge3A_1434 = arith.constant 524309 : i32
          %ge3A_1435 = vector.broadcast %ge3A_1434 : i32 to vector<16xi32>
          %ge3A_1436 = arith.cmpi sge, %select_n3A_1433, %ge3A_1435 : vector<16xi32>
          %sub3A_1437 = arith.constant 524309 : i32
          %sub3A_1438 = vector.broadcast %sub3A_1437 : i32 to vector<16xi32>
          %sub3A_1439 = arith.subi %select_n3A_1433, %sub3A_1438 : vector<16xi32>
          %select_n3A_1440 = arith.select %ge3A_1436, %sub3A_1439, %select_n3A_1433 : vector<16xi1>, vector<16xi32>
          %add3A_1441 = arith.addi %select_n3A_1440, %get3A_53 : vector<16xi32>
          %mul3A_1442 = arith.constant 16 : i32
          %mul3A_1443 = arith.muli %scan3A_386, %mul3A_1442 : i32
          %swap3A_1444 = arith.constant 0 : i32
          %swap3A_1445 = arith.index_cast %swap3A_1444 : i32 to index
          %swap3A_1446 = arith.index_cast %mul3A_1443 : i32 to index
          %swap3A_1447 = tpu.vector_load %arg13[%swap3A_1445, %swap3A_1446] {strides = array<i32>} : memref<16x128xi32, #tpu.memory_space<vmem>>, vector<16xi32>,
          tpu.vector_store %arg13[%swap3A_1445, %swap3A_1446], %add3A_631 {strides = array<i32>} : memref<16x128xi32, #tpu.memory_space<vmem>>, vector<16xi32>,
          %swap3A_1448 = arith.constant 1 : i32
          %swap3A_1449 = arith.index_cast %swap3A_1448 : i32 to index
          %swap3A_1450 = arith.index_cast %mul3A_1443 : i32 to index
          %swap3A_1451 = tpu.vector_load %arg13[%swap3A_1449, %swap3A_1450] {strides = array<i32>} : memref<16x128xi32, #tpu.memory_space<vmem>>, vector<16xi32>,
          tpu.vector_store %arg13[%swap3A_1449, %swap3A_1450], %add3A_685 {strides = array<i32>} : memref<16x128xi32, #tpu.memory_space<vmem>>, vector<16xi32>,
          %swap3A_1452 = arith.constant 2 : i32
          %swap3A_1453 = arith.index_cast %swap3A_1452 : i32 to index
          %swap3A_1454 = arith.index_cast %mul3A_1443 : i32 to index
          %swap3A_1455 = tpu.vector_load %arg13[%swap3A_1453, %swap3A_1454] {strides = array<i32>} : memref<16x128xi32, #tpu.memory_space<vmem>>, vector<16xi32>,
          tpu.vector_store %arg13[%swap3A_1453, %swap3A_1454], %add3A_739 {strides = array<i32>} : memref<16x128xi32, #tpu.memory_space<vmem>>, vector<16xi32>,
          %swap3A_1456 = arith.constant 3 : i32
          %swap3A_1457 = arith.index_cast %swap3A_1456 : i32 to index
          %swap3A_1458 = arith.index_cast %mul3A_1443 : i32 to index
          %swap3A_1459 = tpu.vector_load %arg13[%swap3A_1457, %swap3A_1458] {strides = array<i32>} : memref<16x128xi32, #tpu.memory_space<vmem>>, vector<16xi32>,
          tpu.vector_store %arg13[%swap3A_1457, %swap3A_1458], %add3A_793 {strides = array<i32>} : memref<16x128xi32, #tpu.memory_space<vmem>>, vector<16xi32>,
          %swap3A_1460 = arith.constant 4 : i32
          %swap3A_1461 = arith.index_cast %swap3A_1460 : i32 to index
          %swap3A_1462 = arith.index_cast %mul3A_1443 : i32 to index
          %swap3A_1463 = tpu.vector_load %arg13[%swap3A_1461, %swap3A_1462] {strides = array<i32>} : memref<16x128xi32, #tpu.memory_space<vmem>>, vector<16xi32>,
          tpu.vector_store %arg13[%swap3A_1461, %swap3A_1462], %add3A_847 {strides = array<i32>} : memref<16x128xi32, #tpu.memory_space<vmem>>, vector<16xi32>,
          %swap3A_1464 = arith.constant 5 : i32
          %swap3A_1465 = arith.index_cast %swap3A_1464 : i32 to index
          %swap3A_1466 = arith.index_cast %mul3A_1443 : i32 to index
          %swap3A_1467 = tpu.vector_load %arg13[%swap3A_1465, %swap3A_1466] {strides = array<i32>} : memref<16x128xi32, #tpu.memory_space<vmem>>, vector<16xi32>,
          tpu.vector_store %arg13[%swap3A_1465, %swap3A_1466], %add3A_901 {strides = array<i32>} : memref<16x128xi32, #tpu.memory_space<vmem>>, vector<16xi32>,
          %swap3A_1468 = arith.constant 6 : i32
          %swap3A_1469 = arith.index_cast %swap3A_1468 : i32 to index
          %swap3A_1470 = arith.index_cast %mul3A_1443 : i32 to index
          %swap3A_1471 = tpu.vector_load %arg13[%swap3A_1469, %swap3A_1470] {strides = array<i32>} : memref<16x128xi32, #tpu.memory_space<vmem>>, vector<16xi32>,
          tpu.vector_store %arg13[%swap3A_1469, %swap3A_1470], %add3A_955 {strides = array<i32>} : memref<16x128xi32, #tpu.memory_space<vmem>>, vector<16xi32>,
          %swap3A_1472 = arith.constant 7 : i32
          %swap3A_1473 = arith.index_cast %swap3A_1472 : i32 to index
          %swap3A_1474 = arith.index_cast %mul3A_1443 : i32 to index
          %swap3A_1475 = tpu.vector_load %arg13[%swap3A_1473, %swap3A_1474] {strides = array<i32>} : memref<16x128xi32, #tpu.memory_space<vmem>>, vector<16xi32>,
          tpu.vector_store %arg13[%swap3A_1473, %swap3A_1474], %add3A_1009 {strides = array<i32>} : memref<16x128xi32, #tpu.memory_space<vmem>>, vector<16xi32>,
          %swap3A_1476 = arith.constant 8 : i32
          %swap3A_1477 = arith.index_cast %swap3A_1476 : i32 to index
          %swap3A_1478 = arith.index_cast %mul3A_1443 : i32 to index
          %swap3A_1479 = tpu.vector_load %arg13[%swap3A_1477, %swap3A_1478] {strides = array<i32>} : memref<16x128xi32, #tpu.memory_space<vmem>>, vector<16xi32>,
          tpu.vector_store %arg13[%swap3A_1477, %swap3A_1478], %add3A_1063 {strides = array<i32>} : memref<16x128xi32, #tpu.memory_space<vmem>>, vector<16xi32>,
          %swap3A_1480 = arith.constant 9 : i32
          %swap3A_1481 = arith.index_cast %swap3A_1480 : i32 to index
          %swap3A_1482 = arith.index_cast %mul3A_1443 : i32 to index
          %swap3A_1483 = tpu.vector_load %arg13[%swap3A_1481, %swap3A_1482] {strides = array<i32>} : memref<16x128xi32, #tpu.memory_space<vmem>>, vector<16xi32>,
          tpu.vector_store %arg13[%swap3A_1481, %swap3A_1482], %add3A_1117 {strides = array<i32>} : memref<16x128xi32, #tpu.memory_space<vmem>>, vector<16xi32>,
          %swap3A_1484 = arith.constant 10 : i32
          %swap3A_1485 = arith.index_cast %swap3A_1484 : i32 to index
          %swap3A_1486 = arith.index_cast %mul3A_1443 : i32 to index
          %swap3A_1487 = tpu.vector_load %arg13[%swap3A_1485, %swap3A_1486] {strides = array<i32>} : memref<16x128xi32, #tpu.memory_space<vmem>>, vector<16xi32>,
          tpu.vector_store %arg13[%swap3A_1485, %swap3A_1486], %add3A_1171 {strides = array<i32>} : memref<16x128xi32, #tpu.memory_space<vmem>>, vector<16xi32>,
          %swap3A_1488 = arith.constant 11 : i32
          %swap3A_1489 = arith.index_cast %swap3A_1488 : i32 to index
          %swap3A_1490 = arith.index_cast %mul3A_1443 : i32 to index
          %swap3A_1491 = tpu.vector_load %arg13[%swap3A_1489, %swap3A_1490] {strides = array<i32>} : memref<16x128xi32, #tpu.memory_space<vmem>>, vector<16xi32>,
          tpu.vector_store %arg13[%swap3A_1489, %swap3A_1490], %add3A_1225 {strides = array<i32>} : memref<16x128xi32, #tpu.memory_space<vmem>>, vector<16xi32>,
          %swap3A_1492 = arith.constant 12 : i32
          %swap3A_1493 = arith.index_cast %swap3A_1492 : i32 to index
          %swap3A_1494 = arith.index_cast %mul3A_1443 : i32 to index
          %swap3A_1495 = tpu.vector_load %arg13[%swap3A_1493, %swap3A_1494] {strides = array<i32>} : memref<16x128xi32, #tpu.memory_space<vmem>>, vector<16xi32>,
          tpu.vector_store %arg13[%swap3A_1493, %swap3A_1494], %add3A_1279 {strides = array<i32>} : memref<16x128xi32, #tpu.memory_space<vmem>>, vector<16xi32>,
          %swap3A_1496 = arith.constant 13 : i32
          %swap3A_1497 = arith.index_cast %swap3A_1496 : i32 to index
          %swap3A_1498 = arith.index_cast %mul3A_1443 : i32 to index
          %swap3A_1499 = tpu.vector_load %arg13[%swap3A_1497, %swap3A_1498] {strides = array<i32>} : memref<16x128xi32, #tpu.memory_space<vmem>>, vector<16xi32>,
          tpu.vector_store %arg13[%swap3A_1497, %swap3A_1498], %add3A_1333 {strides = array<i32>} : memref<16x128xi32, #tpu.memory_space<vmem>>, vector<16xi32>,
          %swap3A_1500 = arith.constant 14 : i32
          %swap3A_1501 = arith.index_cast %swap3A_1500 : i32 to index
          %swap3A_1502 = arith.index_cast %mul3A_1443 : i32 to index
          %swap3A_1503 = tpu.vector_load %arg13[%swap3A_1501, %swap3A_1502] {strides = array<i32>} : memref<16x128xi32, #tpu.memory_space<vmem>>, vector<16xi32>,
          tpu.vector_store %arg13[%swap3A_1501, %swap3A_1502], %add3A_1387 {strides = array<i32>} : memref<16x128xi32, #tpu.memory_space<vmem>>, vector<16xi32>,
          %swap3A_1504 = arith.constant 15 : i32
          %swap3A_1505 = arith.index_cast %swap3A_1504 : i32 to index
          %swap3A_1506 = arith.index_cast %mul3A_1443 : i32 to index
          %swap3A_1507 = tpu.vector_load %arg13[%swap3A_1505, %swap3A_1506] {strides = array<i32>} : memref<16x128xi32, #tpu.memory_space<vmem>>, vector<16xi32>,
          tpu.vector_store %arg13[%swap3A_1505, %swap3A_1506], %add3A_1441 {strides = array<i32>} : memref<16x128xi32, #tpu.memory_space<vmem>>, vector<16xi32>,
        }
        %scan3A_62 = arith.constant 8 : i32
        %dma_start3A = arith.constant 0 : i32
        %dma_start3A_63 = arith.constant 0 : i32
        %dma_start3A_64 = arith.constant 0 : i32
        %dma_start3A_65 = tpu.memref_slice %arg14[%dma_start3A_63, %dma_start3A_64] : memref<2048x16xf32, #tpu.memory_space<vmem>> -> memref<128x16xf32, #tpu.memory_space<vmem>>
        %dma_start3A_66 = arith.constant 0 : i32
        %dma_start3A_67 = tpu.memref_slice %arg13[%dma_start3A, %dma_start3A_66] : memref<16x128xi32, #tpu.memory_space<vmem>> -> memref<1x128xi32, #tpu.memory_space<vmem>>
        %dma_start3A_68 = tpu.memref_squeeze %dma_start3A_67 : memref<1x128xi32, #tpu.memory_space<vmem>> -> memref<128xi32, #tpu.memory_space<vmem>>
        %dma_start3A_69 = arith.constant 0 : i32
        %dma_start3A_70 = arith.constant 0 : i32
        %dma_start3A_71 = tpu.memref_slice %arg3[%dma_start3A_69, %dma_start3A_70] : memref<2201924x16xf32, #tpu.memory_space<hbm>> -> memref<2201924x16xf32, #tpu.memory_space<hbm>>
        tpu.enqueue_indirect_dma source(%dma_start3A_71 : memref<2201924x16xf32, #tpu.memory_space<hbm>>) target(%dma_start3A_65 : memref<128x16xf32, #tpu.memory_space<vmem>>) offsets(%dma_start3A_68 : memref<128xi32, #tpu.memory_space<vmem>>) semaphore(%arg17 : memref<!tpu.dma_semaphore, #tpu.memory_space<semaphore_mem>>)
        %dma_start3A_72 = arith.constant 1 : i32
        %dma_start3A_73 = arith.constant 128 : i32
        %dma_start3A_74 = arith.constant 0 : i32
        %dma_start3A_75 = tpu.memref_slice %arg14[%dma_start3A_73, %dma_start3A_74] : memref<2048x16xf32, #tpu.memory_space<vmem>> -> memref<128x16xf32, #tpu.memory_space<vmem>>
        %dma_start3A_76 = arith.constant 0 : i32
        %dma_start3A_77 = tpu.memref_slice %arg13[%dma_start3A_72, %dma_start3A_76] : memref<16x128xi32, #tpu.memory_space<vmem>> -> memref<1x128xi32, #tpu.memory_space<vmem>>
        %dma_start3A_78 = tpu.memref_squeeze %dma_start3A_77 : memref<1x128xi32, #tpu.memory_space<vmem>> -> memref<128xi32, #tpu.memory_space<vmem>>
        %dma_start3A_79 = arith.constant 0 : i32
        %dma_start3A_80 = arith.constant 0 : i32
        %dma_start3A_81 = tpu.memref_slice %arg3[%dma_start3A_79, %dma_start3A_80] : memref<2201924x16xf32, #tpu.memory_space<hbm>> -> memref<2201924x16xf32, #tpu.memory_space<hbm>>
        tpu.enqueue_indirect_dma source(%dma_start3A_81 : memref<2201924x16xf32, #tpu.memory_space<hbm>>) target(%dma_start3A_75 : memref<128x16xf32, #tpu.memory_space<vmem>>) offsets(%dma_start3A_78 : memref<128xi32, #tpu.memory_space<vmem>>) semaphore(%arg17 : memref<!tpu.dma_semaphore, #tpu.memory_space<semaphore_mem>>)
        %dma_start3A_82 = arith.constant 2 : i32
        %dma_start3A_83 = arith.constant 256 : i32
        %dma_start3A_84 = arith.constant 0 : i32
        %dma_start3A_85 = tpu.memref_slice %arg14[%dma_start3A_83, %dma_start3A_84] : memref<2048x16xf32, #tpu.memory_space<vmem>> -> memref<128x16xf32, #tpu.memory_space<vmem>>
        %dma_start3A_86 = arith.constant 0 : i32
        %dma_start3A_87 = tpu.memref_slice %arg13[%dma_start3A_82, %dma_start3A_86] : memref<16x128xi32, #tpu.memory_space<vmem>> -> memref<1x128xi32, #tpu.memory_space<vmem>>
        %dma_start3A_88 = tpu.memref_squeeze %dma_start3A_87 : memref<1x128xi32, #tpu.memory_space<vmem>> -> memref<128xi32, #tpu.memory_space<vmem>>
        %dma_start3A_89 = arith.constant 0 : i32
        %dma_start3A_90 = arith.constant 0 : i32
        %dma_start3A_91 = tpu.memref_slice %arg3[%dma_start3A_89, %dma_start3A_90] : memref<2201924x16xf32, #tpu.memory_space<hbm>> -> memref<2201924x16xf32, #tpu.memory_space<hbm>>
        tpu.enqueue_indirect_dma source(%dma_start3A_91 : memref<2201924x16xf32, #tpu.memory_space<hbm>>) target(%dma_start3A_85 : memref<128x16xf32, #tpu.memory_space<vmem>>) offsets(%dma_start3A_88 : memref<128xi32, #tpu.memory_space<vmem>>) semaphore(%arg17 : memref<!tpu.dma_semaphore, #tpu.memory_space<semaphore_mem>>)
        %dma_start3A_92 = arith.constant 3 : i32
        %dma_start3A_93 = arith.constant 384 : i32
        %dma_start3A_94 = arith.constant 0 : i32
        %dma_start3A_95 = tpu.memref_slice %arg14[%dma_start3A_93, %dma_start3A_94] : memref<2048x16xf32, #tpu.memory_space<vmem>> -> memref<128x16xf32, #tpu.memory_space<vmem>>
        %dma_start3A_96 = arith.constant 0 : i32
        %dma_start3A_97 = tpu.memref_slice %arg13[%dma_start3A_92, %dma_start3A_96] : memref<16x128xi32, #tpu.memory_space<vmem>> -> memref<1x128xi32, #tpu.memory_space<vmem>>
        %dma_start3A_98 = tpu.memref_squeeze %dma_start3A_97 : memref<1x128xi32, #tpu.memory_space<vmem>> -> memref<128xi32, #tpu.memory_space<vmem>>
        %dma_start3A_99 = arith.constant 0 : i32
        %dma_start3A_100 = arith.constant 0 : i32
        %dma_start3A_101 = tpu.memref_slice %arg3[%dma_start3A_99, %dma_start3A_100] : memref<2201924x16xf32, #tpu.memory_space<hbm>> -> memref<2201924x16xf32, #tpu.memory_space<hbm>>
        tpu.enqueue_indirect_dma source(%dma_start3A_101 : memref<2201924x16xf32, #tpu.memory_space<hbm>>) target(%dma_start3A_95 : memref<128x16xf32, #tpu.memory_space<vmem>>) offsets(%dma_start3A_98 : memref<128xi32, #tpu.memory_space<vmem>>) semaphore(%arg17 : memref<!tpu.dma_semaphore, #tpu.memory_space<semaphore_mem>>)
        %dma_start3A_102 = arith.constant 4 : i32
        %dma_start3A_103 = arith.constant 512 : i32
        %dma_start3A_104 = arith.constant 0 : i32
        %dma_start3A_105 = tpu.memref_slice %arg14[%dma_start3A_103, %dma_start3A_104] : memref<2048x16xf32, #tpu.memory_space<vmem>> -> memref<128x16xf32, #tpu.memory_space<vmem>>
        %dma_start3A_106 = arith.constant 0 : i32
        %dma_start3A_107 = tpu.memref_slice %arg13[%dma_start3A_102, %dma_start3A_106] : memref<16x128xi32, #tpu.memory_space<vmem>> -> memref<1x128xi32, #tpu.memory_space<vmem>>
        %dma_start3A_108 = tpu.memref_squeeze %dma_start3A_107 : memref<1x128xi32, #tpu.memory_space<vmem>> -> memref<128xi32, #tpu.memory_space<vmem>>
        %dma_start3A_109 = arith.constant 0 : i32
        %dma_start3A_110 = arith.constant 0 : i32
        %dma_start3A_111 = tpu.memref_slice %arg3[%dma_start3A_109, %dma_start3A_110] : memref<2201924x16xf32, #tpu.memory_space<hbm>> -> memref<2201924x16xf32, #tpu.memory_space<hbm>>
        tpu.enqueue_indirect_dma source(%dma_start3A_111 : memref<2201924x16xf32, #tpu.memory_space<hbm>>) target(%dma_start3A_105 : memref<128x16xf32, #tpu.memory_space<vmem>>) offsets(%dma_start3A_108 : memref<128xi32, #tpu.memory_space<vmem>>) semaphore(%arg17 : memref<!tpu.dma_semaphore, #tpu.memory_space<semaphore_mem>>)
        %dma_start3A_112 = arith.constant 5 : i32
        %dma_start3A_113 = arith.constant 640 : i32
        %dma_start3A_114 = arith.constant 0 : i32
        %dma_start3A_115 = tpu.memref_slice %arg14[%dma_start3A_113, %dma_start3A_114] : memref<2048x16xf32, #tpu.memory_space<vmem>> -> memref<128x16xf32, #tpu.memory_space<vmem>>
        %dma_start3A_116 = arith.constant 0 : i32
        %dma_start3A_117 = tpu.memref_slice %arg13[%dma_start3A_112, %dma_start3A_116] : memref<16x128xi32, #tpu.memory_space<vmem>> -> memref<1x128xi32, #tpu.memory_space<vmem>>
        %dma_start3A_118 = tpu.memref_squeeze %dma_start3A_117 : memref<1x128xi32, #tpu.memory_space<vmem>> -> memref<128xi32, #tpu.memory_space<vmem>>
        %dma_start3A_119 = arith.constant 0 : i32
        %dma_start3A_120 = arith.constant 0 : i32
        %dma_start3A_121 = tpu.memref_slice %arg3[%dma_start3A_119, %dma_start3A_120] : memref<2201924x16xf32, #tpu.memory_space<hbm>> -> memref<2201924x16xf32, #tpu.memory_space<hbm>>
        tpu.enqueue_indirect_dma source(%dma_start3A_121 : memref<2201924x16xf32, #tpu.memory_space<hbm>>) target(%dma_start3A_115 : memref<128x16xf32, #tpu.memory_space<vmem>>) offsets(%dma_start3A_118 : memref<128xi32, #tpu.memory_space<vmem>>) semaphore(%arg17 : memref<!tpu.dma_semaphore, #tpu.memory_space<semaphore_mem>>)
        %dma_start3A_122 = arith.constant 6 : i32
        %dma_start3A_123 = arith.constant 768 : i32
        %dma_start3A_124 = arith.constant 0 : i32
        %dma_start3A_125 = tpu.memref_slice %arg14[%dma_start3A_123, %dma_start3A_124] : memref<2048x16xf32, #tpu.memory_space<vmem>> -> memref<128x16xf32, #tpu.memory_space<vmem>>
        %dma_start3A_126 = arith.constant 0 : i32
        %dma_start3A_127 = tpu.memref_slice %arg13[%dma_start3A_122, %dma_start3A_126] : memref<16x128xi32, #tpu.memory_space<vmem>> -> memref<1x128xi32, #tpu.memory_space<vmem>>
        %dma_start3A_128 = tpu.memref_squeeze %dma_start3A_127 : memref<1x128xi32, #tpu.memory_space<vmem>> -> memref<128xi32, #tpu.memory_space<vmem>>
        %dma_start3A_129 = arith.constant 0 : i32
        %dma_start3A_130 = arith.constant 0 : i32
        %dma_start3A_131 = tpu.memref_slice %arg3[%dma_start3A_129, %dma_start3A_130] : memref<2201924x16xf32, #tpu.memory_space<hbm>> -> memref<2201924x16xf32, #tpu.memory_space<hbm>>
        tpu.enqueue_indirect_dma source(%dma_start3A_131 : memref<2201924x16xf32, #tpu.memory_space<hbm>>) target(%dma_start3A_125 : memref<128x16xf32, #tpu.memory_space<vmem>>) offsets(%dma_start3A_128 : memref<128xi32, #tpu.memory_space<vmem>>) semaphore(%arg17 : memref<!tpu.dma_semaphore, #tpu.memory_space<semaphore_mem>>)
        %dma_start3A_132 = arith.constant 7 : i32
        %dma_start3A_133 = arith.constant 896 : i32
        %dma_start3A_134 = arith.constant 0 : i32
        %dma_start3A_135 = tpu.memref_slice %arg14[%dma_start3A_133, %dma_start3A_134] : memref<2048x16xf32, #tpu.memory_space<vmem>> -> memref<128x16xf32, #tpu.memory_space<vmem>>
        %dma_start3A_136 = arith.constant 0 : i32
        %dma_start3A_137 = tpu.memref_slice %arg13[%dma_start3A_132, %dma_start3A_136] : memref<16x128xi32, #tpu.memory_space<vmem>> -> memref<1x128xi32, #tpu.memory_space<vmem>>
        %dma_start3A_138 = tpu.memref_squeeze %dma_start3A_137 : memref<1x128xi32, #tpu.memory_space<vmem>> -> memref<128xi32, #tpu.memory_space<vmem>>
        %dma_start3A_139 = arith.constant 0 : i32
        %dma_start3A_140 = arith.constant 0 : i32
        %dma_start3A_141 = tpu.memref_slice %arg3[%dma_start3A_139, %dma_start3A_140] : memref<2201924x16xf32, #tpu.memory_space<hbm>> -> memref<2201924x16xf32, #tpu.memory_space<hbm>>
        tpu.enqueue_indirect_dma source(%dma_start3A_141 : memref<2201924x16xf32, #tpu.memory_space<hbm>>) target(%dma_start3A_135 : memref<128x16xf32, #tpu.memory_space<vmem>>) offsets(%dma_start3A_138 : memref<128xi32, #tpu.memory_space<vmem>>) semaphore(%arg17 : memref<!tpu.dma_semaphore, #tpu.memory_space<semaphore_mem>>)
        %dma_start3A_142 = arith.constant 8 : i32
        %dma_start3A_143 = arith.constant 1024 : i32
        %dma_start3A_144 = arith.constant 0 : i32
        %dma_start3A_145 = tpu.memref_slice %arg14[%dma_start3A_143, %dma_start3A_144] : memref<2048x16xf32, #tpu.memory_space<vmem>> -> memref<128x16xf32, #tpu.memory_space<vmem>>
        %dma_start3A_146 = arith.constant 0 : i32
        %dma_start3A_147 = tpu.memref_slice %arg13[%dma_start3A_142, %dma_start3A_146] : memref<16x128xi32, #tpu.memory_space<vmem>> -> memref<1x128xi32, #tpu.memory_space<vmem>>
        %dma_start3A_148 = tpu.memref_squeeze %dma_start3A_147 : memref<1x128xi32, #tpu.memory_space<vmem>> -> memref<128xi32, #tpu.memory_space<vmem>>
        %dma_start3A_149 = arith.constant 0 : i32
        %dma_start3A_150 = arith.constant 0 : i32
        %dma_start3A_151 = tpu.memref_slice %arg3[%dma_start3A_149, %dma_start3A_150] : memref<2201924x16xf32, #tpu.memory_space<hbm>> -> memref<2201924x16xf32, #tpu.memory_space<hbm>>
        tpu.enqueue_indirect_dma source(%dma_start3A_151 : memref<2201924x16xf32, #tpu.memory_space<hbm>>) target(%dma_start3A_145 : memref<128x16xf32, #tpu.memory_space<vmem>>) offsets(%dma_start3A_148 : memref<128xi32, #tpu.memory_space<vmem>>) semaphore(%arg17 : memref<!tpu.dma_semaphore, #tpu.memory_space<semaphore_mem>>)
        %dma_start3A_152 = arith.constant 9 : i32
        %dma_start3A_153 = arith.constant 1152 : i32
        %dma_start3A_154 = arith.constant 0 : i32
        %dma_start3A_155 = tpu.memref_slice %arg14[%dma_start3A_153, %dma_start3A_154] : memref<2048x16xf32, #tpu.memory_space<vmem>> -> memref<128x16xf32, #tpu.memory_space<vmem>>
        %dma_start3A_156 = arith.constant 0 : i32
        %dma_start3A_157 = tpu.memref_slice %arg13[%dma_start3A_152, %dma_start3A_156] : memref<16x128xi32, #tpu.memory_space<vmem>> -> memref<1x128xi32, #tpu.memory_space<vmem>>
        %dma_start3A_158 = tpu.memref_squeeze %dma_start3A_157 : memref<1x128xi32, #tpu.memory_space<vmem>> -> memref<128xi32, #tpu.memory_space<vmem>>
        %dma_start3A_159 = arith.constant 0 : i32
        %dma_start3A_160 = arith.constant 0 : i32
        %dma_start3A_161 = tpu.memref_slice %arg3[%dma_start3A_159, %dma_start3A_160] : memref<2201924x16xf32, #tpu.memory_space<hbm>> -> memref<2201924x16xf32, #tpu.memory_space<hbm>>
        tpu.enqueue_indirect_dma source(%dma_start3A_161 : memref<2201924x16xf32, #tpu.memory_space<hbm>>) target(%dma_start3A_155 : memref<128x16xf32, #tpu.memory_space<vmem>>) offsets(%dma_start3A_158 : memref<128xi32, #tpu.memory_space<vmem>>) semaphore(%arg17 : memref<!tpu.dma_semaphore, #tpu.memory_space<semaphore_mem>>)
        %dma_start3A_162 = arith.constant 10 : i32
        %dma_start3A_163 = arith.constant 1280 : i32
        %dma_start3A_164 = arith.constant 0 : i32
        %dma_start3A_165 = tpu.memref_slice %arg14[%dma_start3A_163, %dma_start3A_164] : memref<2048x16xf32, #tpu.memory_space<vmem>> -> memref<128x16xf32, #tpu.memory_space<vmem>>
        %dma_start3A_166 = arith.constant 0 : i32
        %dma_start3A_167 = tpu.memref_slice %arg13[%dma_start3A_162, %dma_start3A_166] : memref<16x128xi32, #tpu.memory_space<vmem>> -> memref<1x128xi32, #tpu.memory_space<vmem>>
        %dma_start3A_168 = tpu.memref_squeeze %dma_start3A_167 : memref<1x128xi32, #tpu.memory_space<vmem>> -> memref<128xi32, #tpu.memory_space<vmem>>
        %dma_start3A_169 = arith.constant 0 : i32
        %dma_start3A_170 = arith.constant 0 : i32
        %dma_start3A_171 = tpu.memref_slice %arg3[%dma_start3A_169, %dma_start3A_170] : memref<2201924x16xf32, #tpu.memory_space<hbm>> -> memref<2201924x16xf32, #tpu.memory_space<hbm>>
        tpu.enqueue_indirect_dma source(%dma_start3A_171 : memref<2201924x16xf32, #tpu.memory_space<hbm>>) target(%dma_start3A_165 : memref<128x16xf32, #tpu.memory_space<vmem>>) offsets(%dma_start3A_168 : memref<128xi32, #tpu.memory_space<vmem>>) semaphore(%arg17 : memref<!tpu.dma_semaphore, #tpu.memory_space<semaphore_mem>>)
        %dma_start3A_172 = arith.constant 11 : i32
        %dma_start3A_173 = arith.constant 1408 : i32
        %dma_start3A_174 = arith.constant 0 : i32
        %dma_start3A_175 = tpu.memref_slice %arg14[%dma_start3A_173, %dma_start3A_174] : memref<2048x16xf32, #tpu.memory_space<vmem>> -> memref<128x16xf32, #tpu.memory_space<vmem>>
        %dma_start3A_176 = arith.constant 0 : i32
        %dma_start3A_177 = tpu.memref_slice %arg13[%dma_start3A_172, %dma_start3A_176] : memref<16x128xi32, #tpu.memory_space<vmem>> -> memref<1x128xi32, #tpu.memory_space<vmem>>
        %dma_start3A_178 = tpu.memref_squeeze %dma_start3A_177 : memref<1x128xi32, #tpu.memory_space<vmem>> -> memref<128xi32, #tpu.memory_space<vmem>>
        %dma_start3A_179 = arith.constant 0 : i32
        %dma_start3A_180 = arith.constant 0 : i32
        %dma_start3A_181 = tpu.memref_slice %arg3[%dma_start3A_179, %dma_start3A_180] : memref<2201924x16xf32, #tpu.memory_space<hbm>> -> memref<2201924x16xf32, #tpu.memory_space<hbm>>
        tpu.enqueue_indirect_dma source(%dma_start3A_181 : memref<2201924x16xf32, #tpu.memory_space<hbm>>) target(%dma_start3A_175 : memref<128x16xf32, #tpu.memory_space<vmem>>) offsets(%dma_start3A_178 : memref<128xi32, #tpu.memory_space<vmem>>) semaphore(%arg17 : memref<!tpu.dma_semaphore, #tpu.memory_space<semaphore_mem>>)
        %dma_start3A_182 = arith.constant 12 : i32
        %dma_start3A_183 = arith.constant 1536 : i32
        %dma_start3A_184 = arith.constant 0 : i32
        %dma_start3A_185 = tpu.memref_slice %arg14[%dma_start3A_183, %dma_start3A_184] : memref<2048x16xf32, #tpu.memory_space<vmem>> -> memref<128x16xf32, #tpu.memory_space<vmem>>
        %dma_start3A_186 = arith.constant 0 : i32
        %dma_start3A_187 = tpu.memref_slice %arg13[%dma_start3A_182, %dma_start3A_186] : memref<16x128xi32, #tpu.memory_space<vmem>> -> memref<1x128xi32, #tpu.memory_space<vmem>>
        %dma_start3A_188 = tpu.memref_squeeze %dma_start3A_187 : memref<1x128xi32, #tpu.memory_space<vmem>> -> memref<128xi32, #tpu.memory_space<vmem>>
        %dma_start3A_189 = arith.constant 0 : i32
        %dma_start3A_190 = arith.constant 0 : i32
        %dma_start3A_191 = tpu.memref_slice %arg3[%dma_start3A_189, %dma_start3A_190] : memref<2201924x16xf32, #tpu.memory_space<hbm>> -> memref<2201924x16xf32, #tpu.memory_space<hbm>>
        tpu.enqueue_indirect_dma source(%dma_start3A_191 : memref<2201924x16xf32, #tpu.memory_space<hbm>>) target(%dma_start3A_185 : memref<128x16xf32, #tpu.memory_space<vmem>>) offsets(%dma_start3A_188 : memref<128xi32, #tpu.memory_space<vmem>>) semaphore(%arg17 : memref<!tpu.dma_semaphore, #tpu.memory_space<semaphore_mem>>)
        %dma_start3A_192 = arith.constant 13 : i32
        %dma_start3A_193 = arith.constant 1664 : i32
        %dma_start3A_194 = arith.constant 0 : i32
        %dma_start3A_195 = tpu.memref_slice %arg14[%dma_start3A_193, %dma_start3A_194] : memref<2048x16xf32, #tpu.memory_space<vmem>> -> memref<128x16xf32, #tpu.memory_space<vmem>>
        %dma_start3A_196 = arith.constant 0 : i32
        %dma_start3A_197 = tpu.memref_slice %arg13[%dma_start3A_192, %dma_start3A_196] : memref<16x128xi32, #tpu.memory_space<vmem>> -> memref<1x128xi32, #tpu.memory_space<vmem>>
        %dma_start3A_198 = tpu.memref_squeeze %dma_start3A_197 : memref<1x128xi32, #tpu.memory_space<vmem>> -> memref<128xi32, #tpu.memory_space<vmem>>
        %dma_start3A_199 = arith.constant 0 : i32
        %dma_start3A_200 = arith.constant 0 : i32
        %dma_start3A_201 = tpu.memref_slice %arg3[%dma_start3A_199, %dma_start3A_200] : memref<2201924x16xf32, #tpu.memory_space<hbm>> -> memref<2201924x16xf32, #tpu.memory_space<hbm>>
        tpu.enqueue_indirect_dma source(%dma_start3A_201 : memref<2201924x16xf32, #tpu.memory_space<hbm>>) target(%dma_start3A_195 : memref<128x16xf32, #tpu.memory_space<vmem>>) offsets(%dma_start3A_198 : memref<128xi32, #tpu.memory_space<vmem>>) semaphore(%arg17 : memref<!tpu.dma_semaphore, #tpu.memory_space<semaphore_mem>>)
        %dma_start3A_202 = arith.constant 14 : i32
        %dma_start3A_203 = arith.constant 1792 : i32
        %dma_start3A_204 = arith.constant 0 : i32
        %dma_start3A_205 = tpu.memref_slice %arg14[%dma_start3A_203, %dma_start3A_204] : memref<2048x16xf32, #tpu.memory_space<vmem>> -> memref<128x16xf32, #tpu.memory_space<vmem>>
        %dma_start3A_206 = arith.constant 0 : i32
        %dma_start3A_207 = tpu.memref_slice %arg13[%dma_start3A_202, %dma_start3A_206] : memref<16x128xi32, #tpu.memory_space<vmem>> -> memref<1x128xi32, #tpu.memory_space<vmem>>
        %dma_start3A_208 = tpu.memref_squeeze %dma_start3A_207 : memref<1x128xi32, #tpu.memory_space<vmem>> -> memref<128xi32, #tpu.memory_space<vmem>>
        %dma_start3A_209 = arith.constant 0 : i32
        %dma_start3A_210 = arith.constant 0 : i32
        %dma_start3A_211 = tpu.memref_slice %arg3[%dma_start3A_209, %dma_start3A_210] : memref<2201924x16xf32, #tpu.memory_space<hbm>> -> memref<2201924x16xf32, #tpu.memory_space<hbm>>
        tpu.enqueue_indirect_dma source(%dma_start3A_211 : memref<2201924x16xf32, #tpu.memory_space<hbm>>) target(%dma_start3A_205 : memref<128x16xf32, #tpu.memory_space<vmem>>) offsets(%dma_start3A_208 : memref<128xi32, #tpu.memory_space<vmem>>) semaphore(%arg17 : memref<!tpu.dma_semaphore, #tpu.memory_space<semaphore_mem>>)
        %dma_start3A_212 = arith.constant 15 : i32
        %dma_start3A_213 = arith.constant 1920 : i32
        %dma_start3A_214 = arith.constant 0 : i32
        %dma_start3A_215 = tpu.memref_slice %arg14[%dma_start3A_213, %dma_start3A_214] : memref<2048x16xf32, #tpu.memory_space<vmem>> -> memref<128x16xf32, #tpu.memory_space<vmem>>
        %dma_start3A_216 = arith.constant 0 : i32
        %dma_start3A_217 = tpu.memref_slice %arg13[%dma_start3A_212, %dma_start3A_216] : memref<16x128xi32, #tpu.memory_space<vmem>> -> memref<1x128xi32, #tpu.memory_space<vmem>>
        %dma_start3A_218 = tpu.memref_squeeze %dma_start3A_217 : memref<1x128xi32, #tpu.memory_space<vmem>> -> memref<128xi32, #tpu.memory_space<vmem>>
        %dma_start3A_219 = arith.constant 0 : i32
        %dma_start3A_220 = arith.constant 0 : i32
        %dma_start3A_221 = tpu.memref_slice %arg3[%dma_start3A_219, %dma_start3A_220] : memref<2201924x16xf32, #tpu.memory_space<hbm>> -> memref<2201924x16xf32, #tpu.memory_space<hbm>>
        tpu.enqueue_indirect_dma source(%dma_start3A_221 : memref<2201924x16xf32, #tpu.memory_space<hbm>>) target(%dma_start3A_215 : memref<128x16xf32, #tpu.memory_space<vmem>>) offsets(%dma_start3A_218 : memref<128xi32, #tpu.memory_space<vmem>>) semaphore(%arg17 : memref<!tpu.dma_semaphore, #tpu.memory_space<semaphore_mem>>)
        %dma_wait3A = arith.constant 0 : i32
        %dma_wait3A_222 = arith.constant 0 : i32
        %dma_wait3A_223 = arith.constant 0 : i32
        %dma_wait3A_224 = tpu.memref_slice %arg14[%dma_wait3A_222, %dma_wait3A_223] : memref<2048x16xf32, #tpu.memory_space<vmem>> -> memref<128x16xf32, #tpu.memory_space<vmem>>
        %dma_wait3A_225 = arith.constant 0 : i32
        %dma_wait3A_226 = tpu.memref_slice %arg13[%dma_wait3A, %dma_wait3A_225] : memref<16x128xi32, #tpu.memory_space<vmem>> -> memref<1x128xi32, #tpu.memory_space<vmem>>
        %dma_wait3A_227 = tpu.memref_squeeze %dma_wait3A_226 : memref<1x128xi32, #tpu.memory_space<vmem>> -> memref<128xi32, #tpu.memory_space<vmem>>
        %dma_wait3A_228 = arith.constant 0 : i32
        %dma_wait3A_229 = arith.constant 0 : i32
        %dma_wait3A_230 = tpu.memref_slice %arg3[%dma_wait3A_228, %dma_wait3A_229] : memref<2201924x16xf32, #tpu.memory_space<hbm>> -> memref<2201924x16xf32, #tpu.memory_space<hbm>>
        tpu.wait_indirect_dma semaphore(%arg17 : memref<!tpu.dma_semaphore, #tpu.memory_space<semaphore_mem>>) src(%dma_wait3A_230 : memref<2201924x16xf32, #tpu.memory_space<hbm>>) dst(%dma_wait3A_224 : memref<128x16xf32, #tpu.memory_space<vmem>>)
        %dma_wait3A_231 = arith.constant 1 : i32
        %dma_wait3A_232 = arith.constant 128 : i32
        %dma_wait3A_233 = arith.constant 0 : i32
        %dma_wait3A_234 = tpu.memref_slice %arg14[%dma_wait3A_232, %dma_wait3A_233] : memref<2048x16xf32, #tpu.memory_space<vmem>> -> memref<128x16xf32, #tpu.memory_space<vmem>>
        %dma_wait3A_235 = arith.constant 0 : i32
        %dma_wait3A_236 = tpu.memref_slice %arg13[%dma_wait3A_231, %dma_wait3A_235] : memref<16x128xi32, #tpu.memory_space<vmem>> -> memref<1x128xi32, #tpu.memory_space<vmem>>
        %dma_wait3A_237 = tpu.memref_squeeze %dma_wait3A_236 : memref<1x128xi32, #tpu.memory_space<vmem>> -> memref<128xi32, #tpu.memory_space<vmem>>
        %dma_wait3A_238 = arith.constant 0 : i32
        %dma_wait3A_239 = arith.constant 0 : i32
        %dma_wait3A_240 = tpu.memref_slice %arg3[%dma_wait3A_238, %dma_wait3A_239] : memref<2201924x16xf32, #tpu.memory_space<hbm>> -> memref<2201924x16xf32, #tpu.memory_space<hbm>>
        tpu.wait_indirect_dma semaphore(%arg17 : memref<!tpu.dma_semaphore, #tpu.memory_space<semaphore_mem>>) src(%dma_wait3A_240 : memref<2201924x16xf32, #tpu.memory_space<hbm>>) dst(%dma_wait3A_234 : memref<128x16xf32, #tpu.memory_space<vmem>>)
        %dma_wait3A_241 = arith.constant 2 : i32
        %dma_wait3A_242 = arith.constant 256 : i32
        %dma_wait3A_243 = arith.constant 0 : i32
        %dma_wait3A_244 = tpu.memref_slice %arg14[%dma_wait3A_242, %dma_wait3A_243] : memref<2048x16xf32, #tpu.memory_space<vmem>> -> memref<128x16xf32, #tpu.memory_space<vmem>>
        %dma_wait3A_245 = arith.constant 0 : i32
        %dma_wait3A_246 = tpu.memref_slice %arg13[%dma_wait3A_241, %dma_wait3A_245] : memref<16x128xi32, #tpu.memory_space<vmem>> -> memref<1x128xi32, #tpu.memory_space<vmem>>
        %dma_wait3A_247 = tpu.memref_squeeze %dma_wait3A_246 : memref<1x128xi32, #tpu.memory_space<vmem>> -> memref<128xi32, #tpu.memory_space<vmem>>
        %dma_wait3A_248 = arith.constant 0 : i32
        %dma_wait3A_249 = arith.constant 0 : i32
        %dma_wait3A_250 = tpu.memref_slice %arg3[%dma_wait3A_248, %dma_wait3A_249] : memref<2201924x16xf32, #tpu.memory_space<hbm>> -> memref<2201924x16xf32, #tpu.memory_space<hbm>>
        tpu.wait_indirect_dma semaphore(%arg17 : memref<!tpu.dma_semaphore, #tpu.memory_space<semaphore_mem>>) src(%dma_wait3A_250 : memref<2201924x16xf32, #tpu.memory_space<hbm>>) dst(%dma_wait3A_244 : memref<128x16xf32, #tpu.memory_space<vmem>>)
        %dma_wait3A_251 = arith.constant 3 : i32
        %dma_wait3A_252 = arith.constant 384 : i32
        %dma_wait3A_253 = arith.constant 0 : i32
        %dma_wait3A_254 = tpu.memref_slice %arg14[%dma_wait3A_252, %dma_wait3A_253] : memref<2048x16xf32, #tpu.memory_space<vmem>> -> memref<128x16xf32, #tpu.memory_space<vmem>>
        %dma_wait3A_255 = arith.constant 0 : i32
        %dma_wait3A_256 = tpu.memref_slice %arg13[%dma_wait3A_251, %dma_wait3A_255] : memref<16x128xi32, #tpu.memory_space<vmem>> -> memref<1x128xi32, #tpu.memory_space<vmem>>
        %dma_wait3A_257 = tpu.memref_squeeze %dma_wait3A_256 : memref<1x128xi32, #tpu.memory_space<vmem>> -> memref<128xi32, #tpu.memory_space<vmem>>
        %dma_wait3A_258 = arith.constant 0 : i32
        %dma_wait3A_259 = arith.constant 0 : i32
        %dma_wait3A_260 = tpu.memref_slice %arg3[%dma_wait3A_258, %dma_wait3A_259] : memref<2201924x16xf32, #tpu.memory_space<hbm>> -> memref<2201924x16xf32, #tpu.memory_space<hbm>>
        tpu.wait_indirect_dma semaphore(%arg17 : memref<!tpu.dma_semaphore, #tpu.memory_space<semaphore_mem>>) src(%dma_wait3A_260 : memref<2201924x16xf32, #tpu.memory_space<hbm>>) dst(%dma_wait3A_254 : memref<128x16xf32, #tpu.memory_space<vmem>>)
        %dma_wait3A_261 = arith.constant 4 : i32
        %dma_wait3A_262 = arith.constant 512 : i32
        %dma_wait3A_263 = arith.constant 0 : i32
        %dma_wait3A_264 = tpu.memref_slice %arg14[%dma_wait3A_262, %dma_wait3A_263] : memref<2048x16xf32, #tpu.memory_space<vmem>> -> memref<128x16xf32, #tpu.memory_space<vmem>>
        %dma_wait3A_265 = arith.constant 0 : i32
        %dma_wait3A_266 = tpu.memref_slice %arg13[%dma_wait3A_261, %dma_wait3A_265] : memref<16x128xi32, #tpu.memory_space<vmem>> -> memref<1x128xi32, #tpu.memory_space<vmem>>
        %dma_wait3A_267 = tpu.memref_squeeze %dma_wait3A_266 : memref<1x128xi32, #tpu.memory_space<vmem>> -> memref<128xi32, #tpu.memory_space<vmem>>
        %dma_wait3A_268 = arith.constant 0 : i32
        %dma_wait3A_269 = arith.constant 0 : i32
        %dma_wait3A_270 = tpu.memref_slice %arg3[%dma_wait3A_268, %dma_wait3A_269] : memref<2201924x16xf32, #tpu.memory_space<hbm>> -> memref<2201924x16xf32, #tpu.memory_space<hbm>>
        tpu.wait_indirect_dma semaphore(%arg17 : memref<!tpu.dma_semaphore, #tpu.memory_space<semaphore_mem>>) src(%dma_wait3A_270 : memref<2201924x16xf32, #tpu.memory_space<hbm>>) dst(%dma_wait3A_264 : memref<128x16xf32, #tpu.memory_space<vmem>>)
        %dma_wait3A_271 = arith.constant 5 : i32
        %dma_wait3A_272 = arith.constant 640 : i32
        %dma_wait3A_273 = arith.constant 0 : i32
        %dma_wait3A_274 = tpu.memref_slice %arg14[%dma_wait3A_272, %dma_wait3A_273] : memref<2048x16xf32, #tpu.memory_space<vmem>> -> memref<128x16xf32, #tpu.memory_space<vmem>>
        %dma_wait3A_275 = arith.constant 0 : i32
        %dma_wait3A_276 = tpu.memref_slice %arg13[%dma_wait3A_271, %dma_wait3A_275] : memref<16x128xi32, #tpu.memory_space<vmem>> -> memref<1x128xi32, #tpu.memory_space<vmem>>
        %dma_wait3A_277 = tpu.memref_squeeze %dma_wait3A_276 : memref<1x128xi32, #tpu.memory_space<vmem>> -> memref<128xi32, #tpu.memory_space<vmem>>
        %dma_wait3A_278 = arith.constant 0 : i32
        %dma_wait3A_279 = arith.constant 0 : i32
        %dma_wait3A_280 = tpu.memref_slice %arg3[%dma_wait3A_278, %dma_wait3A_279] : memref<2201924x16xf32, #tpu.memory_space<hbm>> -> memref<2201924x16xf32, #tpu.memory_space<hbm>>
        tpu.wait_indirect_dma semaphore(%arg17 : memref<!tpu.dma_semaphore, #tpu.memory_space<semaphore_mem>>) src(%dma_wait3A_280 : memref<2201924x16xf32, #tpu.memory_space<hbm>>) dst(%dma_wait3A_274 : memref<128x16xf32, #tpu.memory_space<vmem>>)
        %dma_wait3A_281 = arith.constant 6 : i32
        %dma_wait3A_282 = arith.constant 768 : i32
        %dma_wait3A_283 = arith.constant 0 : i32
        %dma_wait3A_284 = tpu.memref_slice %arg14[%dma_wait3A_282, %dma_wait3A_283] : memref<2048x16xf32, #tpu.memory_space<vmem>> -> memref<128x16xf32, #tpu.memory_space<vmem>>
        %dma_wait3A_285 = arith.constant 0 : i32
        %dma_wait3A_286 = tpu.memref_slice %arg13[%dma_wait3A_281, %dma_wait3A_285] : memref<16x128xi32, #tpu.memory_space<vmem>> -> memref<1x128xi32, #tpu.memory_space<vmem>>
        %dma_wait3A_287 = tpu.memref_squeeze %dma_wait3A_286 : memref<1x128xi32, #tpu.memory_space<vmem>> -> memref<128xi32, #tpu.memory_space<vmem>>
        %dma_wait3A_288 = arith.constant 0 : i32
        %dma_wait3A_289 = arith.constant 0 : i32
        %dma_wait3A_290 = tpu.memref_slice %arg3[%dma_wait3A_288, %dma_wait3A_289] : memref<2201924x16xf32, #tpu.memory_space<hbm>> -> memref<2201924x16xf32, #tpu.memory_space<hbm>>
        tpu.wait_indirect_dma semaphore(%arg17 : memref<!tpu.dma_semaphore, #tpu.memory_space<semaphore_mem>>) src(%dma_wait3A_290 : memref<2201924x16xf32, #tpu.memory_space<hbm>>) dst(%dma_wait3A_284 : memref<128x16xf32, #tpu.memory_space<vmem>>)
        %dma_wait3A_291 = arith.constant 7 : i32
        %dma_wait3A_292 = arith.constant 896 : i32
        %dma_wait3A_293 = arith.constant 0 : i32
        %dma_wait3A_294 = tpu.memref_slice %arg14[%dma_wait3A_292, %dma_wait3A_293] : memref<2048x16xf32, #tpu.memory_space<vmem>> -> memref<128x16xf32, #tpu.memory_space<vmem>>
        %dma_wait3A_295 = arith.constant 0 : i32
        %dma_wait3A_296 = tpu.memref_slice %arg13[%dma_wait3A_291, %dma_wait3A_295] : memref<16x128xi32, #tpu.memory_space<vmem>> -> memref<1x128xi32, #tpu.memory_space<vmem>>
        %dma_wait3A_297 = tpu.memref_squeeze %dma_wait3A_296 : memref<1x128xi32, #tpu.memory_space<vmem>> -> memref<128xi32, #tpu.memory_space<vmem>>
        %dma_wait3A_298 = arith.constant 0 : i32
        %dma_wait3A_299 = arith.constant 0 : i32
        %dma_wait3A_300 = tpu.memref_slice %arg3[%dma_wait3A_298, %dma_wait3A_299] : memref<2201924x16xf32, #tpu.memory_space<hbm>> -> memref<2201924x16xf32, #tpu.memory_space<hbm>>
        tpu.wait_indirect_dma semaphore(%arg17 : memref<!tpu.dma_semaphore, #tpu.memory_space<semaphore_mem>>) src(%dma_wait3A_300 : memref<2201924x16xf32, #tpu.memory_space<hbm>>) dst(%dma_wait3A_294 : memref<128x16xf32, #tpu.memory_space<vmem>>)
        %dma_wait3A_301 = arith.constant 8 : i32
        %dma_wait3A_302 = arith.constant 1024 : i32
        %dma_wait3A_303 = arith.constant 0 : i32
        %dma_wait3A_304 = tpu.memref_slice %arg14[%dma_wait3A_302, %dma_wait3A_303] : memref<2048x16xf32, #tpu.memory_space<vmem>> -> memref<128x16xf32, #tpu.memory_space<vmem>>
        %dma_wait3A_305 = arith.constant 0 : i32
        %dma_wait3A_306 = tpu.memref_slice %arg13[%dma_wait3A_301, %dma_wait3A_305] : memref<16x128xi32, #tpu.memory_space<vmem>> -> memref<1x128xi32, #tpu.memory_space<vmem>>
        %dma_wait3A_307 = tpu.memref_squeeze %dma_wait3A_306 : memref<1x128xi32, #tpu.memory_space<vmem>> -> memref<128xi32, #tpu.memory_space<vmem>>
        %dma_wait3A_308 = arith.constant 0 : i32
        %dma_wait3A_309 = arith.constant 0 : i32
        %dma_wait3A_310 = tpu.memref_slice %arg3[%dma_wait3A_308, %dma_wait3A_309] : memref<2201924x16xf32, #tpu.memory_space<hbm>> -> memref<2201924x16xf32, #tpu.memory_space<hbm>>
        tpu.wait_indirect_dma semaphore(%arg17 : memref<!tpu.dma_semaphore, #tpu.memory_space<semaphore_mem>>) src(%dma_wait3A_310 : memref<2201924x16xf32, #tpu.memory_space<hbm>>) dst(%dma_wait3A_304 : memref<128x16xf32, #tpu.memory_space<vmem>>)
        %dma_wait3A_311 = arith.constant 9 : i32
        %dma_wait3A_312 = arith.constant 1152 : i32
        %dma_wait3A_313 = arith.constant 0 : i32
        %dma_wait3A_314 = tpu.memref_slice %arg14[%dma_wait3A_312, %dma_wait3A_313] : memref<2048x16xf32, #tpu.memory_space<vmem>> -> memref<128x16xf32, #tpu.memory_space<vmem>>
        %dma_wait3A_315 = arith.constant 0 : i32
        %dma_wait3A_316 = tpu.memref_slice %arg13[%dma_wait3A_311, %dma_wait3A_315] : memref<16x128xi32, #tpu.memory_space<vmem>> -> memref<1x128xi32, #tpu.memory_space<vmem>>
        %dma_wait3A_317 = tpu.memref_squeeze %dma_wait3A_316 : memref<1x128xi32, #tpu.memory_space<vmem>> -> memref<128xi32, #tpu.memory_space<vmem>>
        %dma_wait3A_318 = arith.constant 0 : i32
        %dma_wait3A_319 = arith.constant 0 : i32
        %dma_wait3A_320 = tpu.memref_slice %arg3[%dma_wait3A_318, %dma_wait3A_319] : memref<2201924x16xf32, #tpu.memory_space<hbm>> -> memref<2201924x16xf32, #tpu.memory_space<hbm>>
        tpu.wait_indirect_dma semaphore(%arg17 : memref<!tpu.dma_semaphore, #tpu.memory_space<semaphore_mem>>) src(%dma_wait3A_320 : memref<2201924x16xf32, #tpu.memory_space<hbm>>) dst(%dma_wait3A_314 : memref<128x16xf32, #tpu.memory_space<vmem>>)
        %dma_wait3A_321 = arith.constant 10 : i32
        %dma_wait3A_322 = arith.constant 1280 : i32
        %dma_wait3A_323 = arith.constant 0 : i32
        %dma_wait3A_324 = tpu.memref_slice %arg14[%dma_wait3A_322, %dma_wait3A_323] : memref<2048x16xf32, #tpu.memory_space<vmem>> -> memref<128x16xf32, #tpu.memory_space<vmem>>
        %dma_wait3A_325 = arith.constant 0 : i32
        %dma_wait3A_326 = tpu.memref_slice %arg13[%dma_wait3A_321, %dma_wait3A_325] : memref<16x128xi32, #tpu.memory_space<vmem>> -> memref<1x128xi32, #tpu.memory_space<vmem>>
        %dma_wait3A_327 = tpu.memref_squeeze %dma_wait3A_326 : memref<1x128xi32, #tpu.memory_space<vmem>> -> memref<128xi32, #tpu.memory_space<vmem>>
        %dma_wait3A_328 = arith.constant 0 : i32
        %dma_wait3A_329 = arith.constant 0 : i32
        %dma_wait3A_330 = tpu.memref_slice %arg3[%dma_wait3A_328, %dma_wait3A_329] : memref<2201924x16xf32, #tpu.memory_space<hbm>> -> memref<2201924x16xf32, #tpu.memory_space<hbm>>
        tpu.wait_indirect_dma semaphore(%arg17 : memref<!tpu.dma_semaphore, #tpu.memory_space<semaphore_mem>>) src(%dma_wait3A_330 : memref<2201924x16xf32, #tpu.memory_space<hbm>>) dst(%dma_wait3A_324 : memref<128x16xf32, #tpu.memory_space<vmem>>)
        %dma_wait3A_331 = arith.constant 11 : i32
        %dma_wait3A_332 = arith.constant 1408 : i32
        %dma_wait3A_333 = arith.constant 0 : i32
        %dma_wait3A_334 = tpu.memref_slice %arg14[%dma_wait3A_332, %dma_wait3A_333] : memref<2048x16xf32, #tpu.memory_space<vmem>> -> memref<128x16xf32, #tpu.memory_space<vmem>>
        %dma_wait3A_335 = arith.constant 0 : i32
        %dma_wait3A_336 = tpu.memref_slice %arg13[%dma_wait3A_331, %dma_wait3A_335] : memref<16x128xi32, #tpu.memory_space<vmem>> -> memref<1x128xi32, #tpu.memory_space<vmem>>
        %dma_wait3A_337 = tpu.memref_squeeze %dma_wait3A_336 : memref<1x128xi32, #tpu.memory_space<vmem>> -> memref<128xi32, #tpu.memory_space<vmem>>
        %dma_wait3A_338 = arith.constant 0 : i32
        %dma_wait3A_339 = arith.constant 0 : i32
        %dma_wait3A_340 = tpu.memref_slice %arg3[%dma_wait3A_338, %dma_wait3A_339] : memref<2201924x16xf32, #tpu.memory_space<hbm>> -> memref<2201924x16xf32, #tpu.memory_space<hbm>>
        tpu.wait_indirect_dma semaphore(%arg17 : memref<!tpu.dma_semaphore, #tpu.memory_space<semaphore_mem>>) src(%dma_wait3A_340 : memref<2201924x16xf32, #tpu.memory_space<hbm>>) dst(%dma_wait3A_334 : memref<128x16xf32, #tpu.memory_space<vmem>>)
        %dma_wait3A_341 = arith.constant 12 : i32
        %dma_wait3A_342 = arith.constant 1536 : i32
        %dma_wait3A_343 = arith.constant 0 : i32
        %dma_wait3A_344 = tpu.memref_slice %arg14[%dma_wait3A_342, %dma_wait3A_343] : memref<2048x16xf32, #tpu.memory_space<vmem>> -> memref<128x16xf32, #tpu.memory_space<vmem>>
        %dma_wait3A_345 = arith.constant 0 : i32
        %dma_wait3A_346 = tpu.memref_slice %arg13[%dma_wait3A_341, %dma_wait3A_345] : memref<16x128xi32, #tpu.memory_space<vmem>> -> memref<1x128xi32, #tpu.memory_space<vmem>>
        %dma_wait3A_347 = tpu.memref_squeeze %dma_wait3A_346 : memref<1x128xi32, #tpu.memory_space<vmem>> -> memref<128xi32, #tpu.memory_space<vmem>>
        %dma_wait3A_348 = arith.constant 0 : i32
        %dma_wait3A_349 = arith.constant 0 : i32
        %dma_wait3A_350 = tpu.memref_slice %arg3[%dma_wait3A_348, %dma_wait3A_349] : memref<2201924x16xf32, #tpu.memory_space<hbm>> -> memref<2201924x16xf32, #tpu.memory_space<hbm>>
        tpu.wait_indirect_dma semaphore(%arg17 : memref<!tpu.dma_semaphore, #tpu.memory_space<semaphore_mem>>) src(%dma_wait3A_350 : memref<2201924x16xf32, #tpu.memory_space<hbm>>) dst(%dma_wait3A_344 : memref<128x16xf32, #tpu.memory_space<vmem>>)
        %dma_wait3A_351 = arith.constant 13 : i32
        %dma_wait3A_352 = arith.constant 1664 : i32
        %dma_wait3A_353 = arith.constant 0 : i32
        %dma_wait3A_354 = tpu.memref_slice %arg14[%dma_wait3A_352, %dma_wait3A_353] : memref<2048x16xf32, #tpu.memory_space<vmem>> -> memref<128x16xf32, #tpu.memory_space<vmem>>
        %dma_wait3A_355 = arith.constant 0 : i32
        %dma_wait3A_356 = tpu.memref_slice %arg13[%dma_wait3A_351, %dma_wait3A_355] : memref<16x128xi32, #tpu.memory_space<vmem>> -> memref<1x128xi32, #tpu.memory_space<vmem>>
        %dma_wait3A_357 = tpu.memref_squeeze %dma_wait3A_356 : memref<1x128xi32, #tpu.memory_space<vmem>> -> memref<128xi32, #tpu.memory_space<vmem>>
        %dma_wait3A_358 = arith.constant 0 : i32
        %dma_wait3A_359 = arith.constant 0 : i32
        %dma_wait3A_360 = tpu.memref_slice %arg3[%dma_wait3A_358, %dma_wait3A_359] : memref<2201924x16xf32, #tpu.memory_space<hbm>> -> memref<2201924x16xf32, #tpu.memory_space<hbm>>
        tpu.wait_indirect_dma semaphore(%arg17 : memref<!tpu.dma_semaphore, #tpu.memory_space<semaphore_mem>>) src(%dma_wait3A_360 : memref<2201924x16xf32, #tpu.memory_space<hbm>>) dst(%dma_wait3A_354 : memref<128x16xf32, #tpu.memory_space<vmem>>)
        %dma_wait3A_361 = arith.constant 14 : i32
        %dma_wait3A_362 = arith.constant 1792 : i32
        %dma_wait3A_363 = arith.constant 0 : i32
        %dma_wait3A_364 = tpu.memref_slice %arg14[%dma_wait3A_362, %dma_wait3A_363] : memref<2048x16xf32, #tpu.memory_space<vmem>> -> memref<128x16xf32, #tpu.memory_space<vmem>>
        %dma_wait3A_365 = arith.constant 0 : i32
        %dma_wait3A_366 = tpu.memref_slice %arg13[%dma_wait3A_361, %dma_wait3A_365] : memref<16x128xi32, #tpu.memory_space<vmem>> -> memref<1x128xi32, #tpu.memory_space<vmem>>
        %dma_wait3A_367 = tpu.memref_squeeze %dma_wait3A_366 : memref<1x128xi32, #tpu.memory_space<vmem>> -> memref<128xi32, #tpu.memory_space<vmem>>
        %dma_wait3A_368 = arith.constant 0 : i32
        %dma_wait3A_369 = arith.constant 0 : i32
        %dma_wait3A_370 = tpu.memref_slice %arg3[%dma_wait3A_368, %dma_wait3A_369] : memref<2201924x16xf32, #tpu.memory_space<hbm>> -> memref<2201924x16xf32, #tpu.memory_space<hbm>>
        tpu.wait_indirect_dma semaphore(%arg17 : memref<!tpu.dma_semaphore, #tpu.memory_space<semaphore_mem>>) src(%dma_wait3A_370 : memref<2201924x16xf32, #tpu.memory_space<hbm>>) dst(%dma_wait3A_364 : memref<128x16xf32, #tpu.memory_space<vmem>>)
        %dma_wait3A_371 = arith.constant 15 : i32
        %dma_wait3A_372 = arith.constant 1920 : i32
        %dma_wait3A_373 = arith.constant 0 : i32
        %dma_wait3A_374 = tpu.memref_slice %arg14[%dma_wait3A_372, %dma_wait3A_373] : memref<2048x16xf32, #tpu.memory_space<vmem>> -> memref<128x16xf32, #tpu.memory_space<vmem>>
        %dma_wait3A_375 = arith.constant 0 : i32
        %dma_wait3A_376 = tpu.memref_slice %arg13[%dma_wait3A_371, %dma_wait3A_375] : memref<16x128xi32, #tpu.memory_space<vmem>> -> memref<1x128xi32, #tpu.memory_space<vmem>>
        %dma_wait3A_377 = tpu.memref_squeeze %dma_wait3A_376 : memref<1x128xi32, #tpu.memory_space<vmem>> -> memref<128xi32, #tpu.memory_space<vmem>>
        %dma_wait3A_378 = arith.constant 0 : i32
        %dma_wait3A_379 = arith.constant 0 : i32
        %dma_wait3A_380 = tpu.memref_slice %arg3[%dma_wait3A_378, %dma_wait3A_379] : memref<2201924x16xf32, #tpu.memory_space<hbm>> -> memref<2201924x16xf32, #tpu.memory_space<hbm>>
        tpu.wait_indirect_dma semaphore(%arg17 : memref<!tpu.dma_semaphore, #tpu.memory_space<semaphore_mem>>) src(%dma_wait3A_380 : memref<2201924x16xf32, #tpu.memory_space<hbm>>) dst(%dma_wait3A_374 : memref<128x16xf32, #tpu.memory_space<vmem>>)
        %scan3A_381 = arith.constant 0 : i32
        %scan3A_382 = arith.constant 8 : i32
        %scan3A_383 = arith.addi %scan3A_381, %scan3A_382 : i32
        %scan3A_384 = arith.constant 1 : i32
        scf.for %scan3A_386 = %scan3A_381 to %scan3A_383 step %scan3A_384  : i32 {
          %broadcast_in_dim3A_387 = arith.constant 0.000000e+00 : f32
          %broadcast_in_dim3A_388 = vector.broadcast %broadcast_in_dim3A_387 : f32 to vector<16xf32>
          %broadcast_in_dim3A_389 = arith.constant 0.000000e+00 : f32
          %broadcast_in_dim3A_390 = vector.broadcast %broadcast_in_dim3A_389 : f32 to vector<16xf32>
          %mul3A_391 = arith.constant 16 : i32
          %mul3A_392 = arith.muli %scan3A_386, %mul3A_391 : i32
          %add3A_393 = vector.broadcast %mul3A_392 : i32 to vector<16xi32>
          %add3A_394 = arith.addi %add3A_393, %iota3A : vector<16xi32>
          %add3A_395 = arith.constant 0 : i32
          %add3A_396 = vector.broadcast %add3A_395 : i32 to vector<16xi32>
          %add3A_397 = arith.addi %add3A_394, %add3A_396 : vector<16xi32>
          %gather3A = tpu.vector_load_idx %arg14[%add3A_397, %broadcast_in_dim3A_1] : memref<2048x16xf32, #tpu.memory_space<vmem>>[vector<16xi32>, vector<16xi32>], vector<16xf32>,
          %gather3A_398 = tpu.vector_load_idx %arg14[%add3A_397, %add3A_4] : memref<2048x16xf32, #tpu.memory_space<vmem>>[vector<16xi32>, vector<16xi32>], vector<16xf32>,
          %add3A_399 = arith.addf %gather3A, %gather3A_398 : vector<16xf32>
          %add3A_400 = arith.constant 0 : i32
          %add3A_401 = arith.addi %add3A_400, %scan3A_386 : i32
          %mul3A_402 = arith.constant 16 : i32
          %mul3A_403 = arith.muli %add3A_401, %mul3A_402 : i32
          %get3A_404 = arith.index_cast %mul3A_403 : i32 to index
          %get3A_405 = tpu.vector_load %arg12[%get3A_404] {strides = array<i32>} : memref<1024xf32, #tpu.memory_space<vmem>>, vector<16xf32>,
          %mul3A_406 = arith.mulf %get3A_405, %add3A_399 : vector<16xf32>
          %add3A_407 = arith.addf %broadcast_in_dim3A_388, %mul3A_406 : vector<16xf32>
          %add3A_408 = arith.constant 128 : i32
          %add3A_409 = vector.broadcast %add3A_408 : i32 to vector<16xi32>
          %add3A_410 = arith.addi %add3A_394, %add3A_409 : vector<16xi32>
          %gather3A_411 = tpu.vector_load_idx %arg14[%add3A_410, %broadcast_in_dim3A_1] : memref<2048x16xf32, #tpu.memory_space<vmem>>[vector<16xi32>, vector<16xi32>], vector<16xf32>,
          %gather3A_412 = tpu.vector_load_idx %arg14[%add3A_410, %add3A_4] : memref<2048x16xf32, #tpu.memory_space<vmem>>[vector<16xi32>, vector<16xi32>], vector<16xf32>,
          %add3A_413 = arith.addf %gather3A_411, %gather3A_412 : vector<16xf32>
          %add3A_414 = arith.constant 8 : i32
          %add3A_415 = arith.addi %add3A_414, %scan3A_386 : i32
          %mul3A_416 = arith.constant 16 : i32
          %mul3A_417 = arith.muli %add3A_415, %mul3A_416 : i32
          %get3A_418 = arith.index_cast %mul3A_417 : i32 to index
          %get3A_419 = tpu.vector_load %arg12[%get3A_418] {strides = array<i32>} : memref<1024xf32, #tpu.memory_space<vmem>>, vector<16xf32>,
          %mul3A_420 = arith.mulf %get3A_419, %add3A_413 : vector<16xf32>
          %add3A_421 = arith.addf %add3A_407, %mul3A_420 : vector<16xf32>
          %add3A_422 = arith.constant 256 : i32
          %add3A_423 = vector.broadcast %add3A_422 : i32 to vector<16xi32>
          %add3A_424 = arith.addi %add3A_394, %add3A_423 : vector<16xi32>
          %gather3A_425 = tpu.vector_load_idx %arg14[%add3A_424, %broadcast_in_dim3A_1] : memref<2048x16xf32, #tpu.memory_space<vmem>>[vector<16xi32>, vector<16xi32>], vector<16xf32>,
          %gather3A_426 = tpu.vector_load_idx %arg14[%add3A_424, %add3A_4] : memref<2048x16xf32, #tpu.memory_space<vmem>>[vector<16xi32>, vector<16xi32>], vector<16xf32>,
          %add3A_427 = arith.addf %gather3A_425, %gather3A_426 : vector<16xf32>
          %add3A_428 = arith.constant 16 : i32
          %add3A_429 = arith.addi %add3A_428, %scan3A_386 : i32
          %mul3A_430 = arith.constant 16 : i32
          %mul3A_431 = arith.muli %add3A_429, %mul3A_430 : i32
          %get3A_432 = arith.index_cast %mul3A_431 : i32 to index
          %get3A_433 = tpu.vector_load %arg12[%get3A_432] {strides = array<i32>} : memref<1024xf32, #tpu.memory_space<vmem>>, vector<16xf32>,
          %mul3A_434 = arith.mulf %get3A_433, %add3A_427 : vector<16xf32>
          %add3A_435 = arith.addf %add3A_421, %mul3A_434 : vector<16xf32>
          %add3A_436 = arith.constant 384 : i32
          %add3A_437 = vector.broadcast %add3A_436 : i32 to vector<16xi32>
          %add3A_438 = arith.addi %add3A_394, %add3A_437 : vector<16xi32>
          %gather3A_439 = tpu.vector_load_idx %arg14[%add3A_438, %broadcast_in_dim3A_1] : memref<2048x16xf32, #tpu.memory_space<vmem>>[vector<16xi32>, vector<16xi32>], vector<16xf32>,
          %gather3A_440 = tpu.vector_load_idx %arg14[%add3A_438, %add3A_4] : memref<2048x16xf32, #tpu.memory_space<vmem>>[vector<16xi32>, vector<16xi32>], vector<16xf32>,
          %add3A_441 = arith.addf %gather3A_439, %gather3A_440 : vector<16xf32>
          %add3A_442 = arith.constant 24 : i32
          %add3A_443 = arith.addi %add3A_442, %scan3A_386 : i32
          %mul3A_444 = arith.constant 16 : i32
          %mul3A_445 = arith.muli %add3A_443, %mul3A_444 : i32
          %get3A_446 = arith.index_cast %mul3A_445 : i32 to index
          %get3A_447 = tpu.vector_load %arg12[%get3A_446] {strides = array<i32>} : memref<1024xf32, #tpu.memory_space<vmem>>, vector<16xf32>,
          %mul3A_448 = arith.mulf %get3A_447, %add3A_441 : vector<16xf32>
          %add3A_449 = arith.addf %add3A_435, %mul3A_448 : vector<16xf32>
          %add3A_450 = arith.constant 512 : i32
          %add3A_451 = vector.broadcast %add3A_450 : i32 to vector<16xi32>
          %add3A_452 = arith.addi %add3A_394, %add3A_451 : vector<16xi32>
          %gather3A_453 = tpu.vector_load_idx %arg14[%add3A_452, %broadcast_in_dim3A_1] : memref<2048x16xf32, #tpu.memory_space<vmem>>[vector<16xi32>, vector<16xi32>], vector<16xf32>,
          %gather3A_454 = tpu.vector_load_idx %arg14[%add3A_452, %add3A_4] : memref<2048x16xf32, #tpu.memory_space<vmem>>[vector<16xi32>, vector<16xi32>], vector<16xf32>,
          %add3A_455 = arith.addf %gather3A_453, %gather3A_454 : vector<16xf32>
          %add3A_456 = arith.constant 32 : i32
          %add3A_457 = arith.addi %add3A_456, %scan3A_386 : i32
          %mul3A_458 = arith.constant 16 : i32
          %mul3A_459 = arith.muli %add3A_457, %mul3A_458 : i32
          %get3A_460 = arith.index_cast %mul3A_459 : i32 to index
          %get3A_461 = tpu.vector_load %arg12[%get3A_460] {strides = array<i32>} : memref<1024xf32, #tpu.memory_space<vmem>>, vector<16xf32>,
          %mul3A_462 = arith.mulf %get3A_461, %add3A_455 : vector<16xf32>
          %add3A_463 = arith.addf %add3A_449, %mul3A_462 : vector<16xf32>
          %add3A_464 = arith.constant 640 : i32
          %add3A_465 = vector.broadcast %add3A_464 : i32 to vector<16xi32>
          %add3A_466 = arith.addi %add3A_394, %add3A_465 : vector<16xi32>
          %gather3A_467 = tpu.vector_load_idx %arg14[%add3A_466, %broadcast_in_dim3A_1] : memref<2048x16xf32, #tpu.memory_space<vmem>>[vector<16xi32>, vector<16xi32>], vector<16xf32>,
          %gather3A_468 = tpu.vector_load_idx %arg14[%add3A_466, %add3A_4] : memref<2048x16xf32, #tpu.memory_space<vmem>>[vector<16xi32>, vector<16xi32>], vector<16xf32>,
          %add3A_469 = arith.addf %gather3A_467, %gather3A_468 : vector<16xf32>
          %add3A_470 = arith.constant 40 : i32
          %add3A_471 = arith.addi %add3A_470, %scan3A_386 : i32
          %mul3A_472 = arith.constant 16 : i32
          %mul3A_473 = arith.muli %add3A_471, %mul3A_472 : i32
          %get3A_474 = arith.index_cast %mul3A_473 : i32 to index
          %get3A_475 = tpu.vector_load %arg12[%get3A_474] {strides = array<i32>} : memref<1024xf32, #tpu.memory_space<vmem>>, vector<16xf32>,
          %mul3A_476 = arith.mulf %get3A_475, %add3A_469 : vector<16xf32>
          %add3A_477 = arith.addf %add3A_463, %mul3A_476 : vector<16xf32>
          %add3A_478 = arith.constant 768 : i32
          %add3A_479 = vector.broadcast %add3A_478 : i32 to vector<16xi32>
          %add3A_480 = arith.addi %add3A_394, %add3A_479 : vector<16xi32>
          %gather3A_481 = tpu.vector_load_idx %arg14[%add3A_480, %broadcast_in_dim3A_1] : memref<2048x16xf32, #tpu.memory_space<vmem>>[vector<16xi32>, vector<16xi32>], vector<16xf32>,
          %gather3A_482 = tpu.vector_load_idx %arg14[%add3A_480, %add3A_4] : memref<2048x16xf32, #tpu.memory_space<vmem>>[vector<16xi32>, vector<16xi32>], vector<16xf32>,
          %add3A_483 = arith.addf %gather3A_481, %gather3A_482 : vector<16xf32>
          %add3A_484 = arith.constant 48 : i32
          %add3A_485 = arith.addi %add3A_484, %scan3A_386 : i32
          %mul3A_486 = arith.constant 16 : i32
          %mul3A_487 = arith.muli %add3A_485, %mul3A_486 : i32
          %get3A_488 = arith.index_cast %mul3A_487 : i32 to index
          %get3A_489 = tpu.vector_load %arg12[%get3A_488] {strides = array<i32>} : memref<1024xf32, #tpu.memory_space<vmem>>, vector<16xf32>,
          %mul3A_490 = arith.mulf %get3A_489, %add3A_483 : vector<16xf32>
          %add3A_491 = arith.addf %add3A_477, %mul3A_490 : vector<16xf32>
          %add3A_492 = arith.constant 896 : i32
          %add3A_493 = vector.broadcast %add3A_492 : i32 to vector<16xi32>
          %add3A_494 = arith.addi %add3A_394, %add3A_493 : vector<16xi32>
          %gather3A_495 = tpu.vector_load_idx %arg14[%add3A_494, %broadcast_in_dim3A_1] : memref<2048x16xf32, #tpu.memory_space<vmem>>[vector<16xi32>, vector<16xi32>], vector<16xf32>,
          %gather3A_496 = tpu.vector_load_idx %arg14[%add3A_494, %add3A_4] : memref<2048x16xf32, #tpu.memory_space<vmem>>[vector<16xi32>, vector<16xi32>], vector<16xf32>,
          %add3A_497 = arith.addf %gather3A_495, %gather3A_496 : vector<16xf32>
          %add3A_498 = arith.constant 56 : i32
          %add3A_499 = arith.addi %add3A_498, %scan3A_386 : i32
          %mul3A_500 = arith.constant 16 : i32
          %mul3A_501 = arith.muli %add3A_499, %mul3A_500 : i32
          %get3A_502 = arith.index_cast %mul3A_501 : i32 to index
          %get3A_503 = tpu.vector_load %arg12[%get3A_502] {strides = array<i32>} : memref<1024xf32, #tpu.memory_space<vmem>>, vector<16xf32>,
          %mul3A_504 = arith.mulf %get3A_503, %add3A_497 : vector<16xf32>
          %add3A_505 = arith.addf %add3A_491, %mul3A_504 : vector<16xf32>
          %add3A_506 = arith.constant 1024 : i32
          %add3A_507 = vector.broadcast %add3A_506 : i32 to vector<16xi32>
          %add3A_508 = arith.addi %add3A_394, %add3A_507 : vector<16xi32>
          %gather3A_509 = tpu.vector_load_idx %arg14[%add3A_508, %broadcast_in_dim3A_1] : memref<2048x16xf32, #tpu.memory_space<vmem>>[vector<16xi32>, vector<16xi32>], vector<16xf32>,
          %gather3A_510 = tpu.vector_load_idx %arg14[%add3A_508, %add3A_4] : memref<2048x16xf32, #tpu.memory_space<vmem>>[vector<16xi32>, vector<16xi32>], vector<16xf32>,
          %add3A_511 = arith.addf %gather3A_509, %gather3A_510 : vector<16xf32>
          %add3A_512 = arith.constant 0 : i32
          %add3A_513 = arith.addi %add3A_512, %scan3A_386 : i32
          %mul3A_514 = arith.constant 16 : i32
          %mul3A_515 = arith.muli %add3A_513, %mul3A_514 : i32
          %get3A_516 = arith.index_cast %mul3A_515 : i32 to index
          %get3A_517 = tpu.vector_load %arg12[%get3A_516] {strides = array<i32>} : memref<1024xf32, #tpu.memory_space<vmem>>, vector<16xf32>,
          %mul3A_518 = arith.mulf %get3A_517, %add3A_511 : vector<16xf32>
          %add3A_519 = arith.addf %broadcast_in_dim3A_390, %mul3A_518 : vector<16xf32>
          %add3A_520 = arith.constant 1152 : i32
          %add3A_521 = vector.broadcast %add3A_520 : i32 to vector<16xi32>
          %add3A_522 = arith.addi %add3A_394, %add3A_521 : vector<16xi32>
          %gather3A_523 = tpu.vector_load_idx %arg14[%add3A_522, %broadcast_in_dim3A_1] : memref<2048x16xf32, #tpu.memory_space<vmem>>[vector<16xi32>, vector<16xi32>], vector<16xf32>,
          %gather3A_524 = tpu.vector_load_idx %arg14[%add3A_522, %add3A_4] : memref<2048x16xf32, #tpu.memory_space<vmem>>[vector<16xi32>, vector<16xi32>], vector<16xf32>,
          %add3A_525 = arith.addf %gather3A_523, %gather3A_524 : vector<16xf32>
          %add3A_526 = arith.constant 8 : i32
          %add3A_527 = arith.addi %add3A_526, %scan3A_386 : i32
          %mul3A_528 = arith.constant 16 : i32
          %mul3A_529 = arith.muli %add3A_527, %mul3A_528 : i32
          %get3A_530 = arith.index_cast %mul3A_529 : i32 to index
          %get3A_531 = tpu.vector_load %arg12[%get3A_530] {strides = array<i32>} : memref<1024xf32, #tpu.memory_space<vmem>>, vector<16xf32>,
          %mul3A_532 = arith.mulf %get3A_531, %add3A_525 : vector<16xf32>
          %add3A_533 = arith.addf %add3A_519, %mul3A_532 : vector<16xf32>
          %add3A_534 = arith.constant 1280 : i32
          %add3A_535 = vector.broadcast %add3A_534 : i32 to vector<16xi32>
          %add3A_536 = arith.addi %add3A_394, %add3A_535 : vector<16xi32>
          %gather3A_537 = tpu.vector_load_idx %arg14[%add3A_536, %broadcast_in_dim3A_1] : memref<2048x16xf32, #tpu.memory_space<vmem>>[vector<16xi32>, vector<16xi32>], vector<16xf32>,
          %gather3A_538 = tpu.vector_load_idx %arg14[%add3A_536, %add3A_4] : memref<2048x16xf32, #tpu.memory_space<vmem>>[vector<16xi32>, vector<16xi32>], vector<16xf32>,
          %add3A_539 = arith.addf %gather3A_537, %gather3A_538 : vector<16xf32>
          %add3A_540 = arith.constant 16 : i32
          %add3A_541 = arith.addi %add3A_540, %scan3A_386 : i32
          %mul3A_542 = arith.constant 16 : i32
          %mul3A_543 = arith.muli %add3A_541, %mul3A_542 : i32
          %get3A_544 = arith.index_cast %mul3A_543 : i32 to index
          %get3A_545 = tpu.vector_load %arg12[%get3A_544] {strides = array<i32>} : memref<1024xf32, #tpu.memory_space<vmem>>, vector<16xf32>,
          %mul3A_546 = arith.mulf %get3A_545, %add3A_539 : vector<16xf32>
          %add3A_547 = arith.addf %add3A_533, %mul3A_546 : vector<16xf32>
          %add3A_548 = arith.constant 1408 : i32
          %add3A_549 = vector.broadcast %add3A_548 : i32 to vector<16xi32>
          %add3A_550 = arith.addi %add3A_394, %add3A_549 : vector<16xi32>
          %gather3A_551 = tpu.vector_load_idx %arg14[%add3A_550, %broadcast_in_dim3A_1] : memref<2048x16xf32, #tpu.memory_space<vmem>>[vector<16xi32>, vector<16xi32>], vector<16xf32>,
          %gather3A_552 = tpu.vector_load_idx %arg14[%add3A_550, %add3A_4] : memref<2048x16xf32, #tpu.memory_space<vmem>>[vector<16xi32>, vector<16xi32>], vector<16xf32>,
          %add3A_553 = arith.addf %gather3A_551, %gather3A_552 : vector<16xf32>
          %add3A_554 = arith.constant 24 : i32
          %add3A_555 = arith.addi %add3A_554, %scan3A_386 : i32
          %mul3A_556 = arith.constant 16 : i32
          %mul3A_557 = arith.muli %add3A_555, %mul3A_556 : i32
          %get3A_558 = arith.index_cast %mul3A_557 : i32 to index
          %get3A_559 = tpu.vector_load %arg12[%get3A_558] {strides = array<i32>} : memref<1024xf32, #tpu.memory_space<vmem>>, vector<16xf32>,
          %mul3A_560 = arith.mulf %get3A_559, %add3A_553 : vector<16xf32>
          %add3A_561 = arith.addf %add3A_547, %mul3A_560 : vector<16xf32>
          %add3A_562 = arith.constant 1536 : i32
          %add3A_563 = vector.broadcast %add3A_562 : i32 to vector<16xi32>
          %add3A_564 = arith.addi %add3A_394, %add3A_563 : vector<16xi32>
          %gather3A_565 = tpu.vector_load_idx %arg14[%add3A_564, %broadcast_in_dim3A_1] : memref<2048x16xf32, #tpu.memory_space<vmem>>[vector<16xi32>, vector<16xi32>], vector<16xf32>,
          %gather3A_566 = tpu.vector_load_idx %arg14[%add3A_564, %add3A_4] : memref<2048x16xf32, #tpu.memory_space<vmem>>[vector<16xi32>, vector<16xi32>], vector<16xf32>,
          %add3A_567 = arith.addf %gather3A_565, %gather3A_566 : vector<16xf32>
          %add3A_568 = arith.constant 32 : i32
          %add3A_569 = arith.addi %add3A_568, %scan3A_386 : i32
          %mul3A_570 = arith.constant 16 : i32
          %mul3A_571 = arith.muli %add3A_569, %mul3A_570 : i32
          %get3A_572 = arith.index_cast %mul3A_571 : i32 to index
          %get3A_573 = tpu.vector_load %arg12[%get3A_572] {strides = array<i32>} : memref<1024xf32, #tpu.memory_space<vmem>>, vector<16xf32>,
          %mul3A_574 = arith.mulf %get3A_573, %add3A_567 : vector<16xf32>
          %add3A_575 = arith.addf %add3A_561, %mul3A_574 : vector<16xf32>
          %add3A_576 = arith.constant 1664 : i32
          %add3A_577 = vector.broadcast %add3A_576 : i32 to vector<16xi32>
          %add3A_578 = arith.addi %add3A_394, %add3A_577 : vector<16xi32>
          %gather3A_579 = tpu.vector_load_idx %arg14[%add3A_578, %broadcast_in_dim3A_1] : memref<2048x16xf32, #tpu.memory_space<vmem>>[vector<16xi32>, vector<16xi32>], vector<16xf32>,
          %gather3A_580 = tpu.vector_load_idx %arg14[%add3A_578, %add3A_4] : memref<2048x16xf32, #tpu.memory_space<vmem>>[vector<16xi32>, vector<16xi32>], vector<16xf32>,
          %add3A_581 = arith.addf %gather3A_579, %gather3A_580 : vector<16xf32>
          %add3A_582 = arith.constant 40 : i32
          %add3A_583 = arith.addi %add3A_582, %scan3A_386 : i32
          %mul3A_584 = arith.constant 16 : i32
          %mul3A_585 = arith.muli %add3A_583, %mul3A_584 : i32
          %get3A_586 = arith.index_cast %mul3A_585 : i32 to index
          %get3A_587 = tpu.vector_load %arg12[%get3A_586] {strides = array<i32>} : memref<1024xf32, #tpu.memory_space<vmem>>, vector<16xf32>,
          %mul3A_588 = arith.mulf %get3A_587, %add3A_581 : vector<16xf32>
          %add3A_589 = arith.addf %add3A_575, %mul3A_588 : vector<16xf32>
          %add3A_590 = arith.constant 1792 : i32
          %add3A_591 = vector.broadcast %add3A_590 : i32 to vector<16xi32>
          %add3A_592 = arith.addi %add3A_394, %add3A_591 : vector<16xi32>
          %gather3A_593 = tpu.vector_load_idx %arg14[%add3A_592, %broadcast_in_dim3A_1] : memref<2048x16xf32, #tpu.memory_space<vmem>>[vector<16xi32>, vector<16xi32>], vector<16xf32>,
          %gather3A_594 = tpu.vector_load_idx %arg14[%add3A_592, %add3A_4] : memref<2048x16xf32, #tpu.memory_space<vmem>>[vector<16xi32>, vector<16xi32>], vector<16xf32>,
          %add3A_595 = arith.addf %gather3A_593, %gather3A_594 : vector<16xf32>
          %add3A_596 = arith.constant 48 : i32
          %add3A_597 = arith.addi %add3A_596, %scan3A_386 : i32
          %mul3A_598 = arith.constant 16 : i32
          %mul3A_599 = arith.muli %add3A_597, %mul3A_598 : i32
          %get3A_600 = arith.index_cast %mul3A_599 : i32 to index
          %get3A_601 = tpu.vector_load %arg12[%get3A_600] {strides = array<i32>} : memref<1024xf32, #tpu.memory_space<vmem>>, vector<16xf32>,
          %mul3A_602 = arith.mulf %get3A_601, %add3A_595 : vector<16xf32>
          %add3A_603 = arith.addf %add3A_589, %mul3A_602 : vector<16xf32>
          %add3A_604 = arith.constant 1920 : i32
          %add3A_605 = vector.broadcast %add3A_604 : i32 to vector<16xi32>
          %add3A_606 = arith.addi %add3A_394, %add3A_605 : vector<16xi32>
          %gather3A_607 = tpu.vector_load_idx %arg14[%add3A_606, %broadcast_in_dim3A_1] : memref<2048x16xf32, #tpu.memory_space<vmem>>[vector<16xi32>, vector<16xi32>], vector<16xf32>,
          %gather3A_608 = tpu.vector_load_idx %arg14[%add3A_606, %add3A_4] : memref<2048x16xf32, #tpu.memory_space<vmem>>[vector<16xi32>, vector<16xi32>], vector<16xf32>,
          %add3A_609 = arith.addf %gather3A_607, %gather3A_608 : vector<16xf32>
          %add3A_610 = arith.constant 56 : i32
          %add3A_611 = arith.addi %add3A_610, %scan3A_386 : i32
          %mul3A_612 = arith.constant 16 : i32
          %mul3A_613 = arith.muli %add3A_611, %mul3A_612 : i32
          %get3A_614 = arith.index_cast %mul3A_613 : i32 to index
          %get3A_615 = tpu.vector_load %arg12[%get3A_614] {strides = array<i32>} : memref<1024xf32, #tpu.memory_space<vmem>>, vector<16xf32>,
          %mul3A_616 = arith.mulf %get3A_615, %add3A_609 : vector<16xf32>
          %add3A_617 = arith.addf %add3A_603, %mul3A_616 : vector<16xf32>
          %mul3A_618 = arith.constant 16 : i32
          %mul3A_619 = arith.muli %scan3A_386, %mul3A_618 : i32
          %get3A_620 = arith.index_cast %mul3A_619 : i32 to index
          %get3A_621 = tpu.vector_load %arg11[%get3A_620] {strides = array<i32>} : memref<128xf32, #tpu.memory_space<vmem>>, vector<16xf32>,
          %sub3A = arith.subf %add3A_617, %add3A_505 : vector<16xf32>
          %mul3A_622 = arith.mulf %get3A_621, %sub3A : vector<16xf32>
          %add3A_623 = arith.addf %add3A_505, %mul3A_622 : vector<16xf32>
          %mul3A_624 = arith.constant 16 : i32
          %mul3A_625 = arith.muli %scan3A_386, %mul3A_624 : i32
          %add3A_626 = vector.broadcast %mul3A_625 : i32 to vector<16xi32>
          %add3A_627 = arith.addi %add3A_626, %iota3A : vector<16xi32>
          %add3A_628 = vector.broadcast %add3A_32 : i32 to vector<16xi32>
          %add3A_629 = arith.addi %broadcast_in_dim3A_1, %add3A_628 : vector<16xi32>
          tpu.vector_store_idx %arg15[%add3A_627, %add3A_629], %add3A_623 : memref<128x12xf32, #tpu.memory_space<vmem>>[vector<16xi32>, vector<16xi32>], vector<16xf32>,
          tpu.vector_store_idx %arg16[%add3A_627, %add3A_629], %add3A_505 : memref<128x24xf32, #tpu.memory_space<vmem>>[vector<16xi32>, vector<16xi32>], vector<16xf32>,
          %add3A_630 = arith.constant 12 : i32
          %add3A_631 = vector.broadcast %add3A_630 : i32 to vector<16xi32>
          %add3A_632 = arith.addi %add3A_629, %add3A_631 : vector<16xi32>
          tpu.vector_store_idx %arg16[%add3A_627, %add3A_632], %add3A_617 : memref<128x24xf32, #tpu.memory_space<vmem>>[vector<16xi32>, vector<16xi32>], vector<16xf32>,
        }
        %scan3A_385 = arith.constant 8 : i32
      }
      %scan3A_29 = arith.constant 3 : i32
      "tpu.region"() ({
        %run_scoped3A = tpu.sem_alloc : memref<!tpu.dma_semaphore, #tpu.memory_space<semaphore_mem>>
        %dma_start3A = arith.constant 0 : i32
        %dma_start3A_30 = tpu.memref_slice %arg6[%add3A_14, %dma_start3A] : memref<32768x12xf32, #tpu.memory_space<hbm>> -> memref<128x12xf32, #tpu.memory_space<hbm>>
        %dma_start3A_31 = arith.constant 0 : i32
        %dma_start3A_32 = tpu.memref_slice %arg6[%add3A_14, %dma_start3A_31] : memref<32768x12xf32, #tpu.memory_space<hbm>> -> memref<128x12xf32, #tpu.memory_space<hbm>>
        tpu.enqueue_dma source(%arg15 : memref<128x12xf32, #tpu.memory_space<vmem>>) target(%dma_start3A_32 : memref<128x12xf32, #tpu.memory_space<hbm>>) target_semaphore(%run_scoped3A : memref<!tpu.dma_semaphore, #tpu.memory_space<semaphore_mem>>)
        %dma_wait3A = arith.constant 0 : i32
        %dma_wait3A_33 = tpu.memref_slice %arg6[%add3A_14, %dma_wait3A] : memref<32768x12xf32, #tpu.memory_space<hbm>> -> memref<128x12xf32, #tpu.memory_space<hbm>>
        %dma_wait3A_34 = arith.constant 0 : i32
        %dma_wait3A_35 = tpu.memref_slice %arg6[%add3A_14, %dma_wait3A_34] : memref<32768x12xf32, #tpu.memory_space<hbm>> -> memref<128x12xf32, #tpu.memory_space<hbm>>
        tpu.wait_dma2 semaphore(%run_scoped3A : memref<!tpu.dma_semaphore, #tpu.memory_space<semaphore_mem>>) src(%arg15 : memref<128x12xf32, #tpu.memory_space<vmem>>) dst(%dma_wait3A_35 : memref<128x12xf32, #tpu.memory_space<hbm>>)
        tpu.yield
      }) : () -> ()
      "tpu.region"() ({
        %run_scoped3A = tpu.sem_alloc : memref<!tpu.dma_semaphore, #tpu.memory_space<semaphore_mem>>
        %dma_start3A = arith.constant 0 : i32
        %dma_start3A_30 = tpu.memref_slice %arg7[%add3A_14, %dma_start3A] : memref<32768x24xf32, #tpu.memory_space<hbm>> -> memref<128x24xf32, #tpu.memory_space<hbm>>
        %dma_start3A_31 = arith.constant 0 : i32
        %dma_start3A_32 = tpu.memref_slice %arg7[%add3A_14, %dma_start3A_31] : memref<32768x24xf32, #tpu.memory_space<hbm>> -> memref<128x24xf32, #tpu.memory_space<hbm>>
        tpu.enqueue_dma source(%arg16 : memref<128x24xf32, #tpu.memory_space<vmem>>) target(%dma_start3A_32 : memref<128x24xf32, #tpu.memory_space<hbm>>) target_semaphore(%run_scoped3A : memref<!tpu.dma_semaphore, #tpu.memory_space<semaphore_mem>>)
        %dma_wait3A = arith.constant 0 : i32
        %dma_wait3A_33 = tpu.memref_slice %arg7[%add3A_14, %dma_wait3A] : memref<32768x24xf32, #tpu.memory_space<hbm>> -> memref<128x24xf32, #tpu.memory_space<hbm>>
        %dma_wait3A_34 = arith.constant 0 : i32
        %dma_wait3A_35 = tpu.memref_slice %arg7[%add3A_14, %dma_wait3A_34] : memref<32768x24xf32, #tpu.memory_space<hbm>> -> memref<128x24xf32, #tpu.memory_space<hbm>>
        tpu.wait_dma2 semaphore(%run_scoped3A : memref<!tpu.dma_semaphore, #tpu.memory_space<semaphore_mem>>) src(%arg16 : memref<128x24xf32, #tpu.memory_space<vmem>>) dst(%dma_wait3A_35 : memref<128x24xf32, #tpu.memory_space<hbm>>)
        tpu.yield
      }) : () -> ()
    }
    %scan3A_8 = arith.constant 8 : i32
    return
  }
}

</mosaic_0001>

<sc_bundles>
// kernel: kernel.3.cloned.1.call-start
scs
__scs_entry_jumppad:
0x0: {  	(pc) =	sbr.rel $0x88, $3  }
0x1: {  	(tag) =	ssettag $0x0;
	lr =	simm.s32 $0x1  }
0x2: {  	[smem:$0x3F9E] =	sst lr;
	_ =	strace $0xD0000000  }
0x3: {  	_ = 	snop  }
0x4: {  	_ = 	snop  }
0x5: {  	_ = 	snop  }
0x6: {  	_ = 	snop  }
0x7: {  	_ = 	snop  }
__scs_overlays_trampoline_lowered:
0x8: {  	[smem:$0x3FAD] =	sst s0  }
0x9: {  	[smem:$0x3FAE] =	sst s1  }
0xa: {  	[smem:$0x3FAF] =	sst s2  }
0xb: {  	[smem:$0x3FB0] =	sst s3  }
0xc: {  	[smem:$0x3FB1] =	sst s4  }
0xd: {  	[smem:$0x3FB2] =	sst s5  }
0xe: {  	[smem:$0x3FB3] =	sst s6  }
0xf: {  	[smem:$0x3FB4] =	sst s7  }
0x10: {  	[smem:$0x3FB5] =	sst s8  }
0x11: {  	[smem:$0x3FB6] =	sst s9;
	s0 =	simm.s32 @!p0 $0x0  }
0x12: {  	s1 =	sld [smem:$0x3F9C];
	s0 =	simm.s32 @p0 $0x1  }
0x13: {  	[smem:$0x3FB7] =	sst s0;
	s0 =	simm.s32 @!p1 $0x0  }
0x14: {  	s2 =	sld [smem:$0x3F9B];
	s0 =	simm.s32 @p1 $0x1  }
0x15: {  	[smem:$0x3FB8] =	sst s0;
	s0 =	simm.s32 @!p2 $0x0  }
0x16: {  	s3 =	sld [smem:$0x3FDB];
	s0 =	simm.s32 @p2 $0x1  }
0x17: {  	s4 =	simm.s32 $0x1BF5;
	[smem:$0x3FBA] =	sst s0  }
0x18: {  	s0 =	sld [smem:$0x3F9D];
	_ =	swait.ge [sflag:s4], $0x0  }
0x19: {  	s7 =	sld [smem:$0x3F9E]  }
0x1a: {  	s8 =	sadd.s32 $0xFFFFE003, lr  }
0x1b: {  	s9 =	sadd.s32 $0xFFFFFEF7, lr;
	s5 =	simm.s32 $0xFFFFFFFF;
	p2 =	slt.u32 s8, $0xFFFFF086  }
0x1c: {  	p1 =	slt.u32 s9, $0xF7A;
	s5 =	simm.s32 @!p2 $0x0  }
0x1d: {  	s5 =	simm.s32 @p1 $0x1;
	p0 =	seq.s32 s7, s2  }
0x1e: {  	s7 =	smul.u32 @!p0 $0xF7A, s2;
	p2 =	seq.s32 @!p0 s5, $0x0  }
0x1f: {  	s9 =	smul.u32 $0xF7A, s1;
	s8 =	simm.s32 @!p0 $0x1BF5;
	p2 =	por !p2, p0  }
0x20: {  	[sflag:s8] =	ssyncset.s32 @!p0 $0xFFFFF086;
	s6 =	sadd.s32 @!p0 s3, s7;
	s7 =	simm.s32 @!p0 $0x108  }
0x21: {  	s3 =	sadd.s32 s3, s9;
	s6 =	sadd.s32 @!p0 $0x88, s6;
	s7 =	simm.s32 @p2 $0x1082  }
0x22: {  	[simem:s7], [sflag:s8] =	dma.local @!p0 [hbm:s6], $0xF7A  }
0x23: {  	s9 =	sor.u32 $0xD0000000, s2;
	s6 =	simm.s32 $0x108;
	_ =	swait.ge @!p0 [sflag:s8], $0x0  }
0x24: {  	s3 =	sadd.s32 $0x88, s3;
	s6 =	simm.s32 @!p1 $0x1082;
	[sflag:s4] =	ssyncset.s32 $0xFFFFF086  }
0x25: {  	[simem:s6], [sflag:s4] =	dma.local [hbm:s3], $0xF7A  }
0x26: {  	[smem:$0x3F9E] =	sst s1;
	(tag) =	ssettag s2;
	_ =	strace s9  }
0x27: {  	s1 =	sld [smem:$0x3FAE]  }
0x28: {  	s2 =	sld [smem:$0x3FAF]  }
0x29: {  	s4 =	sld [smem:$0x3FB1]  }
0x2a: {  	p0 =	seq.s32 s5, $0x0;
	s5 =	sld [smem:$0x3FB2]  }
0x2b: {  	s6 =	sld [smem:$0x3FB3]  }
0x2c: {  	s7 =	sld [smem:$0x3FB4]  }
0x2d: {  	s3 =	simm.s32 $0x108;
	s8 =	sld [smem:$0x3FB5]  }
0x2e: {  	s3 =	simm.s32 @!p0 $0x1082;
	s9 =	sld [smem:$0x3FB6]  }
0x2f: {  	lr =	sadd.s32 s0, s3;
	s0 =	sld [smem:$0x3FAD]  }
0x30: {  	s3 =	sld [smem:$0x3FB0]  }
0x31: {  	[smem:$0x3FB9] =	sst s10  }
0x32: {  	s10 =	sld [smem:$0x3FB7];
	_ =	sdelay $0x3  }
0x33: {  	p0 =	seq.s32 s10, $0x1;
	s10 =	sld [smem:$0x3FB9];
	_ =	sdelay $0x3  }
0x34: {  	[smem:$0x3FB9] =	sst s10  }
0x35: {  	s10 =	sld [smem:$0x3FB8];
	_ =	sdelay $0x3  }
0x36: {  	p1 =	seq.s32 s10, $0x1;
	s10 =	sld [smem:$0x3FB9];
	_ =	sdelay $0x3  }
0x37: {  	[smem:$0x3FB9] =	sst s10  }
0x38: {  	s10 =	sld [smem:$0x3FBA]  }
0x39: {  	_ = 	snop;
	(pc) =	sbr.ind lr, $3  }
0x3a: {  	_ = 	snop  }
0x3b: {  	_ = 	snop  }
0x3c: {  	p2 =	seq.s32 s10, $0x1;
	s10 =	sld [smem:$0x3FB9]  }
0x3d: {  	_ =	shalt  }
0x3e: {  	_ =	shalt  }
0x3f: {  	_ =	shalt  }
0x40: {  	_ =	shalt  }
0x41: {  	_ =	shalt  }
0x42: {  	_ =	shalt  }
0x43: {  	_ =	shalt  }
0x44: {  	_ =	shalt  }
0x45: {  	_ =	shalt  }
0x46: {  	_ =	shalt  }
0x47: {  	_ =	shalt  }
0x48: {  	_ =	shalt  }
0x49: {  	_ =	shalt  }
0x4a: {  	_ =	shalt  }
0x4b: {  	_ =	shalt  }
0x4c: {  	_ =	shalt  }
0x4d: {  	_ =	shalt  }
0x4e: {  	_ =	shalt  }
0x4f: {  	_ =	shalt  }
0x50: {  	_ =	shalt  }
0x51: {  	_ =	shalt  }
0x52: {  	_ =	shalt  }
0x53: {  	_ =	shalt  }
0x54: {  	_ =	shalt  }
0x55: {  	_ =	shalt  }
0x56: {  	_ =	shalt  }
0x57: {  	_ =	shalt  }
0x58: {  	_ =	shalt  }
0x59: {  	_ =	shalt  }
0x5a: {  	_ =	shalt  }
0x5b: {  	_ =	shalt  }
0x5c: {  	_ =	shalt  }
0x5d: {  	_ =	shalt  }
0x5e: {  	_ =	shalt  }
0x5f: {  	_ =	shalt  }
0x60: {  	_ =	shalt  }
0x61: {  	_ =	shalt  }
0x62: {  	_ =	shalt  }
0x63: {  	_ =	shalt  }
0x64: {  	_ =	shalt  }
0x65: {  	_ =	shalt  }
0x66: {  	_ =	shalt  }
0x67: {  	_ =	shalt  }
0x68: {  	_ =	shalt  }
0x69: {  	_ =	shalt  }
0x6a: {  	_ =	shalt  }
0x6b: {  	_ =	shalt  }
0x6c: {  	_ =	shalt  }
0x6d: {  	_ =	shalt  }
0x6e: {  	_ =	shalt  }
0x6f: {  	_ =	shalt  }
0x70: {  	_ =	shalt  }
0x71: {  	_ =	shalt  }
0x72: {  	_ =	shalt  }
0x73: {  	_ =	shalt  }
0x74: {  	_ =	shalt  }
0x75: {  	_ =	shalt  }
0x76: {  	_ =	shalt  }
0x77: {  	_ =	shalt  }
0x78: {  	_ =	shalt  }
0x79: {  	_ =	shalt  }
0x7a: {  	_ =	shalt  }
0x7b: {  	_ =	shalt  }
0x7c: {  	_ =	shalt  }
0x7d: {  	_ =	shalt  }
0x7e: {  	_ =	shalt  }
0x7f: {  	_ =	shalt  }
0x80: {  	_ =	shalt  }
0x81: {  	_ =	shalt  }
0x82: {  	_ =	shalt  }
0x83: {  	_ =	shalt  }
0x84: {  	_ =	shalt  }
0x85: {  	_ =	shalt  }
0x86: {  	_ =	shalt  }
0x87: {  	_ =	shalt  }
.Lfunc_end0:
.L_simem_size_0:
called_computation_lowered:
.L_overlay_start_0:
0x88: {  	s2 =	sld [smem:$0x3FD9]  }
0x89: {  	s3 =	sld [smem:$0x3FFE];
	_ =	sdelay $0x1  }
0x8a: {  	s1 =	srdreg.scid  }
0x8b: {  	s0 =	sand.u32 $0x1, s1  }
0x8c: {  	s14 =	sshll.u32 s0, $0xA;
	s2 =	sadd.s32 s3, s2  }
0x8d: {  	s2 =	sadd.s32 s2, s14  }
0x8e: {  	[smem:$0x3FC5] =	sst s2  }
0x8f: {  	_ = 	snop  }
0x90: {  	s2 =	sld [smem:$0x3FD0];
	_ =	sdelay $0x2  }
0x91: {  	s15 =	simm.s32 $0xA;
	s4 =	simm.s32 $0x10  }
0x92: {  	[smem:s4], [sflag:s15] =	dma.local [hbm:s2], $0x1  }
0x93: {  	_ =	swait.eq [sflag:s15], $0x1  }
0x94: {  	[sflag:s15] =	ssyncset.done $0x0  }
0x95: {  	s16 =	sld [smem:$0x10];
	[sflag:s15] =	ssyncadd.s32 $0xFFFFFFFF  }
0x96: {  	s17 =	sld [smem:$0x11];
	(tm) =	ssettm $0x1  }
0x97: {  	s18 =	sld [smem:$0x3FFB];
	_ =	sdelay $0x3  }
0x98: {  	_ =	strace s18  }
0x99: {  	s4 =	sld [smem:$0x3FFC];
	_ =	sdelay $0x3  }
0x9a: {  	_ =	strace s4  }
0x9b: {  	s4 =	sld [smem:$0x3FFD];
	_ =	sdelay $0x3  }
0x9c: {  	_ =	strace s4  }
0x9d: {  	_ =	strace $0x8FFFFFFF  }
0x9e: {  	s19 =	sld [smem:$0x3FDB];
	_ =	sdelay $0x1  }
0x9f: {  	s5 =	simm.s32 $_scs_section_size  }
0xa0: {  	s6 =	simm.s32 $_size__tile_overlayer_lowered;
	s7 =	simm.s32 $_tile_overlayer_lowered  }
0xa1: {  	s22 =	simm.s32 $0x1BFF;
	s21 =	sshll.u32 s7, $0x1;
	s4 =	sadd.s32 s5, s19  }
0xa2: {  	s8 =	simm.s32 $0x0;
	s20 =	sshll.u32 s6, $0x1;
	s6 =	sadd.s32 s21, s4  }
0xa3: {  	[timem:s8], [sflag:s22] =	dma.local [hbm:s6], s20  }
0xa4: {  	_ =	swait.ge [sflag:s22], s20  }
0xa5: {  	s5 =	ssub.s32 $0x0, s20;
	[sflag:s22] =	ssyncset.done $0x0  }
0xa6: {  	[sflag:s22] =	ssyncadd.s32 s5;
	_ =	sdelay $0x1  }
0xa7: {  	s23 =	simm.s32 $0x1B8B  }
0xa8: {  	_ =	swait.ge [sflag:s23], $0x1  }
0xa9: {  	[sflag:s23] =	ssyncset.done $0x0  }
0xaa: {  	s25 =	simm.s32 $0x1B8E;
	s24 =	sld [smem:$0x3FFE];
	[sflag:s23] =	ssyncadd.s32 $0xFFFFFFFF  }
0xab: {  	s26 =	simm.s32 $execute0_lowered;
	[smem:$0x3FD2] =	sst s25  }
0xac: {  	s6 =	sshll.u32 s26, $0x1;
	_ =	strace $0x80000046;
	[dreg:$0x1] =	wrdreg $0xFFFFFFFF  }
0xad: {  	s28 =	simm.s32 $_size_execute0_lowered;
	s4 =	sadd.s32 s4, s6;
	[dreg:$0x0] =	wrdreg $0x0  }
0xae: {  	s6 =	sshll.u32 s28, $0x1;
	[dreg:$0x2] =	wrdreg s4  }
0xaf: {  	[dreg:$0x3] =	wrdreg s6  }
0xb0: {  	[dreg:$0x4] =	wrdreg $0xC0  }
0xb1: {  	_ =	task [dreg:s8], $0x5FFFF  }
0xb2: {  	[dreg:$0x1] =	wrdreg $0xFFFFFFFF  }
0xb3: {  	[dreg:$0x0] =	wrdreg $0x60  }
0xb4: {  	[dreg:$0x2] =	wrdreg s24  }
0xb5: {  	[dreg:$0x3] =	wrdreg s16  }
0xb6: {  	[dreg:$0x4] =	wrdreg s17  }
0xb7: {  	[dreg:$0x5] =	wrdreg $0x9  }
0xb8: {  	_ =	task.clear_ibuf [dreg:s8], $0x6FFFF;
	_ =	strace $0x90000046  }
0xb9: {  	s29 =	simm.s32 $0x9;
	_ =	strace $0x80000048  }
0xba: {  	_ =	swait.ge [sflag:s29], $0x1  }
0xbb: {  	[sflag:s29] =	ssyncadd.s32 $0xFFFFFFFF  }
0xbc: {  	_ =	strace $0x90000048  }
0xbd: {  	_ =	sfence  }
0xbe: {  	s30 =	sld [smem:$0x0];
	_ =	sdelay $0x2  }
0xbf: {  	s31 =	sshll.u32 s1, $0xD;
	s1 =	sshrl.u32 s1, $0x2  }
0xc0: {  	s3 =	sand.u32 $0x4000, s31;
	s1 =	sadd.s32 s1, s30  }
0xc1: {  	s0 =	sor.u32 s3, s0;
	s1 =	sshll.u32 s1, $0x11  }
0xc2: {  	s0 =	sor.u32 s1, s0  }
0xc3: {  	s0 =	sadd.s32 $0x8F2B, s0  }
0xc4: {  	[sflag:s0] =	ssyncadd.remote.s32 $0x1  }
0xc5: {  	_ =	sfence.sel $0xFFFF  }
0xc6: {  	[dreg:$0x0] =	wrdreg $0xFFFFFFFF;
	(pc) =	sbr.abs _section_cstart, $3  }
0xc7: {  	[dreg:$0x1] =	wrdreg $0xFFFFFFFF  }
0xc8: {  	_ =	task.clear_ibuf [dreg:s8], $0x2FFFF;
	_ =	strace $0x9FFFFFFF  }
0xc9: {  	(tm) =	ssettm $0x7FFFFFFF  }
tec
execute0_lowered:
.L_overlay_start_1:
0x0: {  	(tag) =	ssettag $0x1  }
0x1: {  	s0 =	rddreg [dreg:$0x0];
	s1 =	simm.s32 $0x0  }
0x2: {  	s28 =	srdreg.scid;
	s4 =	stileid.u32;
	s26 =	simm.s32 $0x2  }
0x3: {  	s12 =	simm.s32 $0x480;
	s13 =	simm.s32 $0x80;
	s16 =	simm.s32 $0x10B18  }
0x4: {  	s17 =	simm.s32 $0x11318;
	s19 =	simm.s32 $0x8B18;
	s8 =	simm.s32 $0x8718  }
0x5: {  	s10 =	simm.s32 $0xCB18;
	s14 =	simm.s32 $0x8818;
	s15 =	simm.s32 $0xDB18  }
0x6: {  	s5 =	simm.s32 $0x8898;
	s9 =	simm.s32 $0xE318;
	s11 =	simm.s32 $0xEB18  }
0x7: {  	s18 =	simm.s32 $0x8998;
	s20 =	simm.s32 $0xF318;
	s21 =	simm.s32 $0x8A18  }
0x8: {  	s22 =	simm.s32 $0xFB18;
	s23 =	simm.s32 $0x8A98;
	s24 =	simm.s32 $0x10318  }
0x9: {  	s25 =	simm.s32 $0x1;
	[smem:$0x7FF] =	sst s1;
	s2 =	sadd.s32 $0x434C00, s0  }
0xa: {  	s6 =	sadd.s32 $0x1800, s0;
	s1 =	sand.u32 $0x1, s28;
	s29 =	sadd.s32 $0x464C00, s0  }
0xb: {  	s4 =	sshll.u32 s4, $0xB;
	_ =	strace $0x80000047;
	[dreg:$0x4] =	wrdreg s2  }
0xc: {  	s0 =	sadd.s32 $0x465A00, s0;
	[dreg:$0x5] =	wrdreg s29;
	s30 =	ssub.s32 $0x2, s1  }
0xd: {  	s1 =	sshll.u32 s1, $0xA;
	[dreg:$0x6] =	wrdreg s0;
	s3 =	sshrl.u32 s30, $0x1  }
0xe: {  	s2 =	simm.s32 $0xD318;
	s1 =	sor.u32 s1, s4;
	s31 =	ssub.s32 s30, s3  }
0xf: {  	s4 =	simm.s32 $0x0;
	[dreg:$0x7] =	wrdreg s1;
	s0 =	smax.u32 s31, $0x1  }
0x10: {  	v0 =	vlaneseq.u32;
	v1 =	vimm.f32 $0.0e+00;
	v2 =	vimm.f32 $4.294967300e+09;
	s1 =	simm.s32 $0x8798;
	s3 =	simm.s32 $0x8918;
	[dreg:$0x8] =	wrdreg s0  }
.LBB2_1:
0x11: {  	[dreg:$0x9] =	wrdreg s4  }
0x12: {  	s0 =	simm.s32 $0x0;
	s30 =	rddreg [dreg:$0x6]  }
0x13: {  	[tilespmem:s0], [sflag:$0x2] =	stream.linear.gather [hbm4b:s30+s0], $0x480, $0x38;
	[tilespmem:$0x11F18] =	vst v63  }
0x14: {  	_ =	swait.ge [sflag:s26], $0x480  }
0x15: {  	[sflag:s26] =	ssyncset.done $0x0  }
0x16: {  	s31 =	rddreg [dreg:$0x5];
	[sflag:s26] =	ssyncadd.s32 $0xFFFFFB80  }
0x17: {  	[tilespmem:s12], [sflag:$0x2] =	stream.linear.gather [hbm4b:s31+s0], $0x6218, $0x38;
	[tilespmem:$0x11F18] =	vst v63  }
0x18: {  	_ =	swait.ge [sflag:s26], $0x6218  }
0x19: {  	[sflag:s26] =	ssyncset.done $0x0  }
0x1a: {  	s0 =	simm.s32 $0x0;
	[sflag:s26] =	ssyncadd.s32 $0xFFFF9DE8  }
.LBB2_2:
0x1b: {  	[dreg:$0xa] =	wrdreg s0  }
0x1c: {  	s29 =	sshll.u32 s0, $0x7;
	s4 =	rddreg [dreg:$0x7]  }
0x1d: {  	s30 =	rddreg [dreg:$0x4];
	s0 =	sadd.s32 s4, s29  }
0x1e: {  	[dreg:$0xb] =	wrdreg s0;
	s0 =	sshrl.u32 s0, $0x3  }
0x1f: {  	s31 =	simm.s32 $0x8000;
	s7 =	simm.s32 $0x6698;
	s0 =	sadd.s32 s30, s0  }
0x20: {  	[tilespmem:s7], [sflag:$0x2] =	stream.strided.gather [hbm4b:s0+s13], $0x1800, s31, s13, $0x38;
	[tilespmem:$0x11F18] =	vst v63  }
0x21: {  	_ =	swait.ge [sflag:s26], $0x1800  }
0x22: {  	[sflag:s26] =	ssyncset.done $0x0  }
0x23: {  	s28 =	simm.s32 $0x6798;
	[sflag:s26] =	ssyncadd.s32 $0xFFFFE800;
	s26 =	simm.s32 $0x0  }
.LBB2_3:
0x24: {  	s0 =	smul.u32 $0x180, s26;
	_ =	sdelay $0x1  }
0x25: {  	s0 =	sshra.s32 s0, $0x2  }
0x26: {  	v3 =	vld [tilespmem:s0+$0x0]  }
0x27: {  	v4 =	vld [tilespmem:s0+$0x10]  }
0x28: {  	v6 =	vmov s26;
	v5 =	vld [tilespmem:s0+$0x20]  }
0x29: {  	v9 =	vadd.s32 $0xC, v6;
	v7 =	vld [tilespmem:s0+$0x30]  }
0x2a: {  	s29 =	smov.u32 s28;
	s30 =	simm.s32 $0x0;
	v9 =	vand.u32 $0x1F, v9;
	v8 =	vld [tilespmem:s0+$0x40]  }
.LBB2_4:
0x2b: {  	v12 =	vld [tilespmem:s29+$0xFFFFFF00]  }
0x2c: {  	v13 =	vld [tilespmem:s29+$0xFFFFFF80]  }
0x2d: {  	v14 =	vld [tilespmem:s29+$0x0]  }
0x2e: {  	v10 =	vld [tilespmem:s29+$0x80];
	_ =	sdelay $0x2  }
0x2f: {  	v11 =	vtrunc.f32 v12  }
0x30: {  	v15 =	vtrunc.f32 v13;
	v16 =	vtrunc.f32 v14;
	v17 =	vadd.f32 $1.000000000e+00, v12  }
0x31: {  	v18 =	vtrunc.f32 v10;
	v19 =	vadd.f32 $1.000000000e+00, v13;
	v11 =	vcvt.f32.s32 v11  }
0x32: {  	v20 =	vadd.f32 $1.000000000e+00, v14;
	v15 =	vcvt.f32.s32 v15;
	v16 =	vcvt.f32.s32 v16  }
0x33: {  	v21 =	vadd.f32 $1.000000000e+00, v10;
	v18 =	vcvt.f32.s32 v18;
	v17 =	vtrunc.f32 v17  }
0x34: {  	v19 =	vtrunc.f32 v19;
	v20 =	vtrunc.f32 v20  }
0x35: {  	v21 =	vtrunc.f32 v21;
	v17 =	vcvt.f32.s32 v17  }
0x36: {  	v19 =	vcvt.f32.s32 v19;
	v20 =	vcvt.f32.s32 v20  }
0x37: {  	v21 =	vcvt.f32.s32 v21;
	vm0 =	vgt.s32 v11, $0x0;
	vm1 =	vgt.s32 v15, $0x0  }
0x38: {  	vm14 =	vgt.s32 v16, $0x0;
	vm6 =	vgt.s32 v18, $0x0;
	v11 =	vnsel vm0, $0x0, v11  }
0x39: {  	v15 =	vnsel vm1, $0x0, v15;
	v16 =	vnsel vm14, $0x0, v16;
	vm15 =	vlt.s32 v11, v3  }
0x3a: {  	vm4 =	vlt.s32 v15, v3;
	vm5 =	vlt.s32 v16, v3;
	vm7 =	vgt.s32 v17, $0x0  }
0x3b: {  	vm8 =	vgt.s32 v19, $0x0;
	vm12 =	vgt.s32 v20, $0x0;
	vm13 =	vgt.s32 v21, $0x0  }
0x3c: {  	v22 =	vsel vm15, v11, v3;
	v15 =	vsel vm4, v15, v3;
	v16 =	vsel vm5, v16, v3  }
0x3d: {  	v11 =	vnsel vm6, $0x0, v18;
	v17 =	vnsel vm7, $0x0, v17;
	v40 =	vnsel vm8, $0x0, v19  }
0x3e: {  	v20 =	vnsel vm12, $0x0, v20;
	v21 =	vnsel vm13, $0x0, v21;
	vm9 =	vlt.s32 v11, v3  }
0x3f: {  	vm10 =	vlt.s32 v17, v3;
	vm11 =	vlt.s32 v40, v3;
	v41 =	vmul.u32 v4, v22  }
0x40: {  	v23 =	vmul.u32 v5, v15;
	v24 =	vmul.u32 v7, v16;
	vm14 =	vlt.s32 v20, v3  }
0x41: {  	vm15 =	vlt.s32 v21, v3;
	v22 =	vcvt.s32.f32 v22;
	v15 =	vcvt.s32.f32 v15  }
0x42: {  	v43 =	vcvt.s32.f32 v16;
	v11 =	vsel vm9, v11, v3;
	v19 =	vadd.s32 v8, v41  }
0x43: {  	v17 =	vsel vm10, v17, v3;
	v20 =	vsel vm14, v20, v3;
	v25 =	vadd.s32 v23, v19  }
0x44: {  	v18 =	vsel vm11, v40, v3;
	v20 =	vmul.u32 v7, v20;
	v26 =	vadd.s32 v24, v25  }
0x45: {  	v21 =	vsel vm15, v21, v3;
	v17 =	vmul.u32 v4, v17;
	v27 =	vadd.s32 v11, v26  }
0x46: {  	v25 =	vadd.s32 v25, v20;
	v26 =	vadd.s32 v21, v26;
	v42 =	vshll.u32 v27, $0x3  }
0x47: {  	v18 =	vmul.u32 v5, v18;
	v41 =	vadd.s32 v11, v25;
	v26 =	vshll.u32 v26, $0x3  }
0x48: {  	v12 =	vsub.f32 v12, v22;
	v25 =	vadd.s32 v21, v25;
	v41 =	vshll.u32 v41, $0x3  }
0x49: {  	v13 =	vsub.f32 v13, v15;
	v19 =	vadd.s32 v19, v18;
	v25 =	vshll.u32 v25, $0x3  }
0x4a: {  	v17 =	vadd.s32 v8, v17;
	v45 =	vadd.s32 v24, v19;
	v27 =	vor.u32 $0x1, v42  }
0x4b: {  	v31 =	vsub.f32 $1.000000000e+00, v12;
	v32 =	vadd.s32 v11, v45;
	v30 =	vor.u32 $0x1, v26;
	v22 =	vld.idx.msk [tilespmem:v42+s12+$0x0], $0xffff  }
0x4c: {  	v23 =	vadd.s32 v23, v17;
	v15 =	vadd.s32 v21, v45;
	v32 =	vshll.u32 v32, $0x3;
	v26 =	vld.idx.msk [tilespmem:v26+s12+$0x0], $0xffff  }
0x4d: {  	v19 =	vadd.s32 v20, v19;
	v15 =	vshll.u32 v15, $0x3;
	v51 =	vor.u32 $0x1, v41;
	v41 =	vld.idx.msk [tilespmem:v41+s12+$0x0], $0xffff  }
0x4e: {  	v28 =	vadd.s32 v24, v23;
	v57 =	vadd.s32 v11, v19;
	v19 =	vadd.s32 v21, v19;
	v58 =	vld.idx.msk [tilespmem:v25+s12+$0x0], $0xffff  }
0x4f: {  	v34 =	vsub.f32 $1.000000000e+00, v13;
	v29 =	vadd.s32 v11, v28;
	v19 =	vshll.u32 v19, $0x3;
	v27 =	vld.idx.msk [tilespmem:v27+s12+$0x0], $0xffff  }
0x50: {  	v17 =	vadd.s32 v18, v17;
	v28 =	vadd.s32 v21, v28;
	v44 =	vshll.u32 v29, $0x3;
	v30 =	vld.idx.msk [tilespmem:v30+s12+$0x0], $0xffff  }
0x51: {  	v36 =	vmul.f32 v34, v31;
	v24 =	vadd.s32 v24, v17;
	v28 =	vshll.u32 v28, $0x3;
	v48 =	vld.idx.msk [tilespmem:v32+s12+$0x0], $0xffff  }
0x52: {  	v34 =	vmul.f32 v34, v12;
	v46 =	vor.u32 $0x1, v32;
	v38 =	vor.u32 $0x1, v15;
	v15 =	vld.idx.msk [tilespmem:v15+s12+$0x0], $0xffff  }
0x53: {  	v31 =	vmul.f32 v13, v31;
	v12 =	vmul.f32 v13, v12;
	v37 =	vadd.s32 v11, v24;
	v56 =	vld.idx.msk [tilespmem:v51+s12+$0x0], $0xffff  }
0x54: {  	v23 =	vadd.s32 v20, v23;
	v47 =	vadd.s32 v21, v24;
	v37 =	vshll.u32 v37, $0x3;
	v45 =	vld.idx.msk [tilespmem:v19+s12+$0x0], $0xffff  }
0x55: {  	v17 =	vadd.s32 v20, v17;
	v52 =	vadd.s32 v11, v23;
	v13 =	vshll.u32 v47, $0x3;
	v16 =	vld.idx.msk [tilespmem:v44+s12+$0x0], $0xffff  }
0x56: {  	v23 =	vadd.s32 v21, v23;
	v20 =	vshll.u32 v52, $0x3;
	v33 =	vor.u32 $0x1, v28;
	v28 =	vld.idx.msk [tilespmem:v28+s12+$0x0], $0xffff  }
0x57: {  	v21 =	vadd.s32 v21, v17;
	v17 =	vadd.s32 v11, v17;
	v23 =	vshll.u32 v23, $0x3;
	v18 =	vld.idx.msk [tilespmem:v46+s12+$0x0], $0xffff  }
0x58: {  	v17 =	vshll.u32 v17, $0x3;
	v38 =	vld.idx.msk [tilespmem:v38+s12+$0x0], $0xffff  }
0x59: {  	v29 =	vor.u32 $0x1, v44;
	v50 =	vld.idx.msk [tilespmem:v37+s12+$0x0], $0xffff  }
0x5a: {  	v14 =	vsub.f32 v14, v43;
	v42 =	vor.u32 $0x1, v13;
	v13 =	vld.idx.msk [tilespmem:v13+s12+$0x0], $0xffff  }
0x5b: {  	v49 =	vor.u32 $0x1, v37;
	v55 =	vor.u32 $0x1, v20;
	v20 =	vld.idx.msk [tilespmem:v20+s12+$0x0], $0xffff  }
0x5c: {  	v35 =	vsub.f32 $1.000000000e+00, v14;
	v21 =	vshll.u32 v21, $0x3;
	v59 =	vor.u32 $0x1, v23;
	v23 =	vld.idx.msk [tilespmem:v23+s12+$0x0], $0xffff  }
0x5d: {  	v43 =	vor.u32 $0x1, v17;
	v17 =	vld.idx.msk [tilespmem:v17+s12+$0x0], $0xffff  }
0x5e: {  	v39 =	vmul.f32 v35, v36;
	v29 =	vld.idx.msk [tilespmem:v29+s12+$0x0], $0xffff  }
0x5f: {  	v53 =	vor.u32 $0x1, v25;
	v40 =	vmul.f32 v35, v34;
	v60 =	vmul.f32 v35, v31;
	v33 =	vld.idx.msk [tilespmem:v33+s12+$0x0], $0xffff  }
0x60: {  	v63 =	vor.u32 $0x1, v19;
	v37 =	vshll.u32 v57, $0x3;
	v44 =	vmul.f32 v35, v12;
	v32 =	vld.idx.msk [tilespmem:v49+s12+$0x0], $0xffff  }
0x61: {  	v46 =	vor.u32 $0x1, v21;
	v21 =	vld.idx.msk [tilespmem:v21+s12+$0x0], $0xffff;
	v12 =	vmul.f32 v14, v12;
	v22 =	vadd.f32 v27, v22  }
0x62: {  	v61 =	vor.u32 $0x1, v37;
	v54 =	vld.idx.msk [tilespmem:v42+s12+$0x0], $0xffff;
	v26 =	vadd.f32 v30, v26;
	v49 =	vadd.f32 v56, v41  }
0x63: {  	v62 =	vld.idx.msk [tilespmem:v55+s12+$0x0], $0xffff;
	v18 =	vadd.f32 v18, v48;
	v15 =	vadd.f32 v38, v15;
	v22 =	vmul.f32 v39, v22  }
0x64: {  	v16 =	vadd.f32 v29, v16;
	v26 =	vmul.f32 v39, v26;
	v28 =	vadd.f32 v33, v28;
	v29 =	vld.idx.msk [tilespmem:v53+s12+$0x0], $0xffff  }
0x65: {  	v25 =	vld.idx.msk [tilespmem:v59+s12+$0x0], $0xffff;
	v27 =	vadd.f32 v32, v50;
	v50 =	vmul.f32 v36, v14;
	v22 =	vadd.f32 $0.0e+00, v22  }
0x66: {  	v42 =	vld.idx.msk [tilespmem:v37+s12+$0x0], $0xffff;
	v16 =	vmul.f32 v16, v40;
	v28 =	vmul.f32 v28, v40;
	v26 =	vadd.f32 $0.0e+00, v26  }
0x67: {  	v48 =	vld.idx.msk [tilespmem:v63+s12+$0x0], $0xffff;
	v53 =	vmul.f32 v34, v14;
	v18 =	vmul.f32 v18, v60;
	v13 =	vadd.f32 v54, v13  }
0x68: {  	v24 =	vld.idx.msk [tilespmem:v61+s12+$0x0], $0xffff;
	v15 =	vmul.f32 v15, v60;
	v16 =	vadd.f32 v16, v22;
	v26 =	vadd.f32 v28, v26  }
0x69: {  	v51 =	vld.idx.msk [tilespmem:v43+s12+$0x0], $0xffff;
	v20 =	vadd.f32 v62, v20;
	v47 =	vmul.f32 v27, v44;
	v22 =	vadd.f32 v29, v58  }
0x6a: {  	v19 =	vld.idx.msk [tilespmem:v46+s12+$0x0], $0xffff;
	v13 =	vmul.f32 v13, v44;
	v16 =	vadd.f32 v18, v16;
	v15 =	vadd.f32 v15, v26  }
0x6b: {  	v23 =	vadd.f32 v25, v23;
	v52 =	vmul.f32 v49, v50;
	v54 =	vmul.f32 v14, v31  }
0x6c: {  	v22 =	vmul.f32 v22, v50;
	v16 =	vadd.f32 v47, v16;
	v13 =	vadd.f32 v13, v15  }
0x6d: {  	v55 =	vmul.f32 v20, v53;
	v57 =	vadd.f32 v24, v42;
	v58 =	vadd.f32 v48, v45  }
0x6e: {  	v56 =	vmul.f32 v23, v53;
	v15 =	vadd.f32 v52, v16;
	v13 =	vadd.f32 v22, v13  }
0x6f: {  	v17 =	vadd.f32 v51, v17;
	v60 =	vadd.f32 v19, v21;
	v59 =	vmul.f32 v57, v54  }
0x70: {  	v14 =	vmul.f32 v58, v54;
	v15 =	vadd.f32 v55, v15;
	v13 =	vadd.f32 v56, v13  }
0x71: {  	v61 =	vmul.f32 v17, v12  }
0x72: {  	v12 =	vmul.f32 v60, v12;
	v15 =	vadd.f32 v59, v15;
	v13 =	vadd.f32 v14, v13  }
0x73: {  	v11 =	vcvt.s32.f32 v11  }
0x74: {  	v14 =	vadd.f32 v61, v15;
	v12 =	vadd.f32 v12, v13  }
0x75: {  	v10 =	vsub.f32 v10, v11;
	v11 =	vor.u32 s30, v0  }
0x76: {  	v62 =	vshll.u32 v11, $0x4;
	v11 =	vmul.u32 $0x18, v11;
	v13 =	vsub.f32 v12, v14  }
0x77: {  	v15 =	vadd.s32 v6, v62  }
0x78: {  	v63 =	vor.u32 v6, v11;
	v10 =	vmul.f32 v13, v10  }
0x79: {  	p0 =	sne.s32 s30, $0x70;
	v11 =	vadd.s32 v9, v11  }
.Ltmp0:
0x7a: {  	v10 =	vadd.f32 v10, v14;
	(pc) =	sbr.rel @p0 .LBB2_4-.Ltmp0, $4  }
0x7b: {  	_ = 	snop  }
0x7c: {  	[tilespmem:v15+s16+$0x0] =	vst.idx.msk $0xffff, v10  }
0x7d: {  	[tilespmem:v63+s17+$0x0] =	vst.idx.msk $0xffff, v14  }
0x7e: {  	s29 =	sadd.s32 $0x10, s29;
	s30 =	sadd.s32 $0x10, s30;
	[tilespmem:v11+s17+$0x0] =	vst.idx.msk $0xffff, v12  }
0x7f: {  	s26 =	sadd.s32 $0x1, s26  }
0x80: {  	p0 =	sne.s32 s26, $0x5  }
.Ltmp1:
0x81: {  	_ = 	snop;
	(pc) =	sbr.rel @p0 .LBB2_3-.Ltmp1, $2  }
0x82: {  	_ =	sdelay $0x2  }
0x83: {  	s28 =	sadd.s32 $0x200, s28  }
0x84: {  	s26 =	simm.s32 $0x0;
	s28 =	simm.s32 $0x7218  }
.LBB2_7:
0x85: {  	v5 =	vmov s28;
	_ =	sdelay $0x3  }
0x86: {  	s30 =	simm.s32 $0x0  }
0x87: {  	v10 =	vld.idx.msk [tilespmem:v5+s30+$0xFFFFFF80 ss:$0x1], $0xffff  }
0x88: {  	v12 =	vld.idx.msk [tilespmem:v5+s30+$0xFFFFFE80 ss:$0x1], $0xffff  }
0x89: {  	v11 =	vld.idx.msk [tilespmem:v5+s30+$0xFFFFFF00 ss:$0x1], $0xffff  }
0x8a: {  	v4 =	vld.idx.msk [tilespmem:v5+s30+$0x0 ss:$0x1], $0xffff;
	_ =	sdelay $0x2  }
0x8b: {  	s29 =	sadd.s32 $0x5, s26;
	v8 =	vtrunc.f32 v12  }
0x8c: {  	s0 =	smul.u32 $0x180, s29;
	v6 =	vadd.f32 $1.000000000e+00, v10;
	v7 =	vtrunc.f32 v10;
	v14 =	vtrunc.f32 v11  }
0x8d: {  	v9 =	vadd.f32 $1.000000000e+00, v12;
	v18 =	vtrunc.f32 v4;
	v7 =	vcvt.f32.s32 v7  }
0x8e: {  	s0 =	sshra.s32 s0, $0x2;
	v13 =	vadd.f32 $1.000000000e+00, v11;
	v17 =	vcvt.f32.s32 v14;
	v8 =	vcvt.f32.s32 v8  }
0x8f: {  	v3 =	vld [tilespmem:s0+$0x0];
	v15 =	vtrunc.f32 v6;
	v6 =	vtrunc.f32 v9  }
0x90: {  	v14 =	vadd.f32 $1.000000000e+00, v4;
	v13 =	vtrunc.f32 v13;
	v9 =	vcvt.f32.s32 v6  }
0x91: {  	v18 =	vcvt.f32.s32 v18;
	vm0 =	vgt.s32 v7, $0x0;
	v13 =	vcvt.f32.s32 v13  }
0x92: {  	v6 =	vld [tilespmem:s0+$0x10];
	v15 =	vcvt.f32.s32 v15;
	vm3 =	vgt.s32 v17, $0x0;
	vm1 =	vgt.s32 v9, $0x0  }
0x93: {  	vm13 =	vgt.s32 v8, $0x0;
	v16 =	vnsel vm0, $0x0, v7;
	v9 =	vnsel vm1, $0x0, v9  }
0x94: {  	v8 =	vnsel vm13, $0x0, v8;
	v17 =	vnsel vm3, $0x0, v17;
	vm1 =	vlt.s32 v9, v3  }
0x95: {  	v7 =	vld [tilespmem:s0+$0x40];
	vm0 =	vlt.s32 v16, v3;
	v19 =	vsel vm1, v9, v3;
	vm1 =	vlt.s32 v8, v3  }
0x96: {  	vm2 =	vgt.s32 v13, $0x0;
	vm14 =	vgt.s32 v15, $0x0;
	v9 =	vld [tilespmem:s0+$0x20];
	v8 =	vsel vm1, v8, v3  }
0x97: {  	v20 =	vnsel vm2, $0x0, v13;
	v23 =	vcvt.s32.f32 v8;
	v22 =	vmul.u32 v6, v8;
	v8 =	vld [tilespmem:s0+$0x30]  }
0x98: {  	vm15 =	vlt.s32 v17, v3;
	vm2 =	vlt.s32 v20, v3;
	v13 =	vmul.u32 v6, v19  }
0x99: {  	v16 =	vsel vm0, v16, v3;
	v21 =	vsel vm15, v17, v3;
	v19 =	vsel vm2, v20, v3  }
0x9a: {  	v20 =	vcvt.s32.f32 v16;
	v13 =	vadd.s32 v7, v13;
	v12 =	vsub.f32 v12, v23  }
0x9b: {  	s0 =	simm.s32 $0x40;
	v17 =	vmul.u32 v9, v19;
	v19 =	vnsel vm14, $0x0, v15;
	v15 =	vmul.u32 v9, v21  }
.LBB2_8:
0x9c: {  	p0 =	sne.s32 s0, $0x1C0;
	vm0 =	vgt.s32 v18, $0x0;
	v22 =	vadd.s32 v7, v22;
	v16 =	vmul.u32 v8, v16;
	s4 =	smov.u32 s0;
	s0 =	sadd.s32 $0x40, s0  }
0x9d: {  	v21 =	vcvt.s32.f32 v21;
	v24 =	vadd.s32 v17, v13;
	v23 =	vsub.f32 $1.000000000e+00, v12  }
0x9e: {  	v14 =	vtrunc.f32 v14;
	v10 =	vsub.f32 v10, v20;
	v20 =	vadd.s32 v16, v24  }
0x9f: {  	vm1 =	vlt.s32 v19, v3;
	v17 =	vadd.s32 v22, v17;
	v11 =	vsub.f32 v11, v21  }
0xa0: {  	v19 =	vsel vm1, v19, v3;
	v21 =	vadd.s32 v15, v22;
	v22 =	vadd.s32 v16, v17  }
0xa1: {  	v18 =	vnsel vm0, $0x0, v18;
	v19 =	vmul.u32 v8, v19;
	v25 =	vadd.s32 v16, v21  }
0xa2: {  	vm0 =	vlt.s32 v18, v3;
	v26 =	vsub.f32 $1.000000000e+00, v10;
	v27 =	vmul.f32 v11, v23  }
0xa3: {  	v14 =	vcvt.f32.s32 v14;
	v13 =	vadd.s32 v15, v13;
	v18 =	vsel vm0, v18, v3  }
0xa4: {  	v16 =	vadd.s32 v16, v13;
	v15 =	vmul.f32 v26, v27;
	v27 =	vmul.f32 v10, v27  }
0xa5: {  	vm0 =	vgt.s32 v14, $0x0;
	v28 =	vmul.f32 v11, v12;
	v21 =	vadd.s32 v21, v19  }
0xa6: {  	v14 =	vnsel vm0, $0x0, v14;
	v11 =	vsub.f32 $1.000000000e+00, v11;
	v13 =	vadd.s32 v19, v13;
	[tilespmem:s30+$0x8018] =	vst v15  }
0xa7: {  	v15 =	vmul.f32 v26, v28;
	v28 =	vmul.f32 v10, v28;
	[tilespmem:s30+$0x8218] =	vst v27;
	v27 =	vadd.s32 v18, v20  }
0xa8: {  	vm0 =	vlt.s32 v14, v3;
	v23 =	vmul.f32 v11, v23;
	v11 =	vmul.f32 v11, v12;
	[tilespmem:s30+$0x8498] =	vst v27  }
0xa9: {  	v12 =	vsel vm0, v14, v3;
	v14 =	vadd.s32 v19, v17;
	[tilespmem:s30+$0x8098] =	vst v15;
	v15 =	vadd.s32 v19, v24  }
0xaa: {  	v17 =	vmul.f32 v26, v23;
	v19 =	vmul.f32 v26, v11;
	v24 =	vadd.s32 v18, v14;
	[tilespmem:s30+$0x8298] =	vst v28  }
0xab: {  	v23 =	vmul.f32 v23, v10;
	v10 =	vmul.f32 v11, v10;
	v11 =	vadd.s32 v12, v21;
	[tilespmem:s30+$0x8618] =	vst v24  }
0xac: {  	v27 =	vadd.s32 v12, v22;
	v26 =	vadd.s32 v12, v16;
	v24 =	vadd.s32 v12, v25;
	[tilespmem:s30+$0x8918] =	vst v11  }
0xad: {  	v14 =	vadd.s32 v12, v14;
	v28 =	vadd.s32 v12, v15;
	v11 =	vadd.s32 v12, v13;
	[tilespmem:s30+$0x8718] =	vst v24  }
0xae: {  	v15 =	vadd.s32 v18, v15;
	v12 =	vadd.s32 v12, v20;
	v24 =	vcvt.s32.f32 v18;
	[tilespmem:s30+$0x8818] =	vst v27  }
0xaf: {  	v16 =	vadd.s32 v18, v16;
	v20 =	vadd.s32 v18, v21;
	v13 =	vadd.s32 v18, v13;
	[tilespmem:s30+$0x8898] =	vst v12  }
0xb0: {  	v4 =	vsub.f32 v4, v24;
	v12 =	vadd.s32 v18, v25;
	v18 =	vadd.s32 v18, v22;
	[tilespmem:s30+$0x8398] =	vst v16  }
0xb1: {  	[tilespmem:s30+$0x8418] =	vst v18  }
0xb2: {  	[tilespmem:s30+$0x8318] =	vst v12  }
0xb3: {  	[tilespmem:s30+$0x8598] =	vst v13  }
0xb4: {  	[tilespmem:s30+$0x8698] =	vst v15  }
0xb5: {  	[tilespmem:s30+$0x7E98] =	vst v4  }
0xb6: {  	[tilespmem:s30+$0x8798] =	vst v26  }
0xb7: {  	[tilespmem:s30+$0x8A98] =	vst v28  }
0xb8: {  	[tilespmem:s30+$0x7F18] =	vst v17  }
0xb9: {  	[tilespmem:s30+$0x7F98] =	vst v19  }
0xba: {  	[tilespmem:s30+$0x8518] =	vst v20  }
0xbb: {  	[tilespmem:s30+$0x8A18] =	vst v14  }
0xbc: {  	[tilespmem:s30+$0x8198] =	vst v10  }
0xbd: {  	[tilespmem:s30+$0x8998] =	vst v11  }
0xbe: {  	[tilespmem:s30+$0x8118] =	vst v23;
	s30 =	sshra.s32 s4, $0x2  }
0xbf: {  	v10 =	vld.idx.msk [tilespmem:v5+s30+$0xFFFFFF80 ss:$0x1], $0xffff  }
0xc0: {  	v12 =	vld.idx.msk [tilespmem:v5+s30+$0xFFFFFE80 ss:$0x1], $0xffff  }
0xc1: {  	v11 =	vld.idx.msk [tilespmem:v5+s30+$0xFFFFFF00 ss:$0x1], $0xffff;
	_ =	sdelay $0x3  }
0xc2: {  	v13 =	vadd.f32 $1.000000000e+00, v10;
	v4 =	vld.idx.msk [tilespmem:v5+s30+$0x0 ss:$0x1], $0xffff  }
0xc3: {  	v14 =	vtrunc.f32 v10;
	v15 =	vtrunc.f32 v12;
	v16 =	vadd.f32 $1.000000000e+00, v12  }
0xc4: {  	v14 =	vcvt.f32.s32 v14;
	v17 =	vadd.f32 $1.000000000e+00, v11;
	v13 =	vtrunc.f32 v13  }
0xc5: {  	v18 =	vtrunc.f32 v11;
	v16 =	vtrunc.f32 v16  }
0xc6: {  	vm0 =	vgt.s32 v14, $0x0;
	v16 =	vcvt.f32.s32 v16;
	v17 =	vtrunc.f32 v17  }
0xc7: {  	v18 =	vcvt.f32.s32 v18;
	v19 =	vnsel vm0, $0x0, v14;
	v17 =	vcvt.f32.s32 v17  }
0xc8: {  	vm0 =	vlt.s32 v19, v3;
	v14 =	vadd.f32 $1.000000000e+00, v4;
	vm1 =	vgt.s32 v16, $0x0  }
0xc9: {  	v15 =	vcvt.f32.s32 v15;
	v23 =	vcvt.f32.s32 v13;
	v13 =	vnsel vm1, $0x0, v16  }
0xca: {  	v22 =	vtrunc.f32 v4;
	vm2 =	vgt.s32 v17, $0x0;
	vm1 =	vlt.s32 v13, v3  }
0xcb: {  	vm3 =	vgt.s32 v18, $0x0;
	v17 =	vnsel vm2, $0x0, v17;
	v13 =	vsel vm1, v13, v3  }
0xcc: {  	v16 =	vsel vm0, v19, v3;
	vm1 =	vgt.s32 v15, $0x0;
	v13 =	vmul.u32 v6, v13  }
0xcd: {  	v18 =	vnsel vm3, $0x0, v18;
	vm0 =	vgt.s32 v23, $0x0;
	v15 =	vnsel vm1, $0x0, v15  }
.Ltmp2:
0xce: {  	vm2 =	vlt.s32 v17, v3;
	vm1 =	vlt.s32 v15, v3;
	v13 =	vadd.s32 v7, v13;
	(pc) =	sbr.rel @p0 .LBB2_8-.Ltmp2, $4  }
0xcf: {  	v17 =	vsel vm2, v17, v3;
	v15 =	vsel vm1, v15, v3;
	vm1 =	vlt.s32 v18, v3  }
0xd0: {  	v20 =	vcvt.s32.f32 v16;
	v21 =	vsel vm1, v18, v3;
	v24 =	vcvt.s32.f32 v15  }
0xd1: {  	v17 =	vmul.u32 v9, v17;
	v18 =	vcvt.f32.s32 v22;
	v22 =	vmul.u32 v6, v15  }
0xd2: {  	v19 =	vnsel vm0, $0x0, v23;
	v15 =	vmul.u32 v9, v21;
	v12 =	vsub.f32 v12, v24  }
0xd3: {  	v5 =	vcvt.s32.f32 v21  }
0xd4: {  	v9 =	vsub.f32 v10, v20  }
0xd5: {  	v6 =	vsub.f32 $1.000000000e+00, v12;
	v5 =	vsub.f32 v11, v5  }
0xd6: {  	vm0 =	vgt.s32 v18, $0x0;
	v7 =	vadd.s32 v7, v22;
	v10 =	vmul.u32 v8, v16  }
0xd7: {  	vm1 =	vlt.s32 v19, v3;
	v11 =	vsub.f32 $1.000000000e+00, v9;
	v16 =	vmul.f32 v5, v6  }
0xd8: {  	v20 =	vadd.s32 v17, v13;
	v14 =	vtrunc.f32 v14;
	v19 =	vsel vm1, v19, v3  }
0xd9: {  	v18 =	vnsel vm0, $0x0, v18;
	v22 =	vmul.f32 v5, v12;
	v21 =	vmul.f32 v11, v16  }
0xda: {  	v14 =	vcvt.f32.s32 v14;
	v17 =	vadd.s32 v7, v17;
	v16 =	vmul.f32 v9, v16  }
0xdb: {  	vm0 =	vlt.s32 v18, v3;
	v8 =	vmul.u32 v8, v19;
	v19 =	vmul.f32 v11, v22;
	[tilespmem:s30+$0x8018] =	vst v21  }
0xdc: {  	v23 =	vadd.s32 v10, v20;
	v18 =	vsel vm0, v18, v3;
	vm15 =	vgt.s32 v14, $0x0;
	[tilespmem:s30+$0x8218] =	vst v16  }
0xdd: {  	v14 =	vnsel vm15, $0x0, v14;
	v16 =	vadd.s32 v18, v23;
	v21 =	vmul.f32 v9, v22;
	[tilespmem:s30+$0x8098] =	vst v19  }
0xde: {  	v7 =	vadd.s32 v15, v7;
	vm0 =	vlt.s32 v14, v3;
	[tilespmem:s30+$0x8498] =	vst v16;
	v16 =	vadd.s32 v8, v17  }
0xdf: {  	v3 =	vsel vm0, v14, v3;
	v19 =	vadd.s32 v7, v8;
	[tilespmem:s30+$0x8298] =	vst v21;
	v14 =	vadd.s32 v18, v16  }
0xe0: {  	v7 =	vadd.s32 v10, v7;
	v21 =	vadd.s32 v3, v19;
	[tilespmem:s30+$0x8618] =	vst v14  }
0xe1: {  	v14 =	vadd.s32 v10, v17;
	v17 =	vadd.s32 v3, v7;
	[tilespmem:s30+$0x8918] =	vst v21  }
0xe2: {  	v7 =	vadd.s32 v18, v7;
	[tilespmem:s30+$0x8718] =	vst v17  }
0xe3: {  	v13 =	vadd.s32 v15, v13;
	v15 =	vadd.s32 v3, v14;
	[tilespmem:s30+$0x8318] =	vst v7  }
0xe4: {  	v10 =	vadd.s32 v10, v13;
	v17 =	vadd.s32 v3, v23;
	[tilespmem:s30+$0x8818] =	vst v15  }
0xe5: {  	v13 =	vadd.s32 v8, v13;
	v8 =	vadd.s32 v8, v20;
	v14 =	vadd.s32 v18, v14;
	[tilespmem:s30+$0x8898] =	vst v17  }
0xe6: {  	v5 =	vsub.f32 $1.000000000e+00, v5;
	v7 =	vadd.s32 v18, v8;
	[tilespmem:s30+$0x8418] =	vst v14  }
0xe7: {  	v8 =	vadd.s32 v3, v8;
	[tilespmem:s30+$0x8698] =	vst v7  }
0xe8: {  	v6 =	vmul.f32 v5, v6;
	v5 =	vmul.f32 v5, v12;
	v15 =	vadd.s32 v18, v10;
	[tilespmem:s30+$0x8A98] =	vst v8  }
0xe9: {  	v7 =	vadd.s32 v3, v10;
	[tilespmem:s30+$0x8398] =	vst v15  }
0xea: {  	v14 =	vadd.s32 v18, v13;
	v15 =	vcvt.s32.f32 v18;
	[tilespmem:s30+$0x8798] =	vst v7;
	v7 =	vmul.f32 v11, v5  }
0xeb: {  	[tilespmem:s30+$0x8598] =	vst v14;
	v5 =	vmul.f32 v5, v9  }
0xec: {  	v4 =	vsub.f32 v4, v15;
	[tilespmem:s30+$0x7F98] =	vst v7  }
0xed: {  	[tilespmem:s30+$0x8198] =	vst v5  }
0xee: {  	v7 =	vadd.s32 v3, v16;
	[tilespmem:s30+$0x7E98] =	vst v4;
	v4 =	vmul.f32 v11, v6  }
0xef: {  	[tilespmem:s30+$0x8A18] =	vst v7  }
0xf0: {  	[tilespmem:s30+$0x7F18] =	vst v4;
	v4 =	vadd.s32 v18, v19  }
0xf1: {  	v3 =	vadd.s32 v3, v13;
	[tilespmem:s30+$0x8518] =	vst v4;
	v4 =	vmul.f32 v6, v9  }
0xf2: {  	[tilespmem:s30+$0x8998] =	vst v3  }
0xf3: {  	s0 =	simm.s32 $0x8318;
	[tilespmem:s30+$0x8118] =	vst v4  }
0xf4: {  	[tilespmem:s19], [sflag:$0x1] =	stream.indirect.gather [hbm4b:s6+s13], $0x10, s0, s13, $0xb8;
	[tilespmem:$0x11F18] =	vst v63  }
0xf5: {  	s7 =	simm.s32 $0x8398;
	s4 =	simm.s32 $0x9318  }
0xf6: {  	[tilespmem:s4], [sflag:$0x1] =	stream.indirect.gather [hbm4b:s6+s13], $0x10, s7, s13, $0xb8;
	[tilespmem:$0x11F18] =	vst v63  }
0xf7: {  	s4 =	simm.s32 $0x8418;
	s7 =	simm.s32 $0x9B18  }
0xf8: {  	[tilespmem:s7], [sflag:$0x1] =	stream.indirect.gather [hbm4b:s6+s13], $0x10, s4, s13, $0xb8;
	[tilespmem:$0x11F18] =	vst v63  }
0xf9: {  	s4 =	simm.s32 $0x8498;
	s7 =	simm.s32 $0xA318  }
0xfa: {  	[tilespmem:s7], [sflag:$0x1] =	stream.indirect.gather [hbm4b:s6+s13], $0x10, s4, s13, $0xb8;
	[tilespmem:$0x11F18] =	vst v63  }
0xfb: {  	s4 =	simm.s32 $0x8518;
	s7 =	simm.s32 $0xAB18  }
0xfc: {  	[tilespmem:s7], [sflag:$0x1] =	stream.indirect.gather [hbm4b:s6+s13], $0x10, s4, s13, $0xb8;
	[tilespmem:$0x11F18] =	vst v63  }
0xfd: {  	s4 =	simm.s32 $0x8598;
	s7 =	simm.s32 $0xB318  }
0xfe: {  	[tilespmem:s7], [sflag:$0x1] =	stream.indirect.gather [hbm4b:s6+s13], $0x10, s4, s13, $0xb8;
	[tilespmem:$0x11F18] =	vst v63  }
0xff: {  	s4 =	simm.s32 $0x8618;
	s7 =	simm.s32 $0xBB18  }
0x100: {  	[tilespmem:s7], [sflag:$0x1] =	stream.indirect.gather [hbm4b:s6+s13], $0x10, s4, s13, $0xb8;
	[tilespmem:$0x11F18] =	vst v63  }
0x101: {  	s4 =	simm.s32 $0x8698;
	s7 =	simm.s32 $0xC318  }
0x102: {  	[tilespmem:s7], [sflag:$0x1] =	stream.indirect.gather [hbm4b:s6+s13], $0x10, s4, s13, $0xb8;
	[tilespmem:$0x11F18] =	vst v63  }
0x103: {  	_ = 	snop  }
0x104: {  	[tilespmem:s10], [sflag:$0x1] =	stream.indirect.gather [hbm4b:s6+s13], $0x10, s8, s13, $0xb8;
	[tilespmem:$0x11F18] =	vst v63  }
0x105: {  	_ = 	snop  }
0x106: {  	[tilespmem:s2], [sflag:$0x1] =	stream.indirect.gather [hbm4b:s6+s13], $0x10, s1, s13, $0xb8;
	[tilespmem:$0x11F18] =	vst v63  }
0x107: {  	_ = 	snop  }
0x108: {  	[tilespmem:s15], [sflag:$0x1] =	stream.indirect.gather [hbm4b:s6+s13], $0x10, s14, s13, $0xb8;
	[tilespmem:$0x11F18] =	vst v63  }
0x109: {  	_ = 	snop  }
0x10a: {  	[tilespmem:s9], [sflag:$0x1] =	stream.indirect.gather [hbm4b:s6+s13], $0x10, s5, s13, $0xb8;
	[tilespmem:$0x11F18] =	vst v63  }
0x10b: {  	_ = 	snop  }
0x10c: {  	[tilespmem:s11], [sflag:$0x1] =	stream.indirect.gather [hbm4b:s6+s13], $0x10, s3, s13, $0xb8;
	[tilespmem:$0x11F18] =	vst v63  }
0x10d: {  	_ = 	snop  }
0x10e: {  	[tilespmem:s20], [sflag:$0x1] =	stream.indirect.gather [hbm4b:s6+s13], $0x10, s18, s13, $0xb8;
	[tilespmem:$0x11F18] =	vst v63  }
0x10f: {  	_ = 	snop  }
0x110: {  	[tilespmem:s22], [sflag:$0x1] =	stream.indirect.gather [hbm4b:s6+s13], $0x10, s21, s13, $0xb8;
	[tilespmem:$0x11F18] =	vst v63  }
0x111: {  	_ = 	snop  }
0x112: {  	[tilespmem:s24], [sflag:$0x1] =	stream.indirect.gather [hbm4b:s6+s13], $0x10, s23, s13, $0xb8;
	[tilespmem:$0x11F18] =	vst v63  }
0x113: {  	_ =	swait.ge [sflag:s25], $0x800  }
0x114: {  	[sflag:s25] =	ssyncset.done $0x0  }
0x115: {  	[sflag:s25] =	ssyncadd.s32 $0xFFFFF800  }
0x116: {  	_ =	swait.ge [sflag:s25], $0x800  }
0x117: {  	[sflag:s25] =	ssyncset.done $0x0  }
0x118: {  	[sflag:s25] =	ssyncadd.s32 $0xFFFFF800  }
0x119: {  	_ =	swait.ge [sflag:s25], $0x800  }
0x11a: {  	[sflag:s25] =	ssyncset.done $0x0  }
0x11b: {  	[sflag:s25] =	ssyncadd.s32 $0xFFFFF800  }
0x11c: {  	_ =	swait.ge [sflag:s25], $0x800  }
0x11d: {  	[sflag:s25] =	ssyncset.done $0x0  }
0x11e: {  	[sflag:s25] =	ssyncadd.s32 $0xFFFFF800  }
0x11f: {  	_ =	swait.ge [sflag:s25], $0x800  }
0x120: {  	[sflag:s25] =	ssyncset.done $0x0  }
0x121: {  	[sflag:s25] =	ssyncadd.s32 $0xFFFFF800  }
0x122: {  	_ =	swait.ge [sflag:s25], $0x800  }
0x123: {  	[sflag:s25] =	ssyncset.done $0x0  }
0x124: {  	[sflag:s25] =	ssyncadd.s32 $0xFFFFF800  }
0x125: {  	_ =	swait.ge [sflag:s25], $0x800  }
0x126: {  	[sflag:s25] =	ssyncset.done $0x0  }
0x127: {  	[sflag:s25] =	ssyncadd.s32 $0xFFFFF800  }
0x128: {  	_ =	swait.ge [sflag:s25], $0x800  }
0x129: {  	[sflag:s25] =	ssyncset.done $0x0  }
0x12a: {  	[sflag:s25] =	ssyncadd.s32 $0xFFFFF800  }
0x12b: {  	_ =	swait.ge [sflag:s25], $0x800  }
0x12c: {  	[sflag:s25] =	ssyncset.done $0x0  }
0x12d: {  	[sflag:s25] =	ssyncadd.s32 $0xFFFFF800  }
0x12e: {  	_ =	swait.ge [sflag:s25], $0x800  }
0x12f: {  	[sflag:s25] =	ssyncset.done $0x0  }
0x130: {  	[sflag:s25] =	ssyncadd.s32 $0xFFFFF800  }
0x131: {  	_ =	swait.ge [sflag:s25], $0x800  }
0x132: {  	[sflag:s25] =	ssyncset.done $0x0  }
0x133: {  	[sflag:s25] =	ssyncadd.s32 $0xFFFFF800  }
0x134: {  	_ =	swait.ge [sflag:s25], $0x800  }
0x135: {  	[sflag:s25] =	ssyncset.done $0x0  }
0x136: {  	[sflag:s25] =	ssyncadd.s32 $0xFFFFF800  }
0x137: {  	_ =	swait.ge [sflag:s25], $0x800  }
0x138: {  	[sflag:s25] =	ssyncset.done $0x0  }
0x139: {  	[sflag:s25] =	ssyncadd.s32 $0xFFFFF800  }
0x13a: {  	_ =	swait.ge [sflag:s25], $0x800  }
0x13b: {  	[sflag:s25] =	ssyncset.done $0x0  }
0x13c: {  	[sflag:s25] =	ssyncadd.s32 $0xFFFFF800  }
0x13d: {  	_ =	swait.ge [sflag:s25], $0x800  }
0x13e: {  	[sflag:s25] =	ssyncset.done $0x0  }
0x13f: {  	[sflag:s25] =	ssyncadd.s32 $0xFFFFF800  }
0x140: {  	s7 =	simm.s32 $0x0;
	_ =	swait.ge [sflag:s25], $0x800  }
0x141: {  	v17 =	vmul.u32 $0x10, v0;
	v15 =	vor.u32 s7, v0;
	[sflag:s25] =	ssyncset.done $0x0  }
0x142: {  	s30 =	simm.s32 $0x8118;
	v4 =	vmov s7;
	v18 =	vshll.u32 v15, $0x4;
	[sflag:s25] =	ssyncadd.s32 $0xFFFFF800  }
0x143: {  	v3 =	vor.u32 $0x800, v17;
	v23 =	vshll.u32 v4, $0x4;
	v9 =	vor.u32 $0x1, v18;
	v42 =	vld [tilespmem:s30+$0xFFFFFE80]  }
0x144: {  	v4 =	vor.u32 $0x1000, v17;
	v16 =	vor.u32 v3, v23;
	v28 =	vld [tilespmem:s30+$0xFFFFFF00]  }
0x145: {  	v5 =	vor.u32 $0x4800, v17;
	v13 =	vor.u32 v4, v23;
	v31 =	vld [tilespmem:s30+$0x0]  }
0x146: {  	v6 =	vor.u32 $0x5800, v17;
	v20 =	vor.u32 v5, v23;
	v35 =	vld [tilespmem:s30+$0xFFFFFE00]  }
0x147: {  	v7 =	vor.u32 $0x2800, v17;
	v19 =	vor.u32 v6, v23;
	v24 =	vld.idx.msk [tilespmem:v18+s19+$0x0], $0xffff  }
0x148: {  	v8 =	vor.u32 $0x5000, v17;
	v25 =	vor.u32 v7, v23;
	v26 =	vld.idx.msk [tilespmem:v9+s19+$0x0], $0xffff  }
0x149: {  	v12 =	vor.u32 v8, v23;
	v27 =	vld.idx.msk [tilespmem:v16+s19+$0x0], $0xffff  }
0x14a: {  	v10 =	vor.u32 $0x7000, v17;
	v14 =	vor.u32 $0x1, v12;
	v29 =	vld.idx.msk [tilespmem:v13+s19+$0x0], $0xffff  }
0x14b: {  	v30 =	vor.u32 v10, v23;
	v37 =	vld.idx.msk [tilespmem:v20+s19+$0x0], $0xffff  }
0x14c: {  	v34 =	vor.u32 $0x1, v30;
	v33 =	vld.idx.msk [tilespmem:v19+s19+$0x0], $0xffff  }
0x14d: {  	v41 =	vor.u32 $0x1, v13;
	v22 =	vld.idx.msk [tilespmem:v25+s19+$0x0], $0xffff  }
0x14e: {  	v50 =	vor.u32 $0x1, v19;
	v36 =	vld.idx.msk [tilespmem:v12+s19+$0x0], $0xffff  }
0x14f: {  	v39 =	vld.idx.msk [tilespmem:v14+s19+$0x0], $0xffff;
	v16 =	vor.u32 $0x1, v16  }
0x150: {  	v57 =	vor.u32 $0x1, v20;
	v9 =	vor.u32 $0x3000, v17;
	v43 =	vld.idx.msk [tilespmem:v30+s19+$0x0], $0xffff  }
0x151: {  	v45 =	vld.idx.msk [tilespmem:v34+s19+$0x0], $0xffff;
	v21 =	vor.u32 v9, v23  }
0x152: {  	v11 =	vor.u32 $0x6000, v17;
	v54 =	vor.u32 $0x1, v25;
	v41 =	vld.idx.msk [tilespmem:v41+s19+$0x0], $0xffff  }
0x153: {  	v38 =	vor.u32 v11, v23;
	v50 =	vld.idx.msk [tilespmem:v50+s19+$0x0], $0xffff  }
0x154: {  	v49 =	vmov s29;
	v13 =	vor.u32 $0x2000, v17;
	v32 =	vor.u32 $0x1, v21;
	v51 =	vld.idx.msk [tilespmem:v16+s19+$0x0], $0xffff  }
0x155: {  	v19 =	vand.u32 $0xF, v49;
	v62 =	vor.u32 v13, v23;
	v16 =	vadd.s32 $0xC, v49;
	v49 =	vld.idx.msk [tilespmem:v57+s19+$0x0], $0xffff  }
0x156: {  	v46 =	vld.idx.msk [tilespmem:v21+s19+$0x0], $0xffff;
	v21 =	vor.u32 $0x1, v38  }
0x157: {  	v12 =	vor.u32 $0x4000, v17;
	v48 =	vor.u32 $0x1, v62;
	v58 =	vadd.f32 v41, v29;
	v29 =	vld.idx.msk [tilespmem:v54+s19+$0x0], $0xffff  }
0x158: {  	v40 =	vor.u32 v12, v23;
	v38 =	vld.idx.msk [tilespmem:v38+s19+$0x0], $0xffff  }
0x159: {  	v14 =	vor.u32 $0x6800, v17;
	v30 =	vor.u32 $0x1, v40;
	v44 =	vld.idx.msk [tilespmem:v32+s19+$0x0], $0xffff  }
0x15a: {  	v63 =	vor.u32 v14, v23;
	v32 =	vld.idx.msk [tilespmem:v62+s19+$0x0], $0xffff  }
0x15b: {  	v47 =	vor.u32 $0x1, v63;
	v52 =	vld.idx.msk [tilespmem:v21+s19+$0x0], $0xffff;
	v21 =	vmul.u32 $0x18, v15;
	v15 =	vor.u32 $0x1800, v17  }
0x15c: {  	v26 =	vadd.f32 v26, v24;
	v48 =	vld.idx.msk [tilespmem:v48+s19+$0x0], $0xffff;
	v53 =	vor.u32 v15, v23  }
0x15d: {  	v40 =	vld.idx.msk [tilespmem:v40+s19+$0x0], $0xffff;
	v55 =	vor.u32 $0x1, v53  }
0x15e: {  	v39 =	vadd.f32 v39, v36;
	v30 =	vld.idx.msk [tilespmem:v30+s19+$0x0], $0xffff;
	v26 =	vmul.f32 v26, v35  }
0x15f: {  	v20 =	vand.u32 $0x1F, v16;
	v16 =	vor.u32 $0x7800, v17;
	v59 =	vld.idx.msk [tilespmem:v63+s19+$0x0], $0xffff;
	v27 =	vadd.f32 v51, v27  }
0x160: {  	v47 =	vld.idx.msk [tilespmem:v47+s19+$0x0], $0xffff;
	v61 =	vmul.f32 v58, v28;
	v60 =	vadd.f32 $0.0e+00, v26;
	v17 =	vor.u32 $0x3800, v17  }
0x161: {  	v27 =	vmul.f32 v27, v42;
	v48 =	vadd.f32 v48, v32;
	v32 =	vld [tilespmem:s30+$0x100];
	v38 =	vadd.f32 v52, v38  }
0x162: {  	v34 =	vmul.f32 v39, v28;
	v24 =	vor.u32 v17, v23;
	v23 =	vor.u32 v16, v23;
	v36 =	vld.idx.msk [tilespmem:v55+s19+$0x0], $0xffff  }
0x163: {  	v40 =	vadd.f32 v30, v40;
	v62 =	vadd.f32 v27, v60;
	v27 =	vmul.f32 v38, v31;
	v38 =	vld.idx.msk [tilespmem:v53+s19+$0x0], $0xffff  }
0x164: {  	v39 =	vadd.f32 v45, v43;
	v49 =	vadd.f32 v49, v37;
	v26 =	vor.u32 $0x1, v23  }
0x165: {  	v37 =	vld [tilespmem:s30+$0xFFFFFF80];
	v30 =	vadd.f32 v50, v33;
	v28 =	vadd.f32 v47, v59;
	v63 =	vmul.f32 v40, v35  }
0x166: {  	s31 =	simm.s32 $0x8118;
	v42 =	vmul.f32 v49, v42;
	v25 =	vor.u32 $0x1, v24;
	v40 =	vadd.f32 v44, v46  }
0x167: {  	s29 =	simm.s32 $0x7E98;
	s0 =	simm.s32 $0x7E98;
	s4 =	simm.s32 $0x10;
	v35 =	vld [tilespmem:s30+$0x80];
	v33 =	vadd.f32 v61, v62;
	v41 =	vadd.f32 $0.0e+00, v63;
	v31 =	vmul.f32 v48, v31  }
.LBB2_10:
0x168: {  	p0 =	sne.s32 s4, $0x70;
	v36 =	vadd.f32 v36, v38;
	v22 =	vadd.f32 v29, v22;
	v29 =	vmul.f32 v39, v32;
	v23 =	vld.idx.msk [tilespmem:v23+s19+$0x0], $0xffff;
	s0 =	sadd.s32 $0x10, s0;
	s30 =	sadd.s32 $0x10, s30  }
0x169: {  	s7 =	smov.u32 s4;
	s4 =	sadd.s32 $0x10, s4;
	v32 =	vmul.f32 v40, v32;
	v38 =	vadd.f32 v42, v41;
	v26 =	vld.idx.msk [tilespmem:v26+s19+$0x0], $0xffff  }
0x16a: {  	v36 =	vmul.f32 v36, v37;
	v24 =	vld.idx.msk [tilespmem:v24+s19+$0x0], $0xffff  }
0x16b: {  	v30 =	vmul.f32 v30, v37;
	v25 =	vld.idx.msk [tilespmem:v25+s19+$0x0], $0xffff;
	v34 =	vadd.f32 v34, v38  }
0x16c: {  	v33 =	vadd.f32 v36, v33;
	v22 =	vmul.f32 v22, v35  }
0x16d: {  	v30 =	vadd.f32 v30, v34  }
0x16e: {  	v31 =	vadd.f32 v31, v33;
	v33 =	vld [tilespmem:s31+$0x180];
	s31 =	smov.u32 s30  }
0x16f: {  	v28 =	vmul.f32 v28, v35;
	v23 =	vadd.f32 v26, v23;
	v27 =	vadd.f32 v27, v30  }
0x170: {  	v22 =	vadd.f32 v22, v31  }
0x171: {  	v24 =	vadd.f32 v25, v24;
	v25 =	vadd.f32 v28, v27  }
0x172: {  	v22 =	vadd.f32 v32, v22  }
0x173: {  	v24 =	vmul.f32 v24, v33;
	v25 =	vadd.f32 v29, v25;
	v23 =	vmul.f32 v23, v33  }
0x174: {  	v26 =	vld [tilespmem:s29+$0x0];
	s29 =	smov.u32 s0  }
0x175: {  	v22 =	vadd.f32 v24, v22;
	v24 =	vadd.f32 v23, v25;
	_ =	sdelay $0x1  }
0x176: {  	v23 =	vsub.f32 v24, v22  }
0x177: {  	v27 =	vadd.s32 v20, v21;
	v25 =	vor.u32 v18, v19  }
0x178: {  	v28 =	vor.u32 s7, v0;
	v23 =	vmul.f32 v23, v26;
	v26 =	vadd.s32 v19, v21  }
0x179: {  	v18 =	vshll.u32 v28, $0x4;
	v21 =	vmul.u32 $0x18, v28  }
0x17a: {  	v29 =	vor.u32 $0x1, v18;
	v28 =	vmov s7;
	v23 =	vadd.f32 v23, v22;
	_ =	sdelay $0x1  }
0x17b: {  	v28 =	vshll.u32 v28, $0x4;
	[tilespmem:v25+s16+$0x0] =	vst.idx.msk $0xffff, v23  }
0x17c: {  	v30 =	vor.u32 v12, v28;
	[tilespmem:v26+s17+$0x0] =	vst.idx.msk $0xffff, v22  }
0x17d: {  	v31 =	vor.u32 $0x1, v30;
	v23 =	vor.u32 v16, v28;
	[tilespmem:v27+s17+$0x0] =	vst.idx.msk $0xffff, v24  }
0x17e: {  	v25 =	vor.u32 v5, v28;
	v22 =	vor.u32 v3, v28;
	v42 =	vld [tilespmem:s30+$0xFFFFFE80]  }
0x17f: {  	v32 =	vor.u32 v15, v28;
	v33 =	vld [tilespmem:s30+$0xFFFFFF00]  }
0x180: {  	v34 =	vor.u32 v8, v28;
	v26 =	vor.u32 v4, v28;
	v27 =	vor.u32 $0x1, v32;
	v35 =	vld [tilespmem:s30+$0x0]  }
0x181: {  	v37 =	vor.u32 $0x1, v34;
	v36 =	vor.u32 $0x1, v25;
	v39 =	vld [tilespmem:s30+$0xFFFFFE00]  }
0x182: {  	v40 =	vor.u32 v13, v28;
	v41 =	vor.u32 v7, v28;
	v43 =	vor.u32 v6, v28;
	v38 =	vld.idx.msk [tilespmem:v18+s19+$0x0], $0xffff  }
0x183: {  	v44 =	vor.u32 $0x1, v40;
	v45 =	vor.u32 $0x1, v43;
	v29 =	vld.idx.msk [tilespmem:v29+s19+$0x0], $0xffff  }
0x184: {  	v47 =	vor.u32 v11, v28;
	v46 =	vld.idx.msk [tilespmem:v22+s19+$0x0], $0xffff  }
0x185: {  	v50 =	vor.u32 v14, v28;
	v49 =	vor.u32 $0x1, v47;
	v24 =	vor.u32 v17, v28;
	v48 =	vld.idx.msk [tilespmem:v26+s19+$0x0], $0xffff  }
0x186: {  	v51 =	vor.u32 v9, v28;
	v53 =	vor.u32 $0x1, v50;
	v28 =	vor.u32 v10, v28;
	v52 =	vld.idx.msk [tilespmem:v25+s19+$0x0], $0xffff  }
0x187: {  	v54 =	vor.u32 $0x1, v51;
	v55 =	vor.u32 $0x1, v28;
	v25 =	vor.u32 $0x1, v24;
	v43 =	vld.idx.msk [tilespmem:v43+s19+$0x0], $0xffff  }
0x188: {  	v56 =	vor.u32 $0x1, v22;
	v57 =	vor.u32 $0x1, v26;
	v26 =	vor.u32 $0x1, v23;
	v22 =	vld.idx.msk [tilespmem:v41+s19+$0x0], $0xffff  }
0x189: {  	v29 =	vadd.f32 v29, v38;
	v34 =	vld.idx.msk [tilespmem:v34+s19+$0x0], $0xffff  }
0x18a: {  	v37 =	vld.idx.msk [tilespmem:v37+s19+$0x0], $0xffff  }
0x18b: {  	v29 =	vmul.f32 v29, v39;
	v58 =	vld.idx.msk [tilespmem:v28+s19+$0x0], $0xffff  }
0x18c: {  	v54 =	vld.idx.msk [tilespmem:v54+s19+$0x0], $0xffff  }
0x18d: {  	v55 =	vld.idx.msk [tilespmem:v55+s19+$0x0], $0xffff  }
0x18e: {  	v51 =	vld.idx.msk [tilespmem:v51+s19+$0x0], $0xffff  }
0x18f: {  	v28 =	vld.idx.msk [tilespmem:v47+s19+$0x0], $0xffff  }
0x190: {  	v41 =	vor.u32 $0x1, v41;
	v34 =	vadd.f32 v37, v34;
	v38 =	vld.idx.msk [tilespmem:v57+s19+$0x0], $0xffff  }
0x191: {  	v31 =	vld.idx.msk [tilespmem:v31+s19+$0x0], $0xffff  }
0x192: {  	v37 =	vld.idx.msk [tilespmem:v40+s19+$0x0], $0xffff  }
0x193: {  	v40 =	vld.idx.msk [tilespmem:v56+s19+$0x0], $0xffff  }
0x194: {  	v47 =	vld.idx.msk [tilespmem:v49+s19+$0x0], $0xffff  }
0x195: {  	v49 =	vld.idx.msk [tilespmem:v53+s19+$0x0], $0xffff  }
0x196: {  	v38 =	vadd.f32 v38, v48;
	v44 =	vld.idx.msk [tilespmem:v44+s19+$0x0], $0xffff  }
0x197: {  	v45 =	vld.idx.msk [tilespmem:v45+s19+$0x0], $0xffff  }
0x198: {  	v48 =	vmul.f32 v38, v33;
	v53 =	vld.idx.msk [tilespmem:v30+s19+$0x0], $0xffff  }
0x199: {  	v30 =	vadd.f32 v40, v46;
	v40 =	vld.idx.msk [tilespmem:v50+s19+$0x0], $0xffff  }
0x19a: {  	v38 =	vadd.f32 $0.0e+00, v29;
	v28 =	vadd.f32 v47, v28;
	v46 =	vld.idx.msk [tilespmem:v36+s19+$0x0], $0xffff  }
0x19b: {  	v30 =	vmul.f32 v30, v42;
	v29 =	vld.idx.msk [tilespmem:v41+s19+$0x0], $0xffff  }
0x19c: {  	v37 =	vadd.f32 v44, v37;
	v36 =	vld.idx.msk [tilespmem:v27+s19+$0x0], $0xffff;
	v27 =	vmul.f32 v28, v35  }
0x19d: {  	v28 =	vadd.f32 v30, v38;
	v30 =	vadd.f32 v45, v43;
	v38 =	vld.idx.msk [tilespmem:v32+s19+$0x0], $0xffff  }
.Ltmp3:
0x19e: {  	v34 =	vmul.f32 v34, v33;
	v41 =	vadd.f32 v31, v53;
	v32 =	vld [tilespmem:s30+$0x100];
	(pc) =	sbr.rel @p0 .LBB2_10-.Ltmp3, $4  }
0x19f: {  	v31 =	vmul.f32 v37, v35;
	v33 =	vadd.f32 v48, v28;
	v28 =	vadd.f32 v49, v40  }
0x1a0: {  	v41 =	vmul.f32 v41, v39;
	v43 =	vadd.f32 v46, v52;
	v37 =	vld [tilespmem:s30+$0xFFFFFF80]  }
0x1a1: {  	v39 =	vadd.f32 v55, v58  }
0x1a2: {  	v40 =	vadd.f32 v54, v51;
	v41 =	vadd.f32 $0.0e+00, v41;
	v42 =	vmul.f32 v43, v42;
	v35 =	vld [tilespmem:s30+$0x80]  }
0x1a3: {  	_ =	sdelay $0x3  }
0x1a4: {  	v23 =	vld.idx.msk [tilespmem:v23+s19+$0x0], $0xffff  }
0x1a5: {  	v36 =	vadd.f32 v36, v38;
	v26 =	vld.idx.msk [tilespmem:v26+s19+$0x0], $0xffff;
	v56 =	vadd.f32 v42, v41  }
0x1a6: {  	v24 =	vld.idx.msk [tilespmem:v24+s19+$0x0], $0xffff  }
0x1a7: {  	v25 =	vld.idx.msk [tilespmem:v25+s19+$0x0], $0xffff;
	v36 =	vmul.f32 v36, v37;
	v30 =	vmul.f32 v30, v37;
	v34 =	vadd.f32 v34, v56  }
0x1a8: {  	v22 =	vadd.f32 v29, v22  }
0x1a9: {  	v58 =	vld [tilespmem:s31+$0x180];
	v57 =	vadd.f32 v36, v33;
	v30 =	vadd.f32 v30, v34  }
0x1aa: {  	v22 =	vmul.f32 v22, v35  }
0x1ab: {  	v28 =	vmul.f32 v28, v35;
	v29 =	vadd.f32 v31, v57;
	v27 =	vadd.f32 v27, v30  }
0x1ac: {  	v60 =	vmul.f32 v39, v32;
	v23 =	vadd.f32 v26, v23;
	v24 =	vadd.f32 v25, v24  }
0x1ad: {  	v59 =	vmul.f32 v40, v32;
	v22 =	vadd.f32 v22, v29;
	v61 =	vadd.f32 v28, v27  }
0x1ae: {  	v24 =	vmul.f32 v24, v58  }
0x1af: {  	v23 =	vmul.f32 v23, v58;
	v22 =	vadd.f32 v59, v22;
	v25 =	vadd.f32 v60, v61  }
0x1b0: {  	v62 =	vld [tilespmem:s29+$0x0]  }
0x1b1: {  	v22 =	vadd.f32 v24, v22;
	v23 =	vadd.f32 v23, v25;
	_ =	sdelay $0x1  }
0x1b2: {  	v24 =	vsub.f32 v23, v22  }
0x1b3: {  	v18 =	vor.u32 v18, v19  }
0x1b4: {  	v19 =	vadd.s32 v19, v21;
	s26 =	sadd.s32 $0x1, s26;
	v24 =	vmul.f32 v24, v62  }
0x1b5: {  	v20 =	vadd.s32 v20, v21;
	p0 =	sne.s32 s26, $0x4  }
.Ltmp4:
0x1b6: {  	v63 =	vadd.f32 v24, v22;
	(pc) =	sbr.rel @p0 .LBB2_7-.Ltmp4, $4  }
0x1b7: {  	_ = 	snop  }
0x1b8: {  	[tilespmem:v18+s16+$0x0] =	vst.idx.msk $0xffff, v63  }
0x1b9: {  	[tilespmem:v19+s17+$0x0] =	vst.idx.msk $0xffff, v22  }
0x1ba: {  	s28 =	sadd.s32 $0x200, s28;
	[tilespmem:v20+s17+$0x0] =	vst.idx.msk $0xffff, v23  }
0x1bb: {  	s26 =	simm.s32 $0x0;
	s28 =	simm.s32 $0x7A18  }
.LBB2_13:
0x1bc: {  	s29 =	sadd.s32 $0x9, s26  }
0x1bd: {  	s0 =	smul.u32 $0x180, s29;
	_ =	sdelay $0x1  }
0x1be: {  	v21 =	vmov s28;
	s0 =	sshra.s32 s0, $0x2  }
0x1bf: {  	v18 =	vld [tilespmem:s0+$0x0]  }
0x1c0: {  	v19 =	vld [tilespmem:s0+$0x40]  }
0x1c1: {  	s30 =	simm.s32 $0x0;
	v20 =	vld [tilespmem:s0+$0x50]  }
.LBB2_14:
0x1c2: {  	s31 =	sshra.s32 s30, $0x2  }
0x1c3: {  	v22 =	vld.idx.msk [tilespmem:v21+s31+$0xFFFFFE80 ss:$0x1], $0xffff  }
0x1c4: {  	v23 =	vld.idx.msk [tilespmem:v21+s31+$0xFFFFFF00 ss:$0x1], $0xffff  }
0x1c5: {  	v24 =	vld.idx.msk [tilespmem:v21+s31+$0xFFFFFF80 ss:$0x1], $0xffff  }
0x1c6: {  	v25 =	vld.idx.msk [tilespmem:v21+s31+$0x0 ss:$0x1], $0xffff;
	_ =	sdelay $0x2  }
0x1c7: {  	v26 =	vtrunc.f32 v22  }
0x1c8: {  	v27 =	vtrunc.f32 v23;
	v28 =	vtrunc.f32 v24;
	v29 =	vadd.f32 $1.000000000e+00, v22  }
0x1c9: {  	v30 =	vtrunc.f32 v25;
	v31 =	vadd.f32 $1.000000000e+00, v23;
	v26 =	vcvt.f32.s32 v26  }
0x1ca: {  	v32 =	vadd.f32 $1.000000000e+00, v24;
	v27 =	vcvt.f32.s32 v27;
	v28 =	vcvt.f32.s32 v28  }
0x1cb: {  	v33 =	vadd.f32 $1.000000000e+00, v25;
	v30 =	vcvt.f32.s32 v30;
	v29 =	vtrunc.f32 v29  }
0x1cc: {  	v31 =	vtrunc.f32 v31;
	v32 =	vtrunc.f32 v32  }
0x1cd: {  	v33 =	vtrunc.f32 v33;
	v29 =	vcvt.f32.s32 v29  }
0x1ce: {  	v31 =	vcvt.f32.s32 v31;
	v32 =	vcvt.f32.s32 v32  }
0x1cf: {  	vm0 =	vgt.s32 v26, $0x0;
	vm7 =	vgt.s32 v27, $0x0;
	v33 =	vcvt.f32.s32 v33  }
0x1d0: {  	vm8 =	vgt.s32 v28, $0x0;
	vm9 =	vgt.s32 v30, $0x0;
	v26 =	vnsel vm0, $0x0, v26  }
0x1d1: {  	v27 =	vnsel vm7, $0x0, v27;
	v54 =	vnsel vm8, $0x0, v28;
	v55 =	vnsel vm9, $0x0, v30  }
0x1d2: {  	vm1 =	vlt.s32 v26, v18;
	vm0 =	vlt.s32 v27, v18;
	vm10 =	vgt.s32 v29, $0x0  }
0x1d3: {  	vm11 =	vlt.s32 v55, v18;
	vm12 =	vgt.s32 v31, $0x0;
	vm14 =	vgt.s32 v32, $0x0  }
0x1d4: {  	vm4 =	vgt.s32 v33, $0x0;
	v34 =	vsel vm1, v26, v18;
	v53 =	vsel vm0, v27, v18  }
0x1d5: {  	vm1 =	vlt.s32 v54, v18;
	v29 =	vnsel vm10, $0x0, v29;
	v28 =	vsel vm11, v55, v18  }
0x1d6: {  	v56 =	vnsel vm12, $0x0, v31;
	v32 =	vnsel vm14, $0x0, v32;
	v33 =	vnsel vm4, $0x0, v33  }
0x1d7: {  	v27 =	vsel vm1, v54, v18;
	vm0 =	vlt.s32 v29, v18;
	v57 =	vmul.u32 $0x127409F, v53  }
0x1d8: {  	vm13 =	vlt.s32 v56, v18;
	v40 =	vmul.u32 $0x4F9FFB7, v28;
	vm15 =	vlt.s32 v32, v18  }
0x1d9: {  	vm6 =	vlt.s32 v33, v18;
	v38 =	vcvt.s32.f32 v34;
	v26 =	vcvt.s32.f32 v53  }
0x1da: {  	vm7 =	vlt.s32 v28, v20;
	v29 =	vsel vm0, v29, v18;
	v35 =	vmul.u32 $0x3116367, v27  }
0x1db: {  	v30 =	vsel vm13, v56, v18;
	v32 =	vsel vm15, v32, v18;
	v43 =	vsel vm6, v33, v18  }
0x1dc: {  	v45 =	vxor.u32 v34, v57;
	v42 =	vsub.f32 v22, v38;
	v22 =	vcvt.s32.f32 v27  }
0x1dd: {  	v44 =	vsub.f32 v23, v26;
	v31 =	vxor.u32 v29, v57;
	v39 =	vxor.u32 v35, v45  }
0x1de: {  	v30 =	vmul.u32 $0x127409F, v30;
	v38 =	vxor.u32 v35, v31;
	v36 =	vxor.u32 v40, v39  }
0x1df: {  	v23 =	vsub.f32 v24, v22;
	v22 =	vcvt.s32.f32 v28;
	v59 =	vsub.f32 $1.000000000e+00, v42  }
0x1e0: {  	v63 =	vxor.u32 v40, v38;
	v37 =	vcvt.s32.f32 v36;
	vm5 =	vlt.s32 v36, $0x0  }
0x1e1: {  	v46 =	vcvt.s32.f32 v63;
	vm8 =	vlt.s32 v63, $0x0;
	v41 =	vsel vm5, $0x4F800000, v1  }
0x1e2: {  	v60 =	vsub.f32 $1.000000000e+00, v44;
	v47 =	vsel vm8, $0x4F800000, v1;
	v37 =	vadd.f32 v37, v41  }
0x1e3: {  	v48 =	vxor.u32 v34, v30;
	v41 =	vsel vm7, $0x0, v2;
	v46 =	vadd.f32 v46, v47  }
0x1e4: {  	v29 =	vxor.u32 v29, v30;
	v22 =	vsub.f32 v25, v22;
	v58 =	vadd.f32 v37, v41  }
0x1e5: {  	v24 =	vmul.f32 v60, v59;
	v37 =	vxor.u32 v35, v48;
	v53 =	vadd.f32 v46, v41  }
0x1e6: {  	v27 =	vmul.f32 v60, v42;
	v55 =	vxor.u32 v40, v37;
	v61 =	vmul.f32 $1.907272240e-06, v58  }
0x1e7: {  	v30 =	vmul.f32 $1.907272240e-06, v53;
	v56 =	vcvt.s32.f32 v55;
	vm10 =	vlt.s32 v55, $0x0  }
0x1e8: {  	v47 =	vmul.u32 $0x3116367, v32;
	v58 =	vsel vm10, $0x4F800000, v1;
	v62 =	vtrunc.f32 v61  }
0x1e9: {  	v30 =	vtrunc.f32 v30;
	v32 =	vadd.f32 v56, v58;
	v51 =	vcvt.f32.s32 v62  }
0x1ea: {  	v26 =	vsub.f32 $1.000000000e+00, v23;
	v25 =	vmul.f32 v44, v59;
	v30 =	vcvt.f32.s32 v30  }
0x1eb: {  	v44 =	vmul.f32 v44, v42;
	v46 =	vadd.f32 v32, v41;
	v52 =	vmul.u32 $0xFFF7FFEB, v51  }
0x1ec: {  	v34 =	vxor.u32 v45, v47;
	v32 =	vxor.u32 v31, v47;
	v30 =	vmul.u32 $0xFFF7FFEB, v30  }
0x1ed: {  	v60 =	vmul.f32 $1.907272240e-06, v46;
	v28 =	vadd.s32 v36, v52;
	v36 =	vxor.u32 v35, v29  }
0x1ee: {  	v30 =	vadd.s32 v63, v30;
	vm9 =	vlt.s32 v28, $0x0;
	v54 =	vadd.s32 $0x80015, v28  }
0x1ef: {  	v61 =	vxor.u32 v40, v36;
	vm11 =	vlt.s32 v30, $0x0;
	v63 =	vadd.s32 $0x80015, v30  }
0x1f0: {  	v31 =	vtrunc.f32 v60;
	v28 =	vsel vm9, v54, v28;
	v62 =	vcvt.s32.f32 v61  }
0x1f1: {  	vm2 =	vlt.s32 v61, $0x0;
	v30 =	vsel vm11, v63, v30;
	v31 =	vcvt.f32.s32 v31  }
0x1f2: {  	vm0 =	vlt.s32 v28, $0x0;
	v57 =	vadd.s32 $0x80015, v28;
	v49 =	vsel vm2, $0x4F800000, v1  }
0x1f3: {  	vm1 =	vlt.s32 v30, $0x0;
	v53 =	vadd.s32 $0x80015, v30;
	v28 =	vsel vm0, v57, v28  }
0x1f4: {  	v46 =	vadd.f32 v62, v49;
	v49 =	vsel vm1, v53, v30;
	v31 =	vmul.u32 $0xFFF7FFEB, v31  }
0x1f5: {  	v30 =	vxor.u32 v47, v29;
	vm0 =	vgt.s32 v28, $0x80014;
	v59 =	vadd.s32 $0xFFF7FFEB, v28  }
0x1f6: {  	vm12 =	vgt.s32 v49, $0x80014;
	v54 =	vadd.s32 $0xFFF7FFEB, v49;
	v45 =	vsel vm0, v59, v28  }
0x1f7: {  	v28 =	vxor.u32 v47, v48;
	v46 =	vadd.f32 v46, v41;
	v31 =	vadd.s32 v55, v31  }
0x1f8: {  	vm0 =	vgt.s32 v45, $0x80014;
	v52 =	vadd.s32 $0xFFF7FFEB, v45;
	vm13 =	vlt.s32 v31, $0x0  }
0x1f9: {  	v57 =	vadd.s32 $0x80015, v31;
	v29 =	vsel vm0, v52, v45;
	v55 =	vmul.f32 $1.907272240e-06, v46  }
0x1fa: {  	v45 =	vsel vm12, v54, v49;
	v46 =	vxor.u32 v40, v34;
	v31 =	vsel vm13, v57, v31  }
0x1fb: {  	v56 =	vcvt.s32.f32 v46;
	vm14 =	vlt.s32 v46, $0x0;
	vm15 =	vgt.s32 v45, $0x80014  }
0x1fc: {  	vm0 =	vlt.s32 v31, $0x0;
	v48 =	vadd.s32 $0x80015, v31;
	v59 =	vadd.s32 $0xFFF7FFEB, v45  }
0x1fd: {  	v29 =	vadd.s32 v19, v29;
	v35 =	vtrunc.f32 v55;
	v58 =	vsel vm14, $0x4F800000, v1  }
0x1fe: {  	v48 =	vsel vm0, v48, v31;
	v31 =	vsel vm15, v59, v45;
	v45 =	vxor.u32 v40, v32  }
0x1ff: {  	v59 =	vxor.u32 v40, v28;
	v35 =	vcvt.f32.s32 v35;
	v47 =	vadd.f32 v56, v58  }
0x200: {  	vm0 =	vgt.s32 v48, $0x80014;
	v62 =	vcvt.s32.f32 v45;
	vm5 =	vlt.s32 v45, $0x0  }
0x201: {  	v50 =	vadd.s32 $0xFFF7FFEB, v48;
	v35 =	vmul.u32 $0xFFF7FFEB, v35;
	v47 =	vadd.f32 v47, v41  }
0x202: {  	vm10 =	vlt.s32 v59, $0x0;
	v31 =	vadd.s32 v19, v31;
	v63 =	vsel vm5, $0x4F800000, v1  }
0x203: {  	v48 =	vsel vm0, v50, v48;
	v33 =	vadd.s32 v61, v35;
	v60 =	vmul.f32 $1.907272240e-06, v47  }
0x204: {  	v47 =	vadd.f32 v62, v63;
	vm4 =	vlt.s32 v33, $0x0;
	v61 =	vadd.s32 $0x80015, v33  }
0x205: {  	vm7 =	vgt.s32 v48, $0x80014;
	v55 =	vadd.s32 $0xFFF7FFEB, v48;
	v33 =	vsel vm4, v61, v33  }
0x206: {  	v35 =	vtrunc.f32 v60;
	v54 =	vadd.f32 v47, v41;
	v60 =	vcvt.s32.f32 v59  }
0x207: {  	v35 =	vcvt.f32.s32 v35;
	vm6 =	vlt.s32 v33, $0x0;
	v52 =	vadd.s32 $0x80015, v33  }
0x208: {  	v61 =	vsel vm10, $0x4F800000, v1;
	v49 =	vsel vm6, v52, v33;
	v33 =	vsel vm7, v55, v48  }
0x209: {  	v48 =	vadd.f32 v60, v61;
	v53 =	vmul.u32 $0xFFF7FFEB, v35;
	v35 =	vmul.f32 $1.907272240e-06, v54  }
0x20a: {  	vm5 =	vlt.s32 v43, v20;
	vm8 =	vgt.s32 v49, $0x80014;
	v56 =	vadd.s32 $0xFFF7FFEB, v49  }
0x20b: {  	v57 =	vsel vm8, v56, v49;
	v63 =	vadd.f32 v48, v41;
	v35 =	vtrunc.f32 v35  }
0x20c: {  	v46 =	vadd.s32 v46, v53;
	vm11 =	vgt.s32 v57, $0x80014;
	v35 =	vcvt.f32.s32 v35  }
0x20d: {  	vm9 =	vlt.s32 v46, $0x0;
	v58 =	vadd.s32 $0x80015, v46;
	v47 =	vmul.f32 $1.907272240e-06, v63  }
0x20e: {  	v51 =	vadd.s32 $0xFFF7FFEB, v57;
	v46 =	vsel vm9, v58, v46;
	v52 =	vmul.u32 $0xFFF7FFEB, v35  }
0x20f: {  	vm12 =	vlt.s32 v46, $0x0;
	v62 =	vadd.s32 $0x80015, v46;
	v47 =	vtrunc.f32 v47  }
0x210: {  	v35 =	vsel vm11, v51, v57;
	v46 =	vsel vm12, v62, v46;
	v47 =	vcvt.f32.s32 v47  }
0x211: {  	v45 =	vadd.s32 v45, v52;
	vm0 =	vgt.s32 v46, $0x80014;
	v53 =	vadd.s32 $0xFFF7FFEB, v46  }
0x212: {  	vm13 =	vlt.s32 v45, $0x0;
	v52 =	vadd.s32 $0x80015, v45;
	v46 =	vsel vm0, v53, v46  }
0x213: {  	v47 =	vmul.u32 $0xFFF7FFEB, v47;
	v45 =	vsel vm13, v52, v45;
	vm8 =	vgt.s32 v46, $0x80014  }
0x214: {  	v62 =	vadd.s32 $0xFFF7FFEB, v46;
	vm14 =	vlt.s32 v45, $0x0;
	v48 =	vadd.s32 $0x80015, v45  }
0x215: {  	v58 =	vadd.s32 v59, v47;
	v45 =	vsel vm14, v48, v45;
	v48 =	vxor.u32 v40, v30  }
0x216: {  	v40 =	vmul.u32 $0x4F9FFB7, v43;
	vm6 =	vlt.s32 v58, $0x0;
	v47 =	vadd.s32 $0x80015, v58  }
0x217: {  	v54 =	vcvt.s32.f32 v48;
	vm15 =	vlt.s32 v48, $0x0;
	vm4 =	vgt.s32 v45, $0x80014  }
0x218: {  	v56 =	vadd.s32 $0xFFF7FFEB, v45;
	v42 =	vsel vm6, v47, v58;
	v55 =	vsel vm15, $0x4F800000, v1  }
0x219: {  	v57 =	vsel vm4, v56, v45;
	v45 =	vxor.u32 v39, v40;
	vm1 =	vlt.s32 v42, $0x0  }
0x21a: {  	v61 =	vadd.s32 $0x80015, v42;
	v38 =	vxor.u32 v38, v40;
	v37 =	vxor.u32 v40, v37  }
0x21b: {  	v36 =	vxor.u32 v40, v36;
	v34 =	vxor.u32 v40, v34;
	v32 =	vxor.u32 v40, v32  }
0x21c: {  	v50 =	vadd.f32 v54, v55;
	v39 =	vcvt.s32.f32 v45;
	vm7 =	vlt.s32 v45, $0x0  }
0x21d: {  	v28 =	vxor.u32 v40, v28;
	v30 =	vxor.u32 v40, v30;
	v59 =	vsel vm7, $0x4F800000, v1  }
0x21e: {  	v49 =	vsel vm1, v61, v42;
	v41 =	vadd.f32 v50, v41;
	v60 =	vadd.f32 v39, v59  }
0x21f: {  	vm9 =	vgt.s32 v57, $0x80014;
	v51 =	vadd.s32 $0xFFF7FFEB, v57;
	v39 =	vsel vm5, $0x0, v2  }
0x220: {  	v42 =	vsel vm8, v62, v46;
	v41 =	vmul.f32 $1.907272240e-06, v41;
	v47 =	vadd.f32 v60, v39  }
0x221: {  	v56 =	vcvt.s32.f32 v38;
	vm12 =	vlt.s32 v38, $0x0;
	v61 =	vcvt.s32.f32 v37  }
0x222: {  	vm10 =	vgt.s32 v49, $0x80014;
	v41 =	vtrunc.f32 v41;
	v47 =	vmul.f32 $1.907272240e-06, v47  }
0x223: {  	v54 =	vadd.s32 $0xFFF7FFEB, v49;
	v58 =	vsel vm12, $0x4F800000, v1;
	v41 =	vcvt.f32.s32 v41  }
0x224: {  	v43 =	vsel vm10, v54, v49;
	v59 =	vadd.f32 v56, v58;
	v47 =	vtrunc.f32 v47  }
0x225: {  	vm5 =	vlt.s32 v37, $0x0;
	v63 =	vmul.u32 $0xFFF7FFEB, v41;
	v47 =	vcvt.f32.s32 v47  }
0x226: {  	vm10 =	vlt.s32 v36, $0x0;
	vm15 =	vgt.s32 v43, $0x80014;
	v62 =	vsel vm5, $0x4F800000, v1  }
0x227: {  	v52 =	vadd.s32 $0xFFF7FFEB, v43;
	v55 =	vadd.s32 v48, v63;
	v47 =	vmul.u32 $0xFFF7FFEB, v47  }
0x228: {  	v43 =	vsel vm15, v52, v43;
	vm11 =	vlt.s32 v55, $0x0;
	v48 =	vadd.s32 $0x80015, v55  }
0x229: {  	v41 =	vsel vm9, v51, v57;
	v46 =	vsel vm11, v48, v55;
	v45 =	vadd.s32 v45, v47  }
0x22a: {  	v47 =	vadd.f32 v59, v39;
	v55 =	vcvt.s32.f32 v36;
	vm1 =	vlt.s32 v46, $0x0  }
0x22b: {  	v57 =	vadd.s32 $0x80015, v46;
	vm14 =	vlt.s32 v45, $0x0;
	v60 =	vadd.s32 $0x80015, v45  }
0x22c: {  	v46 =	vsel vm1, v57, v46;
	v45 =	vsel vm14, v60, v45;
	v47 =	vmul.f32 $1.907272240e-06, v47  }
0x22d: {  	v57 =	vsel vm10, $0x4F800000, v1;
	vm13 =	vgt.s32 v46, $0x80014;
	v49 =	vadd.s32 $0xFFF7FFEB, v46  }
0x22e: {  	vm4 =	vlt.s32 v45, $0x0;
	v48 =	vadd.s32 $0x80015, v45;
	v46 =	vsel vm13, v49, v46  }
0x22f: {  	v45 =	vsel vm4, v48, v45;
	v47 =	vtrunc.f32 v47;
	v48 =	vadd.f32 v61, v62  }
0x230: {  	vm13 =	vlt.s32 v34, $0x0;
	vm4 =	vlt.s32 v32, $0x0;
	vm6 =	vgt.s32 v45, $0x80014  }
0x231: {  	v63 =	vadd.s32 $0xFFF7FFEB, v45;
	v47 =	vcvt.f32.s32 v47;
	vm7 =	vgt.s32 v46, $0x80014  }
0x232: {  	v53 =	vadd.s32 $0xFFF7FFEB, v46;
	v45 =	vsel vm6, v63, v45;
	v48 =	vadd.f32 v48, v39  }
0x233: {  	v46 =	vsel vm7, v53, v46;
	v63 =	vcvt.s32.f32 v34;
	v53 =	vsel vm13, $0x4F800000, v1  }
0x234: {  	vm7 =	vlt.s32 v28, $0x0;
	v47 =	vmul.u32 $0xFFF7FFEB, v47;
	vm8 =	vgt.s32 v45, $0x80014  }
0x235: {  	v58 =	vadd.s32 $0xFFF7FFEB, v45;
	v50 =	vadd.s32 v19, v46;
	v54 =	vmul.f32 $1.907272240e-06, v48  }
0x236: {  	v48 =	vadd.f32 v55, v57;
	v45 =	vsel vm8, v58, v45;
	v58 =	vsel vm4, $0x4F800000, v1  }
0x237: {  	vm8 =	vlt.s32 v30, $0x0;
	v38 =	vadd.s32 v38, v47;
	v51 =	vadd.s32 v19, v45  }
0x238: {  	vm9 =	vlt.s32 v38, $0x0;
	v56 =	vadd.s32 $0x80015, v38;
	v47 =	vtrunc.f32 v54  }
0x239: {  	v48 =	vadd.f32 v48, v39;
	v54 =	vadd.f32 v63, v53;
	v63 =	vmul.f32 v26, v27  }
0x23a: {  	v53 =	vmul.f32 v26, v25;
	v38 =	vsel vm9, v56, v38;
	v47 =	vcvt.f32.s32 v47  }
0x23b: {  	v27 =	vmul.f32 v27, v23;
	v25 =	vmul.f32 v23, v25;
	vm1 =	vlt.s32 v38, $0x0  }
0x23c: {  	v59 =	vadd.s32 $0x80015, v38;
	v61 =	vmul.f32 $1.907272240e-06, v48;
	v47 =	vmul.u32 $0xFFF7FFEB, v47  }
0x23d: {  	v56 =	vcvt.s32.f32 v32;
	[tilespmem:s31+$0x7F98] =	vst v63;
	v63 =	vadd.s32 v19, v35;
	v38 =	vsel vm1, v59, v38  }
0x23e: {  	vm11 =	vgt.s32 v38, $0x80014;
	v37 =	vadd.s32 v37, v47;
	v47 =	vtrunc.f32 v61  }
0x23f: {  	v60 =	vadd.s32 $0xFFF7FFEB, v38;
	v61 =	vmul.f32 v26, v24;
	v26 =	vmul.f32 v26, v44  }
0x240: {  	v38 =	vsel vm11, v60, v38;
	v24 =	vmul.f32 v24, v23;
	v23 =	vmul.f32 v23, v44  }
0x241: {  	vm0 =	vgt.s32 v38, $0x80014;
	vm12 =	vlt.s32 v37, $0x0;
	v62 =	vadd.s32 $0x80015, v37  }
0x242: {  	v49 =	vadd.s32 $0xFFF7FFEB, v38;
	v47 =	vcvt.f32.s32 v47;
	v37 =	vsel vm12, v62, v37  }
0x243: {  	v38 =	vsel vm0, v49, v38;
	v49 =	vadd.s32 v19, v43;
	vm1 =	vlt.s32 v37, $0x0  }
0x244: {  	v48 =	vadd.s32 $0x80015, v37;
	v47 =	vmul.u32 $0xFFF7FFEB, v47;
	v38 =	vadd.s32 v19, v38  }
0x245: {  	v37 =	vsel vm1, v48, v37;
	v48 =	vadd.f32 v56, v58;
	v56 =	vcvt.s32.f32 v28  }
0x246: {  	v58 =	vcvt.s32.f32 v30;
	vm1 =	vgt.s32 v37, $0x80014;
	v52 =	vadd.s32 $0xFFF7FFEB, v37  }
0x247: {  	v36 =	vadd.s32 v36, v47;
	v47 =	vadd.f32 v54, v39;
	v37 =	vsel vm1, v52, v37  }
0x248: {  	vm15 =	vlt.s32 v36, $0x0;
	v55 =	vadd.s32 $0x80015, v36;
	v48 =	vadd.f32 v48, v39  }
0x249: {  	vm14 =	vgt.s32 v37, $0x80014;
	v36 =	vsel vm15, v55, v36;
	v47 =	vmul.f32 $1.907272240e-06, v47  }
0x24a: {  	v59 =	vadd.s32 $0xFFF7FFEB, v37;
	vm1 =	vlt.s32 v36, $0x0;
	v57 =	vadd.s32 $0x80015, v36  }
0x24b: {  	v37 =	vsel vm14, v59, v37;
	v48 =	vmul.f32 $1.907272240e-06, v48;
	v36 =	vsel vm1, v57, v36  }
0x24c: {  	v47 =	vtrunc.f32 v47;
	v57 =	vsel vm7, $0x4F800000, v1;
	v37 =	vadd.s32 v19, v37  }
0x24d: {  	vm1 =	vgt.s32 v36, $0x80014;
	v60 =	vadd.s32 $0xFFF7FFEB, v36;
	v47 =	vcvt.f32.s32 v47  }
0x24e: {  	v54 =	vtrunc.f32 v48;
	v40 =	vadd.f32 v56, v57;
	v36 =	vsel vm1, v60, v36  }
0x24f: {  	vm5 =	vgt.s32 v36, $0x80014;
	v62 =	vadd.s32 $0xFFF7FFEB, v36;
	v47 =	vmul.u32 $0xFFF7FFEB, v47  }
0x250: {  	v60 =	vsel vm8, $0x4F800000, v1;
	v40 =	vadd.f32 v40, v39;
	v36 =	vsel vm5, v62, v36  }
0x251: {  	v62 =	vadd.s32 v19, v33;
	v34 =	vadd.s32 v34, v47;
	v47 =	vcvt.f32.s32 v54  }
0x252: {  	v40 =	vmul.f32 $1.907272240e-06, v40;
	vm6 =	vlt.s32 v34, $0x0;
	v55 =	vadd.s32 $0x80015, v34  }
0x253: {  	[tilespmem:s31+$0x8298] =	vst v23;
	v23 =	vadd.s32 v19, v36;
	v34 =	vsel vm6, v55, v34;
	v47 =	vmul.u32 $0xFFF7FFEB, v47  }
0x254: {  	[tilespmem:s31+$0x7E98] =	vst v22;
	v22 =	vtrunc.f32 v40;
	vm0 =	vlt.s32 v34, $0x0;
	v48 =	vadd.s32 $0x80015, v34  }
0x255: {  	[tilespmem:s31+$0x8318] =	vst v29;
	v34 =	vsel vm0, v48, v34;
	v32 =	vadd.s32 v32, v47;
	v47 =	vadd.f32 v58, v60  }
0x256: {  	[tilespmem:s31+$0x8398] =	vst v31;
	v22 =	vcvt.f32.s32 v22;
	v48 =	vadd.s32 v19, v41;
	vm0 =	vgt.s32 v34, $0x80014  }
0x257: {  	[tilespmem:s31+$0x8698] =	vst v50;
	v59 =	vadd.s32 $0xFFF7FFEB, v34;
	vm9 =	vlt.s32 v32, $0x0;
	v39 =	vadd.f32 v47, v39  }
0x258: {  	[tilespmem:s31+$0x7F18] =	vst v61;
	v61 =	vadd.s32 $0x80015, v32;
	v22 =	vmul.u32 $0xFFF7FFEB, v22;
	v34 =	vsel vm0, v59, v34  }
0x259: {  	[tilespmem:s31+$0x8018] =	vst v53;
	v32 =	vsel vm9, v61, v32;
	v47 =	vadd.s32 v19, v42;
	v53 =	vmul.f32 $1.907272240e-06, v39  }
0x25a: {  	[tilespmem:s31+$0x8718] =	vst v51;
	vm10 =	vlt.s32 v32, $0x0;
	v52 =	vadd.s32 $0x80015, v32;
	vm11 =	vgt.s32 v34, $0x80014  }
0x25b: {  	[tilespmem:s31+$0x8218] =	vst v25;
	v55 =	vadd.s32 $0xFFF7FFEB, v34;
	v25 =	vsel vm10, v52, v32;
	v32 =	vtrunc.f32 v53  }
0x25c: {  	[tilespmem:s31+$0x8198] =	vst v27;
	v22 =	vadd.s32 v28, v22;
	v57 =	vsel vm11, v55, v34;
	v32 =	vcvt.f32.s32 v32  }
0x25d: {  	[tilespmem:s31+$0x8498] =	vst v63;
	vm13 =	vlt.s32 v22, $0x0;
	v28 =	vadd.s32 $0x80015, v22;
	vm12 =	vgt.s32 v25, $0x80014  }
0x25e: {  	[tilespmem:s31+$0x8098] =	vst v26;
	v54 =	vadd.s32 $0xFFF7FFEB, v25;
	v22 =	vsel vm13, v28, v22;
	v58 =	vmul.u32 $0xFFF7FFEB, v32  }
0x25f: {  	[tilespmem:s31+$0x8118] =	vst v24;
	v26 =	vadd.s32 v19, v57;
	v25 =	vsel vm12, v54, v25;
	vm15 =	vlt.s32 v22, $0x0  }
0x260: {  	[tilespmem:s31+$0x8618] =	vst v49;
	v28 =	vadd.s32 $0x80015, v22;
	vm1 =	vgt.s32 v25, $0x80014;
	v29 =	vadd.s32 v30, v58  }
0x261: {  	[tilespmem:s31+$0x8798] =	vst v38;
	v56 =	vadd.s32 $0xFFF7FFEB, v25;
	vm14 =	vlt.s32 v29, $0x0;
	v59 =	vadd.s32 $0x80015, v29  }
0x262: {  	[tilespmem:s31+$0x8818] =	vst v37;
	v22 =	vsel vm15, v28, v22;
	v25 =	vsel vm1, v56, v25;
	v24 =	vsel vm14, v59, v29  }
0x263: {  	[tilespmem:s31+$0x8418] =	vst v62;
	vm1 =	vgt.s32 v22, $0x80014;
	vm0 =	vlt.s32 v24, $0x0;
	v60 =	vadd.s32 $0x80015, v24  }
0x264: {  	[tilespmem:s31+$0x8898] =	vst v23;
	v61 =	vadd.s32 $0xFFF7FFEB, v22;
	v25 =	vadd.s32 v19, v25;
	v24 =	vsel vm0, v60, v24  }
0x265: {  	p0 =	sne.s32 s30, $0x1C0;
	[tilespmem:s31+$0x8598] =	vst v48;
	v22 =	vsel vm1, v61, v22;
	vm0 =	vgt.s32 v24, $0x80014;
	v62 =	vadd.s32 $0xFFF7FFEB, v24  }
.Ltmp5:
0x266: {  	[tilespmem:s31+$0x8518] =	vst v47;
	vm1 =	vgt.s32 v22, $0x80014;
	v63 =	vadd.s32 $0xFFF7FFEB, v22;
	v24 =	vsel vm0, v62, v24;
	(pc) =	sbr.rel @p0 .LBB2_14-.Ltmp5, $4  }
0x267: {  	[tilespmem:s31+$0x8918] =	vst v26;
	v22 =	vsel vm1, v63, v22;
	vm0 =	vgt.s32 v24, $0x80014;
	v23 =	vadd.s32 $0xFFF7FFEB, v24  }
0x268: {  	[tilespmem:s31+$0x8998] =	vst v25;
	v22 =	vadd.s32 v19, v22;
	v23 =	vsel vm0, v23, v24  }
0x269: {  	[tilespmem:s31+$0x8A18] =	vst v22;
	v23 =	vadd.s32 v19, v23  }
0x26a: {  	s30 =	sadd.s32 $0x40, s30;
	[tilespmem:s31+$0x8A98] =	vst v23  }
0x26b: {  	s0 =	simm.s32 $0x8318  }
0x26c: {  	[tilespmem:s19], [sflag:$0x1] =	stream.indirect.gather [hbm4b:s6+s13], $0x10, s0, s13, $0xb8;
	[tilespmem:$0x11F18] =	vst v63  }
0x26d: {  	s31 =	simm.s32 $0x8398;
	s4 =	simm.s32 $0x9318  }
0x26e: {  	[tilespmem:s4], [sflag:$0x1] =	stream.indirect.gather [hbm4b:s6+s13], $0x10, s31, s13, $0xb8;
	[tilespmem:$0x11F18] =	vst v63  }
0x26f: {  	s7 =	simm.s32 $0x8418;
	s31 =	simm.s32 $0x9B18  }
0x270: {  	[tilespmem:s31], [sflag:$0x1] =	stream.indirect.gather [hbm4b:s6+s13], $0x10, s7, s13, $0xb8;
	[tilespmem:$0x11F18] =	vst v63  }
0x271: {  	s7 =	simm.s32 $0x8498;
	s31 =	simm.s32 $0xA318  }
0x272: {  	[tilespmem:s31], [sflag:$0x1] =	stream.indirect.gather [hbm4b:s6+s13], $0x10, s7, s13, $0xb8;
	[tilespmem:$0x11F18] =	vst v63  }
0x273: {  	s7 =	simm.s32 $0x8518;
	s31 =	simm.s32 $0xAB18  }
0x274: {  	[tilespmem:s31], [sflag:$0x1] =	stream.indirect.gather [hbm4b:s6+s13], $0x10, s7, s13, $0xb8;
	[tilespmem:$0x11F18] =	vst v63  }
0x275: {  	s7 =	simm.s32 $0x8598;
	s31 =	simm.s32 $0xB318  }
0x276: {  	[tilespmem:s31], [sflag:$0x1] =	stream.indirect.gather [hbm4b:s6+s13], $0x10, s7, s13, $0xb8;
	[tilespmem:$0x11F18] =	vst v63  }
0x277: {  	s7 =	simm.s32 $0x8618;
	s31 =	simm.s32 $0xBB18  }
0x278: {  	[tilespmem:s31], [sflag:$0x1] =	stream.indirect.gather [hbm4b:s6+s13], $0x10, s7, s13, $0xb8;
	[tilespmem:$0x11F18] =	vst v63  }
0x279: {  	s4 =	simm.s32 $0x8698;
	s7 =	simm.s32 $0xC318  }
0x27a: {  	[tilespmem:s7], [sflag:$0x1] =	stream.indirect.gather [hbm4b:s6+s13], $0x10, s4, s13, $0xb8;
	[tilespmem:$0x11F18] =	vst v63  }
0x27b: {  	_ = 	snop  }
0x27c: {  	[tilespmem:s10], [sflag:$0x1] =	stream.indirect.gather [hbm4b:s6+s13], $0x10, s8, s13, $0xb8;
	[tilespmem:$0x11F18] =	vst v63  }
0x27d: {  	_ = 	snop  }
0x27e: {  	[tilespmem:s2], [sflag:$0x1] =	stream.indirect.gather [hbm4b:s6+s13], $0x10, s1, s13, $0xb8;
	[tilespmem:$0x11F18] =	vst v63  }
0x27f: {  	_ = 	snop  }
0x280: {  	[tilespmem:s15], [sflag:$0x1] =	stream.indirect.gather [hbm4b:s6+s13], $0x10, s14, s13, $0xb8;
	[tilespmem:$0x11F18] =	vst v63  }
0x281: {  	_ = 	snop  }
0x282: {  	[tilespmem:s9], [sflag:$0x1] =	stream.indirect.gather [hbm4b:s6+s13], $0x10, s5, s13, $0xb8;
	[tilespmem:$0x11F18] =	vst v63  }
0x283: {  	_ = 	snop  }
0x284: {  	[tilespmem:s11], [sflag:$0x1] =	stream.indirect.gather [hbm4b:s6+s13], $0x10, s3, s13, $0xb8;
	[tilespmem:$0x11F18] =	vst v63  }
0x285: {  	_ = 	snop  }
0x286: {  	[tilespmem:s20], [sflag:$0x1] =	stream.indirect.gather [hbm4b:s6+s13], $0x10, s18, s13, $0xb8;
	[tilespmem:$0x11F18] =	vst v63  }
0x287: {  	_ = 	snop  }
0x288: {  	[tilespmem:s22], [sflag:$0x1] =	stream.indirect.gather [hbm4b:s6+s13], $0x10, s21, s13, $0xb8;
	[tilespmem:$0x11F18] =	vst v63  }
0x289: {  	_ = 	snop  }
0x28a: {  	[tilespmem:s24], [sflag:$0x1] =	stream.indirect.gather [hbm4b:s6+s13], $0x10, s23, s13, $0xb8;
	[tilespmem:$0x11F18] =	vst v63  }
0x28b: {  	_ =	swait.ge [sflag:s25], $0x800  }
0x28c: {  	[sflag:s25] =	ssyncset.done $0x0  }
0x28d: {  	[sflag:s25] =	ssyncadd.s32 $0xFFFFF800  }
0x28e: {  	_ =	swait.ge [sflag:s25], $0x800  }
0x28f: {  	[sflag:s25] =	ssyncset.done $0x0  }
0x290: {  	[sflag:s25] =	ssyncadd.s32 $0xFFFFF800  }
0x291: {  	_ =	swait.ge [sflag:s25], $0x800  }
0x292: {  	[sflag:s25] =	ssyncset.done $0x0  }
0x293: {  	[sflag:s25] =	ssyncadd.s32 $0xFFFFF800  }
0x294: {  	_ =	swait.ge [sflag:s25], $0x800  }
0x295: {  	[sflag:s25] =	ssyncset.done $0x0  }
0x296: {  	[sflag:s25] =	ssyncadd.s32 $0xFFFFF800  }
0x297: {  	_ =	swait.ge [sflag:s25], $0x800  }
0x298: {  	[sflag:s25] =	ssyncset.done $0x0  }
0x299: {  	[sflag:s25] =	ssyncadd.s32 $0xFFFFF800  }
0x29a: {  	_ =	swait.ge [sflag:s25], $0x800  }
0x29b: {  	[sflag:s25] =	ssyncset.done $0x0  }
0x29c: {  	[sflag:s25] =	ssyncadd.s32 $0xFFFFF800  }
0x29d: {  	_ =	swait.ge [sflag:s25], $0x800  }
0x29e: {  	[sflag:s25] =	ssyncset.done $0x0  }
0x29f: {  	[sflag:s25] =	ssyncadd.s32 $0xFFFFF800  }
0x2a0: {  	_ =	swait.ge [sflag:s25], $0x800  }
0x2a1: {  	[sflag:s25] =	ssyncset.done $0x0  }
0x2a2: {  	[sflag:s25] =	ssyncadd.s32 $0xFFFFF800  }
0x2a3: {  	_ =	swait.ge [sflag:s25], $0x800  }
0x2a4: {  	[sflag:s25] =	ssyncset.done $0x0  }
0x2a5: {  	[sflag:s25] =	ssyncadd.s32 $0xFFFFF800  }
0x2a6: {  	_ =	swait.ge [sflag:s25], $0x800  }
0x2a7: {  	[sflag:s25] =	ssyncset.done $0x0  }
0x2a8: {  	[sflag:s25] =	ssyncadd.s32 $0xFFFFF800  }
0x2a9: {  	_ =	swait.ge [sflag:s25], $0x800  }
0x2aa: {  	[sflag:s25] =	ssyncset.done $0x0  }
0x2ab: {  	[sflag:s25] =	ssyncadd.s32 $0xFFFFF800  }
0x2ac: {  	_ =	swait.ge [sflag:s25], $0x800  }
0x2ad: {  	[sflag:s25] =	ssyncset.done $0x0  }
0x2ae: {  	[sflag:s25] =	ssyncadd.s32 $0xFFFFF800  }
0x2af: {  	_ =	swait.ge [sflag:s25], $0x800  }
0x2b0: {  	[sflag:s25] =	ssyncset.done $0x0  }
0x2b1: {  	[sflag:s25] =	ssyncadd.s32 $0xFFFFF800  }
0x2b2: {  	_ =	swait.ge [sflag:s25], $0x800  }
0x2b3: {  	[sflag:s25] =	ssyncset.done $0x0  }
0x2b4: {  	[sflag:s25] =	ssyncadd.s32 $0xFFFFF800  }
0x2b5: {  	_ =	swait.ge [sflag:s25], $0x800  }
0x2b6: {  	[sflag:s25] =	ssyncset.done $0x0  }
0x2b7: {  	s31 =	simm.s32 $0x0;
	[sflag:s25] =	ssyncadd.s32 $0xFFFFF800  }
0x2b8: {  	v21 =	vor.u32 s31, v0;
	_ =	swait.ge [sflag:s25], $0x800  }
0x2b9: {  	v18 =	vshll.u32 v21, $0x4;
	[sflag:s25] =	ssyncset.done $0x0  }
0x2ba: {  	s30 =	simm.s32 $0x8118;
	v20 =	vmov s31;
	v19 =	vor.u32 $0x1, v18;
	[sflag:s25] =	ssyncadd.s32 $0xFFFFF800  }
0x2bb: {  	v23 =	vshll.u32 v20, $0x4;
	v25 =	vld [tilespmem:s30+$0xFFFFFF00]  }
0x2bc: {  	v20 =	vor.u32 v16, v23;
	v24 =	vld [tilespmem:s30+$0xFFFFFE00]  }
0x2bd: {  	v26 =	vor.u32 $0x1, v20;
	v28 =	vld [tilespmem:s30+$0x0]  }
0x2be: {  	v27 =	vor.u32 v5, v23;
	v29 =	vld.idx.msk [tilespmem:v18+s19+$0x0], $0xffff  }
0x2bf: {  	v30 =	vor.u32 v12, v23;
	v34 =	vor.u32 v7, v23;
	v31 =	vld.idx.msk [tilespmem:v19+s19+$0x0], $0xffff  }
0x2c0: {  	v35 =	vor.u32 $0x1, v34;
	v22 =	vld [tilespmem:s30+$0x80]  }
0x2c1: {  	v42 =	vor.u32 v6, v23;
	v33 =	vld.idx.msk [tilespmem:v20+s19+$0x0], $0xffff  }
0x2c2: {  	v43 =	vor.u32 v4, v23;
	v26 =	vld.idx.msk [tilespmem:v26+s19+$0x0], $0xffff  }
0x2c3: {  	v44 =	vor.u32 $0x1, v42;
	v36 =	vld.idx.msk [tilespmem:v27+s19+$0x0], $0xffff  }
0x2c4: {  	v59 =	vor.u32 v3, v23;
	v19 =	vor.u32 v13, v23;
	v38 =	vld.idx.msk [tilespmem:v30+s19+$0x0], $0xffff  }
0x2c5: {  	v47 =	vor.u32 $0x1, v59;
	v35 =	vld.idx.msk [tilespmem:v35+s19+$0x0], $0xffff  }
0x2c6: {  	v42 =	vld.idx.msk [tilespmem:v42+s19+$0x0], $0xffff  }
0x2c7: {  	v51 =	vor.u32 v15, v23;
	v48 =	vld.idx.msk [tilespmem:v43+s19+$0x0], $0xffff  }
0x2c8: {  	v39 =	vor.u32 v8, v23;
	v20 =	vor.u32 v11, v23;
	v44 =	vld.idx.msk [tilespmem:v44+s19+$0x0], $0xffff  }
0x2c9: {  	v32 =	vor.u32 $0x1, v19;
	v40 =	vld.idx.msk [tilespmem:v19+s19+$0x0], $0xffff;
	v19 =	vor.u32 $0x1, v39  }
0x2ca: {  	v27 =	vor.u32 $0x1, v27;
	v47 =	vld.idx.msk [tilespmem:v47+s19+$0x0], $0xffff  }
0x2cb: {  	v43 =	vor.u32 $0x1, v43;
	v56 =	vld [tilespmem:s30+$0xFFFFFE80]  }
0x2cc: {  	v60 =	vld.idx.msk [tilespmem:v51+s19+$0x0], $0xffff  }
0x2cd: {  	v41 =	vld.idx.msk [tilespmem:v20+s19+$0x0], $0xffff  }
0x2ce: {  	v45 =	vld.idx.msk [tilespmem:v19+s19+$0x0], $0xffff;
	v19 =	vor.u32 $0x1, v30  }
0x2cf: {  	v27 =	vld.idx.msk [tilespmem:v27+s19+$0x0], $0xffff  }
0x2d0: {  	v37 =	vor.u32 $0x1, v20;
	v20 =	vor.u32 v14, v23;
	v43 =	vld.idx.msk [tilespmem:v43+s19+$0x0], $0xffff  }
0x2d1: {  	v32 =	vld.idx.msk [tilespmem:v32+s19+$0x0], $0xffff  }
0x2d2: {  	v53 =	vor.u32 $0x1, v51;
	v30 =	vld.idx.msk [tilespmem:v34+s19+$0x0], $0xffff  }
0x2d3: {  	v29 =	vadd.f32 v31, v29;
	v50 =	vld.idx.msk [tilespmem:v19+s19+$0x0], $0xffff  }
0x2d4: {  	v55 =	vor.u32 v10, v23;
	v49 =	vor.u32 $0x1, v20;
	v34 =	vld.idx.msk [tilespmem:v59+s19+$0x0], $0xffff;
	v19 =	vmov s29  }
0x2d5: {  	v29 =	vmul.f32 v29, v24;
	v46 =	vld.idx.msk [tilespmem:v20+s19+$0x0], $0xffff;
	v20 =	vand.u32 $0x7, v19;
	v52 =	vadd.s32 $0xC, v19  }
0x2d6: {  	v39 =	vld.idx.msk [tilespmem:v39+s19+$0x0], $0xffff;
	v19 =	vor.u32 $0x8, v20;
	v20 =	vand.u32 $0x1F, v52;
	v52 =	vor.u32 v9, v23  }
0x2d7: {  	v61 =	vld.idx.msk [tilespmem:v53+s19+$0x0], $0xffff;
	v62 =	vadd.f32 v44, v42;
	v29 =	vadd.f32 $0.0e+00, v29;
	v54 =	vor.u32 $0x1, v52  }
0x2d8: {  	v63 =	vld [tilespmem:s30+$0xFFFFFF80];
	v31 =	vor.u32 v17, v23;
	v27 =	vadd.f32 v27, v36;
	v38 =	vadd.f32 v50, v38  }
0x2d9: {  	v37 =	vld.idx.msk [tilespmem:v37+s19+$0x0], $0xffff;
	v57 =	vor.u32 $0x1, v31;
	v51 =	vadd.f32 v43, v48;
	v34 =	vadd.f32 v47, v34  }
0x2da: {  	v49 =	vld.idx.msk [tilespmem:v49+s19+$0x0], $0xffff;
	v32 =	vadd.f32 v32, v40;
	v23 =	vadd.f32 v26, v33;
	v38 =	vmul.f32 v38, v24  }
0x2db: {  	v26 =	vadd.f32 v45, v39;
	v34 =	vmul.f32 v34, v56;
	v50 =	vor.u32 $0x1, v55;
	v53 =	vld.idx.msk [tilespmem:v52+s19+$0x0], $0xffff  }
0x2dc: {  	v27 =	vmul.f32 v27, v56;
	v33 =	vadd.f32 v61, v60;
	v58 =	vld.idx.msk [tilespmem:v54+s19+$0x0], $0xffff;
	v38 =	vadd.f32 $0.0e+00, v38  }
0x2dd: {  	v59 =	vmul.f32 v51, v25;
	v56 =	vmul.f32 v26, v25;
	v26 =	vld.idx.msk [tilespmem:v55+s19+$0x0], $0xffff;
	v29 =	vadd.f32 v34, v29  }
0x2de: {  	v36 =	vmul.f32 v62, v63;
	v63 =	vmul.f32 v33, v63;
	v33 =	vld.idx.msk [tilespmem:v57+s19+$0x0], $0xffff;
	v27 =	vadd.f32 v27, v38  }
0x2df: {  	v37 =	vadd.f32 v37, v41;
	v62 =	vadd.f32 v59, v29;
	v29 =	vmul.f32 v32, v28;
	v32 =	vld.idx.msk [tilespmem:v31+s19+$0x0], $0xffff  }
0x2e0: {  	v21 =	vmul.u32 $0x18, v21;
	v60 =	vadd.f32 v35, v30;
	v30 =	vld.idx.msk [tilespmem:v50+s19+$0x0], $0xffff;
	v61 =	vadd.f32 v56, v27  }
0x2e1: {  	v25 =	vmul.f32 v37, v28;
	v28 =	vadd.f32 v49, v46;
	v27 =	vld [tilespmem:s30+$0x100];
	v34 =	vadd.f32 v58, v53  }
0x2e2: {  	s0 =	simm.s32 $0x7E98;
	s4 =	simm.s32 $0x10;
	s29 =	simm.s32 $0x7E98;
	v31 =	vmul.f32 v60, v22;
	v24 =	vld [tilespmem:s30+$0x180];
	v35 =	vadd.f32 v36, v61;
	v36 =	vadd.f32 v63, v62  }
.LBB2_16:
0x2e3: {  	p0 =	sne.s32 s4, $0x70;
	s0 =	sadd.s32 $0x10, s0;
	s30 =	sadd.s32 $0x10, s30  }
0x2e4: {  	v25 =	vadd.f32 v25, v35;
	v22 =	vmul.f32 v28, v22;
	s7 =	smov.u32 s4;
	s4 =	sadd.s32 $0x10, s4;
	v29 =	vadd.f32 v29, v36  }
0x2e5: {  	v26 =	vadd.f32 v30, v26  }
0x2e6: {  	v22 =	vadd.f32 v22, v25;
	v28 =	vadd.f32 v31, v29;
	v29 =	vmul.f32 v34, v27  }
0x2e7: {  	v26 =	vmul.f32 v26, v27;
	v25 =	vadd.f32 v33, v32  }
0x2e8: {  	v23 =	vmul.f32 v23, v24;
	v27 =	vadd.f32 v29, v28  }
0x2e9: {  	v22 =	vadd.f32 v26, v22;
	v24 =	vmul.f32 v25, v24  }
0x2ea: {  	v25 =	vld [tilespmem:s29+$0x0];
	s29 =	smov.u32 s0  }
0x2eb: {  	v22 =	vadd.f32 v23, v22;
	v24 =	vadd.f32 v24, v27;
	_ =	sdelay $0x1  }
0x2ec: {  	v23 =	vsub.f32 v22, v24  }
0x2ed: {  	v26 =	vor.u32 v18, v19  }
0x2ee: {  	v27 =	vor.u32 s7, v0;
	v23 =	vmul.f32 v23, v25;
	v25 =	vadd.s32 v19, v21  }
0x2ef: {  	v28 =	vadd.s32 v20, v21;
	v18 =	vshll.u32 v27, $0x4;
	v21 =	vmul.u32 $0x18, v27  }
0x2f0: {  	v27 =	vor.u32 $0x1, v18;
	v23 =	vadd.f32 v23, v24;
	_ =	sdelay $0x1  }
0x2f1: {  	[tilespmem:v26+s16+$0x0] =	vst.idx.msk $0xffff, v23  }
0x2f2: {  	[tilespmem:v25+s17+$0x0] =	vst.idx.msk $0xffff, v24  }
0x2f3: {  	v23 =	vmov s7;
	[tilespmem:v28+s17+$0x0] =	vst.idx.msk $0xffff, v22  }
0x2f4: {  	v23 =	vshll.u32 v23, $0x4;
	v26 =	vld [tilespmem:s30+$0xFFFFFF00]  }
0x2f5: {  	v25 =	vor.u32 v12, v23;
	v28 =	vor.u32 v5, v23;
	v29 =	vor.u32 v16, v23;
	v24 =	vld [tilespmem:s30+$0xFFFFFE00]  }
0x2f6: {  	v31 =	vor.u32 $0x1, v25;
	v32 =	vor.u32 $0x1, v28;
	v33 =	vor.u32 $0x1, v29;
	v30 =	vld [tilespmem:s30+$0x0]  }
0x2f7: {  	v35 =	vor.u32 v3, v23;
	v36 =	vor.u32 v4, v23;
	v37 =	vor.u32 v6, v23;
	v34 =	vld.idx.msk [tilespmem:v18+s19+$0x0], $0xffff  }
0x2f8: {  	v38 =	vor.u32 $0x1, v35;
	v39 =	vor.u32 $0x1, v36;
	v40 =	vor.u32 $0x1, v37;
	v27 =	vld.idx.msk [tilespmem:v27+s19+$0x0], $0xffff  }
0x2f9: {  	v41 =	vor.u32 v13, v23;
	v42 =	vor.u32 v8, v23;
	v43 =	vor.u32 v11, v23;
	v22 =	vld [tilespmem:s30+$0x80]  }
0x2fa: {  	v44 =	vor.u32 $0x1, v41;
	v45 =	vor.u32 $0x1, v42;
	v46 =	vor.u32 $0x1, v43;
	v29 =	vld.idx.msk [tilespmem:v29+s19+$0x0], $0xffff  }
0x2fb: {  	v47 =	vor.u32 v7, v23;
	v48 =	vor.u32 v9, v23;
	v49 =	vor.u32 v14, v23;
	v33 =	vld.idx.msk [tilespmem:v33+s19+$0x0], $0xffff  }
0x2fc: {  	v50 =	vor.u32 v15, v23;
	v51 =	vor.u32 $0x1, v47;
	v52 =	vor.u32 $0x1, v49;
	v28 =	vld.idx.msk [tilespmem:v28+s19+$0x0], $0xffff  }
0x2fd: {  	v55 =	vor.u32 v10, v23;
	v53 =	vor.u32 $0x1, v50;
	v54 =	vor.u32 $0x1, v48;
	v25 =	vld.idx.msk [tilespmem:v25+s19+$0x0], $0xffff  }
0x2fe: {  	v56 =	vor.u32 $0x1, v55;
	v27 =	vadd.f32 v27, v34;
	v34 =	vld.idx.msk [tilespmem:v41+s19+$0x0], $0xffff;
	v41 =	vor.u32 v17, v23  }
0x2ff: {  	v44 =	vld.idx.msk [tilespmem:v44+s19+$0x0], $0xffff;
	v57 =	vor.u32 $0x1, v41  }
0x300: {  	v27 =	vmul.f32 v27, v24;
	v43 =	vld.idx.msk [tilespmem:v43+s19+$0x0], $0xffff  }
0x301: {  	v23 =	vadd.f32 v33, v29;
	v51 =	vld.idx.msk [tilespmem:v51+s19+$0x0], $0xffff  }
0x302: {  	v29 =	vld.idx.msk [tilespmem:v46+s19+$0x0], $0xffff  }
0x303: {  	v33 =	vld.idx.msk [tilespmem:v42+s19+$0x0], $0xffff  }
0x304: {  	v42 =	vld.idx.msk [tilespmem:v45+s19+$0x0], $0xffff  }
0x305: {  	v45 =	vld.idx.msk [tilespmem:v47+s19+$0x0], $0xffff  }
0x306: {  	v46 =	vld.idx.msk [tilespmem:v49+s19+$0x0], $0xffff  }
0x307: {  	v37 =	vld.idx.msk [tilespmem:v37+s19+$0x0], $0xffff  }
0x308: {  	v36 =	vld.idx.msk [tilespmem:v36+s19+$0x0], $0xffff  }
0x309: {  	v40 =	vld.idx.msk [tilespmem:v40+s19+$0x0], $0xffff  }
0x30a: {  	v31 =	vld.idx.msk [tilespmem:v31+s19+$0x0], $0xffff  }
0x30b: {  	v35 =	vld.idx.msk [tilespmem:v35+s19+$0x0], $0xffff  }
0x30c: {  	v33 =	vadd.f32 v42, v33;
	v32 =	vld.idx.msk [tilespmem:v32+s19+$0x0], $0xffff  }
0x30d: {  	v38 =	vld.idx.msk [tilespmem:v38+s19+$0x0], $0xffff  }
0x30e: {  	v33 =	vmul.f32 v33, v26;
	v42 =	vld.idx.msk [tilespmem:v52+s19+$0x0], $0xffff  }
0x30f: {  	v37 =	vadd.f32 v40, v37;
	v39 =	vld.idx.msk [tilespmem:v39+s19+$0x0], $0xffff  }
0x310: {  	v29 =	vadd.f32 v29, v43;
	v25 =	vadd.f32 v31, v25;
	v40 =	vld [tilespmem:s30+$0xFFFFFE80]  }
0x311: {  	v43 =	vld.idx.msk [tilespmem:v50+s19+$0x0], $0xffff  }
0x312: {  	v31 =	vadd.f32 v44, v34;
	v34 =	vmul.f32 v25, v24;
	v32 =	vadd.f32 v32, v28;
	v47 =	vld.idx.msk [tilespmem:v53+s19+$0x0], $0xffff  }
0x313: {  	v44 =	vadd.f32 v51, v45;
	v25 =	vmul.f32 v29, v30;
	v24 =	vld [tilespmem:s30+$0x180]  }
0x314: {  	v29 =	vmul.f32 v31, v30;
	v35 =	vadd.f32 v38, v35;
	v28 =	vadd.f32 v42, v46;
	v38 =	vld [tilespmem:s30+$0xFFFFFF80]  }
0x315: {  	v34 =	vadd.f32 $0.0e+00, v34;
	v30 =	vadd.f32 v39, v36;
	v39 =	vld.idx.msk [tilespmem:v48+s19+$0x0], $0xffff;
	v32 =	vmul.f32 v32, v40  }
0x316: {  	v27 =	vadd.f32 $0.0e+00, v27;
	v31 =	vmul.f32 v44, v22;
	v35 =	vmul.f32 v35, v40;
	v40 =	vld.idx.msk [tilespmem:v54+s19+$0x0], $0xffff  }
0x317: {  	v36 =	vmul.f32 v30, v26;
	v32 =	vadd.f32 v32, v34;
	v26 =	vld.idx.msk [tilespmem:v55+s19+$0x0], $0xffff  }
.Ltmp6:
0x318: {  	v34 =	vadd.f32 v35, v27;
	v35 =	vadd.f32 v47, v43;
	v30 =	vld.idx.msk [tilespmem:v56+s19+$0x0], $0xffff;
	(pc) =	sbr.rel @p0 .LBB2_16-.Ltmp6, $4  }
0x319: {  	v27 =	vld [tilespmem:s30+$0x100];
	v42 =	vadd.f32 v33, v32;
	v37 =	vmul.f32 v37, v38  }
0x31a: {  	v34 =	vadd.f32 v36, v34;
	v36 =	vmul.f32 v35, v38;
	v32 =	vld.idx.msk [tilespmem:v41+s19+$0x0], $0xffff  }
0x31b: {  	v33 =	vld.idx.msk [tilespmem:v57+s19+$0x0], $0xffff;
	v35 =	vadd.f32 v37, v42  }
0x31c: {  	v36 =	vadd.f32 v36, v34;
	v34 =	vadd.f32 v40, v39  }
0x31d: {  	v25 =	vadd.f32 v25, v35;
	v22 =	vmul.f32 v28, v22  }
0x31e: {  	v26 =	vadd.f32 v30, v26;
	v29 =	vadd.f32 v29, v36  }
0x31f: {  	v58 =	vmul.f32 v34, v27;
	v22 =	vadd.f32 v22, v25  }
0x320: {  	v26 =	vmul.f32 v26, v27;
	v57 =	vadd.f32 v31, v29;
	v59 =	vadd.f32 v33, v32  }
0x321: {  	v23 =	vmul.f32 v23, v24  }
0x322: {  	v22 =	vadd.f32 v26, v22;
	v60 =	vadd.f32 v58, v57;
	v61 =	vmul.f32 v59, v24  }
0x323: {  	v62 =	vld [tilespmem:s29+$0x0]  }
0x324: {  	v22 =	vadd.f32 v23, v22;
	v24 =	vadd.f32 v61, v60;
	_ =	sdelay $0x1  }
0x325: {  	v23 =	vsub.f32 v22, v24  }
0x326: {  	v18 =	vor.u32 v18, v19  }
0x327: {  	v19 =	vadd.s32 v19, v21;
	s26 =	sadd.s32 $0x1, s26;
	v23 =	vmul.f32 v23, v62  }
0x328: {  	v20 =	vadd.s32 v20, v21;
	p0 =	sne.s32 s26, $0x3  }
.Ltmp7:
0x329: {  	v63 =	vadd.f32 v23, v24;
	(pc) =	sbr.rel @p0 .LBB2_13-.Ltmp7, $4  }
0x32a: {  	_ = 	snop  }
0x32b: {  	[tilespmem:v18+s16+$0x0] =	vst.idx.msk $0xffff, v63  }
0x32c: {  	[tilespmem:v19+s17+$0x0] =	vst.idx.msk $0xffff, v24  }
0x32d: {  	s28 =	sadd.s32 $0x200, s28;
	[tilespmem:v20+s17+$0x0] =	vst.idx.msk $0xffff, v22  }
0x32e: {  	s28 =	rddreg [dreg:$0xb]  }
0x32f: {  	s4 =	rddreg [dreg:$0x1];
	s0 =	sshll.u32 s28, $0x1  }
0x330: {  	s7 =	simm.s32 $0x0;
	s26 =	simm.s32 $0x2;
	s0 =	sadd.s32 s4, s0  }
0x331: {  	[hbm4b:s0+s7] =	stream.linear.scatter [tilespmem:s16], [sflag:$0x2], $0x800, $0x38;
	[tilespmem:$0x11F18] =	vst v63  }
0x332: {  	_ =	swait.ge [sflag:s26], $0x800  }
0x333: {  	[sflag:s26] =	ssyncset.done $0x0  }
0x334: {  	s29 =	smul.u32 $0x3, s28;
	[sflag:s26] =	ssyncadd.s32 $0xFFFFF800  }
0x335: {  	s30 =	rddreg [dreg:$0x2]  }
0x336: {  	s0 =	sadd.s32 s30, s29  }
0x337: {  	[hbm4b:s0+s7] =	stream.linear.scatter [tilespmem:s17], [sflag:$0x2], $0xC00, $0x38;
	[tilespmem:$0x11F18] =	vst v63  }
0x338: {  	_ =	swait.ge [sflag:s26], $0xC00  }
0x339: {  	s31 =	rddreg [dreg:$0xa]  }
0x33a: {  	s0 =	sadd.s32 $0x1, s31  }
0x33b: {  	p0 =	sne.s32 s0, $0x8  }
.Ltmp8:
0x33c: {  	_ = 	snop;
	(pc) =	sbr.rel @p0 .LBB2_2-.Ltmp8, $3  }
0x33d: {  	_ =	sdelay $0x1  }
0x33e: {  	[sflag:s26] =	ssyncset.done $0x0  }
0x33f: {  	[sflag:s26] =	ssyncadd.s32 $0xFFFFF400  }
0x340: {  	s4 =	rddreg [dreg:$0x9]  }
0x341: {  	s0 =	rddreg [dreg:$0x8];
	s4 =	sadd.s32 $0x1, s4  }
0x342: {  	p0 =	sne.s32 s4, s0  }
.Ltmp9:
0x343: {  	_ = 	snop;
	(pc) =	sbr.rel @p0 .LBB2_1-.Ltmp9, $1  }
0x344: {  	_ =	sdelay $0x3  }
0x345: {  	_ =	sfence.sel $0x180000  }
0x346: {  	[bflag:$0x0] =	sbarrier.arrive $0xFFFF  }
0x347: {  	_ =	strace $0x90000047  }
0x348: {  	s0 =	stileid.u32;
	[bflag:$0x2] =	sbarrier.arrive $0xFFFF  }
0x349: {  	p0 =	sne.s32 s0, $0x0;
	s0 =	rddreg [dreg:$0x3]  }
0x34a: {  	s0 =	sadd.s32 @!p0 $0x100000, s0  }
0x34b: {  	[sflag:s0] =	ssyncadd.tile.s32 @!p0 $0x1;
	_ =	shalt  }
.Lfunc_end2:
_tile_overlayer_lowered:
.L_overlay_start_2:
0x34c: {  	(tag) =	ssettag $0x2  }
0x34d: {  	s0 =	rddreg [dreg:$0x0];
	s2 =	stileid.u32  }
0x34e: {  	s1 =	rddreg [dreg:$0x1];
	p0 =	sne.s32 s2, $0x0  }
0x34f: {  	s3 =	rddreg [dreg:$0x2];
	[bflag:$0x3] =	sbarrier.arrive $0xFFFF;
	s2 =	simm.s32 @!p0 $0x1C02  }
0x350: {  	[timem:s3], [sflag:s2] =	dma.local @!p0 [hbm:s0], s1  }
0x351: {  	s0 =	simm.s32 @!p0 $0x2  }
0x352: {  	_ =	swait.ge @!p0 [sflag:s0], s1  }
0x353: {  	s1 =	ssub.s32 @!p0 $0x0, s1;
	[sflag:s0] =	ssyncset.done @!p0 $0x0  }
0x354: {  	[sflag:s0] =	ssyncadd.s32 @!p0 s1  }
0x355: {  	[bflag:$0x3] =	sbarrier.arrive $0xFFFF  }
0x356: {  	_ =	shalt  }

</sc_bundles>
